<compile_context>
chip_gen: v7x
topology: tpu7x:2x2x1
jax: 0.10.2.dev20260603
libtpu: 0.0.44.dev20260713+nightly
codegen_flags: <defaults>
</compile_context>

<pallas_src>
import functools

import jax
import jax.numpy as jnp
from jax import lax
from jax.experimental import pallas as pl
from jax.experimental.pallas import tpu as pltpu
from jax.experimental.pallas import tpu_sc as plsc

N = 10000
E = 320000
D_IN = 128
D_HID = 128
D_HALF = 64
N_CLS = 40
N_CLS_PAD = 40

NC = 2
NS = 16
NW = NC * NS
CHUNK = 200
IB = 5
NB = 10
CHUNKD = 125
IBD = 5
NBD = 16
NPAD = 10112
RPW = NPAD // NS
DEG_W = 8


def _sc_mesh():
  return plsc.VectorSubcoreMesh(
      core_axis_name="c", subcore_axis_name="s", num_cores=NC,
      num_subcores=NS)


def _deg_body(zeros_hbm, col_hbm, out_hbm, colblk, ones_v, acc, sem):
  c = lax.axis_index("c")
  s = lax.axis_index("s")
  t = s * NC + c
  r0 = s * RPW

  def init_ones(i, _):
    ones_v[i, :] = jnp.ones((DEG_W,), jnp.float32)
    return 0
  lax.fori_loop(0, CHUNKD, init_ones, 0)

  pltpu.sync_copy(zeros_hbm.at[pl.ds(r0, RPW)], acc.at[pl.ds(r0, RPW)])
  plsc.subcore_barrier()

  def blk(b, _):
    pltpu.sync_copy(col_hbm.at[t, b], colblk)

    sw = [pltpu.async_copy(ones_v, acc.at[colblk.at[i]], sem, add=True)
          for i in range(IBD)]
    for w in sw:
      w.wait()
    return 0
  lax.fori_loop(0, NBD, blk, 0)
  plsc.subcore_barrier()

  pltpu.sync_copy(acc.at[pl.ds(r0, RPW)], out_hbm.at[c, pl.ds(r0, RPW)])


_SC_PARAMS = pltpu.CompilerParams(use_tc_tiling_on_sc=False)

_deg_kernel = functools.partial(
    pl.kernel,
    out_type=jax.ShapeDtypeStruct((NC, NPAD, DEG_W), jnp.float32),
    mesh=_sc_mesh(),
    compiler_params=_SC_PARAMS,
    scratch_types=[
        pltpu.VMEM((IBD, CHUNKD), jnp.int32),
        pltpu.VMEM((CHUNKD, DEG_W), jnp.float32),
        pltpu.VMEM_SHARED((NPAD, DEG_W), jnp.float32),
        pltpu.SemaphoreType.DMA,
    ],
)(_deg_body)


def _seg_body(d, ng, ns, ib, nb, *refs):
  zeros_hbm = refs[0]
  tabs = refs[1:1 + ng]
  idx_hbm, out_hbm, ixb0, ixb1 = refs[1 + ng:5 + ng]
  gbs = refs[5 + ng:5 + ng + ns]
  acc = refs[5 + ng + ns]
  si0, si1 = refs[6 + ng + ns:8 + ng + ns]
  sgs = refs[8 + ng + ns:8 + ng + 2 * ns]
  sss = refs[8 + ng + 2 * ns:8 + ng + 3 * ns]
  ixbs, sis = (ixb0, ixb1), (si0, si1)
  c = lax.axis_index("c")
  s = lax.axis_index("s")
  t = s * NC + c
  r0 = s * RPW

  for g in range(ng):
    pltpu.sync_copy(zeros_hbm.at[pl.ds(r0, RPW)], acc.at[pl.ds(r0, RPW)])
    plsc.subcore_barrier()

    pltpu.async_copy(idx_hbm.at[t, 0], ixbs[0], sis[0])

    def sblk(sb, _):
      for j in range(2):
        b = 2 * sb + j
        pltpu.make_async_copy(idx_hbm.at[t, b], ixbs[j], sis[j]).wait()
        nxt = jnp.minimum(b + 1, nb - 1)
        pltpu.async_copy(idx_hbm.at[t, nxt], ixbs[1 - j], sis[1 - j])
        rowblk = ixbs[j].at[0]
        colblk = ixbs[j].at[1]

        gw = [None] * ib
        sw = [None] * ib
        gw[0] = pltpu.async_copy(tabs[g].at[rowblk.at[0]], gbs[0], sgs[0])
        for i in range(ib):
          sl = i % ns
          gw[i].wait()
          if i + 1 < ib:
            if i + 1 - ns >= 0:
              sw[i + 1 - ns].wait()
            nsl = (i + 1) % ns
            gw[i + 1] = pltpu.async_copy(
                tabs[g].at[rowblk.at[i + 1]], gbs[nsl], sgs[nsl])
          sw[i] = pltpu.async_copy(
              gbs[sl], acc.at[colblk.at[i]], sss[sl], add=True)
        for jj in range(max(0, ib - ns), ib):
          sw[jj].wait()
      return 0
    lax.fori_loop(0, nb // 2, sblk, 0)
    pltpu.make_async_copy(idx_hbm.at[t, nb - 1], ixbs[0], sis[0]).wait()
    plsc.subcore_barrier()

    pltpu.sync_copy(acc.at[pl.ds(r0, RPW)],
                    out_hbm.at[c, g, pl.ds(r0, RPW)])


def _make_seg_kernel(d, ng, ns, chunk, ib, nb):
  return functools.partial(
      pl.kernel,
      out_type=jax.ShapeDtypeStruct((NC, ng, NPAD, d), jnp.float32),
      mesh=_sc_mesh(),
      compiler_params=_SC_PARAMS,
      scratch_types=(
          [pltpu.VMEM((2, ib, chunk), jnp.int32),
           pltpu.VMEM((2, ib, chunk), jnp.int32)]
          + [pltpu.VMEM((chunk, d), jnp.float32)] * ns
          + [pltpu.VMEM_SHARED((NPAD, d), jnp.float32)]
          + [pltpu.SemaphoreType.DMA] * (2 + 2 * ns)
      ),
  )(functools.partial(_seg_body, d, ng, ns, ib, nb))


_seg_kernel_l1 = _make_seg_kernel(D_HALF, 2, 2, CHUNK, IB, NB)
_seg_kernel_l2 = _make_seg_kernel(N_CLS_PAD, 1, 2, CHUNK, IB, NB)


_BR = 1000
_GRID = N // _BR


def _dinv_block(deg_ref):
  deg = deg_ref[0] + deg_ref[1]
  dinv = jnp.where(deg > 0, lax.rsqrt(deg), 0.0)
  return dinv[:, 0:1]


def _tc_a0_body(x_ref, wi_ref, wr_ref, h_ref, root1_ref):
  x = x_ref[...]
  h_ref[...] = jnp.dot(x, wi_ref[...], preferred_element_type=jnp.float32)
  root1_ref[...] = jnp.dot(x, wr_ref[...], preferred_element_type=jnp.float32)


def _tc_a1_body(deg_ref, h_ref, g1a_ref, g1b_ref):
  dinv = _dinv_block(deg_ref)
  g = h_ref[...] * dinv
  g1a_ref[...] = g[:, :D_HALF]
  g1b_ref[...] = g[:, D_HALF:]


def _tc_b_body(deg_ref, s1_ref, root1_ref, b1_ref, w2i_ref, w2r_ref,
               g2_ref, root2_ref):
  dinv = _dinv_block(deg_ref)
  agg = jnp.concatenate(
      [s1_ref[0, 0] + s1_ref[1, 0], s1_ref[0, 1] + s1_ref[1, 1]], axis=1)
  out1 = jnp.maximum(agg * dinv + root1_ref[...] + b1_ref[...][None, :], 0.0)
  h2 = jnp.dot(out1, w2i_ref[...], preferred_element_type=jnp.float32)
  g2_ref[...] = h2 * dinv
  root2_ref[...] = jnp.dot(out1, w2r_ref[...],
                           preferred_element_type=jnp.float32)


def _tc_c_body(deg_ref, s2_ref, root2_ref, b2_ref, out_ref):
  dinv = _dinv_block(deg_ref)
  agg = (s2_ref[0, 0] + s2_ref[1, 0]) * dinv
  out = jnp.maximum(agg + root2_ref[...] + b2_ref[...][None, :], 0.0)
  out_ref[...] = out[:, :N_CLS]


def _deg_spec():
  return pl.BlockSpec((NC, _BR, DEG_W), lambda i: (0, i, 0))


def _row_spec(d):
  return pl.BlockSpec((_BR, d), lambda i: (i, 0))


def _part_spec(ng, d):
  return pl.BlockSpec((NC, ng, _BR, d), lambda i: (0, 0, i, 0))


def _full_spec(shape):
  return pl.BlockSpec(shape, lambda i: (0,) * len(shape))


def _tc_a0(x, wi, wr):
  return pl.pallas_call(
      _tc_a0_body,
      grid=(_GRID,),
      in_specs=[_row_spec(D_IN), _full_spec((D_IN, D_HID)),
                _full_spec((D_IN, D_HID))],
      out_specs=[_row_spec(D_HID), _row_spec(D_HID)],
      out_shape=[jax.ShapeDtypeStruct((N, D_HID), jnp.float32),
                 jax.ShapeDtypeStruct((N, D_HID), jnp.float32)],
  )(x, wi, wr)


def _tc_a1(degp, h):
  return pl.pallas_call(
      _tc_a1_body,
      grid=(_GRID,),
      in_specs=[_deg_spec(), _row_spec(D_HID)],
      out_specs=[_row_spec(D_HALF), _row_spec(D_HALF)],
      out_shape=[jax.ShapeDtypeStruct((N, D_HALF), jnp.float32),
                 jax.ShapeDtypeStruct((N, D_HALF), jnp.float32)],
  )(degp, h)


def _tc_b(degp, s1p, root1, b1, w2i, w2r):
  return pl.pallas_call(
      _tc_b_body,
      grid=(_GRID,),
      in_specs=[_deg_spec(), _part_spec(2, D_HALF), _row_spec(D_HID),
                _full_spec((D_HID,)), _full_spec((D_HID, N_CLS_PAD)),
                _full_spec((D_HID, N_CLS_PAD))],
      out_specs=[_row_spec(N_CLS_PAD), _row_spec(N_CLS_PAD)],
      out_shape=[jax.ShapeDtypeStruct((N, N_CLS_PAD), jnp.float32)] * 2,
  )(degp, s1p, root1, b1, w2i, w2r)


def _tc_c(degp, s2p, root2, b2p):
  return pl.pallas_call(
      _tc_c_body,
      grid=(_GRID,),
      in_specs=[_deg_spec(), _part_spec(1, N_CLS_PAD),
                _row_spec(N_CLS_PAD), _full_spec((N_CLS_PAD,))],
      out_specs=pl.BlockSpec((_BR, N_CLS), lambda i: (i, 0)),
      out_shape=jax.ShapeDtypeStruct((N, N_CLS), jnp.float32),
  )(degp, s2p, root2, b2p)


def kernel(x, edge_index, W_init1, W_root1, b1, W_init2, W_root2, b2):
  idx = edge_index.reshape(2, NW, NB, IB, CHUNK).transpose(1, 2, 0, 3, 4)
  cold = edge_index[1].reshape(NW, NBD, IBD, CHUNKD)
  w2i = jnp.pad(W_init2, ((0, 0), (0, N_CLS_PAD - N_CLS)))
  w2r = jnp.pad(W_root2, ((0, 0), (0, N_CLS_PAD - N_CLS)))
  b2p = jnp.pad(b2, (0, N_CLS_PAD - N_CLS))
  z16 = jnp.zeros((NPAD, DEG_W), jnp.float32)
  z64 = jnp.zeros((NPAD, D_HALF), jnp.float32)
  z48 = jnp.zeros((NPAD, N_CLS_PAD), jnp.float32)

  degp = _deg_kernel(z16, cold)
  h, root1 = _tc_a0(x, W_init1, W_root1)
  g1a, g1b = _tc_a1(degp, h)
  s1p = _seg_kernel_l1(z64, g1a, g1b, idx)
  g2, root2 = _tc_b(degp, s1p, root1, b1, w2i, w2r)
  s2p = _seg_kernel_l2(z48, g2, idx)
  return _tc_c(degp, s2p, root2, b2p)

# --- scband reference (transcript-rebuilt; emitter-appended) ---
"""Pipeline reference for scband-bi-arma-82480551952879 (READ-ONLY COPY).

The authoritative reference and input builder live on the scoring server;
editing this copy changes nothing except your own understanding.
"""

import jax, jax.numpy as jnp
import numpy as np

N = 10000
E = 320000
D_IN = 128
D_HID = 128
N_CLS = 40


def _glorot(key, shape):
    fan_in, fan_out = shape[0], shape[1]
    limit = np.sqrt(6.0 / (fan_in + fan_out))
    return jax.random.uniform(key, shape, dtype=jnp.float32, minval=-limit, maxval=limit)


def setup_inputs(seed: int = 0) -> dict:
    key = jax.random.key(seed)
    ks = jax.random.split(key, 8)
    x = jax.random.normal(ks[0], (N, D_IN), dtype=jnp.float32)
    edge_index = jax.random.randint(ks[1], (2, E), 0, N, dtype=jnp.int32)
    # ARMAConv params with num_stacks=1, num_layers=1, shared_weights=True
    # conv1: in=128 -> hidden=128
    W_init1 = _glorot(ks[2], (D_IN, D_HID))
    W_root1 = _glorot(ks[3], (D_IN, D_HID))
    b1 = jnp.zeros((D_HID,), dtype=jnp.float32)
    # conv2: hidden=128 -> num_classes=40
    W_init2 = _glorot(ks[4], (D_HID, N_CLS))
    W_root2 = _glorot(ks[5], (D_HID, N_CLS))
    b2 = jnp.zeros((N_CLS,), dtype=jnp.float32)
    return {"x": x, "edge_index": edge_index, "W_init1": W_init1, "W_root1": W_root1,
            "b1": b1, "W_init2": W_init2, "W_root2": W_root2, "b2": b2}


def _gcn_norm(edge_index, num_nodes, dtype):
    # gcn_norm with add_self_loops=False (ARMAConv default)
    row, col = edge_index[0], edge_index[1]
    ones = jnp.ones(row.shape[0], dtype=dtype)
    deg = jax.ops.segment_sum(ones, col, num_segments=num_nodes)
    dinv = jnp.where(deg > 0, deg ** -0.5, 0.0)
    return dinv[row] * dinv[col]


def _arma_conv(x, edge_index, norm, W_init, W_root, b):
    # num_stacks=1, num_layers=1, shared_weights=True, eval mode (dropout off)
    row, col = edge_index[0], edge_index[1]
    h = x @ W_init
    msg = h[row] * norm[:, None]
    agg = jax.ops.segment_sum(msg, col, num_segments=x.shape[0])
    root = x @ W_root
    out = agg + root + b
    out = jax.nn.relu(out)  # default act inside ARMAConv
    return out  # mean over K=1 stacks is identity


def reference(x, edge_index, W_init1, W_root1, b1, W_init2, W_root2, b2):
    norm = _gcn_norm(edge_index, x.shape[0], x.dtype)
    h = _arma_conv(x, edge_index, norm, W_init1, W_root1, b1)
    h = jax.nn.relu(h)
    # F.dropout with training=False is identity
    out = _arma_conv(h, edge_index, norm, W_init2, W_root2, b2)
    return out

if __name__ == "__main__":
    import jax
    _d = setup_inputs()
    print(jax.jit(kernel)(*tuple(_d.values())))

</pallas_src>

<mosaic_0001>
#map = affine_map<(d0, d1) -> (0, 0)>
#map1 = affine_map<(d0, d1) -> (0, 0, 0, 0)>
#map2 = affine_map<(d0, d1) -> (0, 0, 0)>
module attributes {stable_mosaic.version = 14 : i64} {
  func.func @_deg_body(%arg0: i32, %arg1: i32, %arg2: memref<10112x8xf32, #tpu.memory_space<hbm>>, %arg3: memref<32x16x5x125xi32, #tpu.memory_space<hbm>>, %arg4: memref<2x10112x8xf32, #tpu.memory_space<hbm>>, %arg5: memref<5x125xi32, #tpu.memory_space<vmem>>, %arg6: memref<125x8xf32, #tpu.memory_space<vmem>>, %arg7: memref<10112x8xf32, #tpu.memory_space<vmem_shared>>, %arg8: memref<!tpu.dma_semaphore, #tpu.memory_space<semaphore_mem>>) attributes {dimension_semantics = [#tpu.dimension_semantics<core_parallel>, #tpu.dimension_semantics<subcore_parallel>], iteration_bounds = array<i64: 2, 16>, scalar_prefetch = 0 : i64, scratch_operands = 4 : i64, tpu.core_type = #tpu.core_type<sc_vector_subcore>, window_params = [{transform_indices = #map}, {transform_indices = #map1}, {transform_indices = #map2}]} {
    %mul3A = arith.constant 2 : i32
    %mul3A_0 = arith.muli %arg1, %mul3A : i32
    %add3A = arith.addi %mul3A_0, %arg0 : i32
    %mul3A_1 = arith.constant 632 : i32
    %mul3A_2 = arith.muli %arg1, %mul3A_1 : i32
    %scan3A = arith.constant 0 : i32
    %scan3A_3 = arith.constant 0 : i32
    %scan3A_4 = arith.constant 125 : i32
    %scan3A_5 = arith.addi %scan3A_3, %scan3A_4 : i32
    %scan3A_6 = arith.constant 1 : i32
    %scan3A_7 = scf.for %scan3A_17 = %scan3A_3 to %scan3A_5 step %scan3A_6 iter_args(%scan3A_18 = %scan3A) -> (i32)  : i32 {
      %broadcast_in_dim3A = arith.constant 1.000000e+00 : f32
      %broadcast_in_dim3A_19 = vector.broadcast %broadcast_in_dim3A : f32 to vector<8xf32>
      %swap3A = arith.index_cast %scan3A_17 : i32 to index
      %swap3A_20 = arith.constant 0 : index
      %swap3A_21 = tpu.vector_load %arg6[%swap3A, %swap3A_20] {strides = array<i32>} : memref<125x8xf32, #tpu.memory_space<vmem>>, vector<1x8xf32>,
      %swap3A_22 = vector.shape_cast %swap3A_21 : vector<1x8xf32> to vector<8xf32>
      %swap3A_23 = vector.shape_cast %broadcast_in_dim3A_19 : vector<8xf32> to vector<1x8xf32>
      tpu.vector_store %arg6[%swap3A, %swap3A_20], %swap3A_23 {strides = array<i32>} : memref<125x8xf32, #tpu.memory_space<vmem>>, vector<1x8xf32>,
      %scan3A_24 = arith.constant 0 : i32
      scf.yield %scan3A_24 : i32
    }
    %scan3A_8 = arith.constant 125 : i32
    "tpu.region"() ({
      %run_scoped3A = tpu.sem_alloc : memref<!tpu.dma_semaphore, #tpu.memory_space<semaphore_mem>>
      %dma_start3A = arith.constant 0 : i32
      %dma_start3A_17 = tpu.memref_slice %arg7[%mul3A_2, %dma_start3A] : memref<10112x8xf32, #tpu.memory_space<vmem_shared>> -> memref<632x8xf32, #tpu.memory_space<vmem_shared>>
      %dma_start3A_18 = arith.constant 0 : i32
      %dma_start3A_19 = tpu.memref_slice %arg2[%mul3A_2, %dma_start3A_18] : memref<10112x8xf32, #tpu.memory_space<hbm>> -> memref<632x8xf32, #tpu.memory_space<hbm>>
      tpu.enqueue_dma source(%dma_start3A_19 : memref<632x8xf32, #tpu.memory_space<hbm>>) target(%dma_start3A_17 : memref<632x8xf32, #tpu.memory_space<vmem_shared>>) target_semaphore(%run_scoped3A : memref<!tpu.dma_semaphore, #tpu.memory_space<semaphore_mem>>)
      %dma_wait3A = arith.constant 0 : i32
      %dma_wait3A_20 = tpu.memref_slice %arg7[%mul3A_2, %dma_wait3A] : memref<10112x8xf32, #tpu.memory_space<vmem_shared>> -> memref<632x8xf32, #tpu.memory_space<vmem_shared>>
      %dma_wait3A_21 = arith.constant 0 : i32
      %dma_wait3A_22 = tpu.memref_slice %arg2[%mul3A_2, %dma_wait3A_21] : memref<10112x8xf32, #tpu.memory_space<hbm>> -> memref<632x8xf32, #tpu.memory_space<hbm>>
      tpu.wait_dma2 semaphore(%run_scoped3A : memref<!tpu.dma_semaphore, #tpu.memory_space<semaphore_mem>>) src(%dma_wait3A_22 : memref<632x8xf32, #tpu.memory_space<hbm>>) dst(%dma_wait3A_20 : memref<632x8xf32, #tpu.memory_space<vmem_shared>>)
      tpu.yield
    }) : () -> ()
    %barrier3A = arith.constant 0 : index
    tpu.barrier barrier_id(%barrier3A)
    %scan3A_9 = arith.constant 0 : i32
    %scan3A_10 = arith.constant 0 : i32
    %scan3A_11 = arith.constant 16 : i32
    %scan3A_12 = arith.addi %scan3A_10, %scan3A_11 : i32
    %scan3A_13 = arith.constant 1 : i32
    %scan3A_14 = scf.for %scan3A_17 = %scan3A_10 to %scan3A_12 step %scan3A_13 iter_args(%scan3A_18 = %scan3A_9) -> (i32)  : i32 {
      "tpu.region"() ({
        %run_scoped3A = tpu.sem_alloc : memref<!tpu.dma_semaphore, #tpu.memory_space<semaphore_mem>>
        %dma_start3A_88 = arith.constant 0 : i32
        %dma_start3A_89 = arith.constant 0 : i32
        %dma_start3A_90 = tpu.memref_slice %arg3[%add3A, %scan3A_17, %dma_start3A_88, %dma_start3A_89] : memref<32x16x5x125xi32, #tpu.memory_space<hbm>> -> memref<1x1x5x125xi32, #tpu.memory_space<hbm>>
        %dma_start3A_91 = tpu.memref_squeeze %dma_start3A_90 : memref<1x1x5x125xi32, #tpu.memory_space<hbm>> -> memref<5x125xi32, #tpu.memory_space<hbm>>
        %dma_start3A_92 = arith.constant 0 : i32
        %dma_start3A_93 = arith.constant 0 : i32
        %dma_start3A_94 = tpu.memref_slice %arg3[%add3A, %scan3A_17, %dma_start3A_92, %dma_start3A_93] : memref<32x16x5x125xi32, #tpu.memory_space<hbm>> -> memref<1x1x5x125xi32, #tpu.memory_space<hbm>>
        %dma_start3A_95 = tpu.memref_squeeze %dma_start3A_94 : memref<1x1x5x125xi32, #tpu.memory_space<hbm>> -> memref<5x125xi32, #tpu.memory_space<hbm>>
        tpu.enqueue_dma source(%dma_start3A_95 : memref<5x125xi32, #tpu.memory_space<hbm>>) target(%arg5 : memref<5x125xi32, #tpu.memory_space<vmem>>) target_semaphore(%run_scoped3A : memref<!tpu.dma_semaphore, #tpu.memory_space<semaphore_mem>>)
        %dma_wait3A_96 = arith.constant 0 : i32
        %dma_wait3A_97 = arith.constant 0 : i32
        %dma_wait3A_98 = tpu.memref_slice %arg3[%add3A, %scan3A_17, %dma_wait3A_96, %dma_wait3A_97] : memref<32x16x5x125xi32, #tpu.memory_space<hbm>> -> memref<1x1x5x125xi32, #tpu.memory_space<hbm>>
        %dma_wait3A_99 = tpu.memref_squeeze %dma_wait3A_98 : memref<1x1x5x125xi32, #tpu.memory_space<hbm>> -> memref<5x125xi32, #tpu.memory_space<hbm>>
        %dma_wait3A_100 = arith.constant 0 : i32
        %dma_wait3A_101 = arith.constant 0 : i32
        %dma_wait3A_102 = tpu.memref_slice %arg3[%add3A, %scan3A_17, %dma_wait3A_100, %dma_wait3A_101] : memref<32x16x5x125xi32, #tpu.memory_space<hbm>> -> memref<1x1x5x125xi32, #tpu.memory_space<hbm>>
        %dma_wait3A_103 = tpu.memref_squeeze %dma_wait3A_102 : memref<1x1x5x125xi32, #tpu.memory_space<hbm>> -> memref<5x125xi32, #tpu.memory_space<hbm>>
        tpu.wait_dma2 semaphore(%run_scoped3A : memref<!tpu.dma_semaphore, #tpu.memory_space<semaphore_mem>>) src(%dma_wait3A_103 : memref<5x125xi32, #tpu.memory_space<hbm>>) dst(%arg5 : memref<5x125xi32, #tpu.memory_space<vmem>>)
        tpu.yield
      }) : () -> ()
      %dma_start3A = arith.constant 0 : i32
      %dma_start3A_19 = arith.constant 0 : i32
      %dma_start3A_20 = tpu.memref_slice %arg5[%dma_start3A, %dma_start3A_19] : memref<5x125xi32, #tpu.memory_space<vmem>> -> memref<1x125xi32, #tpu.memory_space<vmem>>
      %dma_start3A_21 = tpu.memref_squeeze %dma_start3A_20 : memref<1x125xi32, #tpu.memory_space<vmem>> -> memref<125xi32, #tpu.memory_space<vmem>>
      %dma_start3A_22 = arith.constant 0 : i32
      %dma_start3A_23 = arith.constant 0 : i32
      %dma_start3A_24 = tpu.memref_slice %arg7[%dma_start3A_22, %dma_start3A_23] : memref<10112x8xf32, #tpu.memory_space<vmem_shared>> -> memref<10112x8xf32, #tpu.memory_space<vmem_shared>>
      tpu.enqueue_indirect_dma source(%arg6 : memref<125x8xf32, #tpu.memory_space<vmem>>) target(%dma_start3A_24 : memref<10112x8xf32, #tpu.memory_space<vmem_shared>>) offsets(%dma_start3A_21 : memref<125xi32, #tpu.memory_space<vmem>>) semaphore(%arg8 : memref<!tpu.dma_semaphore, #tpu.memory_space<semaphore_mem>>) {add = true}
      %dma_start3A_25 = arith.constant 1 : i32
      %dma_start3A_26 = arith.constant 0 : i32
      %dma_start3A_27 = tpu.memref_slice %arg5[%dma_start3A_25, %dma_start3A_26] : memref<5x125xi32, #tpu.memory_space<vmem>> -> memref<1x125xi32, #tpu.memory_space<vmem>>
      %dma_start3A_28 = tpu.memref_squeeze %dma_start3A_27 : memref<1x125xi32, #tpu.memory_space<vmem>> -> memref<125xi32, #tpu.memory_space<vmem>>
      %dma_start3A_29 = arith.constant 0 : i32
      %dma_start3A_30 = arith.constant 0 : i32
      %dma_start3A_31 = tpu.memref_slice %arg7[%dma_start3A_29, %dma_start3A_30] : memref<10112x8xf32, #tpu.memory_space<vmem_shared>> -> memref<10112x8xf32, #tpu.memory_space<vmem_shared>>
      tpu.enqueue_indirect_dma source(%arg6 : memref<125x8xf32, #tpu.memory_space<vmem>>) target(%dma_start3A_31 : memref<10112x8xf32, #tpu.memory_space<vmem_shared>>) offsets(%dma_start3A_28 : memref<125xi32, #tpu.memory_space<vmem>>) semaphore(%arg8 : memref<!tpu.dma_semaphore, #tpu.memory_space<semaphore_mem>>) {add = true}
      %dma_start3A_32 = arith.constant 2 : i32
      %dma_start3A_33 = arith.constant 0 : i32
      %dma_start3A_34 = tpu.memref_slice %arg5[%dma_start3A_32, %dma_start3A_33] : memref<5x125xi32, #tpu.memory_space<vmem>> -> memref<1x125xi32, #tpu.memory_space<vmem>>
      %dma_start3A_35 = tpu.memref_squeeze %dma_start3A_34 : memref<1x125xi32, #tpu.memory_space<vmem>> -> memref<125xi32, #tpu.memory_space<vmem>>
      %dma_start3A_36 = arith.constant 0 : i32
      %dma_start3A_37 = arith.constant 0 : i32
      %dma_start3A_38 = tpu.memref_slice %arg7[%dma_start3A_36, %dma_start3A_37] : memref<10112x8xf32, #tpu.memory_space<vmem_shared>> -> memref<10112x8xf32, #tpu.memory_space<vmem_shared>>
      tpu.enqueue_indirect_dma source(%arg6 : memref<125x8xf32, #tpu.memory_space<vmem>>) target(%dma_start3A_38 : memref<10112x8xf32, #tpu.memory_space<vmem_shared>>) offsets(%dma_start3A_35 : memref<125xi32, #tpu.memory_space<vmem>>) semaphore(%arg8 : memref<!tpu.dma_semaphore, #tpu.memory_space<semaphore_mem>>) {add = true}
      %dma_start3A_39 = arith.constant 3 : i32
      %dma_start3A_40 = arith.constant 0 : i32
      %dma_start3A_41 = tpu.memref_slice %arg5[%dma_start3A_39, %dma_start3A_40] : memref<5x125xi32, #tpu.memory_space<vmem>> -> memref<1x125xi32, #tpu.memory_space<vmem>>
      %dma_start3A_42 = tpu.memref_squeeze %dma_start3A_41 : memref<1x125xi32, #tpu.memory_space<vmem>> -> memref<125xi32, #tpu.memory_space<vmem>>
      %dma_start3A_43 = arith.constant 0 : i32
      %dma_start3A_44 = arith.constant 0 : i32
      %dma_start3A_45 = tpu.memref_slice %arg7[%dma_start3A_43, %dma_start3A_44] : memref<10112x8xf32, #tpu.memory_space<vmem_shared>> -> memref<10112x8xf32, #tpu.memory_space<vmem_shared>>
      tpu.enqueue_indirect_dma source(%arg6 : memref<125x8xf32, #tpu.memory_space<vmem>>) target(%dma_start3A_45 : memref<10112x8xf32, #tpu.memory_space<vmem_shared>>) offsets(%dma_start3A_42 : memref<125xi32, #tpu.memory_space<vmem>>) semaphore(%arg8 : memref<!tpu.dma_semaphore, #tpu.memory_space<semaphore_mem>>) {add = true}
      %dma_start3A_46 = arith.constant 4 : i32
      %dma_start3A_47 = arith.constant 0 : i32
      %dma_start3A_48 = tpu.memref_slice %arg5[%dma_start3A_46, %dma_start3A_47] : memref<5x125xi32, #tpu.memory_space<vmem>> -> memref<1x125xi32, #tpu.memory_space<vmem>>
      %dma_start3A_49 = tpu.memref_squeeze %dma_start3A_48 : memref<1x125xi32, #tpu.memory_space<vmem>> -> memref<125xi32, #tpu.memory_space<vmem>>
      %dma_start3A_50 = arith.constant 0 : i32
      %dma_start3A_51 = arith.constant 0 : i32
      %dma_start3A_52 = tpu.memref_slice %arg7[%dma_start3A_50, %dma_start3A_51] : memref<10112x8xf32, #tpu.memory_space<vmem_shared>> -> memref<10112x8xf32, #tpu.memory_space<vmem_shared>>
      tpu.enqueue_indirect_dma source(%arg6 : memref<125x8xf32, #tpu.memory_space<vmem>>) target(%dma_start3A_52 : memref<10112x8xf32, #tpu.memory_space<vmem_shared>>) offsets(%dma_start3A_49 : memref<125xi32, #tpu.memory_space<vmem>>) semaphore(%arg8 : memref<!tpu.dma_semaphore, #tpu.memory_space<semaphore_mem>>) {add = true}
      %dma_wait3A = arith.constant 0 : i32
      %dma_wait3A_53 = arith.constant 0 : i32
      %dma_wait3A_54 = tpu.memref_slice %arg5[%dma_wait3A, %dma_wait3A_53] : memref<5x125xi32, #tpu.memory_space<vmem>> -> memref<1x125xi32, #tpu.memory_space<vmem>>
      %dma_wait3A_55 = tpu.memref_squeeze %dma_wait3A_54 : memref<1x125xi32, #tpu.memory_space<vmem>> -> memref<125xi32, #tpu.memory_space<vmem>>
      %dma_wait3A_56 = arith.constant 0 : i32
      %dma_wait3A_57 = arith.constant 0 : i32
      %dma_wait3A_58 = tpu.memref_slice %arg7[%dma_wait3A_56, %dma_wait3A_57] : memref<10112x8xf32, #tpu.memory_space<vmem_shared>> -> memref<10112x8xf32, #tpu.memory_space<vmem_shared>>
      tpu.wait_indirect_dma semaphore(%arg8 : memref<!tpu.dma_semaphore, #tpu.memory_space<semaphore_mem>>) src(%arg6 : memref<125x8xf32, #tpu.memory_space<vmem>>) dst(%dma_wait3A_58 : memref<10112x8xf32, #tpu.memory_space<vmem_shared>>)
      %dma_wait3A_59 = arith.constant 1 : i32
      %dma_wait3A_60 = arith.constant 0 : i32
      %dma_wait3A_61 = tpu.memref_slice %arg5[%dma_wait3A_59, %dma_wait3A_60] : memref<5x125xi32, #tpu.memory_space<vmem>> -> memref<1x125xi32, #tpu.memory_space<vmem>>
      %dma_wait3A_62 = tpu.memref_squeeze %dma_wait3A_61 : memref<1x125xi32, #tpu.memory_space<vmem>> -> memref<125xi32, #tpu.memory_space<vmem>>
      %dma_wait3A_63 = arith.constant 0 : i32
      %dma_wait3A_64 = arith.constant 0 : i32
      %dma_wait3A_65 = tpu.memref_slice %arg7[%dma_wait3A_63, %dma_wait3A_64] : memref<10112x8xf32, #tpu.memory_space<vmem_shared>> -> memref<10112x8xf32, #tpu.memory_space<vmem_shared>>
      tpu.wait_indirect_dma semaphore(%arg8 : memref<!tpu.dma_semaphore, #tpu.memory_space<semaphore_mem>>) src(%arg6 : memref<125x8xf32, #tpu.memory_space<vmem>>) dst(%dma_wait3A_65 : memref<10112x8xf32, #tpu.memory_space<vmem_shared>>)
      %dma_wait3A_66 = arith.constant 2 : i32
      %dma_wait3A_67 = arith.constant 0 : i32
      %dma_wait3A_68 = tpu.memref_slice %arg5[%dma_wait3A_66, %dma_wait3A_67] : memref<5x125xi32, #tpu.memory_space<vmem>> -> memref<1x125xi32, #tpu.memory_space<vmem>>
      %dma_wait3A_69 = tpu.memref_squeeze %dma_wait3A_68 : memref<1x125xi32, #tpu.memory_space<vmem>> -> memref<125xi32, #tpu.memory_space<vmem>>
      %dma_wait3A_70 = arith.constant 0 : i32
      %dma_wait3A_71 = arith.constant 0 : i32
      %dma_wait3A_72 = tpu.memref_slice %arg7[%dma_wait3A_70, %dma_wait3A_71] : memref<10112x8xf32, #tpu.memory_space<vmem_shared>> -> memref<10112x8xf32, #tpu.memory_space<vmem_shared>>
      tpu.wait_indirect_dma semaphore(%arg8 : memref<!tpu.dma_semaphore, #tpu.memory_space<semaphore_mem>>) src(%arg6 : memref<125x8xf32, #tpu.memory_space<vmem>>) dst(%dma_wait3A_72 : memref<10112x8xf32, #tpu.memory_space<vmem_shared>>)
      %dma_wait3A_73 = arith.constant 3 : i32
      %dma_wait3A_74 = arith.constant 0 : i32
      %dma_wait3A_75 = tpu.memref_slice %arg5[%dma_wait3A_73, %dma_wait3A_74] : memref<5x125xi32, #tpu.memory_space<vmem>> -> memref<1x125xi32, #tpu.memory_space<vmem>>
      %dma_wait3A_76 = tpu.memref_squeeze %dma_wait3A_75 : memref<1x125xi32, #tpu.memory_space<vmem>> -> memref<125xi32, #tpu.memory_space<vmem>>
      %dma_wait3A_77 = arith.constant 0 : i32
      %dma_wait3A_78 = arith.constant 0 : i32
      %dma_wait3A_79 = tpu.memref_slice %arg7[%dma_wait3A_77, %dma_wait3A_78] : memref<10112x8xf32, #tpu.memory_space<vmem_shared>> -> memref<10112x8xf32, #tpu.memory_space<vmem_shared>>
      tpu.wait_indirect_dma semaphore(%arg8 : memref<!tpu.dma_semaphore, #tpu.memory_space<semaphore_mem>>) src(%arg6 : memref<125x8xf32, #tpu.memory_space<vmem>>) dst(%dma_wait3A_79 : memref<10112x8xf32, #tpu.memory_space<vmem_shared>>)
      %dma_wait3A_80 = arith.constant 4 : i32
      %dma_wait3A_81 = arith.constant 0 : i32
      %dma_wait3A_82 = tpu.memref_slice %arg5[%dma_wait3A_80, %dma_wait3A_81] : memref<5x125xi32, #tpu.memory_space<vmem>> -> memref<1x125xi32, #tpu.memory_space<vmem>>
      %dma_wait3A_83 = tpu.memref_squeeze %dma_wait3A_82 : memref<1x125xi32, #tpu.memory_space<vmem>> -> memref<125xi32, #tpu.memory_space<vmem>>
      %dma_wait3A_84 = arith.constant 0 : i32
      %dma_wait3A_85 = arith.constant 0 : i32
      %dma_wait3A_86 = tpu.memref_slice %arg7[%dma_wait3A_84, %dma_wait3A_85] : memref<10112x8xf32, #tpu.memory_space<vmem_shared>> -> memref<10112x8xf32, #tpu.memory_space<vmem_shared>>
      tpu.wait_indirect_dma semaphore(%arg8 : memref<!tpu.dma_semaphore, #tpu.memory_space<semaphore_mem>>) src(%arg6 : memref<125x8xf32, #tpu.memory_space<vmem>>) dst(%dma_wait3A_86 : memref<10112x8xf32, #tpu.memory_space<vmem_shared>>)
      %scan3A_87 = arith.constant 0 : i32
      scf.yield %scan3A_87 : i32
    }
    %scan3A_15 = arith.constant 16 : i32
    %barrier3A_16 = arith.constant 0 : index
    tpu.barrier barrier_id(%barrier3A_16)
    "tpu.region"() ({
      %run_scoped3A = tpu.sem_alloc : memref<!tpu.dma_semaphore, #tpu.memory_space<semaphore_mem>>
      %dma_start3A = arith.constant 0 : i32
      %dma_start3A_17 = tpu.memref_slice %arg4[%arg0, %mul3A_2, %dma_start3A] : memref<2x10112x8xf32, #tpu.memory_space<hbm>> -> memref<1x632x8xf32, #tpu.memory_space<hbm>>
      %dma_start3A_18 = tpu.memref_squeeze %dma_start3A_17 : memref<1x632x8xf32, #tpu.memory_space<hbm>> -> memref<632x8xf32, #tpu.memory_space<hbm>>
      %dma_start3A_19 = arith.constant 0 : i32
      %dma_start3A_20 = tpu.memref_slice %arg7[%mul3A_2, %dma_start3A_19] : memref<10112x8xf32, #tpu.memory_space<vmem_shared>> -> memref<632x8xf32, #tpu.memory_space<vmem_shared>>
      tpu.enqueue_dma source(%dma_start3A_20 : memref<632x8xf32, #tpu.memory_space<vmem_shared>>) target(%dma_start3A_18 : memref<632x8xf32, #tpu.memory_space<hbm>>) target_semaphore(%run_scoped3A : memref<!tpu.dma_semaphore, #tpu.memory_space<semaphore_mem>>)
      %dma_wait3A = arith.constant 0 : i32
      %dma_wait3A_21 = tpu.memref_slice %arg4[%arg0, %mul3A_2, %dma_wait3A] : memref<2x10112x8xf32, #tpu.memory_space<hbm>> -> memref<1x632x8xf32, #tpu.memory_space<hbm>>
      %dma_wait3A_22 = tpu.memref_squeeze %dma_wait3A_21 : memref<1x632x8xf32, #tpu.memory_space<hbm>> -> memref<632x8xf32, #tpu.memory_space<hbm>>
      %dma_wait3A_23 = arith.constant 0 : i32
      %dma_wait3A_24 = tpu.memref_slice %arg7[%mul3A_2, %dma_wait3A_23] : memref<10112x8xf32, #tpu.memory_space<vmem_shared>> -> memref<632x8xf32, #tpu.memory_space<vmem_shared>>
      tpu.wait_dma2 semaphore(%run_scoped3A : memref<!tpu.dma_semaphore, #tpu.memory_space<semaphore_mem>>) src(%dma_wait3A_24 : memref<632x8xf32, #tpu.memory_space<vmem_shared>>) dst(%dma_wait3A_22 : memref<632x8xf32, #tpu.memory_space<hbm>>)
      tpu.yield
    }) : () -> ()
    return
  }
}

#map = affine_map<(d0, d1) -> (0, 0)>
#map1 = affine_map<(d0, d1) -> (0, 0, 0, 0, 0)>
#map2 = affine_map<(d0, d1) -> (0, 0, 0, 0)>
module attributes {stable_mosaic.version = 14 : i64} {
  func.func @_seg_body(%arg0: i32, %arg1: i32, %arg2: memref<10112x64xf32, #tpu.memory_space<hbm>>, %arg3: memref<10000x64xf32, #tpu.memory_space<hbm>>, %arg4: memref<10000x64xf32, #tpu.memory_space<hbm>>, %arg5: memref<32x10x2x5x200xi32, #tpu.memory_space<hbm>>, %arg6: memref<2x2x10112x64xf32, #tpu.memory_space<hbm>>, %arg7: memref<2x5x200xi32, #tpu.memory_space<vmem>>, %arg8: memref<2x5x200xi32, #tpu.memory_space<vmem>>, %arg9: memref<200x64xf32, #tpu.memory_space<vmem>>, %arg10: memref<200x64xf32, #tpu.memory_space<vmem>>, %arg11: memref<10112x64xf32, #tpu.memory_space<vmem_shared>>, %arg12: memref<!tpu.dma_semaphore, #tpu.memory_space<semaphore_mem>>, %arg13: memref<!tpu.dma_semaphore, #tpu.memory_space<semaphore_mem>>, %arg14: memref<!tpu.dma_semaphore, #tpu.memory_space<semaphore_mem>>, %arg15: memref<!tpu.dma_semaphore, #tpu.memory_space<semaphore_mem>>, %arg16: memref<!tpu.dma_semaphore, #tpu.memory_space<semaphore_mem>>, %arg17: memref<!tpu.dma_semaphore, #tpu.memory_space<semaphore_mem>>) attributes {dimension_semantics = [#tpu.dimension_semantics<core_parallel>, #tpu.dimension_semantics<subcore_parallel>], iteration_bounds = array<i64: 2, 16>, scalar_prefetch = 0 : i64, scratch_operands = 11 : i64, tpu.core_type = #tpu.core_type<sc_vector_subcore>, window_params = [{transform_indices = #map}, {transform_indices = #map}, {transform_indices = #map}, {transform_indices = #map1}, {transform_indices = #map2}]} {
    %mul3A = arith.constant 2 : i32
    %mul3A_0 = arith.muli %arg1, %mul3A : i32
    %add3A = arith.addi %mul3A_0, %arg0 : i32
    %mul3A_1 = arith.constant 632 : i32
    %mul3A_2 = arith.muli %arg1, %mul3A_1 : i32
    "tpu.region"() ({
      %run_scoped3A_62 = tpu.sem_alloc : memref<!tpu.dma_semaphore, #tpu.memory_space<semaphore_mem>>
      %dma_start3A_63 = arith.constant 0 : i32
      %dma_start3A_64 = tpu.memref_slice %arg11[%mul3A_2, %dma_start3A_63] : memref<10112x64xf32, #tpu.memory_space<vmem_shared>> -> memref<632x64xf32, #tpu.memory_space<vmem_shared>>
      %dma_start3A_65 = arith.constant 0 : i32
      %dma_start3A_66 = tpu.memref_slice %arg2[%mul3A_2, %dma_start3A_65] : memref<10112x64xf32, #tpu.memory_space<hbm>> -> memref<632x64xf32, #tpu.memory_space<hbm>>
      tpu.enqueue_dma source(%dma_start3A_66 : memref<632x64xf32, #tpu.memory_space<hbm>>) target(%dma_start3A_64 : memref<632x64xf32, #tpu.memory_space<vmem_shared>>) target_semaphore(%run_scoped3A_62 : memref<!tpu.dma_semaphore, #tpu.memory_space<semaphore_mem>>)
      %dma_wait3A_67 = arith.constant 0 : i32
      %dma_wait3A_68 = tpu.memref_slice %arg11[%mul3A_2, %dma_wait3A_67] : memref<10112x64xf32, #tpu.memory_space<vmem_shared>> -> memref<632x64xf32, #tpu.memory_space<vmem_shared>>
      %dma_wait3A_69 = arith.constant 0 : i32
      %dma_wait3A_70 = tpu.memref_slice %arg2[%mul3A_2, %dma_wait3A_69] : memref<10112x64xf32, #tpu.memory_space<hbm>> -> memref<632x64xf32, #tpu.memory_space<hbm>>
      tpu.wait_dma2 semaphore(%run_scoped3A_62 : memref<!tpu.dma_semaphore, #tpu.memory_space<semaphore_mem>>) src(%dma_wait3A_70 : memref<632x64xf32, #tpu.memory_space<hbm>>) dst(%dma_wait3A_68 : memref<632x64xf32, #tpu.memory_space<vmem_shared>>)
      tpu.yield
    }) : () -> ()
    %barrier3A = arith.constant 0 : index
    tpu.barrier barrier_id(%barrier3A)
    %dma_start3A = arith.constant 0 : i32
    %dma_start3A_3 = arith.constant 0 : i32
    %dma_start3A_4 = arith.constant 0 : i32
    %dma_start3A_5 = arith.constant 0 : i32
    %dma_start3A_6 = tpu.memref_slice %arg5[%add3A, %dma_start3A, %dma_start3A_3, %dma_start3A_4, %dma_start3A_5] : memref<32x10x2x5x200xi32, #tpu.memory_space<hbm>> -> memref<1x1x2x5x200xi32, #tpu.memory_space<hbm>>
    %dma_start3A_7 = tpu.memref_squeeze %dma_start3A_6 : memref<1x1x2x5x200xi32, #tpu.memory_space<hbm>> -> memref<2x5x200xi32, #tpu.memory_space<hbm>>
    %dma_start3A_8 = arith.constant 0 : i32
    %dma_start3A_9 = arith.constant 0 : i32
    %dma_start3A_10 = arith.constant 0 : i32
    %dma_start3A_11 = tpu.memref_slice %arg5[%add3A, %dma_start3A, %dma_start3A_8, %dma_start3A_9, %dma_start3A_10] : memref<32x10x2x5x200xi32, #tpu.memory_space<hbm>> -> memref<1x1x2x5x200xi32, #tpu.memory_space<hbm>>
    %dma_start3A_12 = tpu.memref_squeeze %dma_start3A_11 : memref<1x1x2x5x200xi32, #tpu.memory_space<hbm>> -> memref<2x5x200xi32, #tpu.memory_space<hbm>>
    tpu.enqueue_dma source(%dma_start3A_12 : memref<2x5x200xi32, #tpu.memory_space<hbm>>) target(%arg7 : memref<2x5x200xi32, #tpu.memory_space<vmem>>) target_semaphore(%arg12 : memref<!tpu.dma_semaphore, #tpu.memory_space<semaphore_mem>>)
    %scan3A = arith.constant 0 : i32
    %scan3A_13 = arith.constant 0 : i32
    %scan3A_14 = arith.constant 5 : i32
    %scan3A_15 = arith.addi %scan3A_13, %scan3A_14 : i32
    %scan3A_16 = arith.constant 1 : i32
    %scan3A_17 = scf.for %scan3A_62 = %scan3A_13 to %scan3A_15 step %scan3A_16 iter_args(%scan3A_63 = %scan3A) -> (i32)  : i32 {
      %mul3A_64 = arith.constant 2 : i32
      %mul3A_65 = arith.muli %mul3A_64, %scan3A_62 : i32
      %add3A_66 = arith.constant 0 : i32
      %add3A_67 = arith.addi %mul3A_65, %add3A_66 : i32
      %dma_wait3A_68 = arith.constant 0 : i32
      %dma_wait3A_69 = arith.constant 0 : i32
      %dma_wait3A_70 = arith.constant 0 : i32
      %dma_wait3A_71 = tpu.memref_slice %arg5[%add3A, %add3A_67, %dma_wait3A_68, %dma_wait3A_69, %dma_wait3A_70] : memref<32x10x2x5x200xi32, #tpu.memory_space<hbm>> -> memref<1x1x2x5x200xi32, #tpu.memory_space<hbm>>
      %dma_wait3A_72 = tpu.memref_squeeze %dma_wait3A_71 : memref<1x1x2x5x200xi32, #tpu.memory_space<hbm>> -> memref<2x5x200xi32, #tpu.memory_space<hbm>>
      %dma_wait3A_73 = arith.constant 0 : i32
      %dma_wait3A_74 = arith.constant 0 : i32
      %dma_wait3A_75 = arith.constant 0 : i32
      %dma_wait3A_76 = tpu.memref_slice %arg5[%add3A, %add3A_67, %dma_wait3A_73, %dma_wait3A_74, %dma_wait3A_75] : memref<32x10x2x5x200xi32, #tpu.memory_space<hbm>> -> memref<1x1x2x5x200xi32, #tpu.memory_space<hbm>>
      %dma_wait3A_77 = tpu.memref_squeeze %dma_wait3A_76 : memref<1x1x2x5x200xi32, #tpu.memory_space<hbm>> -> memref<2x5x200xi32, #tpu.memory_space<hbm>>
      tpu.wait_dma2 semaphore(%arg12 : memref<!tpu.dma_semaphore, #tpu.memory_space<semaphore_mem>>) src(%dma_wait3A_77 : memref<2x5x200xi32, #tpu.memory_space<hbm>>) dst(%arg7 : memref<2x5x200xi32, #tpu.memory_space<vmem>>)
      %add3A_78 = arith.constant 1 : i32
      %add3A_79 = arith.addi %add3A_67, %add3A_78 : i32
      %min3A = arith.constant 9 : i32
      %min3A_80 = arith.minsi %add3A_79, %min3A : i32
      %dma_start3A_81 = arith.constant 0 : i32
      %dma_start3A_82 = arith.constant 0 : i32
      %dma_start3A_83 = arith.constant 0 : i32
      %dma_start3A_84 = tpu.memref_slice %arg5[%add3A, %min3A_80, %dma_start3A_81, %dma_start3A_82, %dma_start3A_83] : memref<32x10x2x5x200xi32, #tpu.memory_space<hbm>> -> memref<1x1x2x5x200xi32, #tpu.memory_space<hbm>>
      %dma_start3A_85 = tpu.memref_squeeze %dma_start3A_84 : memref<1x1x2x5x200xi32, #tpu.memory_space<hbm>> -> memref<2x5x200xi32, #tpu.memory_space<hbm>>
      %dma_start3A_86 = arith.constant 0 : i32
      %dma_start3A_87 = arith.constant 0 : i32
      %dma_start3A_88 = arith.constant 0 : i32
      %dma_start3A_89 = tpu.memref_slice %arg5[%add3A, %min3A_80, %dma_start3A_86, %dma_start3A_87, %dma_start3A_88] : memref<32x10x2x5x200xi32, #tpu.memory_space<hbm>> -> memref<1x1x2x5x200xi32, #tpu.memory_space<hbm>>
      %dma_start3A_90 = tpu.memref_squeeze %dma_start3A_89 : memref<1x1x2x5x200xi32, #tpu.memory_space<hbm>> -> memref<2x5x200xi32, #tpu.memory_space<hbm>>
      tpu.enqueue_dma source(%dma_start3A_90 : memref<2x5x200xi32, #tpu.memory_space<hbm>>) target(%arg8 : memref<2x5x200xi32, #tpu.memory_space<vmem>>) target_semaphore(%arg13 : memref<!tpu.dma_semaphore, #tpu.memory_space<semaphore_mem>>)
      %dma_start3A_91 = arith.constant 0 : i32
      %dma_start3A_92 = arith.constant 0 : i32
      %dma_start3A_93 = arith.constant 0 : i32
      %dma_start3A_94 = arith.constant 0 : i32
      %dma_start3A_95 = tpu.memref_slice %arg7[%dma_start3A_91, %dma_start3A_93, %dma_start3A_94] : memref<2x5x200xi32, #tpu.memory_space<vmem>> -> memref<1x5x200xi32, #tpu.memory_space<vmem>>
      %dma_start3A_96 = tpu.memref_squeeze %dma_start3A_95 : memref<1x5x200xi32, #tpu.memory_space<vmem>> -> memref<5x200xi32, #tpu.memory_space<vmem>>
      %dma_start3A_97 = arith.constant 0 : i32
      %dma_start3A_98 = tpu.memref_slice %dma_start3A_96[%dma_start3A_92, %dma_start3A_97] : memref<5x200xi32, #tpu.memory_space<vmem>> -> memref<1x200xi32, #tpu.memory_space<vmem>>
      %dma_start3A_99 = tpu.memref_squeeze %dma_start3A_98 : memref<1x200xi32, #tpu.memory_space<vmem>> -> memref<200xi32, #tpu.memory_space<vmem>>
      %dma_start3A_100 = arith.constant 0 : i32
      %dma_start3A_101 = arith.constant 0 : i32
      %dma_start3A_102 = tpu.memref_slice %arg3[%dma_start3A_100, %dma_start3A_101] : memref<10000x64xf32, #tpu.memory_space<hbm>> -> memref<10000x64xf32, #tpu.memory_space<hbm>>
      tpu.enqueue_indirect_dma source(%dma_start3A_102 : memref<10000x64xf32, #tpu.memory_space<hbm>>) target(%arg9 : memref<200x64xf32, #tpu.memory_space<vmem>>) offsets(%dma_start3A_99 : memref<200xi32, #tpu.memory_space<vmem>>) semaphore(%arg14 : memref<!tpu.dma_semaphore, #tpu.memory_space<semaphore_mem>>)
      %dma_wait3A_103 = arith.constant 0 : i32
      %dma_wait3A_104 = arith.constant 0 : i32
      %dma_wait3A_105 = arith.constant 0 : i32
      %dma_wait3A_106 = arith.constant 0 : i32
      %dma_wait3A_107 = tpu.memref_slice %arg7[%dma_wait3A_103, %dma_wait3A_105, %dma_wait3A_106] : memref<2x5x200xi32, #tpu.memory_space<vmem>> -> memref<1x5x200xi32, #tpu.memory_space<vmem>>
      %dma_wait3A_108 = tpu.memref_squeeze %dma_wait3A_107 : memref<1x5x200xi32, #tpu.memory_space<vmem>> -> memref<5x200xi32, #tpu.memory_space<vmem>>
      %dma_wait3A_109 = arith.constant 0 : i32
      %dma_wait3A_110 = tpu.memref_slice %dma_wait3A_108[%dma_wait3A_104, %dma_wait3A_109] : memref<5x200xi32, #tpu.memory_space<vmem>> -> memref<1x200xi32, #tpu.memory_space<vmem>>
      %dma_wait3A_111 = tpu.memref_squeeze %dma_wait3A_110 : memref<1x200xi32, #tpu.memory_space<vmem>> -> memref<200xi32, #tpu.memory_space<vmem>>
      %dma_wait3A_112 = arith.constant 0 : i32
      %dma_wait3A_113 = arith.constant 0 : i32
      %dma_wait3A_114 = tpu.memref_slice %arg3[%dma_wait3A_112, %dma_wait3A_113] : memref<10000x64xf32, #tpu.memory_space<hbm>> -> memref<10000x64xf32, #tpu.memory_space<hbm>>
      tpu.wait_indirect_dma semaphore(%arg14 : memref<!tpu.dma_semaphore, #tpu.memory_space<semaphore_mem>>) src(%dma_wait3A_114 : memref<10000x64xf32, #tpu.memory_space<hbm>>) dst(%arg9 : memref<200x64xf32, #tpu.memory_space<vmem>>)
      %dma_start3A_115 = arith.constant 0 : i32
      %dma_start3A_116 = arith.constant 1 : i32
      %dma_start3A_117 = arith.constant 0 : i32
      %dma_start3A_118 = arith.constant 0 : i32
      %dma_start3A_119 = tpu.memref_slice %arg7[%dma_start3A_115, %dma_start3A_117, %dma_start3A_118] : memref<2x5x200xi32, #tpu.memory_space<vmem>> -> memref<1x5x200xi32, #tpu.memory_space<vmem>>
      %dma_start3A_120 = tpu.memref_squeeze %dma_start3A_119 : memref<1x5x200xi32, #tpu.memory_space<vmem>> -> memref<5x200xi32, #tpu.memory_space<vmem>>
      %dma_start3A_121 = arith.constant 0 : i32
      %dma_start3A_122 = tpu.memref_slice %dma_start3A_120[%dma_start3A_116, %dma_start3A_121] : memref<5x200xi32, #tpu.memory_space<vmem>> -> memref<1x200xi32, #tpu.memory_space<vmem>>
      %dma_start3A_123 = tpu.memref_squeeze %dma_start3A_122 : memref<1x200xi32, #tpu.memory_space<vmem>> -> memref<200xi32, #tpu.memory_space<vmem>>
      %dma_start3A_124 = arith.constant 0 : i32
      %dma_start3A_125 = arith.constant 0 : i32
      %dma_start3A_126 = tpu.memref_slice %arg3[%dma_start3A_124, %dma_start3A_125] : memref<10000x64xf32, #tpu.memory_space<hbm>> -> memref<10000x64xf32, #tpu.memory_space<hbm>>
      tpu.enqueue_indirect_dma source(%dma_start3A_126 : memref<10000x64xf32, #tpu.memory_space<hbm>>) target(%arg10 : memref<200x64xf32, #tpu.memory_space<vmem>>) offsets(%dma_start3A_123 : memref<200xi32, #tpu.memory_space<vmem>>) semaphore(%arg15 : memref<!tpu.dma_semaphore, #tpu.memory_space<semaphore_mem>>)
      %dma_start3A_127 = arith.constant 1 : i32
      %dma_start3A_128 = arith.constant 0 : i32
      %dma_start3A_129 = arith.constant 0 : i32
      %dma_start3A_130 = arith.constant 0 : i32
      %dma_start3A_131 = tpu.memref_slice %arg7[%dma_start3A_127, %dma_start3A_129, %dma_start3A_130] : memref<2x5x200xi32, #tpu.memory_space<vmem>> -> memref<1x5x200xi32, #tpu.memory_space<vmem>>
      %dma_start3A_132 = tpu.memref_squeeze %dma_start3A_131 : memref<1x5x200xi32, #tpu.memory_space<vmem>> -> memref<5x200xi32, #tpu.memory_space<vmem>>
      %dma_start3A_133 = arith.constant 0 : i32
      %dma_start3A_134 = tpu.memref_slice %dma_start3A_132[%dma_start3A_128, %dma_start3A_133] : memref<5x200xi32, #tpu.memory_space<vmem>> -> memref<1x200xi32, #tpu.memory_space<vmem>>
      %dma_start3A_135 = tpu.memref_squeeze %dma_start3A_134 : memref<1x200xi32, #tpu.memory_space<vmem>> -> memref<200xi32, #tpu.memory_space<vmem>>
      %dma_start3A_136 = arith.constant 0 : i32
      %dma_start3A_137 = arith.constant 0 : i32
      %dma_start3A_138 = tpu.memref_slice %arg11[%dma_start3A_136, %dma_start3A_137] : memref<10112x64xf32, #tpu.memory_space<vmem_shared>> -> memref<10112x64xf32, #tpu.memory_space<vmem_shared>>
      tpu.enqueue_indirect_dma source(%arg9 : memref<200x64xf32, #tpu.memory_space<vmem>>) target(%dma_start3A_138 : memref<10112x64xf32, #tpu.memory_space<vmem_shared>>) offsets(%dma_start3A_135 : memref<200xi32, #tpu.memory_space<vmem>>) semaphore(%arg16 : memref<!tpu.dma_semaphore, #tpu.memory_space<semaphore_mem>>) {add = true}
      %dma_wait3A_139 = arith.constant 0 : i32
      %dma_wait3A_140 = arith.constant 1 : i32
      %dma_wait3A_141 = arith.constant 0 : i32
      %dma_wait3A_142 = arith.constant 0 : i32
      %dma_wait3A_143 = tpu.memref_slice %arg7[%dma_wait3A_139, %dma_wait3A_141, %dma_wait3A_142] : memref<2x5x200xi32, #tpu.memory_space<vmem>> -> memref<1x5x200xi32, #tpu.memory_space<vmem>>
      %dma_wait3A_144 = tpu.memref_squeeze %dma_wait3A_143 : memref<1x5x200xi32, #tpu.memory_space<vmem>> -> memref<5x200xi32, #tpu.memory_space<vmem>>
      %dma_wait3A_145 = arith.constant 0 : i32
      %dma_wait3A_146 = tpu.memref_slice %dma_wait3A_144[%dma_wait3A_140, %dma_wait3A_145] : memref<5x200xi32, #tpu.memory_space<vmem>> -> memref<1x200xi32, #tpu.memory_space<vmem>>
      %dma_wait3A_147 = tpu.memref_squeeze %dma_wait3A_146 : memref<1x200xi32, #tpu.memory_space<vmem>> -> memref<200xi32, #tpu.memory_space<vmem>>
      %dma_wait3A_148 = arith.constant 0 : i32
      %dma_wait3A_149 = arith.constant 0 : i32
      %dma_wait3A_150 = tpu.memref_slice %arg3[%dma_wait3A_148, %dma_wait3A_149] : memref<10000x64xf32, #tpu.memory_space<hbm>> -> memref<10000x64xf32, #tpu.memory_space<hbm>>
      tpu.wait_indirect_dma semaphore(%arg15 : memref<!tpu.dma_semaphore, #tpu.memory_space<semaphore_mem>>) src(%dma_wait3A_150 : memref<10000x64xf32, #tpu.memory_space<hbm>>) dst(%arg10 : memref<200x64xf32, #tpu.memory_space<vmem>>)
      %dma_wait3A_151 = arith.constant 1 : i32
      %dma_wait3A_152 = arith.constant 0 : i32
      %dma_wait3A_153 = arith.constant 0 : i32
      %dma_wait3A_154 = arith.constant 0 : i32
      %dma_wait3A_155 = tpu.memref_slice %arg7[%dma_wait3A_151, %dma_wait3A_153, %dma_wait3A_154] : memref<2x5x200xi32, #tpu.memory_space<vmem>> -> memref<1x5x200xi32, #tpu.memory_space<vmem>>
      %dma_wait3A_156 = tpu.memref_squeeze %dma_wait3A_155 : memref<1x5x200xi32, #tpu.memory_space<vmem>> -> memref<5x200xi32, #tpu.memory_space<vmem>>
      %dma_wait3A_157 = arith.constant 0 : i32
      %dma_wait3A_158 = tpu.memref_slice %dma_wait3A_156[%dma_wait3A_152, %dma_wait3A_157] : memref<5x200xi32, #tpu.memory_space<vmem>> -> memref<1x200xi32, #tpu.memory_space<vmem>>
      %dma_wait3A_159 = tpu.memref_squeeze %dma_wait3A_158 : memref<1x200xi32, #tpu.memory_space<vmem>> -> memref<200xi32, #tpu.memory_space<vmem>>
      %dma_wait3A_160 = arith.constant 0 : i32
      %dma_wait3A_161 = arith.constant 0 : i32
      %dma_wait3A_162 = tpu.memref_slice %arg11[%dma_wait3A_160, %dma_wait3A_161] : memref<10112x64xf32, #tpu.memory_space<vmem_shared>> -> memref<10112x64xf32, #tpu.memory_space<vmem_shared>>
      tpu.wait_indirect_dma semaphore(%arg16 : memref<!tpu.dma_semaphore, #tpu.memory_space<semaphore_mem>>) src(%arg9 : memref<200x64xf32, #tpu.memory_space<vmem>>) dst(%dma_wait3A_162 : memref<10112x64xf32, #tpu.memory_space<vmem_shared>>)
      %dma_start3A_163 = arith.constant 0 : i32
      %dma_start3A_164 = arith.constant 2 : i32
      %dma_start3A_165 = arith.constant 0 : i32
      %dma_start3A_166 = arith.constant 0 : i32
      %dma_start3A_167 = tpu.memref_slice %arg7[%dma_start3A_163, %dma_start3A_165, %dma_start3A_166] : memref<2x5x200xi32, #tpu.memory_space<vmem>> -> memref<1x5x200xi32, #tpu.memory_space<vmem>>
      %dma_start3A_168 = tpu.memref_squeeze %dma_start3A_167 : memref<1x5x200xi32, #tpu.memory_space<vmem>> -> memref<5x200xi32, #tpu.memory_space<vmem>>
      %dma_start3A_169 = arith.constant 0 : i32
      %dma_start3A_170 = tpu.memref_slice %dma_start3A_168[%dma_start3A_164, %dma_start3A_169] : memref<5x200xi32, #tpu.memory_space<vmem>> -> memref<1x200xi32, #tpu.memory_space<vmem>>
      %dma_start3A_171 = tpu.memref_squeeze %dma_start3A_170 : memref<1x200xi32, #tpu.memory_space<vmem>> -> memref<200xi32, #tpu.memory_space<vmem>>
      %dma_start3A_172 = arith.constant 0 : i32
      %dma_start3A_173 = arith.constant 0 : i32
      %dma_start3A_174 = tpu.memref_slice %arg3[%dma_start3A_172, %dma_start3A_173] : memref<10000x64xf32, #tpu.memory_space<hbm>> -> memref<10000x64xf32, #tpu.memory_space<hbm>>
      tpu.enqueue_indirect_dma source(%dma_start3A_174 : memref<10000x64xf32, #tpu.memory_space<hbm>>) target(%arg9 : memref<200x64xf32, #tpu.memory_space<vmem>>) offsets(%dma_start3A_171 : memref<200xi32, #tpu.memory_space<vmem>>) semaphore(%arg14 : memref<!tpu.dma_semaphore, #tpu.memory_space<semaphore_mem>>)
      %dma_start3A_175 = arith.constant 1 : i32
      %dma_start3A_176 = arith.constant 1 : i32
      %dma_start3A_177 = arith.constant 0 : i32
      %dma_start3A_178 = arith.constant 0 : i32
      %dma_start3A_179 = tpu.memref_slice %arg7[%dma_start3A_175, %dma_start3A_177, %dma_start3A_178] : memref<2x5x200xi32, #tpu.memory_space<vmem>> -> memref<1x5x200xi32, #tpu.memory_space<vmem>>
      %dma_start3A_180 = tpu.memref_squeeze %dma_start3A_179 : memref<1x5x200xi32, #tpu.memory_space<vmem>> -> memref<5x200xi32, #tpu.memory_space<vmem>>
      %dma_start3A_181 = arith.constant 0 : i32
      %dma_start3A_182 = tpu.memref_slice %dma_start3A_180[%dma_start3A_176, %dma_start3A_181] : memref<5x200xi32, #tpu.memory_space<vmem>> -> memref<1x200xi32, #tpu.memory_space<vmem>>
      %dma_start3A_183 = tpu.memref_squeeze %dma_start3A_182 : memref<1x200xi32, #tpu.memory_space<vmem>> -> memref<200xi32, #tpu.memory_space<vmem>>
      %dma_start3A_184 = arith.constant 0 : i32
      %dma_start3A_185 = arith.constant 0 : i32
      %dma_start3A_186 = tpu.memref_slice %arg11[%dma_start3A_184, %dma_start3A_185] : memref<10112x64xf32, #tpu.memory_space<vmem_shared>> -> memref<10112x64xf32, #tpu.memory_space<vmem_shared>>
      tpu.enqueue_indirect_dma source(%arg10 : memref<200x64xf32, #tpu.memory_space<vmem>>) target(%dma_start3A_186 : memref<10112x64xf32, #tpu.memory_space<vmem_shared>>) offsets(%dma_start3A_183 : memref<200xi32, #tpu.memory_space<vmem>>) semaphore(%arg17 : memref<!tpu.dma_semaphore, #tpu.memory_space<semaphore_mem>>) {add = true}
      %dma_wait3A_187 = arith.constant 0 : i32
      %dma_wait3A_188 = arith.constant 2 : i32
      %dma_wait3A_189 = arith.constant 0 : i32
      %dma_wait3A_190 = arith.constant 0 : i32
      %dma_wait3A_191 = tpu.memref_slice %arg7[%dma_wait3A_187, %dma_wait3A_189, %dma_wait3A_190] : memref<2x5x200xi32, #tpu.memory_space<vmem>> -> memref<1x5x200xi32, #tpu.memory_space<vmem>>
      %dma_wait3A_192 = tpu.memref_squeeze %dma_wait3A_191 : memref<1x5x200xi32, #tpu.memory_space<vmem>> -> memref<5x200xi32, #tpu.memory_space<vmem>>
      %dma_wait3A_193 = arith.constant 0 : i32
      %dma_wait3A_194 = tpu.memref_slice %dma_wait3A_192[%dma_wait3A_188, %dma_wait3A_193] : memref<5x200xi32, #tpu.memory_space<vmem>> -> memref<1x200xi32, #tpu.memory_space<vmem>>
      %dma_wait3A_195 = tpu.memref_squeeze %dma_wait3A_194 : memref<1x200xi32, #tpu.memory_space<vmem>> -> memref<200xi32, #tpu.memory_space<vmem>>
      %dma_wait3A_196 = arith.constant 0 : i32
      %dma_wait3A_197 = arith.constant 0 : i32
      %dma_wait3A_198 = tpu.memref_slice %arg3[%dma_wait3A_196, %dma_wait3A_197] : memref<10000x64xf32, #tpu.memory_space<hbm>> -> memref<10000x64xf32, #tpu.memory_space<hbm>>
      tpu.wait_indirect_dma semaphore(%arg14 : memref<!tpu.dma_semaphore, #tpu.memory_space<semaphore_mem>>) src(%dma_wait3A_198 : memref<10000x64xf32, #tpu.memory_space<hbm>>) dst(%arg9 : memref<200x64xf32, #tpu.memory_space<vmem>>)
      %dma_wait3A_199 = arith.constant 1 : i32
      %dma_wait3A_200 = arith.constant 1 : i32
      %dma_wait3A_201 = arith.constant 0 : i32
      %dma_wait3A_202 = arith.constant 0 : i32
      %dma_wait3A_203 = tpu.memref_slice %arg7[%dma_wait3A_199, %dma_wait3A_201, %dma_wait3A_202] : memref<2x5x200xi32, #tpu.memory_space<vmem>> -> memref<1x5x200xi32, #tpu.memory_space<vmem>>
      %dma_wait3A_204 = tpu.memref_squeeze %dma_wait3A_203 : memref<1x5x200xi32, #tpu.memory_space<vmem>> -> memref<5x200xi32, #tpu.memory_space<vmem>>
      %dma_wait3A_205 = arith.constant 0 : i32
      %dma_wait3A_206 = tpu.memref_slice %dma_wait3A_204[%dma_wait3A_200, %dma_wait3A_205] : memref<5x200xi32, #tpu.memory_space<vmem>> -> memref<1x200xi32, #tpu.memory_space<vmem>>
      %dma_wait3A_207 = tpu.memref_squeeze %dma_wait3A_206 : memref<1x200xi32, #tpu.memory_space<vmem>> -> memref<200xi32, #tpu.memory_space<vmem>>
      %dma_wait3A_208 = arith.constant 0 : i32
      %dma_wait3A_209 = arith.constant 0 : i32
      %dma_wait3A_210 = tpu.memref_slice %arg11[%dma_wait3A_208, %dma_wait3A_209] : memref<10112x64xf32, #tpu.memory_space<vmem_shared>> -> memref<10112x64xf32, #tpu.memory_space<vmem_shared>>
      tpu.wait_indirect_dma semaphore(%arg17 : memref<!tpu.dma_semaphore, #tpu.memory_space<semaphore_mem>>) src(%arg10 : memref<200x64xf32, #tpu.memory_space<vmem>>) dst(%dma_wait3A_210 : memref<10112x64xf32, #tpu.memory_space<vmem_shared>>)
      %dma_start3A_211 = arith.constant 0 : i32
      %dma_start3A_212 = arith.constant 3 : i32
      %dma_start3A_213 = arith.constant 0 : i32
      %dma_start3A_214 = arith.constant 0 : i32
      %dma_start3A_215 = tpu.memref_slice %arg7[%dma_start3A_211, %dma_start3A_213, %dma_start3A_214] : memref<2x5x200xi32, #tpu.memory_space<vmem>> -> memref<1x5x200xi32, #tpu.memory_space<vmem>>
      %dma_start3A_216 = tpu.memref_squeeze %dma_start3A_215 : memref<1x5x200xi32, #tpu.memory_space<vmem>> -> memref<5x200xi32, #tpu.memory_space<vmem>>
      %dma_start3A_217 = arith.constant 0 : i32
      %dma_start3A_218 = tpu.memref_slice %dma_start3A_216[%dma_start3A_212, %dma_start3A_217] : memref<5x200xi32, #tpu.memory_space<vmem>> -> memref<1x200xi32, #tpu.memory_space<vmem>>
      %dma_start3A_219 = tpu.memref_squeeze %dma_start3A_218 : memref<1x200xi32, #tpu.memory_space<vmem>> -> memref<200xi32, #tpu.memory_space<vmem>>
      %dma_start3A_220 = arith.constant 0 : i32
      %dma_start3A_221 = arith.constant 0 : i32
      %dma_start3A_222 = tpu.memref_slice %arg3[%dma_start3A_220, %dma_start3A_221] : memref<10000x64xf32, #tpu.memory_space<hbm>> -> memref<10000x64xf32, #tpu.memory_space<hbm>>
      tpu.enqueue_indirect_dma source(%dma_start3A_222 : memref<10000x64xf32, #tpu.memory_space<hbm>>) target(%arg10 : memref<200x64xf32, #tpu.memory_space<vmem>>) offsets(%dma_start3A_219 : memref<200xi32, #tpu.memory_space<vmem>>) semaphore(%arg15 : memref<!tpu.dma_semaphore, #tpu.memory_space<semaphore_mem>>)
      %dma_start3A_223 = arith.constant 1 : i32
      %dma_start3A_224 = arith.constant 2 : i32
      %dma_start3A_225 = arith.constant 0 : i32
      %dma_start3A_226 = arith.constant 0 : i32
      %dma_start3A_227 = tpu.memref_slice %arg7[%dma_start3A_223, %dma_start3A_225, %dma_start3A_226] : memref<2x5x200xi32, #tpu.memory_space<vmem>> -> memref<1x5x200xi32, #tpu.memory_space<vmem>>
      %dma_start3A_228 = tpu.memref_squeeze %dma_start3A_227 : memref<1x5x200xi32, #tpu.memory_space<vmem>> -> memref<5x200xi32, #tpu.memory_space<vmem>>
      %dma_start3A_229 = arith.constant 0 : i32
      %dma_start3A_230 = tpu.memref_slice %dma_start3A_228[%dma_start3A_224, %dma_start3A_229] : memref<5x200xi32, #tpu.memory_space<vmem>> -> memref<1x200xi32, #tpu.memory_space<vmem>>
      %dma_start3A_231 = tpu.memref_squeeze %dma_start3A_230 : memref<1x200xi32, #tpu.memory_space<vmem>> -> memref<200xi32, #tpu.memory_space<vmem>>
      %dma_start3A_232 = arith.constant 0 : i32
      %dma_start3A_233 = arith.constant 0 : i32
      %dma_start3A_234 = tpu.memref_slice %arg11[%dma_start3A_232, %dma_start3A_233] : memref<10112x64xf32, #tpu.memory_space<vmem_shared>> -> memref<10112x64xf32, #tpu.memory_space<vmem_shared>>
      tpu.enqueue_indirect_dma source(%arg9 : memref<200x64xf32, #tpu.memory_space<vmem>>) target(%dma_start3A_234 : memref<10112x64xf32, #tpu.memory_space<vmem_shared>>) offsets(%dma_start3A_231 : memref<200xi32, #tpu.memory_space<vmem>>) semaphore(%arg16 : memref<!tpu.dma_semaphore, #tpu.memory_space<semaphore_mem>>) {add = true}
      %dma_wait3A_235 = arith.constant 0 : i32
      %dma_wait3A_236 = arith.constant 3 : i32
      %dma_wait3A_237 = arith.constant 0 : i32
      %dma_wait3A_238 = arith.constant 0 : i32
      %dma_wait3A_239 = tpu.memref_slice %arg7[%dma_wait3A_235, %dma_wait3A_237, %dma_wait3A_238] : memref<2x5x200xi32, #tpu.memory_space<vmem>> -> memref<1x5x200xi32, #tpu.memory_space<vmem>>
      %dma_wait3A_240 = tpu.memref_squeeze %dma_wait3A_239 : memref<1x5x200xi32, #tpu.memory_space<vmem>> -> memref<5x200xi32, #tpu.memory_space<vmem>>
      %dma_wait3A_241 = arith.constant 0 : i32
      %dma_wait3A_242 = tpu.memref_slice %dma_wait3A_240[%dma_wait3A_236, %dma_wait3A_241] : memref<5x200xi32, #tpu.memory_space<vmem>> -> memref<1x200xi32, #tpu.memory_space<vmem>>
      %dma_wait3A_243 = tpu.memref_squeeze %dma_wait3A_242 : memref<1x200xi32, #tpu.memory_space<vmem>> -> memref<200xi32, #tpu.memory_space<vmem>>
      %dma_wait3A_244 = arith.constant 0 : i32
      %dma_wait3A_245 = arith.constant 0 : i32
      %dma_wait3A_246 = tpu.memref_slice %arg3[%dma_wait3A_244, %dma_wait3A_245] : memref<10000x64xf32, #tpu.memory_space<hbm>> -> memref<10000x64xf32, #tpu.memory_space<hbm>>
      tpu.wait_indirect_dma semaphore(%arg15 : memref<!tpu.dma_semaphore, #tpu.memory_space<semaphore_mem>>) src(%dma_wait3A_246 : memref<10000x64xf32, #tpu.memory_space<hbm>>) dst(%arg10 : memref<200x64xf32, #tpu.memory_space<vmem>>)
      %dma_wait3A_247 = arith.constant 1 : i32
      %dma_wait3A_248 = arith.constant 2 : i32
      %dma_wait3A_249 = arith.constant 0 : i32
      %dma_wait3A_250 = arith.constant 0 : i32
      %dma_wait3A_251 = tpu.memref_slice %arg7[%dma_wait3A_247, %dma_wait3A_249, %dma_wait3A_250] : memref<2x5x200xi32, #tpu.memory_space<vmem>> -> memref<1x5x200xi32, #tpu.memory_space<vmem>>
      %dma_wait3A_252 = tpu.memref_squeeze %dma_wait3A_251 : memref<1x5x200xi32, #tpu.memory_space<vmem>> -> memref<5x200xi32, #tpu.memory_space<vmem>>
      %dma_wait3A_253 = arith.constant 0 : i32
      %dma_wait3A_254 = tpu.memref_slice %dma_wait3A_252[%dma_wait3A_248, %dma_wait3A_253] : memref<5x200xi32, #tpu.memory_space<vmem>> -> memref<1x200xi32, #tpu.memory_space<vmem>>
      %dma_wait3A_255 = tpu.memref_squeeze %dma_wait3A_254 : memref<1x200xi32, #tpu.memory_space<vmem>> -> memref<200xi32, #tpu.memory_space<vmem>>
      %dma_wait3A_256 = arith.constant 0 : i32
      %dma_wait3A_257 = arith.constant 0 : i32
      %dma_wait3A_258 = tpu.memref_slice %arg11[%dma_wait3A_256, %dma_wait3A_257] : memref<10112x64xf32, #tpu.memory_space<vmem_shared>> -> memref<10112x64xf32, #tpu.memory_space<vmem_shared>>
      tpu.wait_indirect_dma semaphore(%arg16 : memref<!tpu.dma_semaphore, #tpu.memory_space<semaphore_mem>>) src(%arg9 : memref<200x64xf32, #tpu.memory_space<vmem>>) dst(%dma_wait3A_258 : memref<10112x64xf32, #tpu.memory_space<vmem_shared>>)
      %dma_start3A_259 = arith.constant 0 : i32
      %dma_start3A_260 = arith.constant 4 : i32
      %dma_start3A_261 = arith.constant 0 : i32
      %dma_start3A_262 = arith.constant 0 : i32
      %dma_start3A_263 = tpu.memref_slice %arg7[%dma_start3A_259, %dma_start3A_261, %dma_start3A_262] : memref<2x5x200xi32, #tpu.memory_space<vmem>> -> memref<1x5x200xi32, #tpu.memory_space<vmem>>
      %dma_start3A_264 = tpu.memref_squeeze %dma_start3A_263 : memref<1x5x200xi32, #tpu.memory_space<vmem>> -> memref<5x200xi32, #tpu.memory_space<vmem>>
      %dma_start3A_265 = arith.constant 0 : i32
      %dma_start3A_266 = tpu.memref_slice %dma_start3A_264[%dma_start3A_260, %dma_start3A_265] : memref<5x200xi32, #tpu.memory_space<vmem>> -> memref<1x200xi32, #tpu.memory_space<vmem>>
      %dma_start3A_267 = tpu.memref_squeeze %dma_start3A_266 : memref<1x200xi32, #tpu.memory_space<vmem>> -> memref<200xi32, #tpu.memory_space<vmem>>
      %dma_start3A_268 = arith.constant 0 : i32
      %dma_start3A_269 = arith.constant 0 : i32
      %dma_start3A_270 = tpu.memref_slice %arg3[%dma_start3A_268, %dma_start3A_269] : memref<10000x64xf32, #tpu.memory_space<hbm>> -> memref<10000x64xf32, #tpu.memory_space<hbm>>
      tpu.enqueue_indirect_dma source(%dma_start3A_270 : memref<10000x64xf32, #tpu.memory_space<hbm>>) target(%arg9 : memref<200x64xf32, #tpu.memory_space<vmem>>) offsets(%dma_start3A_267 : memref<200xi32, #tpu.memory_space<vmem>>) semaphore(%arg14 : memref<!tpu.dma_semaphore, #tpu.memory_space<semaphore_mem>>)
      %dma_start3A_271 = arith.constant 1 : i32
      %dma_start3A_272 = arith.constant 3 : i32
      %dma_start3A_273 = arith.constant 0 : i32
      %dma_start3A_274 = arith.constant 0 : i32
      %dma_start3A_275 = tpu.memref_slice %arg7[%dma_start3A_271, %dma_start3A_273, %dma_start3A_274] : memref<2x5x200xi32, #tpu.memory_space<vmem>> -> memref<1x5x200xi32, #tpu.memory_space<vmem>>
      %dma_start3A_276 = tpu.memref_squeeze %dma_start3A_275 : memref<1x5x200xi32, #tpu.memory_space<vmem>> -> memref<5x200xi32, #tpu.memory_space<vmem>>
      %dma_start3A_277 = arith.constant 0 : i32
      %dma_start3A_278 = tpu.memref_slice %dma_start3A_276[%dma_start3A_272, %dma_start3A_277] : memref<5x200xi32, #tpu.memory_space<vmem>> -> memref<1x200xi32, #tpu.memory_space<vmem>>
      %dma_start3A_279 = tpu.memref_squeeze %dma_start3A_278 : memref<1x200xi32, #tpu.memory_space<vmem>> -> memref<200xi32, #tpu.memory_space<vmem>>
      %dma_start3A_280 = arith.constant 0 : i32
      %dma_start3A_281 = arith.constant 0 : i32
      %dma_start3A_282 = tpu.memref_slice %arg11[%dma_start3A_280, %dma_start3A_281] : memref<10112x64xf32, #tpu.memory_space<vmem_shared>> -> memref<10112x64xf32, #tpu.memory_space<vmem_shared>>
      tpu.enqueue_indirect_dma source(%arg10 : memref<200x64xf32, #tpu.memory_space<vmem>>) target(%dma_start3A_282 : memref<10112x64xf32, #tpu.memory_space<vmem_shared>>) offsets(%dma_start3A_279 : memref<200xi32, #tpu.memory_space<vmem>>) semaphore(%arg17 : memref<!tpu.dma_semaphore, #tpu.memory_space<semaphore_mem>>) {add = true}
      %dma_wait3A_283 = arith.constant 0 : i32
      %dma_wait3A_284 = arith.constant 4 : i32
      %dma_wait3A_285 = arith.constant 0 : i32
      %dma_wait3A_286 = arith.constant 0 : i32
      %dma_wait3A_287 = tpu.memref_slice %arg7[%dma_wait3A_283, %dma_wait3A_285, %dma_wait3A_286] : memref<2x5x200xi32, #tpu.memory_space<vmem>> -> memref<1x5x200xi32, #tpu.memory_space<vmem>>
      %dma_wait3A_288 = tpu.memref_squeeze %dma_wait3A_287 : memref<1x5x200xi32, #tpu.memory_space<vmem>> -> memref<5x200xi32, #tpu.memory_space<vmem>>
      %dma_wait3A_289 = arith.constant 0 : i32
      %dma_wait3A_290 = tpu.memref_slice %dma_wait3A_288[%dma_wait3A_284, %dma_wait3A_289] : memref<5x200xi32, #tpu.memory_space<vmem>> -> memref<1x200xi32, #tpu.memory_space<vmem>>
      %dma_wait3A_291 = tpu.memref_squeeze %dma_wait3A_290 : memref<1x200xi32, #tpu.memory_space<vmem>> -> memref<200xi32, #tpu.memory_space<vmem>>
      %dma_wait3A_292 = arith.constant 0 : i32
      %dma_wait3A_293 = arith.constant 0 : i32
      %dma_wait3A_294 = tpu.memref_slice %arg3[%dma_wait3A_292, %dma_wait3A_293] : memref<10000x64xf32, #tpu.memory_space<hbm>> -> memref<10000x64xf32, #tpu.memory_space<hbm>>
      tpu.wait_indirect_dma semaphore(%arg14 : memref<!tpu.dma_semaphore, #tpu.memory_space<semaphore_mem>>) src(%dma_wait3A_294 : memref<10000x64xf32, #tpu.memory_space<hbm>>) dst(%arg9 : memref<200x64xf32, #tpu.memory_space<vmem>>)
      %dma_start3A_295 = arith.constant 1 : i32
      %dma_start3A_296 = arith.constant 4 : i32
      %dma_start3A_297 = arith.constant 0 : i32
      %dma_start3A_298 = arith.constant 0 : i32
      %dma_start3A_299 = tpu.memref_slice %arg7[%dma_start3A_295, %dma_start3A_297, %dma_start3A_298] : memref<2x5x200xi32, #tpu.memory_space<vmem>> -> memref<1x5x200xi32, #tpu.memory_space<vmem>>
      %dma_start3A_300 = tpu.memref_squeeze %dma_start3A_299 : memref<1x5x200xi32, #tpu.memory_space<vmem>> -> memref<5x200xi32, #tpu.memory_space<vmem>>
      %dma_start3A_301 = arith.constant 0 : i32
      %dma_start3A_302 = tpu.memref_slice %dma_start3A_300[%dma_start3A_296, %dma_start3A_301] : memref<5x200xi32, #tpu.memory_space<vmem>> -> memref<1x200xi32, #tpu.memory_space<vmem>>
      %dma_start3A_303 = tpu.memref_squeeze %dma_start3A_302 : memref<1x200xi32, #tpu.memory_space<vmem>> -> memref<200xi32, #tpu.memory_space<vmem>>
      %dma_start3A_304 = arith.constant 0 : i32
      %dma_start3A_305 = arith.constant 0 : i32
      %dma_start3A_306 = tpu.memref_slice %arg11[%dma_start3A_304, %dma_start3A_305] : memref<10112x64xf32, #tpu.memory_space<vmem_shared>> -> memref<10112x64xf32, #tpu.memory_space<vmem_shared>>
      tpu.enqueue_indirect_dma source(%arg9 : memref<200x64xf32, #tpu.memory_space<vmem>>) target(%dma_start3A_306 : memref<10112x64xf32, #tpu.memory_space<vmem_shared>>) offsets(%dma_start3A_303 : memref<200xi32, #tpu.memory_space<vmem>>) semaphore(%arg16 : memref<!tpu.dma_semaphore, #tpu.memory_space<semaphore_mem>>) {add = true}
      %dma_wait3A_307 = arith.constant 1 : i32
      %dma_wait3A_308 = arith.constant 3 : i32
      %dma_wait3A_309 = arith.constant 0 : i32
      %dma_wait3A_310 = arith.constant 0 : i32
      %dma_wait3A_311 = tpu.memref_slice %arg7[%dma_wait3A_307, %dma_wait3A_309, %dma_wait3A_310] : memref<2x5x200xi32, #tpu.memory_space<vmem>> -> memref<1x5x200xi32, #tpu.memory_space<vmem>>
      %dma_wait3A_312 = tpu.memref_squeeze %dma_wait3A_311 : memref<1x5x200xi32, #tpu.memory_space<vmem>> -> memref<5x200xi32, #tpu.memory_space<vmem>>
      %dma_wait3A_313 = arith.constant 0 : i32
      %dma_wait3A_314 = tpu.memref_slice %dma_wait3A_312[%dma_wait3A_308, %dma_wait3A_313] : memref<5x200xi32, #tpu.memory_space<vmem>> -> memref<1x200xi32, #tpu.memory_space<vmem>>
      %dma_wait3A_315 = tpu.memref_squeeze %dma_wait3A_314 : memref<1x200xi32, #tpu.memory_space<vmem>> -> memref<200xi32, #tpu.memory_space<vmem>>
      %dma_wait3A_316 = arith.constant 0 : i32
      %dma_wait3A_317 = arith.constant 0 : i32
      %dma_wait3A_318 = tpu.memref_slice %arg11[%dma_wait3A_316, %dma_wait3A_317] : memref<10112x64xf32, #tpu.memory_space<vmem_shared>> -> memref<10112x64xf32, #tpu.memory_space<vmem_shared>>
      tpu.wait_indirect_dma semaphore(%arg17 : memref<!tpu.dma_semaphore, #tpu.memory_space<semaphore_mem>>) src(%arg10 : memref<200x64xf32, #tpu.memory_space<vmem>>) dst(%dma_wait3A_318 : memref<10112x64xf32, #tpu.memory_space<vmem_shared>>)
      %dma_wait3A_319 = arith.constant 1 : i32
      %dma_wait3A_320 = arith.constant 4 : i32
      %dma_wait3A_321 = arith.constant 0 : i32
      %dma_wait3A_322 = arith.constant 0 : i32
      %dma_wait3A_323 = tpu.memref_slice %arg7[%dma_wait3A_319, %dma_wait3A_321, %dma_wait3A_322] : memref<2x5x200xi32, #tpu.memory_space<vmem>> -> memref<1x5x200xi32, #tpu.memory_space<vmem>>
      %dma_wait3A_324 = tpu.memref_squeeze %dma_wait3A_323 : memref<1x5x200xi32, #tpu.memory_space<vmem>> -> memref<5x200xi32, #tpu.memory_space<vmem>>
      %dma_wait3A_325 = arith.constant 0 : i32
      %dma_wait3A_326 = tpu.memref_slice %dma_wait3A_324[%dma_wait3A_320, %dma_wait3A_325] : memref<5x200xi32, #tpu.memory_space<vmem>> -> memref<1x200xi32, #tpu.memory_space<vmem>>
      %dma_wait3A_327 = tpu.memref_squeeze %dma_wait3A_326 : memref<1x200xi32, #tpu.memory_space<vmem>> -> memref<200xi32, #tpu.memory_space<vmem>>
      %dma_wait3A_328 = arith.constant 0 : i32
      %dma_wait3A_329 = arith.constant 0 : i32
      %dma_wait3A_330 = tpu.memref_slice %arg11[%dma_wait3A_328, %dma_wait3A_329] : memref<10112x64xf32, #tpu.memory_space<vmem_shared>> -> memref<10112x64xf32, #tpu.memory_space<vmem_shared>>
      tpu.wait_indirect_dma semaphore(%arg16 : memref<!tpu.dma_semaphore, #tpu.memory_space<semaphore_mem>>) src(%arg9 : memref<200x64xf32, #tpu.memory_space<vmem>>) dst(%dma_wait3A_330 : memref<10112x64xf32, #tpu.memory_space<vmem_shared>>)
      %mul3A_331 = arith.constant 2 : i32
      %mul3A_332 = arith.muli %mul3A_331, %scan3A_62 : i32
      %add3A_333 = arith.constant 1 : i32
      %add3A_334 = arith.addi %mul3A_332, %add3A_333 : i32
      %dma_wait3A_335 = arith.constant 0 : i32
      %dma_wait3A_336 = arith.constant 0 : i32
      %dma_wait3A_337 = arith.constant 0 : i32
      %dma_wait3A_338 = tpu.memref_slice %arg5[%add3A, %add3A_334, %dma_wait3A_335, %dma_wait3A_336, %dma_wait3A_337] : memref<32x10x2x5x200xi32, #tpu.memory_space<hbm>> -> memref<1x1x2x5x200xi32, #tpu.memory_space<hbm>>
      %dma_wait3A_339 = tpu.memref_squeeze %dma_wait3A_338 : memref<1x1x2x5x200xi32, #tpu.memory_space<hbm>> -> memref<2x5x200xi32, #tpu.memory_space<hbm>>
      %dma_wait3A_340 = arith.constant 0 : i32
      %dma_wait3A_341 = arith.constant 0 : i32
      %dma_wait3A_342 = arith.constant 0 : i32
      %dma_wait3A_343 = tpu.memref_slice %arg5[%add3A, %add3A_334, %dma_wait3A_340, %dma_wait3A_341, %dma_wait3A_342] : memref<32x10x2x5x200xi32, #tpu.memory_space<hbm>> -> memref<1x1x2x5x200xi32, #tpu.memory_space<hbm>>
      %dma_wait3A_344 = tpu.memref_squeeze %dma_wait3A_343 : memref<1x1x2x5x200xi32, #tpu.memory_space<hbm>> -> memref<2x5x200xi32, #tpu.memory_space<hbm>>
      tpu.wait_dma2 semaphore(%arg13 : memref<!tpu.dma_semaphore, #tpu.memory_space<semaphore_mem>>) src(%dma_wait3A_344 : memref<2x5x200xi32, #tpu.memory_space<hbm>>) dst(%arg8 : memref<2x5x200xi32, #tpu.memory_space<vmem>>)
      %add3A_345 = arith.constant 1 : i32
      %add3A_346 = arith.addi %add3A_334, %add3A_345 : i32
      %min3A_347 = arith.constant 9 : i32
      %min3A_348 = arith.minsi %add3A_346, %min3A_347 : i32
      %dma_start3A_349 = arith.constant 0 : i32
      %dma_start3A_350 = arith.constant 0 : i32
      %dma_start3A_351 = arith.constant 0 : i32
      %dma_start3A_352 = tpu.memref_slice %arg5[%add3A, %min3A_348, %dma_start3A_349, %dma_start3A_350, %dma_start3A_351] : memref<32x10x2x5x200xi32, #tpu.memory_space<hbm>> -> memref<1x1x2x5x200xi32, #tpu.memory_space<hbm>>
      %dma_start3A_353 = tpu.memref_squeeze %dma_start3A_352 : memref<1x1x2x5x200xi32, #tpu.memory_space<hbm>> -> memref<2x5x200xi32, #tpu.memory_space<hbm>>
      %dma_start3A_354 = arith.constant 0 : i32
      %dma_start3A_355 = arith.constant 0 : i32
      %dma_start3A_356 = arith.constant 0 : i32
      %dma_start3A_357 = tpu.memref_slice %arg5[%add3A, %min3A_348, %dma_start3A_354, %dma_start3A_355, %dma_start3A_356] : memref<32x10x2x5x200xi32, #tpu.memory_space<hbm>> -> memref<1x1x2x5x200xi32, #tpu.memory_space<hbm>>
      %dma_start3A_358 = tpu.memref_squeeze %dma_start3A_357 : memref<1x1x2x5x200xi32, #tpu.memory_space<hbm>> -> memref<2x5x200xi32, #tpu.memory_space<hbm>>
      tpu.enqueue_dma source(%dma_start3A_358 : memref<2x5x200xi32, #tpu.memory_space<hbm>>) target(%arg7 : memref<2x5x200xi32, #tpu.memory_space<vmem>>) target_semaphore(%arg12 : memref<!tpu.dma_semaphore, #tpu.memory_space<semaphore_mem>>)
      %dma_start3A_359 = arith.constant 0 : i32
      %dma_start3A_360 = arith.constant 0 : i32
      %dma_start3A_361 = arith.constant 0 : i32
      %dma_start3A_362 = arith.constant 0 : i32
      %dma_start3A_363 = tpu.memref_slice %arg8[%dma_start3A_359, %dma_start3A_361, %dma_start3A_362] : memref<2x5x200xi32, #tpu.memory_space<vmem>> -> memref<1x5x200xi32, #tpu.memory_space<vmem>>
      %dma_start3A_364 = tpu.memref_squeeze %dma_start3A_363 : memref<1x5x200xi32, #tpu.memory_space<vmem>> -> memref<5x200xi32, #tpu.memory_space<vmem>>
      %dma_start3A_365 = arith.constant 0 : i32
      %dma_start3A_366 = tpu.memref_slice %dma_start3A_364[%dma_start3A_360, %dma_start3A_365] : memref<5x200xi32, #tpu.memory_space<vmem>> -> memref<1x200xi32, #tpu.memory_space<vmem>>
      %dma_start3A_367 = tpu.memref_squeeze %dma_start3A_366 : memref<1x200xi32, #tpu.memory_space<vmem>> -> memref<200xi32, #tpu.memory_space<vmem>>
      %dma_start3A_368 = arith.constant 0 : i32
      %dma_start3A_369 = arith.constant 0 : i32
      %dma_start3A_370 = tpu.memref_slice %arg3[%dma_start3A_368, %dma_start3A_369] : memref<10000x64xf32, #tpu.memory_space<hbm>> -> memref<10000x64xf32, #tpu.memory_space<hbm>>
      tpu.enqueue_indirect_dma source(%dma_start3A_370 : memref<10000x64xf32, #tpu.memory_space<hbm>>) target(%arg9 : memref<200x64xf32, #tpu.memory_space<vmem>>) offsets(%dma_start3A_367 : memref<200xi32, #tpu.memory_space<vmem>>) semaphore(%arg14 : memref<!tpu.dma_semaphore, #tpu.memory_space<semaphore_mem>>)
      %dma_wait3A_371 = arith.constant 0 : i32
      %dma_wait3A_372 = arith.constant 0 : i32
      %dma_wait3A_373 = arith.constant 0 : i32
      %dma_wait3A_374 = arith.constant 0 : i32
      %dma_wait3A_375 = tpu.memref_slice %arg8[%dma_wait3A_371, %dma_wait3A_373, %dma_wait3A_374] : memref<2x5x200xi32, #tpu.memory_space<vmem>> -> memref<1x5x200xi32, #tpu.memory_space<vmem>>
      %dma_wait3A_376 = tpu.memref_squeeze %dma_wait3A_375 : memref<1x5x200xi32, #tpu.memory_space<vmem>> -> memref<5x200xi32, #tpu.memory_space<vmem>>
      %dma_wait3A_377 = arith.constant 0 : i32
      %dma_wait3A_378 = tpu.memref_slice %dma_wait3A_376[%dma_wait3A_372, %dma_wait3A_377] : memref<5x200xi32, #tpu.memory_space<vmem>> -> memref<1x200xi32, #tpu.memory_space<vmem>>
      %dma_wait3A_379 = tpu.memref_squeeze %dma_wait3A_378 : memref<1x200xi32, #tpu.memory_space<vmem>> -> memref<200xi32, #tpu.memory_space<vmem>>
      %dma_wait3A_380 = arith.constant 0 : i32
      %dma_wait3A_381 = arith.constant 0 : i32
      %dma_wait3A_382 = tpu.memref_slice %arg3[%dma_wait3A_380, %dma_wait3A_381] : memref<10000x64xf32, #tpu.memory_space<hbm>> -> memref<10000x64xf32, #tpu.memory_space<hbm>>
      tpu.wait_indirect_dma semaphore(%arg14 : memref<!tpu.dma_semaphore, #tpu.memory_space<semaphore_mem>>) src(%dma_wait3A_382 : memref<10000x64xf32, #tpu.memory_space<hbm>>) dst(%arg9 : memref<200x64xf32, #tpu.memory_space<vmem>>)
      %dma_start3A_383 = arith.constant 0 : i32
      %dma_start3A_384 = arith.constant 1 : i32
      %dma_start3A_385 = arith.constant 0 : i32
      %dma_start3A_386 = arith.constant 0 : i32
      %dma_start3A_387 = tpu.memref_slice %arg8[%dma_start3A_383, %dma_start3A_385, %dma_start3A_386] : memref<2x5x200xi32, #tpu.memory_space<vmem>> -> memref<1x5x200xi32, #tpu.memory_space<vmem>>
      %dma_start3A_388 = tpu.memref_squeeze %dma_start3A_387 : memref<1x5x200xi32, #tpu.memory_space<vmem>> -> memref<5x200xi32, #tpu.memory_space<vmem>>
      %dma_start3A_389 = arith.constant 0 : i32
      %dma_start3A_390 = tpu.memref_slice %dma_start3A_388[%dma_start3A_384, %dma_start3A_389] : memref<5x200xi32, #tpu.memory_space<vmem>> -> memref<1x200xi32, #tpu.memory_space<vmem>>
      %dma_start3A_391 = tpu.memref_squeeze %dma_start3A_390 : memref<1x200xi32, #tpu.memory_space<vmem>> -> memref<200xi32, #tpu.memory_space<vmem>>
      %dma_start3A_392 = arith.constant 0 : i32
      %dma_start3A_393 = arith.constant 0 : i32
      %dma_start3A_394 = tpu.memref_slice %arg3[%dma_start3A_392, %dma_start3A_393] : memref<10000x64xf32, #tpu.memory_space<hbm>> -> memref<10000x64xf32, #tpu.memory_space<hbm>>
      tpu.enqueue_indirect_dma source(%dma_start3A_394 : memref<10000x64xf32, #tpu.memory_space<hbm>>) target(%arg10 : memref<200x64xf32, #tpu.memory_space<vmem>>) offsets(%dma_start3A_391 : memref<200xi32, #tpu.memory_space<vmem>>) semaphore(%arg15 : memref<!tpu.dma_semaphore, #tpu.memory_space<semaphore_mem>>)
      %dma_start3A_395 = arith.constant 1 : i32
      %dma_start3A_396 = arith.constant 0 : i32
      %dma_start3A_397 = arith.constant 0 : i32
      %dma_start3A_398 = arith.constant 0 : i32
      %dma_start3A_399 = tpu.memref_slice %arg8[%dma_start3A_395, %dma_start3A_397, %dma_start3A_398] : memref<2x5x200xi32, #tpu.memory_space<vmem>> -> memref<1x5x200xi32, #tpu.memory_space<vmem>>
      %dma_start3A_400 = tpu.memref_squeeze %dma_start3A_399 : memref<1x5x200xi32, #tpu.memory_space<vmem>> -> memref<5x200xi32, #tpu.memory_space<vmem>>
      %dma_start3A_401 = arith.constant 0 : i32
      %dma_start3A_402 = tpu.memref_slice %dma_start3A_400[%dma_start3A_396, %dma_start3A_401] : memref<5x200xi32, #tpu.memory_space<vmem>> -> memref<1x200xi32, #tpu.memory_space<vmem>>
      %dma_start3A_403 = tpu.memref_squeeze %dma_start3A_402 : memref<1x200xi32, #tpu.memory_space<vmem>> -> memref<200xi32, #tpu.memory_space<vmem>>
      %dma_start3A_404 = arith.constant 0 : i32
      %dma_start3A_405 = arith.constant 0 : i32
      %dma_start3A_406 = tpu.memref_slice %arg11[%dma_start3A_404, %dma_start3A_405] : memref<10112x64xf32, #tpu.memory_space<vmem_shared>> -> memref<10112x64xf32, #tpu.memory_space<vmem_shared>>
      tpu.enqueue_indirect_dma source(%arg9 : memref<200x64xf32, #tpu.memory_space<vmem>>) target(%dma_start3A_406 : memref<10112x64xf32, #tpu.memory_space<vmem_shared>>) offsets(%dma_start3A_403 : memref<200xi32, #tpu.memory_space<vmem>>) semaphore(%arg16 : memref<!tpu.dma_semaphore, #tpu.memory_space<semaphore_mem>>) {add = true}
      %dma_wait3A_407 = arith.constant 0 : i32
      %dma_wait3A_408 = arith.constant 1 : i32
      %dma_wait3A_409 = arith.constant 0 : i32
      %dma_wait3A_410 = arith.constant 0 : i32
      %dma_wait3A_411 = tpu.memref_slice %arg8[%dma_wait3A_407, %dma_wait3A_409, %dma_wait3A_410] : memref<2x5x200xi32, #tpu.memory_space<vmem>> -> memref<1x5x200xi32, #tpu.memory_space<vmem>>
      %dma_wait3A_412 = tpu.memref_squeeze %dma_wait3A_411 : memref<1x5x200xi32, #tpu.memory_space<vmem>> -> memref<5x200xi32, #tpu.memory_space<vmem>>
      %dma_wait3A_413 = arith.constant 0 : i32
      %dma_wait3A_414 = tpu.memref_slice %dma_wait3A_412[%dma_wait3A_408, %dma_wait3A_413] : memref<5x200xi32, #tpu.memory_space<vmem>> -> memref<1x200xi32, #tpu.memory_space<vmem>>
      %dma_wait3A_415 = tpu.memref_squeeze %dma_wait3A_414 : memref<1x200xi32, #tpu.memory_space<vmem>> -> memref<200xi32, #tpu.memory_space<vmem>>
      %dma_wait3A_416 = arith.constant 0 : i32
      %dma_wait3A_417 = arith.constant 0 : i32
      %dma_wait3A_418 = tpu.memref_slice %arg3[%dma_wait3A_416, %dma_wait3A_417] : memref<10000x64xf32, #tpu.memory_space<hbm>> -> memref<10000x64xf32, #tpu.memory_space<hbm>>
      tpu.wait_indirect_dma semaphore(%arg15 : memref<!tpu.dma_semaphore, #tpu.memory_space<semaphore_mem>>) src(%dma_wait3A_418 : memref<10000x64xf32, #tpu.memory_space<hbm>>) dst(%arg10 : memref<200x64xf32, #tpu.memory_space<vmem>>)
      %dma_wait3A_419 = arith.constant 1 : i32
      %dma_wait3A_420 = arith.constant 0 : i32
      %dma_wait3A_421 = arith.constant 0 : i32
      %dma_wait3A_422 = arith.constant 0 : i32
      %dma_wait3A_423 = tpu.memref_slice %arg8[%dma_wait3A_419, %dma_wait3A_421, %dma_wait3A_422] : memref<2x5x200xi32, #tpu.memory_space<vmem>> -> memref<1x5x200xi32, #tpu.memory_space<vmem>>
      %dma_wait3A_424 = tpu.memref_squeeze %dma_wait3A_423 : memref<1x5x200xi32, #tpu.memory_space<vmem>> -> memref<5x200xi32, #tpu.memory_space<vmem>>
      %dma_wait3A_425 = arith.constant 0 : i32
      %dma_wait3A_426 = tpu.memref_slice %dma_wait3A_424[%dma_wait3A_420, %dma_wait3A_425] : memref<5x200xi32, #tpu.memory_space<vmem>> -> memref<1x200xi32, #tpu.memory_space<vmem>>
      %dma_wait3A_427 = tpu.memref_squeeze %dma_wait3A_426 : memref<1x200xi32, #tpu.memory_space<vmem>> -> memref<200xi32, #tpu.memory_space<vmem>>
      %dma_wait3A_428 = arith.constant 0 : i32
      %dma_wait3A_429 = arith.constant 0 : i32
      %dma_wait3A_430 = tpu.memref_slice %arg11[%dma_wait3A_428, %dma_wait3A_429] : memref<10112x64xf32, #tpu.memory_space<vmem_shared>> -> memref<10112x64xf32, #tpu.memory_space<vmem_shared>>
      tpu.wait_indirect_dma semaphore(%arg16 : memref<!tpu.dma_semaphore, #tpu.memory_space<semaphore_mem>>) src(%arg9 : memref<200x64xf32, #tpu.memory_space<vmem>>) dst(%dma_wait3A_430 : memref<10112x64xf32, #tpu.memory_space<vmem_shared>>)
      %dma_start3A_431 = arith.constant 0 : i32
      %dma_start3A_432 = arith.constant 2 : i32
      %dma_start3A_433 = arith.constant 0 : i32
      %dma_start3A_434 = arith.constant 0 : i32
      %dma_start3A_435 = tpu.memref_slice %arg8[%dma_start3A_431, %dma_start3A_433, %dma_start3A_434] : memref<2x5x200xi32, #tpu.memory_space<vmem>> -> memref<1x5x200xi32, #tpu.memory_space<vmem>>
      %dma_start3A_436 = tpu.memref_squeeze %dma_start3A_435 : memref<1x5x200xi32, #tpu.memory_space<vmem>> -> memref<5x200xi32, #tpu.memory_space<vmem>>
      %dma_start3A_437 = arith.constant 0 : i32
      %dma_start3A_438 = tpu.memref_slice %dma_start3A_436[%dma_start3A_432, %dma_start3A_437] : memref<5x200xi32, #tpu.memory_space<vmem>> -> memref<1x200xi32, #tpu.memory_space<vmem>>
      %dma_start3A_439 = tpu.memref_squeeze %dma_start3A_438 : memref<1x200xi32, #tpu.memory_space<vmem>> -> memref<200xi32, #tpu.memory_space<vmem>>
      %dma_start3A_440 = arith.constant 0 : i32
      %dma_start3A_441 = arith.constant 0 : i32
      %dma_start3A_442 = tpu.memref_slice %arg3[%dma_start3A_440, %dma_start3A_441] : memref<10000x64xf32, #tpu.memory_space<hbm>> -> memref<10000x64xf32, #tpu.memory_space<hbm>>
      tpu.enqueue_indirect_dma source(%dma_start3A_442 : memref<10000x64xf32, #tpu.memory_space<hbm>>) target(%arg9 : memref<200x64xf32, #tpu.memory_space<vmem>>) offsets(%dma_start3A_439 : memref<200xi32, #tpu.memory_space<vmem>>) semaphore(%arg14 : memref<!tpu.dma_semaphore, #tpu.memory_space<semaphore_mem>>)
      %dma_start3A_443 = arith.constant 1 : i32
      %dma_start3A_444 = arith.constant 1 : i32
      %dma_start3A_445 = arith.constant 0 : i32
      %dma_start3A_446 = arith.constant 0 : i32
      %dma_start3A_447 = tpu.memref_slice %arg8[%dma_start3A_443, %dma_start3A_445, %dma_start3A_446] : memref<2x5x200xi32, #tpu.memory_space<vmem>> -> memref<1x5x200xi32, #tpu.memory_space<vmem>>
      %dma_start3A_448 = tpu.memref_squeeze %dma_start3A_447 : memref<1x5x200xi32, #tpu.memory_space<vmem>> -> memref<5x200xi32, #tpu.memory_space<vmem>>
      %dma_start3A_449 = arith.constant 0 : i32
      %dma_start3A_450 = tpu.memref_slice %dma_start3A_448[%dma_start3A_444, %dma_start3A_449] : memref<5x200xi32, #tpu.memory_space<vmem>> -> memref<1x200xi32, #tpu.memory_space<vmem>>
      %dma_start3A_451 = tpu.memref_squeeze %dma_start3A_450 : memref<1x200xi32, #tpu.memory_space<vmem>> -> memref<200xi32, #tpu.memory_space<vmem>>
      %dma_start3A_452 = arith.constant 0 : i32
      %dma_start3A_453 = arith.constant 0 : i32
      %dma_start3A_454 = tpu.memref_slice %arg11[%dma_start3A_452, %dma_start3A_453] : memref<10112x64xf32, #tpu.memory_space<vmem_shared>> -> memref<10112x64xf32, #tpu.memory_space<vmem_shared>>
      tpu.enqueue_indirect_dma source(%arg10 : memref<200x64xf32, #tpu.memory_space<vmem>>) target(%dma_start3A_454 : memref<10112x64xf32, #tpu.memory_space<vmem_shared>>) offsets(%dma_start3A_451 : memref<200xi32, #tpu.memory_space<vmem>>) semaphore(%arg17 : memref<!tpu.dma_semaphore, #tpu.memory_space<semaphore_mem>>) {add = true}
      %dma_wait3A_455 = arith.constant 0 : i32
      %dma_wait3A_456 = arith.constant 2 : i32
      %dma_wait3A_457 = arith.constant 0 : i32
      %dma_wait3A_458 = arith.constant 0 : i32
      %dma_wait3A_459 = tpu.memref_slice %arg8[%dma_wait3A_455, %dma_wait3A_457, %dma_wait3A_458] : memref<2x5x200xi32, #tpu.memory_space<vmem>> -> memref<1x5x200xi32, #tpu.memory_space<vmem>>
      %dma_wait3A_460 = tpu.memref_squeeze %dma_wait3A_459 : memref<1x5x200xi32, #tpu.memory_space<vmem>> -> memref<5x200xi32, #tpu.memory_space<vmem>>
      %dma_wait3A_461 = arith.constant 0 : i32
      %dma_wait3A_462 = tpu.memref_slice %dma_wait3A_460[%dma_wait3A_456, %dma_wait3A_461] : memref<5x200xi32, #tpu.memory_space<vmem>> -> memref<1x200xi32, #tpu.memory_space<vmem>>
      %dma_wait3A_463 = tpu.memref_squeeze %dma_wait3A_462 : memref<1x200xi32, #tpu.memory_space<vmem>> -> memref<200xi32, #tpu.memory_space<vmem>>
      %dma_wait3A_464 = arith.constant 0 : i32
      %dma_wait3A_465 = arith.constant 0 : i32
      %dma_wait3A_466 = tpu.memref_slice %arg3[%dma_wait3A_464, %dma_wait3A_465] : memref<10000x64xf32, #tpu.memory_space<hbm>> -> memref<10000x64xf32, #tpu.memory_space<hbm>>
      tpu.wait_indirect_dma semaphore(%arg14 : memref<!tpu.dma_semaphore, #tpu.memory_space<semaphore_mem>>) src(%dma_wait3A_466 : memref<10000x64xf32, #tpu.memory_space<hbm>>) dst(%arg9 : memref<200x64xf32, #tpu.memory_space<vmem>>)
      %dma_wait3A_467 = arith.constant 1 : i32
      %dma_wait3A_468 = arith.constant 1 : i32
      %dma_wait3A_469 = arith.constant 0 : i32
      %dma_wait3A_470 = arith.constant 0 : i32
      %dma_wait3A_471 = tpu.memref_slice %arg8[%dma_wait3A_467, %dma_wait3A_469, %dma_wait3A_470] : memref<2x5x200xi32, #tpu.memory_space<vmem>> -> memref<1x5x200xi32, #tpu.memory_space<vmem>>
      %dma_wait3A_472 = tpu.memref_squeeze %dma_wait3A_471 : memref<1x5x200xi32, #tpu.memory_space<vmem>> -> memref<5x200xi32, #tpu.memory_space<vmem>>
      %dma_wait3A_473 = arith.constant 0 : i32
      %dma_wait3A_474 = tpu.memref_slice %dma_wait3A_472[%dma_wait3A_468, %dma_wait3A_473] : memref<5x200xi32, #tpu.memory_space<vmem>> -> memref<1x200xi32, #tpu.memory_space<vmem>>
      %dma_wait3A_475 = tpu.memref_squeeze %dma_wait3A_474 : memref<1x200xi32, #tpu.memory_space<vmem>> -> memref<200xi32, #tpu.memory_space<vmem>>
      %dma_wait3A_476 = arith.constant 0 : i32
      %dma_wait3A_477 = arith.constant 0 : i32
      %dma_wait3A_478 = tpu.memref_slice %arg11[%dma_wait3A_476, %dma_wait3A_477] : memref<10112x64xf32, #tpu.memory_space<vmem_shared>> -> memref<10112x64xf32, #tpu.memory_space<vmem_shared>>
      tpu.wait_indirect_dma semaphore(%arg17 : memref<!tpu.dma_semaphore, #tpu.memory_space<semaphore_mem>>) src(%arg10 : memref<200x64xf32, #tpu.memory_space<vmem>>) dst(%dma_wait3A_478 : memref<10112x64xf32, #tpu.memory_space<vmem_shared>>)
      %dma_start3A_479 = arith.constant 0 : i32
      %dma_start3A_480 = arith.constant 3 : i32
      %dma_start3A_481 = arith.constant 0 : i32
      %dma_start3A_482 = arith.constant 0 : i32
      %dma_start3A_483 = tpu.memref_slice %arg8[%dma_start3A_479, %dma_start3A_481, %dma_start3A_482] : memref<2x5x200xi32, #tpu.memory_space<vmem>> -> memref<1x5x200xi32, #tpu.memory_space<vmem>>
      %dma_start3A_484 = tpu.memref_squeeze %dma_start3A_483 : memref<1x5x200xi32, #tpu.memory_space<vmem>> -> memref<5x200xi32, #tpu.memory_space<vmem>>
      %dma_start3A_485 = arith.constant 0 : i32
      %dma_start3A_486 = tpu.memref_slice %dma_start3A_484[%dma_start3A_480, %dma_start3A_485] : memref<5x200xi32, #tpu.memory_space<vmem>> -> memref<1x200xi32, #tpu.memory_space<vmem>>
      %dma_start3A_487 = tpu.memref_squeeze %dma_start3A_486 : memref<1x200xi32, #tpu.memory_space<vmem>> -> memref<200xi32, #tpu.memory_space<vmem>>
      %dma_start3A_488 = arith.constant 0 : i32
      %dma_start3A_489 = arith.constant 0 : i32
      %dma_start3A_490 = tpu.memref_slice %arg3[%dma_start3A_488, %dma_start3A_489] : memref<10000x64xf32, #tpu.memory_space<hbm>> -> memref<10000x64xf32, #tpu.memory_space<hbm>>
      tpu.enqueue_indirect_dma source(%dma_start3A_490 : memref<10000x64xf32, #tpu.memory_space<hbm>>) target(%arg10 : memref<200x64xf32, #tpu.memory_space<vmem>>) offsets(%dma_start3A_487 : memref<200xi32, #tpu.memory_space<vmem>>) semaphore(%arg15 : memref<!tpu.dma_semaphore, #tpu.memory_space<semaphore_mem>>)
      %dma_start3A_491 = arith.constant 1 : i32
      %dma_start3A_492 = arith.constant 2 : i32
      %dma_start3A_493 = arith.constant 0 : i32
      %dma_start3A_494 = arith.constant 0 : i32
      %dma_start3A_495 = tpu.memref_slice %arg8[%dma_start3A_491, %dma_start3A_493, %dma_start3A_494] : memref<2x5x200xi32, #tpu.memory_space<vmem>> -> memref<1x5x200xi32, #tpu.memory_space<vmem>>
      %dma_start3A_496 = tpu.memref_squeeze %dma_start3A_495 : memref<1x5x200xi32, #tpu.memory_space<vmem>> -> memref<5x200xi32, #tpu.memory_space<vmem>>
      %dma_start3A_497 = arith.constant 0 : i32
      %dma_start3A_498 = tpu.memref_slice %dma_start3A_496[%dma_start3A_492, %dma_start3A_497] : memref<5x200xi32, #tpu.memory_space<vmem>> -> memref<1x200xi32, #tpu.memory_space<vmem>>
      %dma_start3A_499 = tpu.memref_squeeze %dma_start3A_498 : memref<1x200xi32, #tpu.memory_space<vmem>> -> memref<200xi32, #tpu.memory_space<vmem>>
      %dma_start3A_500 = arith.constant 0 : i32
      %dma_start3A_501 = arith.constant 0 : i32
      %dma_start3A_502 = tpu.memref_slice %arg11[%dma_start3A_500, %dma_start3A_501] : memref<10112x64xf32, #tpu.memory_space<vmem_shared>> -> memref<10112x64xf32, #tpu.memory_space<vmem_shared>>
      tpu.enqueue_indirect_dma source(%arg9 : memref<200x64xf32, #tpu.memory_space<vmem>>) target(%dma_start3A_502 : memref<10112x64xf32, #tpu.memory_space<vmem_shared>>) offsets(%dma_start3A_499 : memref<200xi32, #tpu.memory_space<vmem>>) semaphore(%arg16 : memref<!tpu.dma_semaphore, #tpu.memory_space<semaphore_mem>>) {add = true}
      %dma_wait3A_503 = arith.constant 0 : i32
      %dma_wait3A_504 = arith.constant 3 : i32
      %dma_wait3A_505 = arith.constant 0 : i32
      %dma_wait3A_506 = arith.constant 0 : i32
      %dma_wait3A_507 = tpu.memref_slice %arg8[%dma_wait3A_503, %dma_wait3A_505, %dma_wait3A_506] : memref<2x5x200xi32, #tpu.memory_space<vmem>> -> memref<1x5x200xi32, #tpu.memory_space<vmem>>
      %dma_wait3A_508 = tpu.memref_squeeze %dma_wait3A_507 : memref<1x5x200xi32, #tpu.memory_space<vmem>> -> memref<5x200xi32, #tpu.memory_space<vmem>>
      %dma_wait3A_509 = arith.constant 0 : i32
      %dma_wait3A_510 = tpu.memref_slice %dma_wait3A_508[%dma_wait3A_504, %dma_wait3A_509] : memref<5x200xi32, #tpu.memory_space<vmem>> -> memref<1x200xi32, #tpu.memory_space<vmem>>
      %dma_wait3A_511 = tpu.memref_squeeze %dma_wait3A_510 : memref<1x200xi32, #tpu.memory_space<vmem>> -> memref<200xi32, #tpu.memory_space<vmem>>
      %dma_wait3A_512 = arith.constant 0 : i32
      %dma_wait3A_513 = arith.constant 0 : i32
      %dma_wait3A_514 = tpu.memref_slice %arg3[%dma_wait3A_512, %dma_wait3A_513] : memref<10000x64xf32, #tpu.memory_space<hbm>> -> memref<10000x64xf32, #tpu.memory_space<hbm>>
      tpu.wait_indirect_dma semaphore(%arg15 : memref<!tpu.dma_semaphore, #tpu.memory_space<semaphore_mem>>) src(%dma_wait3A_514 : memref<10000x64xf32, #tpu.memory_space<hbm>>) dst(%arg10 : memref<200x64xf32, #tpu.memory_space<vmem>>)
      %dma_wait3A_515 = arith.constant 1 : i32
      %dma_wait3A_516 = arith.constant 2 : i32
      %dma_wait3A_517 = arith.constant 0 : i32
      %dma_wait3A_518 = arith.constant 0 : i32
      %dma_wait3A_519 = tpu.memref_slice %arg8[%dma_wait3A_515, %dma_wait3A_517, %dma_wait3A_518] : memref<2x5x200xi32, #tpu.memory_space<vmem>> -> memref<1x5x200xi32, #tpu.memory_space<vmem>>
      %dma_wait3A_520 = tpu.memref_squeeze %dma_wait3A_519 : memref<1x5x200xi32, #tpu.memory_space<vmem>> -> memref<5x200xi32, #tpu.memory_space<vmem>>
      %dma_wait3A_521 = arith.constant 0 : i32
      %dma_wait3A_522 = tpu.memref_slice %dma_wait3A_520[%dma_wait3A_516, %dma_wait3A_521] : memref<5x200xi32, #tpu.memory_space<vmem>> -> memref<1x200xi32, #tpu.memory_space<vmem>>
      %dma_wait3A_523 = tpu.memref_squeeze %dma_wait3A_522 : memref<1x200xi32, #tpu.memory_space<vmem>> -> memref<200xi32, #tpu.memory_space<vmem>>
      %dma_wait3A_524 = arith.constant 0 : i32
      %dma_wait3A_525 = arith.constant 0 : i32
      %dma_wait3A_526 = tpu.memref_slice %arg11[%dma_wait3A_524, %dma_wait3A_525] : memref<10112x64xf32, #tpu.memory_space<vmem_shared>> -> memref<10112x64xf32, #tpu.memory_space<vmem_shared>>
      tpu.wait_indirect_dma semaphore(%arg16 : memref<!tpu.dma_semaphore, #tpu.memory_space<semaphore_mem>>) src(%arg9 : memref<200x64xf32, #tpu.memory_space<vmem>>) dst(%dma_wait3A_526 : memref<10112x64xf32, #tpu.memory_space<vmem_shared>>)
      %dma_start3A_527 = arith.constant 0 : i32
      %dma_start3A_528 = arith.constant 4 : i32
      %dma_start3A_529 = arith.constant 0 : i32
      %dma_start3A_530 = arith.constant 0 : i32
      %dma_start3A_531 = tpu.memref_slice %arg8[%dma_start3A_527, %dma_start3A_529, %dma_start3A_530] : memref<2x5x200xi32, #tpu.memory_space<vmem>> -> memref<1x5x200xi32, #tpu.memory_space<vmem>>
      %dma_start3A_532 = tpu.memref_squeeze %dma_start3A_531 : memref<1x5x200xi32, #tpu.memory_space<vmem>> -> memref<5x200xi32, #tpu.memory_space<vmem>>
      %dma_start3A_533 = arith.constant 0 : i32
      %dma_start3A_534 = tpu.memref_slice %dma_start3A_532[%dma_start3A_528, %dma_start3A_533] : memref<5x200xi32, #tpu.memory_space<vmem>> -> memref<1x200xi32, #tpu.memory_space<vmem>>
      %dma_start3A_535 = tpu.memref_squeeze %dma_start3A_534 : memref<1x200xi32, #tpu.memory_space<vmem>> -> memref<200xi32, #tpu.memory_space<vmem>>
      %dma_start3A_536 = arith.constant 0 : i32
      %dma_start3A_537 = arith.constant 0 : i32
      %dma_start3A_538 = tpu.memref_slice %arg3[%dma_start3A_536, %dma_start3A_537] : memref<10000x64xf32, #tpu.memory_space<hbm>> -> memref<10000x64xf32, #tpu.memory_space<hbm>>
      tpu.enqueue_indirect_dma source(%dma_start3A_538 : memref<10000x64xf32, #tpu.memory_space<hbm>>) target(%arg9 : memref<200x64xf32, #tpu.memory_space<vmem>>) offsets(%dma_start3A_535 : memref<200xi32, #tpu.memory_space<vmem>>) semaphore(%arg14 : memref<!tpu.dma_semaphore, #tpu.memory_space<semaphore_mem>>)
      %dma_start3A_539 = arith.constant 1 : i32
      %dma_start3A_540 = arith.constant 3 : i32
      %dma_start3A_541 = arith.constant 0 : i32
      %dma_start3A_542 = arith.constant 0 : i32
      %dma_start3A_543 = tpu.memref_slice %arg8[%dma_start3A_539, %dma_start3A_541, %dma_start3A_542] : memref<2x5x200xi32, #tpu.memory_space<vmem>> -> memref<1x5x200xi32, #tpu.memory_space<vmem>>
      %dma_start3A_544 = tpu.memref_squeeze %dma_start3A_543 : memref<1x5x200xi32, #tpu.memory_space<vmem>> -> memref<5x200xi32, #tpu.memory_space<vmem>>
      %dma_start3A_545 = arith.constant 0 : i32
      %dma_start3A_546 = tpu.memref_slice %dma_start3A_544[%dma_start3A_540, %dma_start3A_545] : memref<5x200xi32, #tpu.memory_space<vmem>> -> memref<1x200xi32, #tpu.memory_space<vmem>>
      %dma_start3A_547 = tpu.memref_squeeze %dma_start3A_546 : memref<1x200xi32, #tpu.memory_space<vmem>> -> memref<200xi32, #tpu.memory_space<vmem>>
      %dma_start3A_548 = arith.constant 0 : i32
      %dma_start3A_549 = arith.constant 0 : i32
      %dma_start3A_550 = tpu.memref_slice %arg11[%dma_start3A_548, %dma_start3A_549] : memref<10112x64xf32, #tpu.memory_space<vmem_shared>> -> memref<10112x64xf32, #tpu.memory_space<vmem_shared>>
      tpu.enqueue_indirect_dma source(%arg10 : memref<200x64xf32, #tpu.memory_space<vmem>>) target(%dma_start3A_550 : memref<10112x64xf32, #tpu.memory_space<vmem_shared>>) offsets(%dma_start3A_547 : memref<200xi32, #tpu.memory_space<vmem>>) semaphore(%arg17 : memref<!tpu.dma_semaphore, #tpu.memory_space<semaphore_mem>>) {add = true}
      %dma_wait3A_551 = arith.constant 0 : i32
      %dma_wait3A_552 = arith.constant 4 : i32
      %dma_wait3A_553 = arith.constant 0 : i32
      %dma_wait3A_554 = arith.constant 0 : i32
      %dma_wait3A_555 = tpu.memref_slice %arg8[%dma_wait3A_551, %dma_wait3A_553, %dma_wait3A_554] : memref<2x5x200xi32, #tpu.memory_space<vmem>> -> memref<1x5x200xi32, #tpu.memory_space<vmem>>
      %dma_wait3A_556 = tpu.memref_squeeze %dma_wait3A_555 : memref<1x5x200xi32, #tpu.memory_space<vmem>> -> memref<5x200xi32, #tpu.memory_space<vmem>>
      %dma_wait3A_557 = arith.constant 0 : i32
      %dma_wait3A_558 = tpu.memref_slice %dma_wait3A_556[%dma_wait3A_552, %dma_wait3A_557] : memref<5x200xi32, #tpu.memory_space<vmem>> -> memref<1x200xi32, #tpu.memory_space<vmem>>
      %dma_wait3A_559 = tpu.memref_squeeze %dma_wait3A_558 : memref<1x200xi32, #tpu.memory_space<vmem>> -> memref<200xi32, #tpu.memory_space<vmem>>
      %dma_wait3A_560 = arith.constant 0 : i32
      %dma_wait3A_561 = arith.constant 0 : i32
      %dma_wait3A_562 = tpu.memref_slice %arg3[%dma_wait3A_560, %dma_wait3A_561] : memref<10000x64xf32, #tpu.memory_space<hbm>> -> memref<10000x64xf32, #tpu.memory_space<hbm>>
      tpu.wait_indirect_dma semaphore(%arg14 : memref<!tpu.dma_semaphore, #tpu.memory_space<semaphore_mem>>) src(%dma_wait3A_562 : memref<10000x64xf32, #tpu.memory_space<hbm>>) dst(%arg9 : memref<200x64xf32, #tpu.memory_space<vmem>>)
      %dma_start3A_563 = arith.constant 1 : i32
      %dma_start3A_564 = arith.constant 4 : i32
      %dma_start3A_565 = arith.constant 0 : i32
      %dma_start3A_566 = arith.constant 0 : i32
      %dma_start3A_567 = tpu.memref_slice %arg8[%dma_start3A_563, %dma_start3A_565, %dma_start3A_566] : memref<2x5x200xi32, #tpu.memory_space<vmem>> -> memref<1x5x200xi32, #tpu.memory_space<vmem>>
      %dma_start3A_568 = tpu.memref_squeeze %dma_start3A_567 : memref<1x5x200xi32, #tpu.memory_space<vmem>> -> memref<5x200xi32, #tpu.memory_space<vmem>>
      %dma_start3A_569 = arith.constant 0 : i32
      %dma_start3A_570 = tpu.memref_slice %dma_start3A_568[%dma_start3A_564, %dma_start3A_569] : memref<5x200xi32, #tpu.memory_space<vmem>> -> memref<1x200xi32, #tpu.memory_space<vmem>>
      %dma_start3A_571 = tpu.memref_squeeze %dma_start3A_570 : memref<1x200xi32, #tpu.memory_space<vmem>> -> memref<200xi32, #tpu.memory_space<vmem>>
      %dma_start3A_572 = arith.constant 0 : i32
      %dma_start3A_573 = arith.constant 0 : i32
      %dma_start3A_574 = tpu.memref_slice %arg11[%dma_start3A_572, %dma_start3A_573] : memref<10112x64xf32, #tpu.memory_space<vmem_shared>> -> memref<10112x64xf32, #tpu.memory_space<vmem_shared>>
      tpu.enqueue_indirect_dma source(%arg9 : memref<200x64xf32, #tpu.memory_space<vmem>>) target(%dma_start3A_574 : memref<10112x64xf32, #tpu.memory_space<vmem_shared>>) offsets(%dma_start3A_571 : memref<200xi32, #tpu.memory_space<vmem>>) semaphore(%arg16 : memref<!tpu.dma_semaphore, #tpu.memory_space<semaphore_mem>>) {add = true}
      %dma_wait3A_575 = arith.constant 1 : i32
      %dma_wait3A_576 = arith.constant 3 : i32
      %dma_wait3A_577 = arith.constant 0 : i32
      %dma_wait3A_578 = arith.constant 0 : i32
      %dma_wait3A_579 = tpu.memref_slice %arg8[%dma_wait3A_575, %dma_wait3A_577, %dma_wait3A_578] : memref<2x5x200xi32, #tpu.memory_space<vmem>> -> memref<1x5x200xi32, #tpu.memory_space<vmem>>
      %dma_wait3A_580 = tpu.memref_squeeze %dma_wait3A_579 : memref<1x5x200xi32, #tpu.memory_space<vmem>> -> memref<5x200xi32, #tpu.memory_space<vmem>>
      %dma_wait3A_581 = arith.constant 0 : i32
      %dma_wait3A_582 = tpu.memref_slice %dma_wait3A_580[%dma_wait3A_576, %dma_wait3A_581] : memref<5x200xi32, #tpu.memory_space<vmem>> -> memref<1x200xi32, #tpu.memory_space<vmem>>
      %dma_wait3A_583 = tpu.memref_squeeze %dma_wait3A_582 : memref<1x200xi32, #tpu.memory_space<vmem>> -> memref<200xi32, #tpu.memory_space<vmem>>
      %dma_wait3A_584 = arith.constant 0 : i32
      %dma_wait3A_585 = arith.constant 0 : i32
      %dma_wait3A_586 = tpu.memref_slice %arg11[%dma_wait3A_584, %dma_wait3A_585] : memref<10112x64xf32, #tpu.memory_space<vmem_shared>> -> memref<10112x64xf32, #tpu.memory_space<vmem_shared>>
      tpu.wait_indirect_dma semaphore(%arg17 : memref<!tpu.dma_semaphore, #tpu.memory_space<semaphore_mem>>) src(%arg10 : memref<200x64xf32, #tpu.memory_space<vmem>>) dst(%dma_wait3A_586 : memref<10112x64xf32, #tpu.memory_space<vmem_shared>>)
      %dma_wait3A_587 = arith.constant 1 : i32
      %dma_wait3A_588 = arith.constant 4 : i32
      %dma_wait3A_589 = arith.constant 0 : i32
      %dma_wait3A_590 = arith.constant 0 : i32
      %dma_wait3A_591 = tpu.memref_slice %arg8[%dma_wait3A_587, %dma_wait3A_589, %dma_wait3A_590] : memref<2x5x200xi32, #tpu.memory_space<vmem>> -> memref<1x5x200xi32, #tpu.memory_space<vmem>>
      %dma_wait3A_592 = tpu.memref_squeeze %dma_wait3A_591 : memref<1x5x200xi32, #tpu.memory_space<vmem>> -> memref<5x200xi32, #tpu.memory_space<vmem>>
      %dma_wait3A_593 = arith.constant 0 : i32
      %dma_wait3A_594 = tpu.memref_slice %dma_wait3A_592[%dma_wait3A_588, %dma_wait3A_593] : memref<5x200xi32, #tpu.memory_space<vmem>> -> memref<1x200xi32, #tpu.memory_space<vmem>>
      %dma_wait3A_595 = tpu.memref_squeeze %dma_wait3A_594 : memref<1x200xi32, #tpu.memory_space<vmem>> -> memref<200xi32, #tpu.memory_space<vmem>>
      %dma_wait3A_596 = arith.constant 0 : i32
      %dma_wait3A_597 = arith.constant 0 : i32
      %dma_wait3A_598 = tpu.memref_slice %arg11[%dma_wait3A_596, %dma_wait3A_597] : memref<10112x64xf32, #tpu.memory_space<vmem_shared>> -> memref<10112x64xf32, #tpu.memory_space<vmem_shared>>
      tpu.wait_indirect_dma semaphore(%arg16 : memref<!tpu.dma_semaphore, #tpu.memory_space<semaphore_mem>>) src(%arg9 : memref<200x64xf32, #tpu.memory_space<vmem>>) dst(%dma_wait3A_598 : memref<10112x64xf32, #tpu.memory_space<vmem_shared>>)
      %scan3A_599 = arith.constant 0 : i32
      scf.yield %scan3A_599 : i32
    }
    %scan3A_18 = arith.constant 5 : i32
    %dma_wait3A = arith.constant 9 : i32
    %dma_wait3A_19 = arith.constant 0 : i32
    %dma_wait3A_20 = arith.constant 0 : i32
    %dma_wait3A_21 = arith.constant 0 : i32
    %dma_wait3A_22 = tpu.memref_slice %arg5[%add3A, %dma_wait3A, %dma_wait3A_19, %dma_wait3A_20, %dma_wait3A_21] : memref<32x10x2x5x200xi32, #tpu.memory_space<hbm>> -> memref<1x1x2x5x200xi32, #tpu.memory_space<hbm>>
    %dma_wait3A_23 = tpu.memref_squeeze %dma_wait3A_22 : memref<1x1x2x5x200xi32, #tpu.memory_space<hbm>> -> memref<2x5x200xi32, #tpu.memory_space<hbm>>
    %dma_wait3A_24 = arith.constant 0 : i32
    %dma_wait3A_25 = arith.constant 0 : i32
    %dma_wait3A_26 = arith.constant 0 : i32
    %dma_wait3A_27 = tpu.memref_slice %arg5[%add3A, %dma_wait3A, %dma_wait3A_24, %dma_wait3A_25, %dma_wait3A_26] : memref<32x10x2x5x200xi32, #tpu.memory_space<hbm>> -> memref<1x1x2x5x200xi32, #tpu.memory_space<hbm>>
    %dma_wait3A_28 = tpu.memref_squeeze %dma_wait3A_27 : memref<1x1x2x5x200xi32, #tpu.memory_space<hbm>> -> memref<2x5x200xi32, #tpu.memory_space<hbm>>
    tpu.wait_dma2 semaphore(%arg12 : memref<!tpu.dma_semaphore, #tpu.memory_space<semaphore_mem>>) src(%dma_wait3A_28 : memref<2x5x200xi32, #tpu.memory_space<hbm>>) dst(%arg7 : memref<2x5x200xi32, #tpu.memory_space<vmem>>)
    %barrier3A_29 = arith.constant 0 : index
    tpu.barrier barrier_id(%barrier3A_29)
    %run_scoped3A = arith.constant 0 : i32
    "tpu.region"() ({
      %run_scoped3A_62 = tpu.sem_alloc : memref<!tpu.dma_semaphore, #tpu.memory_space<semaphore_mem>>
      %dma_start3A_63 = arith.constant 0 : i32
      %dma_start3A_64 = tpu.memref_slice %arg6[%arg0, %run_scoped3A, %mul3A_2, %dma_start3A_63] : memref<2x2x10112x64xf32, #tpu.memory_space<hbm>> -> memref<1x1x632x64xf32, #tpu.memory_space<hbm>>
      %dma_start3A_65 = tpu.memref_squeeze %dma_start3A_64 : memref<1x1x632x64xf32, #tpu.memory_space<hbm>> -> memref<632x64xf32, #tpu.memory_space<hbm>>
      %dma_start3A_66 = arith.constant 0 : i32
      %dma_start3A_67 = tpu.memref_slice %arg11[%mul3A_2, %dma_start3A_66] : memref<10112x64xf32, #tpu.memory_space<vmem_shared>> -> memref<632x64xf32, #tpu.memory_space<vmem_shared>>
      tpu.enqueue_dma source(%dma_start3A_67 : memref<632x64xf32, #tpu.memory_space<vmem_shared>>) target(%dma_start3A_65 : memref<632x64xf32, #tpu.memory_space<hbm>>) target_semaphore(%run_scoped3A_62 : memref<!tpu.dma_semaphore, #tpu.memory_space<semaphore_mem>>)
      %dma_wait3A_68 = arith.constant 0 : i32
      %dma_wait3A_69 = tpu.memref_slice %arg6[%arg0, %run_scoped3A, %mul3A_2, %dma_wait3A_68] : memref<2x2x10112x64xf32, #tpu.memory_space<hbm>> -> memref<1x1x632x64xf32, #tpu.memory_space<hbm>>
      %dma_wait3A_70 = tpu.memref_squeeze %dma_wait3A_69 : memref<1x1x632x64xf32, #tpu.memory_space<hbm>> -> memref<632x64xf32, #tpu.memory_space<hbm>>
      %dma_wait3A_71 = arith.constant 0 : i32
      %dma_wait3A_72 = tpu.memref_slice %arg11[%mul3A_2, %dma_wait3A_71] : memref<10112x64xf32, #tpu.memory_space<vmem_shared>> -> memref<632x64xf32, #tpu.memory_space<vmem_shared>>
      tpu.wait_dma2 semaphore(%run_scoped3A_62 : memref<!tpu.dma_semaphore, #tpu.memory_space<semaphore_mem>>) src(%dma_wait3A_72 : memref<632x64xf32, #tpu.memory_space<vmem_shared>>) dst(%dma_wait3A_70 : memref<632x64xf32, #tpu.memory_space<hbm>>)
      tpu.yield
    }) : () -> ()
    "tpu.region"() ({
      %run_scoped3A_62 = tpu.sem_alloc : memref<!tpu.dma_semaphore, #tpu.memory_space<semaphore_mem>>
      %dma_start3A_63 = arith.constant 0 : i32
      %dma_start3A_64 = tpu.memref_slice %arg11[%mul3A_2, %dma_start3A_63] : memref<10112x64xf32, #tpu.memory_space<vmem_shared>> -> memref<632x64xf32, #tpu.memory_space<vmem_shared>>
      %dma_start3A_65 = arith.constant 0 : i32
      %dma_start3A_66 = tpu.memref_slice %arg2[%mul3A_2, %dma_start3A_65] : memref<10112x64xf32, #tpu.memory_space<hbm>> -> memref<632x64xf32, #tpu.memory_space<hbm>>
      tpu.enqueue_dma source(%dma_start3A_66 : memref<632x64xf32, #tpu.memory_space<hbm>>) target(%dma_start3A_64 : memref<632x64xf32, #tpu.memory_space<vmem_shared>>) target_semaphore(%run_scoped3A_62 : memref<!tpu.dma_semaphore, #tpu.memory_space<semaphore_mem>>)
      %dma_wait3A_67 = arith.constant 0 : i32
      %dma_wait3A_68 = tpu.memref_slice %arg11[%mul3A_2, %dma_wait3A_67] : memref<10112x64xf32, #tpu.memory_space<vmem_shared>> -> memref<632x64xf32, #tpu.memory_space<vmem_shared>>
      %dma_wait3A_69 = arith.constant 0 : i32
      %dma_wait3A_70 = tpu.memref_slice %arg2[%mul3A_2, %dma_wait3A_69] : memref<10112x64xf32, #tpu.memory_space<hbm>> -> memref<632x64xf32, #tpu.memory_space<hbm>>
      tpu.wait_dma2 semaphore(%run_scoped3A_62 : memref<!tpu.dma_semaphore, #tpu.memory_space<semaphore_mem>>) src(%dma_wait3A_70 : memref<632x64xf32, #tpu.memory_space<hbm>>) dst(%dma_wait3A_68 : memref<632x64xf32, #tpu.memory_space<vmem_shared>>)
      tpu.yield
    }) : () -> ()
    %barrier3A_30 = arith.constant 0 : index
    tpu.barrier barrier_id(%barrier3A_30)
    %dma_start3A_31 = arith.constant 0 : i32
    %dma_start3A_32 = arith.constant 0 : i32
    %dma_start3A_33 = arith.constant 0 : i32
    %dma_start3A_34 = arith.constant 0 : i32
    %dma_start3A_35 = tpu.memref_slice %arg5[%add3A, %dma_start3A_31, %dma_start3A_32, %dma_start3A_33, %dma_start3A_34] : memref<32x10x2x5x200xi32, #tpu.memory_space<hbm>> -> memref<1x1x2x5x200xi32, #tpu.memory_space<hbm>>
    %dma_start3A_36 = tpu.memref_squeeze %dma_start3A_35 : memref<1x1x2x5x200xi32, #tpu.memory_space<hbm>> -> memref<2x5x200xi32, #tpu.memory_space<hbm>>
    %dma_start3A_37 = arith.constant 0 : i32
    %dma_start3A_38 = arith.constant 0 : i32
    %dma_start3A_39 = arith.constant 0 : i32
    %dma_start3A_40 = tpu.memref_slice %arg5[%add3A, %dma_start3A_31, %dma_start3A_37, %dma_start3A_38, %dma_start3A_39] : memref<32x10x2x5x200xi32, #tpu.memory_space<hbm>> -> memref<1x1x2x5x200xi32, #tpu.memory_space<hbm>>
    %dma_start3A_41 = tpu.memref_squeeze %dma_start3A_40 : memref<1x1x2x5x200xi32, #tpu.memory_space<hbm>> -> memref<2x5x200xi32, #tpu.memory_space<hbm>>
    tpu.enqueue_dma source(%dma_start3A_41 : memref<2x5x200xi32, #tpu.memory_space<hbm>>) target(%arg7 : memref<2x5x200xi32, #tpu.memory_space<vmem>>) target_semaphore(%arg12 : memref<!tpu.dma_semaphore, #tpu.memory_space<semaphore_mem>>)
    %scan3A_42 = arith.constant 0 : i32
    %scan3A_43 = arith.constant 0 : i32
    %scan3A_44 = arith.constant 5 : i32
    %scan3A_45 = arith.addi %scan3A_43, %scan3A_44 : i32
    %scan3A_46 = arith.constant 1 : i32
    %scan3A_47 = scf.for %scan3A_62 = %scan3A_43 to %scan3A_45 step %scan3A_46 iter_args(%scan3A_63 = %scan3A_42) -> (i32)  : i32 {
      %mul3A_64 = arith.constant 2 : i32
      %mul3A_65 = arith.muli %mul3A_64, %scan3A_62 : i32
      %add3A_66 = arith.constant 0 : i32
      %add3A_67 = arith.addi %mul3A_65, %add3A_66 : i32
      %dma_wait3A_68 = arith.constant 0 : i32
      %dma_wait3A_69 = arith.constant 0 : i32
      %dma_wait3A_70 = arith.constant 0 : i32
      %dma_wait3A_71 = tpu.memref_slice %arg5[%add3A, %add3A_67, %dma_wait3A_68, %dma_wait3A_69, %dma_wait3A_70] : memref<32x10x2x5x200xi32, #tpu.memory_space<hbm>> -> memref<1x1x2x5x200xi32, #tpu.memory_space<hbm>>
      %dma_wait3A_72 = tpu.memref_squeeze %dma_wait3A_71 : memref<1x1x2x5x200xi32, #tpu.memory_space<hbm>> -> memref<2x5x200xi32, #tpu.memory_space<hbm>>
      %dma_wait3A_73 = arith.constant 0 : i32
      %dma_wait3A_74 = arith.constant 0 : i32
      %dma_wait3A_75 = arith.constant 0 : i32
      %dma_wait3A_76 = tpu.memref_slice %arg5[%add3A, %add3A_67, %dma_wait3A_73, %dma_wait3A_74, %dma_wait3A_75] : memref<32x10x2x5x200xi32, #tpu.memory_space<hbm>> -> memref<1x1x2x5x200xi32, #tpu.memory_space<hbm>>
      %dma_wait3A_77 = tpu.memref_squeeze %dma_wait3A_76 : memref<1x1x2x5x200xi32, #tpu.memory_space<hbm>> -> memref<2x5x200xi32, #tpu.memory_space<hbm>>
      tpu.wait_dma2 semaphore(%arg12 : memref<!tpu.dma_semaphore, #tpu.memory_space<semaphore_mem>>) src(%dma_wait3A_77 : memref<2x5x200xi32, #tpu.memory_space<hbm>>) dst(%arg7 : memref<2x5x200xi32, #tpu.memory_space<vmem>>)
      %add3A_78 = arith.constant 1 : i32
      %add3A_79 = arith.addi %add3A_67, %add3A_78 : i32
      %min3A = arith.constant 9 : i32
      %min3A_80 = arith.minsi %add3A_79, %min3A : i32
      %dma_start3A_81 = arith.constant 0 : i32
      %dma_start3A_82 = arith.constant 0 : i32
      %dma_start3A_83 = arith.constant 0 : i32
      %dma_start3A_84 = tpu.memref_slice %arg5[%add3A, %min3A_80, %dma_start3A_81, %dma_start3A_82, %dma_start3A_83] : memref<32x10x2x5x200xi32, #tpu.memory_space<hbm>> -> memref<1x1x2x5x200xi32, #tpu.memory_space<hbm>>
      %dma_start3A_85 = tpu.memref_squeeze %dma_start3A_84 : memref<1x1x2x5x200xi32, #tpu.memory_space<hbm>> -> memref<2x5x200xi32, #tpu.memory_space<hbm>>
      %dma_start3A_86 = arith.constant 0 : i32
      %dma_start3A_87 = arith.constant 0 : i32
      %dma_start3A_88 = arith.constant 0 : i32
      %dma_start3A_89 = tpu.memref_slice %arg5[%add3A, %min3A_80, %dma_start3A_86, %dma_start3A_87, %dma_start3A_88] : memref<32x10x2x5x200xi32, #tpu.memory_space<hbm>> -> memref<1x1x2x5x200xi32, #tpu.memory_space<hbm>>
      %dma_start3A_90 = tpu.memref_squeeze %dma_start3A_89 : memref<1x1x2x5x200xi32, #tpu.memory_space<hbm>> -> memref<2x5x200xi32, #tpu.memory_space<hbm>>
      tpu.enqueue_dma source(%dma_start3A_90 : memref<2x5x200xi32, #tpu.memory_space<hbm>>) target(%arg8 : memref<2x5x200xi32, #tpu.memory_space<vmem>>) target_semaphore(%arg13 : memref<!tpu.dma_semaphore, #tpu.memory_space<semaphore_mem>>)
      %dma_start3A_91 = arith.constant 0 : i32
      %dma_start3A_92 = arith.constant 0 : i32
      %dma_start3A_93 = arith.constant 0 : i32
      %dma_start3A_94 = arith.constant 0 : i32
      %dma_start3A_95 = tpu.memref_slice %arg7[%dma_start3A_91, %dma_start3A_93, %dma_start3A_94] : memref<2x5x200xi32, #tpu.memory_space<vmem>> -> memref<1x5x200xi32, #tpu.memory_space<vmem>>
      %dma_start3A_96 = tpu.memref_squeeze %dma_start3A_95 : memref<1x5x200xi32, #tpu.memory_space<vmem>> -> memref<5x200xi32, #tpu.memory_space<vmem>>
      %dma_start3A_97 = arith.constant 0 : i32
      %dma_start3A_98 = tpu.memref_slice %dma_start3A_96[%dma_start3A_92, %dma_start3A_97] : memref<5x200xi32, #tpu.memory_space<vmem>> -> memref<1x200xi32, #tpu.memory_space<vmem>>
      %dma_start3A_99 = tpu.memref_squeeze %dma_start3A_98 : memref<1x200xi32, #tpu.memory_space<vmem>> -> memref<200xi32, #tpu.memory_space<vmem>>
      %dma_start3A_100 = arith.constant 0 : i32
      %dma_start3A_101 = arith.constant 0 : i32
      %dma_start3A_102 = tpu.memref_slice %arg4[%dma_start3A_100, %dma_start3A_101] : memref<10000x64xf32, #tpu.memory_space<hbm>> -> memref<10000x64xf32, #tpu.memory_space<hbm>>
      tpu.enqueue_indirect_dma source(%dma_start3A_102 : memref<10000x64xf32, #tpu.memory_space<hbm>>) target(%arg9 : memref<200x64xf32, #tpu.memory_space<vmem>>) offsets(%dma_start3A_99 : memref<200xi32, #tpu.memory_space<vmem>>) semaphore(%arg14 : memref<!tpu.dma_semaphore, #tpu.memory_space<semaphore_mem>>)
      %dma_wait3A_103 = arith.constant 0 : i32
      %dma_wait3A_104 = arith.constant 0 : i32
      %dma_wait3A_105 = arith.constant 0 : i32
      %dma_wait3A_106 = arith.constant 0 : i32
      %dma_wait3A_107 = tpu.memref_slice %arg7[%dma_wait3A_103, %dma_wait3A_105, %dma_wait3A_106] : memref<2x5x200xi32, #tpu.memory_space<vmem>> -> memref<1x5x200xi32, #tpu.memory_space<vmem>>
      %dma_wait3A_108 = tpu.memref_squeeze %dma_wait3A_107 : memref<1x5x200xi32, #tpu.memory_space<vmem>> -> memref<5x200xi32, #tpu.memory_space<vmem>>
      %dma_wait3A_109 = arith.constant 0 : i32
      %dma_wait3A_110 = tpu.memref_slice %dma_wait3A_108[%dma_wait3A_104, %dma_wait3A_109] : memref<5x200xi32, #tpu.memory_space<vmem>> -> memref<1x200xi32, #tpu.memory_space<vmem>>
      %dma_wait3A_111 = tpu.memref_squeeze %dma_wait3A_110 : memref<1x200xi32, #tpu.memory_space<vmem>> -> memref<200xi32, #tpu.memory_space<vmem>>
      %dma_wait3A_112 = arith.constant 0 : i32
      %dma_wait3A_113 = arith.constant 0 : i32
      %dma_wait3A_114 = tpu.memref_slice %arg4[%dma_wait3A_112, %dma_wait3A_113] : memref<10000x64xf32, #tpu.memory_space<hbm>> -> memref<10000x64xf32, #tpu.memory_space<hbm>>
      tpu.wait_indirect_dma semaphore(%arg14 : memref<!tpu.dma_semaphore, #tpu.memory_space<semaphore_mem>>) src(%dma_wait3A_114 : memref<10000x64xf32, #tpu.memory_space<hbm>>) dst(%arg9 : memref<200x64xf32, #tpu.memory_space<vmem>>)
      %dma_start3A_115 = arith.constant 0 : i32
      %dma_start3A_116 = arith.constant 1 : i32
      %dma_start3A_117 = arith.constant 0 : i32
      %dma_start3A_118 = arith.constant 0 : i32
      %dma_start3A_119 = tpu.memref_slice %arg7[%dma_start3A_115, %dma_start3A_117, %dma_start3A_118] : memref<2x5x200xi32, #tpu.memory_space<vmem>> -> memref<1x5x200xi32, #tpu.memory_space<vmem>>
      %dma_start3A_120 = tpu.memref_squeeze %dma_start3A_119 : memref<1x5x200xi32, #tpu.memory_space<vmem>> -> memref<5x200xi32, #tpu.memory_space<vmem>>
      %dma_start3A_121 = arith.constant 0 : i32
      %dma_start3A_122 = tpu.memref_slice %dma_start3A_120[%dma_start3A_116, %dma_start3A_121] : memref<5x200xi32, #tpu.memory_space<vmem>> -> memref<1x200xi32, #tpu.memory_space<vmem>>
      %dma_start3A_123 = tpu.memref_squeeze %dma_start3A_122 : memref<1x200xi32, #tpu.memory_space<vmem>> -> memref<200xi32, #tpu.memory_space<vmem>>
      %dma_start3A_124 = arith.constant 0 : i32
      %dma_start3A_125 = arith.constant 0 : i32
      %dma_start3A_126 = tpu.memref_slice %arg4[%dma_start3A_124, %dma_start3A_125] : memref<10000x64xf32, #tpu.memory_space<hbm>> -> memref<10000x64xf32, #tpu.memory_space<hbm>>
      tpu.enqueue_indirect_dma source(%dma_start3A_126 : memref<10000x64xf32, #tpu.memory_space<hbm>>) target(%arg10 : memref<200x64xf32, #tpu.memory_space<vmem>>) offsets(%dma_start3A_123 : memref<200xi32, #tpu.memory_space<vmem>>) semaphore(%arg15 : memref<!tpu.dma_semaphore, #tpu.memory_space<semaphore_mem>>)
      %dma_start3A_127 = arith.constant 1 : i32
      %dma_start3A_128 = arith.constant 0 : i32
      %dma_start3A_129 = arith.constant 0 : i32
      %dma_start3A_130 = arith.constant 0 : i32
      %dma_start3A_131 = tpu.memref_slice %arg7[%dma_start3A_127, %dma_start3A_129, %dma_start3A_130] : memref<2x5x200xi32, #tpu.memory_space<vmem>> -> memref<1x5x200xi32, #tpu.memory_space<vmem>>
      %dma_start3A_132 = tpu.memref_squeeze %dma_start3A_131 : memref<1x5x200xi32, #tpu.memory_space<vmem>> -> memref<5x200xi32, #tpu.memory_space<vmem>>
      %dma_start3A_133 = arith.constant 0 : i32
      %dma_start3A_134 = tpu.memref_slice %dma_start3A_132[%dma_start3A_128, %dma_start3A_133] : memref<5x200xi32, #tpu.memory_space<vmem>> -> memref<1x200xi32, #tpu.memory_space<vmem>>
      %dma_start3A_135 = tpu.memref_squeeze %dma_start3A_134 : memref<1x200xi32, #tpu.memory_space<vmem>> -> memref<200xi32, #tpu.memory_space<vmem>>
      %dma_start3A_136 = arith.constant 0 : i32
      %dma_start3A_137 = arith.constant 0 : i32
      %dma_start3A_138 = tpu.memref_slice %arg11[%dma_start3A_136, %dma_start3A_137] : memref<10112x64xf32, #tpu.memory_space<vmem_shared>> -> memref<10112x64xf32, #tpu.memory_space<vmem_shared>>
      tpu.enqueue_indirect_dma source(%arg9 : memref<200x64xf32, #tpu.memory_space<vmem>>) target(%dma_start3A_138 : memref<10112x64xf32, #tpu.memory_space<vmem_shared>>) offsets(%dma_start3A_135 : memref<200xi32, #tpu.memory_space<vmem>>) semaphore(%arg16 : memref<!tpu.dma_semaphore, #tpu.memory_space<semaphore_mem>>) {add = true}
      %dma_wait3A_139 = arith.constant 0 : i32
      %dma_wait3A_140 = arith.constant 1 : i32
      %dma_wait3A_141 = arith.constant 0 : i32
      %dma_wait3A_142 = arith.constant 0 : i32
      %dma_wait3A_143 = tpu.memref_slice %arg7[%dma_wait3A_139, %dma_wait3A_141, %dma_wait3A_142] : memref<2x5x200xi32, #tpu.memory_space<vmem>> -> memref<1x5x200xi32, #tpu.memory_space<vmem>>
      %dma_wait3A_144 = tpu.memref_squeeze %dma_wait3A_143 : memref<1x5x200xi32, #tpu.memory_space<vmem>> -> memref<5x200xi32, #tpu.memory_space<vmem>>
      %dma_wait3A_145 = arith.constant 0 : i32
      %dma_wait3A_146 = tpu.memref_slice %dma_wait3A_144[%dma_wait3A_140, %dma_wait3A_145] : memref<5x200xi32, #tpu.memory_space<vmem>> -> memref<1x200xi32, #tpu.memory_space<vmem>>
      %dma_wait3A_147 = tpu.memref_squeeze %dma_wait3A_146 : memref<1x200xi32, #tpu.memory_space<vmem>> -> memref<200xi32, #tpu.memory_space<vmem>>
      %dma_wait3A_148 = arith.constant 0 : i32
      %dma_wait3A_149 = arith.constant 0 : i32
      %dma_wait3A_150 = tpu.memref_slice %arg4[%dma_wait3A_148, %dma_wait3A_149] : memref<10000x64xf32, #tpu.memory_space<hbm>> -> memref<10000x64xf32, #tpu.memory_space<hbm>>
      tpu.wait_indirect_dma semaphore(%arg15 : memref<!tpu.dma_semaphore, #tpu.memory_space<semaphore_mem>>) src(%dma_wait3A_150 : memref<10000x64xf32, #tpu.memory_space<hbm>>) dst(%arg10 : memref<200x64xf32, #tpu.memory_space<vmem>>)
      %dma_wait3A_151 = arith.constant 1 : i32
      %dma_wait3A_152 = arith.constant 0 : i32
      %dma_wait3A_153 = arith.constant 0 : i32
      %dma_wait3A_154 = arith.constant 0 : i32
      %dma_wait3A_155 = tpu.memref_slice %arg7[%dma_wait3A_151, %dma_wait3A_153, %dma_wait3A_154] : memref<2x5x200xi32, #tpu.memory_space<vmem>> -> memref<1x5x200xi32, #tpu.memory_space<vmem>>
      %dma_wait3A_156 = tpu.memref_squeeze %dma_wait3A_155 : memref<1x5x200xi32, #tpu.memory_space<vmem>> -> memref<5x200xi32, #tpu.memory_space<vmem>>
      %dma_wait3A_157 = arith.constant 0 : i32
      %dma_wait3A_158 = tpu.memref_slice %dma_wait3A_156[%dma_wait3A_152, %dma_wait3A_157] : memref<5x200xi32, #tpu.memory_space<vmem>> -> memref<1x200xi32, #tpu.memory_space<vmem>>
      %dma_wait3A_159 = tpu.memref_squeeze %dma_wait3A_158 : memref<1x200xi32, #tpu.memory_space<vmem>> -> memref<200xi32, #tpu.memory_space<vmem>>
      %dma_wait3A_160 = arith.constant 0 : i32
      %dma_wait3A_161 = arith.constant 0 : i32
      %dma_wait3A_162 = tpu.memref_slice %arg11[%dma_wait3A_160, %dma_wait3A_161] : memref<10112x64xf32, #tpu.memory_space<vmem_shared>> -> memref<10112x64xf32, #tpu.memory_space<vmem_shared>>
      tpu.wait_indirect_dma semaphore(%arg16 : memref<!tpu.dma_semaphore, #tpu.memory_space<semaphore_mem>>) src(%arg9 : memref<200x64xf32, #tpu.memory_space<vmem>>) dst(%dma_wait3A_162 : memref<10112x64xf32, #tpu.memory_space<vmem_shared>>)
      %dma_start3A_163 = arith.constant 0 : i32
      %dma_start3A_164 = arith.constant 2 : i32
      %dma_start3A_165 = arith.constant 0 : i32
      %dma_start3A_166 = arith.constant 0 : i32
      %dma_start3A_167 = tpu.memref_slice %arg7[%dma_start3A_163, %dma_start3A_165, %dma_start3A_166] : memref<2x5x200xi32, #tpu.memory_space<vmem>> -> memref<1x5x200xi32, #tpu.memory_space<vmem>>
      %dma_start3A_168 = tpu.memref_squeeze %dma_start3A_167 : memref<1x5x200xi32, #tpu.memory_space<vmem>> -> memref<5x200xi32, #tpu.memory_space<vmem>>
      %dma_start3A_169 = arith.constant 0 : i32
      %dma_start3A_170 = tpu.memref_slice %dma_start3A_168[%dma_start3A_164, %dma_start3A_169] : memref<5x200xi32, #tpu.memory_space<vmem>> -> memref<1x200xi32, #tpu.memory_space<vmem>>
      %dma_start3A_171 = tpu.memref_squeeze %dma_start3A_170 : memref<1x200xi32, #tpu.memory_space<vmem>> -> memref<200xi32, #tpu.memory_space<vmem>>
      %dma_start3A_172 = arith.constant 0 : i32
      %dma_start3A_173 = arith.constant 0 : i32
      %dma_start3A_174 = tpu.memref_slice %arg4[%dma_start3A_172, %dma_start3A_173] : memref<10000x64xf32, #tpu.memory_space<hbm>> -> memref<10000x64xf32, #tpu.memory_space<hbm>>
      tpu.enqueue_indirect_dma source(%dma_start3A_174 : memref<10000x64xf32, #tpu.memory_space<hbm>>) target(%arg9 : memref<200x64xf32, #tpu.memory_space<vmem>>) offsets(%dma_start3A_171 : memref<200xi32, #tpu.memory_space<vmem>>) semaphore(%arg14 : memref<!tpu.dma_semaphore, #tpu.memory_space<semaphore_mem>>)
      %dma_start3A_175 = arith.constant 1 : i32
      %dma_start3A_176 = arith.constant 1 : i32
      %dma_start3A_177 = arith.constant 0 : i32
      %dma_start3A_178 = arith.constant 0 : i32
      %dma_start3A_179 = tpu.memref_slice %arg7[%dma_start3A_175, %dma_start3A_177, %dma_start3A_178] : memref<2x5x200xi32, #tpu.memory_space<vmem>> -> memref<1x5x200xi32, #tpu.memory_space<vmem>>
      %dma_start3A_180 = tpu.memref_squeeze %dma_start3A_179 : memref<1x5x200xi32, #tpu.memory_space<vmem>> -> memref<5x200xi32, #tpu.memory_space<vmem>>
      %dma_start3A_181 = arith.constant 0 : i32
      %dma_start3A_182 = tpu.memref_slice %dma_start3A_180[%dma_start3A_176, %dma_start3A_181] : memref<5x200xi32, #tpu.memory_space<vmem>> -> memref<1x200xi32, #tpu.memory_space<vmem>>
      %dma_start3A_183 = tpu.memref_squeeze %dma_start3A_182 : memref<1x200xi32, #tpu.memory_space<vmem>> -> memref<200xi32, #tpu.memory_space<vmem>>
      %dma_start3A_184 = arith.constant 0 : i32
      %dma_start3A_185 = arith.constant 0 : i32
      %dma_start3A_186 = tpu.memref_slice %arg11[%dma_start3A_184, %dma_start3A_185] : memref<10112x64xf32, #tpu.memory_space<vmem_shared>> -> memref<10112x64xf32, #tpu.memory_space<vmem_shared>>
      tpu.enqueue_indirect_dma source(%arg10 : memref<200x64xf32, #tpu.memory_space<vmem>>) target(%dma_start3A_186 : memref<10112x64xf32, #tpu.memory_space<vmem_shared>>) offsets(%dma_start3A_183 : memref<200xi32, #tpu.memory_space<vmem>>) semaphore(%arg17 : memref<!tpu.dma_semaphore, #tpu.memory_space<semaphore_mem>>) {add = true}
      %dma_wait3A_187 = arith.constant 0 : i32
      %dma_wait3A_188 = arith.constant 2 : i32
      %dma_wait3A_189 = arith.constant 0 : i32
      %dma_wait3A_190 = arith.constant 0 : i32
      %dma_wait3A_191 = tpu.memref_slice %arg7[%dma_wait3A_187, %dma_wait3A_189, %dma_wait3A_190] : memref<2x5x200xi32, #tpu.memory_space<vmem>> -> memref<1x5x200xi32, #tpu.memory_space<vmem>>
      %dma_wait3A_192 = tpu.memref_squeeze %dma_wait3A_191 : memref<1x5x200xi32, #tpu.memory_space<vmem>> -> memref<5x200xi32, #tpu.memory_space<vmem>>
      %dma_wait3A_193 = arith.constant 0 : i32
      %dma_wait3A_194 = tpu.memref_slice %dma_wait3A_192[%dma_wait3A_188, %dma_wait3A_193] : memref<5x200xi32, #tpu.memory_space<vmem>> -> memref<1x200xi32, #tpu.memory_space<vmem>>
      %dma_wait3A_195 = tpu.memref_squeeze %dma_wait3A_194 : memref<1x200xi32, #tpu.memory_space<vmem>> -> memref<200xi32, #tpu.memory_space<vmem>>
      %dma_wait3A_196 = arith.constant 0 : i32
      %dma_wait3A_197 = arith.constant 0 : i32
      %dma_wait3A_198 = tpu.memref_slice %arg4[%dma_wait3A_196, %dma_wait3A_197] : memref<10000x64xf32, #tpu.memory_space<hbm>> -> memref<10000x64xf32, #tpu.memory_space<hbm>>
      tpu.wait_indirect_dma semaphore(%arg14 : memref<!tpu.dma_semaphore, #tpu.memory_space<semaphore_mem>>) src(%dma_wait3A_198 : memref<10000x64xf32, #tpu.memory_space<hbm>>) dst(%arg9 : memref<200x64xf32, #tpu.memory_space<vmem>>)
      %dma_wait3A_199 = arith.constant 1 : i32
      %dma_wait3A_200 = arith.constant 1 : i32
      %dma_wait3A_201 = arith.constant 0 : i32
      %dma_wait3A_202 = arith.constant 0 : i32
      %dma_wait3A_203 = tpu.memref_slice %arg7[%dma_wait3A_199, %dma_wait3A_201, %dma_wait3A_202] : memref<2x5x200xi32, #tpu.memory_space<vmem>> -> memref<1x5x200xi32, #tpu.memory_space<vmem>>
      %dma_wait3A_204 = tpu.memref_squeeze %dma_wait3A_203 : memref<1x5x200xi32, #tpu.memory_space<vmem>> -> memref<5x200xi32, #tpu.memory_space<vmem>>
      %dma_wait3A_205 = arith.constant 0 : i32
      %dma_wait3A_206 = tpu.memref_slice %dma_wait3A_204[%dma_wait3A_200, %dma_wait3A_205] : memref<5x200xi32, #tpu.memory_space<vmem>> -> memref<1x200xi32, #tpu.memory_space<vmem>>
      %dma_wait3A_207 = tpu.memref_squeeze %dma_wait3A_206 : memref<1x200xi32, #tpu.memory_space<vmem>> -> memref<200xi32, #tpu.memory_space<vmem>>
      %dma_wait3A_208 = arith.constant 0 : i32
      %dma_wait3A_209 = arith.constant 0 : i32
      %dma_wait3A_210 = tpu.memref_slice %arg11[%dma_wait3A_208, %dma_wait3A_209] : memref<10112x64xf32, #tpu.memory_space<vmem_shared>> -> memref<10112x64xf32, #tpu.memory_space<vmem_shared>>
      tpu.wait_indirect_dma semaphore(%arg17 : memref<!tpu.dma_semaphore, #tpu.memory_space<semaphore_mem>>) src(%arg10 : memref<200x64xf32, #tpu.memory_space<vmem>>) dst(%dma_wait3A_210 : memref<10112x64xf32, #tpu.memory_space<vmem_shared>>)
      %dma_start3A_211 = arith.constant 0 : i32
      %dma_start3A_212 = arith.constant 3 : i32
      %dma_start3A_213 = arith.constant 0 : i32
      %dma_start3A_214 = arith.constant 0 : i32
      %dma_start3A_215 = tpu.memref_slice %arg7[%dma_start3A_211, %dma_start3A_213, %dma_start3A_214] : memref<2x5x200xi32, #tpu.memory_space<vmem>> -> memref<1x5x200xi32, #tpu.memory_space<vmem>>
      %dma_start3A_216 = tpu.memref_squeeze %dma_start3A_215 : memref<1x5x200xi32, #tpu.memory_space<vmem>> -> memref<5x200xi32, #tpu.memory_space<vmem>>
      %dma_start3A_217 = arith.constant 0 : i32
      %dma_start3A_218 = tpu.memref_slice %dma_start3A_216[%dma_start3A_212, %dma_start3A_217] : memref<5x200xi32, #tpu.memory_space<vmem>> -> memref<1x200xi32, #tpu.memory_space<vmem>>
      %dma_start3A_219 = tpu.memref_squeeze %dma_start3A_218 : memref<1x200xi32, #tpu.memory_space<vmem>> -> memref<200xi32, #tpu.memory_space<vmem>>
      %dma_start3A_220 = arith.constant 0 : i32
      %dma_start3A_221 = arith.constant 0 : i32
      %dma_start3A_222 = tpu.memref_slice %arg4[%dma_start3A_220, %dma_start3A_221] : memref<10000x64xf32, #tpu.memory_space<hbm>> -> memref<10000x64xf32, #tpu.memory_space<hbm>>
      tpu.enqueue_indirect_dma source(%dma_start3A_222 : memref<10000x64xf32, #tpu.memory_space<hbm>>) target(%arg10 : memref<200x64xf32, #tpu.memory_space<vmem>>) offsets(%dma_start3A_219 : memref<200xi32, #tpu.memory_space<vmem>>) semaphore(%arg15 : memref<!tpu.dma_semaphore, #tpu.memory_space<semaphore_mem>>)
      %dma_start3A_223 = arith.constant 1 : i32
      %dma_start3A_224 = arith.constant 2 : i32
      %dma_start3A_225 = arith.constant 0 : i32
      %dma_start3A_226 = arith.constant 0 : i32
      %dma_start3A_227 = tpu.memref_slice %arg7[%dma_start3A_223, %dma_start3A_225, %dma_start3A_226] : memref<2x5x200xi32, #tpu.memory_space<vmem>> -> memref<1x5x200xi32, #tpu.memory_space<vmem>>
      %dma_start3A_228 = tpu.memref_squeeze %dma_start3A_227 : memref<1x5x200xi32, #tpu.memory_space<vmem>> -> memref<5x200xi32, #tpu.memory_space<vmem>>
      %dma_start3A_229 = arith.constant 0 : i32
      %dma_start3A_230 = tpu.memref_slice %dma_start3A_228[%dma_start3A_224, %dma_start3A_229] : memref<5x200xi32, #tpu.memory_space<vmem>> -> memref<1x200xi32, #tpu.memory_space<vmem>>
      %dma_start3A_231 = tpu.memref_squeeze %dma_start3A_230 : memref<1x200xi32, #tpu.memory_space<vmem>> -> memref<200xi32, #tpu.memory_space<vmem>>
      %dma_start3A_232 = arith.constant 0 : i32
      %dma_start3A_233 = arith.constant 0 : i32
      %dma_start3A_234 = tpu.memref_slice %arg11[%dma_start3A_232, %dma_start3A_233] : memref<10112x64xf32, #tpu.memory_space<vmem_shared>> -> memref<10112x64xf32, #tpu.memory_space<vmem_shared>>
      tpu.enqueue_indirect_dma source(%arg9 : memref<200x64xf32, #tpu.memory_space<vmem>>) target(%dma_start3A_234 : memref<10112x64xf32, #tpu.memory_space<vmem_shared>>) offsets(%dma_start3A_231 : memref<200xi32, #tpu.memory_space<vmem>>) semaphore(%arg16 : memref<!tpu.dma_semaphore, #tpu.memory_space<semaphore_mem>>) {add = true}
      %dma_wait3A_235 = arith.constant 0 : i32
      %dma_wait3A_236 = arith.constant 3 : i32
      %dma_wait3A_237 = arith.constant 0 : i32
      %dma_wait3A_238 = arith.constant 0 : i32
      %dma_wait3A_239 = tpu.memref_slice %arg7[%dma_wait3A_235, %dma_wait3A_237, %dma_wait3A_238] : memref<2x5x200xi32, #tpu.memory_space<vmem>> -> memref<1x5x200xi32, #tpu.memory_space<vmem>>
      %dma_wait3A_240 = tpu.memref_squeeze %dma_wait3A_239 : memref<1x5x200xi32, #tpu.memory_space<vmem>> -> memref<5x200xi32, #tpu.memory_space<vmem>>
      %dma_wait3A_241 = arith.constant 0 : i32
      %dma_wait3A_242 = tpu.memref_slice %dma_wait3A_240[%dma_wait3A_236, %dma_wait3A_241] : memref<5x200xi32, #tpu.memory_space<vmem>> -> memref<1x200xi32, #tpu.memory_space<vmem>>
      %dma_wait3A_243 = tpu.memref_squeeze %dma_wait3A_242 : memref<1x200xi32, #tpu.memory_space<vmem>> -> memref<200xi32, #tpu.memory_space<vmem>>
      %dma_wait3A_244 = arith.constant 0 : i32
      %dma_wait3A_245 = arith.constant 0 : i32
      %dma_wait3A_246 = tpu.memref_slice %arg4[%dma_wait3A_244, %dma_wait3A_245] : memref<10000x64xf32, #tpu.memory_space<hbm>> -> memref<10000x64xf32, #tpu.memory_space<hbm>>
      tpu.wait_indirect_dma semaphore(%arg15 : memref<!tpu.dma_semaphore, #tpu.memory_space<semaphore_mem>>) src(%dma_wait3A_246 : memref<10000x64xf32, #tpu.memory_space<hbm>>) dst(%arg10 : memref<200x64xf32, #tpu.memory_space<vmem>>)
      %dma_wait3A_247 = arith.constant 1 : i32
      %dma_wait3A_248 = arith.constant 2 : i32
      %dma_wait3A_249 = arith.constant 0 : i32
      %dma_wait3A_250 = arith.constant 0 : i32
      %dma_wait3A_251 = tpu.memref_slice %arg7[%dma_wait3A_247, %dma_wait3A_249, %dma_wait3A_250] : memref<2x5x200xi32, #tpu.memory_space<vmem>> -> memref<1x5x200xi32, #tpu.memory_space<vmem>>
      %dma_wait3A_252 = tpu.memref_squeeze %dma_wait3A_251 : memref<1x5x200xi32, #tpu.memory_space<vmem>> -> memref<5x200xi32, #tpu.memory_space<vmem>>
      %dma_wait3A_253 = arith.constant 0 : i32
      %dma_wait3A_254 = tpu.memref_slice %dma_wait3A_252[%dma_wait3A_248, %dma_wait3A_253] : memref<5x200xi32, #tpu.memory_space<vmem>> -> memref<1x200xi32, #tpu.memory_space<vmem>>
      %dma_wait3A_255 = tpu.memref_squeeze %dma_wait3A_254 : memref<1x200xi32, #tpu.memory_space<vmem>> -> memref<200xi32, #tpu.memory_space<vmem>>
      %dma_wait3A_256 = arith.constant 0 : i32
      %dma_wait3A_257 = arith.constant 0 : i32
      %dma_wait3A_258 = tpu.memref_slice %arg11[%dma_wait3A_256, %dma_wait3A_257] : memref<10112x64xf32, #tpu.memory_space<vmem_shared>> -> memref<10112x64xf32, #tpu.memory_space<vmem_shared>>
      tpu.wait_indirect_dma semaphore(%arg16 : memref<!tpu.dma_semaphore, #tpu.memory_space<semaphore_mem>>) src(%arg9 : memref<200x64xf32, #tpu.memory_space<vmem>>) dst(%dma_wait3A_258 : memref<10112x64xf32, #tpu.memory_space<vmem_shared>>)
      %dma_start3A_259 = arith.constant 0 : i32
      %dma_start3A_260 = arith.constant 4 : i32
      %dma_start3A_261 = arith.constant 0 : i32
      %dma_start3A_262 = arith.constant 0 : i32
      %dma_start3A_263 = tpu.memref_slice %arg7[%dma_start3A_259, %dma_start3A_261, %dma_start3A_262] : memref<2x5x200xi32, #tpu.memory_space<vmem>> -> memref<1x5x200xi32, #tpu.memory_space<vmem>>
      %dma_start3A_264 = tpu.memref_squeeze %dma_start3A_263 : memref<1x5x200xi32, #tpu.memory_space<vmem>> -> memref<5x200xi32, #tpu.memory_space<vmem>>
      %dma_start3A_265 = arith.constant 0 : i32
      %dma_start3A_266 = tpu.memref_slice %dma_start3A_264[%dma_start3A_260, %dma_start3A_265] : memref<5x200xi32, #tpu.memory_space<vmem>> -> memref<1x200xi32, #tpu.memory_space<vmem>>
      %dma_start3A_267 = tpu.memref_squeeze %dma_start3A_266 : memref<1x200xi32, #tpu.memory_space<vmem>> -> memref<200xi32, #tpu.memory_space<vmem>>
      %dma_start3A_268 = arith.constant 0 : i32
      %dma_start3A_269 = arith.constant 0 : i32
      %dma_start3A_270 = tpu.memref_slice %arg4[%dma_start3A_268, %dma_start3A_269] : memref<10000x64xf32, #tpu.memory_space<hbm>> -> memref<10000x64xf32, #tpu.memory_space<hbm>>
      tpu.enqueue_indirect_dma source(%dma_start3A_270 : memref<10000x64xf32, #tpu.memory_space<hbm>>) target(%arg9 : memref<200x64xf32, #tpu.memory_space<vmem>>) offsets(%dma_start3A_267 : memref<200xi32, #tpu.memory_space<vmem>>) semaphore(%arg14 : memref<!tpu.dma_semaphore, #tpu.memory_space<semaphore_mem>>)
      %dma_start3A_271 = arith.constant 1 : i32
      %dma_start3A_272 = arith.constant 3 : i32
      %dma_start3A_273 = arith.constant 0 : i32
      %dma_start3A_274 = arith.constant 0 : i32
      %dma_start3A_275 = tpu.memref_slice %arg7[%dma_start3A_271, %dma_start3A_273, %dma_start3A_274] : memref<2x5x200xi32, #tpu.memory_space<vmem>> -> memref<1x5x200xi32, #tpu.memory_space<vmem>>
      %dma_start3A_276 = tpu.memref_squeeze %dma_start3A_275 : memref<1x5x200xi32, #tpu.memory_space<vmem>> -> memref<5x200xi32, #tpu.memory_space<vmem>>
      %dma_start3A_277 = arith.constant 0 : i32
      %dma_start3A_278 = tpu.memref_slice %dma_start3A_276[%dma_start3A_272, %dma_start3A_277] : memref<5x200xi32, #tpu.memory_space<vmem>> -> memref<1x200xi32, #tpu.memory_space<vmem>>
      %dma_start3A_279 = tpu.memref_squeeze %dma_start3A_278 : memref<1x200xi32, #tpu.memory_space<vmem>> -> memref<200xi32, #tpu.memory_space<vmem>>
      %dma_start3A_280 = arith.constant 0 : i32
      %dma_start3A_281 = arith.constant 0 : i32
      %dma_start3A_282 = tpu.memref_slice %arg11[%dma_start3A_280, %dma_start3A_281] : memref<10112x64xf32, #tpu.memory_space<vmem_shared>> -> memref<10112x64xf32, #tpu.memory_space<vmem_shared>>
      tpu.enqueue_indirect_dma source(%arg10 : memref<200x64xf32, #tpu.memory_space<vmem>>) target(%dma_start3A_282 : memref<10112x64xf32, #tpu.memory_space<vmem_shared>>) offsets(%dma_start3A_279 : memref<200xi32, #tpu.memory_space<vmem>>) semaphore(%arg17 : memref<!tpu.dma_semaphore, #tpu.memory_space<semaphore_mem>>) {add = true}
      %dma_wait3A_283 = arith.constant 0 : i32
      %dma_wait3A_284 = arith.constant 4 : i32
      %dma_wait3A_285 = arith.constant 0 : i32
      %dma_wait3A_286 = arith.constant 0 : i32
      %dma_wait3A_287 = tpu.memref_slice %arg7[%dma_wait3A_283, %dma_wait3A_285, %dma_wait3A_286] : memref<2x5x200xi32, #tpu.memory_space<vmem>> -> memref<1x5x200xi32, #tpu.memory_space<vmem>>
      %dma_wait3A_288 = tpu.memref_squeeze %dma_wait3A_287 : memref<1x5x200xi32, #tpu.memory_space<vmem>> -> memref<5x200xi32, #tpu.memory_space<vmem>>
      %dma_wait3A_289 = arith.constant 0 : i32
      %dma_wait3A_290 = tpu.memref_slice %dma_wait3A_288[%dma_wait3A_284, %dma_wait3A_289] : memref<5x200xi32, #tpu.memory_space<vmem>> -> memref<1x200xi32, #tpu.memory_space<vmem>>
      %dma_wait3A_291 = tpu.memref_squeeze %dma_wait3A_290 : memref<1x200xi32, #tpu.memory_space<vmem>> -> memref<200xi32, #tpu.memory_space<vmem>>
      %dma_wait3A_292 = arith.constant 0 : i32
      %dma_wait3A_293 = arith.constant 0 : i32
      %dma_wait3A_294 = tpu.memref_slice %arg4[%dma_wait3A_292, %dma_wait3A_293] : memref<10000x64xf32, #tpu.memory_space<hbm>> -> memref<10000x64xf32, #tpu.memory_space<hbm>>
      tpu.wait_indirect_dma semaphore(%arg14 : memref<!tpu.dma_semaphore, #tpu.memory_space<semaphore_mem>>) src(%dma_wait3A_294 : memref<10000x64xf32, #tpu.memory_space<hbm>>) dst(%arg9 : memref<200x64xf32, #tpu.memory_space<vmem>>)
      %dma_start3A_295 = arith.constant 1 : i32
      %dma_start3A_296 = arith.constant 4 : i32
      %dma_start3A_297 = arith.constant 0 : i32
      %dma_start3A_298 = arith.constant 0 : i32
      %dma_start3A_299 = tpu.memref_slice %arg7[%dma_start3A_295, %dma_start3A_297, %dma_start3A_298] : memref<2x5x200xi32, #tpu.memory_space<vmem>> -> memref<1x5x200xi32, #tpu.memory_space<vmem>>
      %dma_start3A_300 = tpu.memref_squeeze %dma_start3A_299 : memref<1x5x200xi32, #tpu.memory_space<vmem>> -> memref<5x200xi32, #tpu.memory_space<vmem>>
      %dma_start3A_301 = arith.constant 0 : i32
      %dma_start3A_302 = tpu.memref_slice %dma_start3A_300[%dma_start3A_296, %dma_start3A_301] : memref<5x200xi32, #tpu.memory_space<vmem>> -> memref<1x200xi32, #tpu.memory_space<vmem>>
      %dma_start3A_303 = tpu.memref_squeeze %dma_start3A_302 : memref<1x200xi32, #tpu.memory_space<vmem>> -> memref<200xi32, #tpu.memory_space<vmem>>
      %dma_start3A_304 = arith.constant 0 : i32
      %dma_start3A_305 = arith.constant 0 : i32
      %dma_start3A_306 = tpu.memref_slice %arg11[%dma_start3A_304, %dma_start3A_305] : memref<10112x64xf32, #tpu.memory_space<vmem_shared>> -> memref<10112x64xf32, #tpu.memory_space<vmem_shared>>
      tpu.enqueue_indirect_dma source(%arg9 : memref<200x64xf32, #tpu.memory_space<vmem>>) target(%dma_start3A_306 : memref<10112x64xf32, #tpu.memory_space<vmem_shared>>) offsets(%dma_start3A_303 : memref<200xi32, #tpu.memory_space<vmem>>) semaphore(%arg16 : memref<!tpu.dma_semaphore, #tpu.memory_space<semaphore_mem>>) {add = true}
      %dma_wait3A_307 = arith.constant 1 : i32
      %dma_wait3A_308 = arith.constant 3 : i32
      %dma_wait3A_309 = arith.constant 0 : i32
      %dma_wait3A_310 = arith.constant 0 : i32
      %dma_wait3A_311 = tpu.memref_slice %arg7[%dma_wait3A_307, %dma_wait3A_309, %dma_wait3A_310] : memref<2x5x200xi32, #tpu.memory_space<vmem>> -> memref<1x5x200xi32, #tpu.memory_space<vmem>>
      %dma_wait3A_312 = tpu.memref_squeeze %dma_wait3A_311 : memref<1x5x200xi32, #tpu.memory_space<vmem>> -> memref<5x200xi32, #tpu.memory_space<vmem>>
      %dma_wait3A_313 = arith.constant 0 : i32
      %dma_wait3A_314 = tpu.memref_slice %dma_wait3A_312[%dma_wait3A_308, %dma_wait3A_313] : memref<5x200xi32, #tpu.memory_space<vmem>> -> memref<1x200xi32, #tpu.memory_space<vmem>>
      %dma_wait3A_315 = tpu.memref_squeeze %dma_wait3A_314 : memref<1x200xi32, #tpu.memory_space<vmem>> -> memref<200xi32, #tpu.memory_space<vmem>>
      %dma_wait3A_316 = arith.constant 0 : i32
      %dma_wait3A_317 = arith.constant 0 : i32
      %dma_wait3A_318 = tpu.memref_slice %arg11[%dma_wait3A_316, %dma_wait3A_317] : memref<10112x64xf32, #tpu.memory_space<vmem_shared>> -> memref<10112x64xf32, #tpu.memory_space<vmem_shared>>
      tpu.wait_indirect_dma semaphore(%arg17 : memref<!tpu.dma_semaphore, #tpu.memory_space<semaphore_mem>>) src(%arg10 : memref<200x64xf32, #tpu.memory_space<vmem>>) dst(%dma_wait3A_318 : memref<10112x64xf32, #tpu.memory_space<vmem_shared>>)
      %dma_wait3A_319 = arith.constant 1 : i32
      %dma_wait3A_320 = arith.constant 4 : i32
      %dma_wait3A_321 = arith.constant 0 : i32
      %dma_wait3A_322 = arith.constant 0 : i32
      %dma_wait3A_323 = tpu.memref_slice %arg7[%dma_wait3A_319, %dma_wait3A_321, %dma_wait3A_322] : memref<2x5x200xi32, #tpu.memory_space<vmem>> -> memref<1x5x200xi32, #tpu.memory_space<vmem>>
      %dma_wait3A_324 = tpu.memref_squeeze %dma_wait3A_323 : memref<1x5x200xi32, #tpu.memory_space<vmem>> -> memref<5x200xi32, #tpu.memory_space<vmem>>
      %dma_wait3A_325 = arith.constant 0 : i32
      %dma_wait3A_326 = tpu.memref_slice %dma_wait3A_324[%dma_wait3A_320, %dma_wait3A_325] : memref<5x200xi32, #tpu.memory_space<vmem>> -> memref<1x200xi32, #tpu.memory_space<vmem>>
      %dma_wait3A_327 = tpu.memref_squeeze %dma_wait3A_326 : memref<1x200xi32, #tpu.memory_space<vmem>> -> memref<200xi32, #tpu.memory_space<vmem>>
      %dma_wait3A_328 = arith.constant 0 : i32
      %dma_wait3A_329 = arith.constant 0 : i32
      %dma_wait3A_330 = tpu.memref_slice %arg11[%dma_wait3A_328, %dma_wait3A_329] : memref<10112x64xf32, #tpu.memory_space<vmem_shared>> -> memref<10112x64xf32, #tpu.memory_space<vmem_shared>>
      tpu.wait_indirect_dma semaphore(%arg16 : memref<!tpu.dma_semaphore, #tpu.memory_space<semaphore_mem>>) src(%arg9 : memref<200x64xf32, #tpu.memory_space<vmem>>) dst(%dma_wait3A_330 : memref<10112x64xf32, #tpu.memory_space<vmem_shared>>)
      %mul3A_331 = arith.constant 2 : i32
      %mul3A_332 = arith.muli %mul3A_331, %scan3A_62 : i32
      %add3A_333 = arith.constant 1 : i32
      %add3A_334 = arith.addi %mul3A_332, %add3A_333 : i32
      %dma_wait3A_335 = arith.constant 0 : i32
      %dma_wait3A_336 = arith.constant 0 : i32
      %dma_wait3A_337 = arith.constant 0 : i32
      %dma_wait3A_338 = tpu.memref_slice %arg5[%add3A, %add3A_334, %dma_wait3A_335, %dma_wait3A_336, %dma_wait3A_337] : memref<32x10x2x5x200xi32, #tpu.memory_space<hbm>> -> memref<1x1x2x5x200xi32, #tpu.memory_space<hbm>>
      %dma_wait3A_339 = tpu.memref_squeeze %dma_wait3A_338 : memref<1x1x2x5x200xi32, #tpu.memory_space<hbm>> -> memref<2x5x200xi32, #tpu.memory_space<hbm>>
      %dma_wait3A_340 = arith.constant 0 : i32
      %dma_wait3A_341 = arith.constant 0 : i32
      %dma_wait3A_342 = arith.constant 0 : i32
      %dma_wait3A_343 = tpu.memref_slice %arg5[%add3A, %add3A_334, %dma_wait3A_340, %dma_wait3A_341, %dma_wait3A_342] : memref<32x10x2x5x200xi32, #tpu.memory_space<hbm>> -> memref<1x1x2x5x200xi32, #tpu.memory_space<hbm>>
      %dma_wait3A_344 = tpu.memref_squeeze %dma_wait3A_343 : memref<1x1x2x5x200xi32, #tpu.memory_space<hbm>> -> memref<2x5x200xi32, #tpu.memory_space<hbm>>
      tpu.wait_dma2 semaphore(%arg13 : memref<!tpu.dma_semaphore, #tpu.memory_space<semaphore_mem>>) src(%dma_wait3A_344 : memref<2x5x200xi32, #tpu.memory_space<hbm>>) dst(%arg8 : memref<2x5x200xi32, #tpu.memory_space<vmem>>)
      %add3A_345 = arith.constant 1 : i32
      %add3A_346 = arith.addi %add3A_334, %add3A_345 : i32
      %min3A_347 = arith.constant 9 : i32
      %min3A_348 = arith.minsi %add3A_346, %min3A_347 : i32
      %dma_start3A_349 = arith.constant 0 : i32
      %dma_start3A_350 = arith.constant 0 : i32
      %dma_start3A_351 = arith.constant 0 : i32
      %dma_start3A_352 = tpu.memref_slice %arg5[%add3A, %min3A_348, %dma_start3A_349, %dma_start3A_350, %dma_start3A_351] : memref<32x10x2x5x200xi32, #tpu.memory_space<hbm>> -> memref<1x1x2x5x200xi32, #tpu.memory_space<hbm>>
      %dma_start3A_353 = tpu.memref_squeeze %dma_start3A_352 : memref<1x1x2x5x200xi32, #tpu.memory_space<hbm>> -> memref<2x5x200xi32, #tpu.memory_space<hbm>>
      %dma_start3A_354 = arith.constant 0 : i32
      %dma_start3A_355 = arith.constant 0 : i32
      %dma_start3A_356 = arith.constant 0 : i32
      %dma_start3A_357 = tpu.memref_slice %arg5[%add3A, %min3A_348, %dma_start3A_354, %dma_start3A_355, %dma_start3A_356] : memref<32x10x2x5x200xi32, #tpu.memory_space<hbm>> -> memref<1x1x2x5x200xi32, #tpu.memory_space<hbm>>
      %dma_start3A_358 = tpu.memref_squeeze %dma_start3A_357 : memref<1x1x2x5x200xi32, #tpu.memory_space<hbm>> -> memref<2x5x200xi32, #tpu.memory_space<hbm>>
      tpu.enqueue_dma source(%dma_start3A_358 : memref<2x5x200xi32, #tpu.memory_space<hbm>>) target(%arg7 : memref<2x5x200xi32, #tpu.memory_space<vmem>>) target_semaphore(%arg12 : memref<!tpu.dma_semaphore, #tpu.memory_space<semaphore_mem>>)
      %dma_start3A_359 = arith.constant 0 : i32
      %dma_start3A_360 = arith.constant 0 : i32
      %dma_start3A_361 = arith.constant 0 : i32
      %dma_start3A_362 = arith.constant 0 : i32
      %dma_start3A_363 = tpu.memref_slice %arg8[%dma_start3A_359, %dma_start3A_361, %dma_start3A_362] : memref<2x5x200xi32, #tpu.memory_space<vmem>> -> memref<1x5x200xi32, #tpu.memory_space<vmem>>
      %dma_start3A_364 = tpu.memref_squeeze %dma_start3A_363 : memref<1x5x200xi32, #tpu.memory_space<vmem>> -> memref<5x200xi32, #tpu.memory_space<vmem>>
      %dma_start3A_365 = arith.constant 0 : i32
      %dma_start3A_366 = tpu.memref_slice %dma_start3A_364[%dma_start3A_360, %dma_start3A_365] : memref<5x200xi32, #tpu.memory_space<vmem>> -> memref<1x200xi32, #tpu.memory_space<vmem>>
      %dma_start3A_367 = tpu.memref_squeeze %dma_start3A_366 : memref<1x200xi32, #tpu.memory_space<vmem>> -> memref<200xi32, #tpu.memory_space<vmem>>
      %dma_start3A_368 = arith.constant 0 : i32
      %dma_start3A_369 = arith.constant 0 : i32
      %dma_start3A_370 = tpu.memref_slice %arg4[%dma_start3A_368, %dma_start3A_369] : memref<10000x64xf32, #tpu.memory_space<hbm>> -> memref<10000x64xf32, #tpu.memory_space<hbm>>
      tpu.enqueue_indirect_dma source(%dma_start3A_370 : memref<10000x64xf32, #tpu.memory_space<hbm>>) target(%arg9 : memref<200x64xf32, #tpu.memory_space<vmem>>) offsets(%dma_start3A_367 : memref<200xi32, #tpu.memory_space<vmem>>) semaphore(%arg14 : memref<!tpu.dma_semaphore, #tpu.memory_space<semaphore_mem>>)
      %dma_wait3A_371 = arith.constant 0 : i32
      %dma_wait3A_372 = arith.constant 0 : i32
      %dma_wait3A_373 = arith.constant 0 : i32
      %dma_wait3A_374 = arith.constant 0 : i32
      %dma_wait3A_375 = tpu.memref_slice %arg8[%dma_wait3A_371, %dma_wait3A_373, %dma_wait3A_374] : memref<2x5x200xi32, #tpu.memory_space<vmem>> -> memref<1x5x200xi32, #tpu.memory_space<vmem>>
      %dma_wait3A_376 = tpu.memref_squeeze %dma_wait3A_375 : memref<1x5x200xi32, #tpu.memory_space<vmem>> -> memref<5x200xi32, #tpu.memory_space<vmem>>
      %dma_wait3A_377 = arith.constant 0 : i32
      %dma_wait3A_378 = tpu.memref_slice %dma_wait3A_376[%dma_wait3A_372, %dma_wait3A_377] : memref<5x200xi32, #tpu.memory_space<vmem>> -> memref<1x200xi32, #tpu.memory_space<vmem>>
      %dma_wait3A_379 = tpu.memref_squeeze %dma_wait3A_378 : memref<1x200xi32, #tpu.memory_space<vmem>> -> memref<200xi32, #tpu.memory_space<vmem>>
      %dma_wait3A_380 = arith.constant 0 : i32
      %dma_wait3A_381 = arith.constant 0 : i32
      %dma_wait3A_382 = tpu.memref_slice %arg4[%dma_wait3A_380, %dma_wait3A_381] : memref<10000x64xf32, #tpu.memory_space<hbm>> -> memref<10000x64xf32, #tpu.memory_space<hbm>>
      tpu.wait_indirect_dma semaphore(%arg14 : memref<!tpu.dma_semaphore, #tpu.memory_space<semaphore_mem>>) src(%dma_wait3A_382 : memref<10000x64xf32, #tpu.memory_space<hbm>>) dst(%arg9 : memref<200x64xf32, #tpu.memory_space<vmem>>)
      %dma_start3A_383 = arith.constant 0 : i32
      %dma_start3A_384 = arith.constant 1 : i32
      %dma_start3A_385 = arith.constant 0 : i32
      %dma_start3A_386 = arith.constant 0 : i32
      %dma_start3A_387 = tpu.memref_slice %arg8[%dma_start3A_383, %dma_start3A_385, %dma_start3A_386] : memref<2x5x200xi32, #tpu.memory_space<vmem>> -> memref<1x5x200xi32, #tpu.memory_space<vmem>>
      %dma_start3A_388 = tpu.memref_squeeze %dma_start3A_387 : memref<1x5x200xi32, #tpu.memory_space<vmem>> -> memref<5x200xi32, #tpu.memory_space<vmem>>
      %dma_start3A_389 = arith.constant 0 : i32
      %dma_start3A_390 = tpu.memref_slice %dma_start3A_388[%dma_start3A_384, %dma_start3A_389] : memref<5x200xi32, #tpu.memory_space<vmem>> -> memref<1x200xi32, #tpu.memory_space<vmem>>
      %dma_start3A_391 = tpu.memref_squeeze %dma_start3A_390 : memref<1x200xi32, #tpu.memory_space<vmem>> -> memref<200xi32, #tpu.memory_space<vmem>>
      %dma_start3A_392 = arith.constant 0 : i32
      %dma_start3A_393 = arith.constant 0 : i32
      %dma_start3A_394 = tpu.memref_slice %arg4[%dma_start3A_392, %dma_start3A_393] : memref<10000x64xf32, #tpu.memory_space<hbm>> -> memref<10000x64xf32, #tpu.memory_space<hbm>>
      tpu.enqueue_indirect_dma source(%dma_start3A_394 : memref<10000x64xf32, #tpu.memory_space<hbm>>) target(%arg10 : memref<200x64xf32, #tpu.memory_space<vmem>>) offsets(%dma_start3A_391 : memref<200xi32, #tpu.memory_space<vmem>>) semaphore(%arg15 : memref<!tpu.dma_semaphore, #tpu.memory_space<semaphore_mem>>)
      %dma_start3A_395 = arith.constant 1 : i32
      %dma_start3A_396 = arith.constant 0 : i32
      %dma_start3A_397 = arith.constant 0 : i32
      %dma_start3A_398 = arith.constant 0 : i32
      %dma_start3A_399 = tpu.memref_slice %arg8[%dma_start3A_395, %dma_start3A_397, %dma_start3A_398] : memref<2x5x200xi32, #tpu.memory_space<vmem>> -> memref<1x5x200xi32, #tpu.memory_space<vmem>>
      %dma_start3A_400 = tpu.memref_squeeze %dma_start3A_399 : memref<1x5x200xi32, #tpu.memory_space<vmem>> -> memref<5x200xi32, #tpu.memory_space<vmem>>
      %dma_start3A_401 = arith.constant 0 : i32
      %dma_start3A_402 = tpu.memref_slice %dma_start3A_400[%dma_start3A_396, %dma_start3A_401] : memref<5x200xi32, #tpu.memory_space<vmem>> -> memref<1x200xi32, #tpu.memory_space<vmem>>
      %dma_start3A_403 = tpu.memref_squeeze %dma_start3A_402 : memref<1x200xi32, #tpu.memory_space<vmem>> -> memref<200xi32, #tpu.memory_space<vmem>>
      %dma_start3A_404 = arith.constant 0 : i32
      %dma_start3A_405 = arith.constant 0 : i32
      %dma_start3A_406 = tpu.memref_slice %arg11[%dma_start3A_404, %dma_start3A_405] : memref<10112x64xf32, #tpu.memory_space<vmem_shared>> -> memref<10112x64xf32, #tpu.memory_space<vmem_shared>>
      tpu.enqueue_indirect_dma source(%arg9 : memref<200x64xf32, #tpu.memory_space<vmem>>) target(%dma_start3A_406 : memref<10112x64xf32, #tpu.memory_space<vmem_shared>>) offsets(%dma_start3A_403 : memref<200xi32, #tpu.memory_space<vmem>>) semaphore(%arg16 : memref<!tpu.dma_semaphore, #tpu.memory_space<semaphore_mem>>) {add = true}
      %dma_wait3A_407 = arith.constant 0 : i32
      %dma_wait3A_408 = arith.constant 1 : i32
      %dma_wait3A_409 = arith.constant 0 : i32
      %dma_wait3A_410 = arith.constant 0 : i32
      %dma_wait3A_411 = tpu.memref_slice %arg8[%dma_wait3A_407, %dma_wait3A_409, %dma_wait3A_410] : memref<2x5x200xi32, #tpu.memory_space<vmem>> -> memref<1x5x200xi32, #tpu.memory_space<vmem>>
      %dma_wait3A_412 = tpu.memref_squeeze %dma_wait3A_411 : memref<1x5x200xi32, #tpu.memory_space<vmem>> -> memref<5x200xi32, #tpu.memory_space<vmem>>
      %dma_wait3A_413 = arith.constant 0 : i32
      %dma_wait3A_414 = tpu.memref_slice %dma_wait3A_412[%dma_wait3A_408, %dma_wait3A_413] : memref<5x200xi32, #tpu.memory_space<vmem>> -> memref<1x200xi32, #tpu.memory_space<vmem>>
      %dma_wait3A_415 = tpu.memref_squeeze %dma_wait3A_414 : memref<1x200xi32, #tpu.memory_space<vmem>> -> memref<200xi32, #tpu.memory_space<vmem>>
      %dma_wait3A_416 = arith.constant 0 : i32
      %dma_wait3A_417 = arith.constant 0 : i32
      %dma_wait3A_418 = tpu.memref_slice %arg4[%dma_wait3A_416, %dma_wait3A_417] : memref<10000x64xf32, #tpu.memory_space<hbm>> -> memref<10000x64xf32, #tpu.memory_space<hbm>>
      tpu.wait_indirect_dma semaphore(%arg15 : memref<!tpu.dma_semaphore, #tpu.memory_space<semaphore_mem>>) src(%dma_wait3A_418 : memref<10000x64xf32, #tpu.memory_space<hbm>>) dst(%arg10 : memref<200x64xf32, #tpu.memory_space<vmem>>)
      %dma_wait3A_419 = arith.constant 1 : i32
      %dma_wait3A_420 = arith.constant 0 : i32
      %dma_wait3A_421 = arith.constant 0 : i32
      %dma_wait3A_422 = arith.constant 0 : i32
      %dma_wait3A_423 = tpu.memref_slice %arg8[%dma_wait3A_419, %dma_wait3A_421, %dma_wait3A_422] : memref<2x5x200xi32, #tpu.memory_space<vmem>> -> memref<1x5x200xi32, #tpu.memory_space<vmem>>
      %dma_wait3A_424 = tpu.memref_squeeze %dma_wait3A_423 : memref<1x5x200xi32, #tpu.memory_space<vmem>> -> memref<5x200xi32, #tpu.memory_space<vmem>>
      %dma_wait3A_425 = arith.constant 0 : i32
      %dma_wait3A_426 = tpu.memref_slice %dma_wait3A_424[%dma_wait3A_420, %dma_wait3A_425] : memref<5x200xi32, #tpu.memory_space<vmem>> -> memref<1x200xi32, #tpu.memory_space<vmem>>
      %dma_wait3A_427 = tpu.memref_squeeze %dma_wait3A_426 : memref<1x200xi32, #tpu.memory_space<vmem>> -> memref<200xi32, #tpu.memory_space<vmem>>
      %dma_wait3A_428 = arith.constant 0 : i32
      %dma_wait3A_429 = arith.constant 0 : i32
      %dma_wait3A_430 = tpu.memref_slice %arg11[%dma_wait3A_428, %dma_wait3A_429] : memref<10112x64xf32, #tpu.memory_space<vmem_shared>> -> memref<10112x64xf32, #tpu.memory_space<vmem_shared>>
      tpu.wait_indirect_dma semaphore(%arg16 : memref<!tpu.dma_semaphore, #tpu.memory_space<semaphore_mem>>) src(%arg9 : memref<200x64xf32, #tpu.memory_space<vmem>>) dst(%dma_wait3A_430 : memref<10112x64xf32, #tpu.memory_space<vmem_shared>>)
      %dma_start3A_431 = arith.constant 0 : i32
      %dma_start3A_432 = arith.constant 2 : i32
      %dma_start3A_433 = arith.constant 0 : i32
      %dma_start3A_434 = arith.constant 0 : i32
      %dma_start3A_435 = tpu.memref_slice %arg8[%dma_start3A_431, %dma_start3A_433, %dma_start3A_434] : memref<2x5x200xi32, #tpu.memory_space<vmem>> -> memref<1x5x200xi32, #tpu.memory_space<vmem>>
      %dma_start3A_436 = tpu.memref_squeeze %dma_start3A_435 : memref<1x5x200xi32, #tpu.memory_space<vmem>> -> memref<5x200xi32, #tpu.memory_space<vmem>>
      %dma_start3A_437 = arith.constant 0 : i32
      %dma_start3A_438 = tpu.memref_slice %dma_start3A_436[%dma_start3A_432, %dma_start3A_437] : memref<5x200xi32, #tpu.memory_space<vmem>> -> memref<1x200xi32, #tpu.memory_space<vmem>>
      %dma_start3A_439 = tpu.memref_squeeze %dma_start3A_438 : memref<1x200xi32, #tpu.memory_space<vmem>> -> memref<200xi32, #tpu.memory_space<vmem>>
      %dma_start3A_440 = arith.constant 0 : i32
      %dma_start3A_441 = arith.constant 0 : i32
      %dma_start3A_442 = tpu.memref_slice %arg4[%dma_start3A_440, %dma_start3A_441] : memref<10000x64xf32, #tpu.memory_space<hbm>> -> memref<10000x64xf32, #tpu.memory_space<hbm>>
      tpu.enqueue_indirect_dma source(%dma_start3A_442 : memref<10000x64xf32, #tpu.memory_space<hbm>>) target(%arg9 : memref<200x64xf32, #tpu.memory_space<vmem>>) offsets(%dma_start3A_439 : memref<200xi32, #tpu.memory_space<vmem>>) semaphore(%arg14 : memref<!tpu.dma_semaphore, #tpu.memory_space<semaphore_mem>>)
      %dma_start3A_443 = arith.constant 1 : i32
      %dma_start3A_444 = arith.constant 1 : i32
      %dma_start3A_445 = arith.constant 0 : i32
      %dma_start3A_446 = arith.constant 0 : i32
      %dma_start3A_447 = tpu.memref_slice %arg8[%dma_start3A_443, %dma_start3A_445, %dma_start3A_446] : memref<2x5x200xi32, #tpu.memory_space<vmem>> -> memref<1x5x200xi32, #tpu.memory_space<vmem>>
      %dma_start3A_448 = tpu.memref_squeeze %dma_start3A_447 : memref<1x5x200xi32, #tpu.memory_space<vmem>> -> memref<5x200xi32, #tpu.memory_space<vmem>>
      %dma_start3A_449 = arith.constant 0 : i32
      %dma_start3A_450 = tpu.memref_slice %dma_start3A_448[%dma_start3A_444, %dma_start3A_449] : memref<5x200xi32, #tpu.memory_space<vmem>> -> memref<1x200xi32, #tpu.memory_space<vmem>>
      %dma_start3A_451 = tpu.memref_squeeze %dma_start3A_450 : memref<1x200xi32, #tpu.memory_space<vmem>> -> memref<200xi32, #tpu.memory_space<vmem>>
      %dma_start3A_452 = arith.constant 0 : i32
      %dma_start3A_453 = arith.constant 0 : i32
      %dma_start3A_454 = tpu.memref_slice %arg11[%dma_start3A_452, %dma_start3A_453] : memref<10112x64xf32, #tpu.memory_space<vmem_shared>> -> memref<10112x64xf32, #tpu.memory_space<vmem_shared>>
      tpu.enqueue_indirect_dma source(%arg10 : memref<200x64xf32, #tpu.memory_space<vmem>>) target(%dma_start3A_454 : memref<10112x64xf32, #tpu.memory_space<vmem_shared>>) offsets(%dma_start3A_451 : memref<200xi32, #tpu.memory_space<vmem>>) semaphore(%arg17 : memref<!tpu.dma_semaphore, #tpu.memory_space<semaphore_mem>>) {add = true}
      %dma_wait3A_455 = arith.constant 0 : i32
      %dma_wait3A_456 = arith.constant 2 : i32
      %dma_wait3A_457 = arith.constant 0 : i32
      %dma_wait3A_458 = arith.constant 0 : i32
      %dma_wait3A_459 = tpu.memref_slice %arg8[%dma_wait3A_455, %dma_wait3A_457, %dma_wait3A_458] : memref<2x5x200xi32, #tpu.memory_space<vmem>> -> memref<1x5x200xi32, #tpu.memory_space<vmem>>
      %dma_wait3A_460 = tpu.memref_squeeze %dma_wait3A_459 : memref<1x5x200xi32, #tpu.memory_space<vmem>> -> memref<5x200xi32, #tpu.memory_space<vmem>>
      %dma_wait3A_461 = arith.constant 0 : i32
      %dma_wait3A_462 = tpu.memref_slice %dma_wait3A_460[%dma_wait3A_456, %dma_wait3A_461] : memref<5x200xi32, #tpu.memory_space<vmem>> -> memref<1x200xi32, #tpu.memory_space<vmem>>
      %dma_wait3A_463 = tpu.memref_squeeze %dma_wait3A_462 : memref<1x200xi32, #tpu.memory_space<vmem>> -> memref<200xi32, #tpu.memory_space<vmem>>
      %dma_wait3A_464 = arith.constant 0 : i32
      %dma_wait3A_465 = arith.constant 0 : i32
      %dma_wait3A_466 = tpu.memref_slice %arg4[%dma_wait3A_464, %dma_wait3A_465] : memref<10000x64xf32, #tpu.memory_space<hbm>> -> memref<10000x64xf32, #tpu.memory_space<hbm>>
      tpu.wait_indirect_dma semaphore(%arg14 : memref<!tpu.dma_semaphore, #tpu.memory_space<semaphore_mem>>) src(%dma_wait3A_466 : memref<10000x64xf32, #tpu.memory_space<hbm>>) dst(%arg9 : memref<200x64xf32, #tpu.memory_space<vmem>>)
      %dma_wait3A_467 = arith.constant 1 : i32
      %dma_wait3A_468 = arith.constant 1 : i32
      %dma_wait3A_469 = arith.constant 0 : i32
      %dma_wait3A_470 = arith.constant 0 : i32
      %dma_wait3A_471 = tpu.memref_slice %arg8[%dma_wait3A_467, %dma_wait3A_469, %dma_wait3A_470] : memref<2x5x200xi32, #tpu.memory_space<vmem>> -> memref<1x5x200xi32, #tpu.memory_space<vmem>>
      %dma_wait3A_472 = tpu.memref_squeeze %dma_wait3A_471 : memref<1x5x200xi32, #tpu.memory_space<vmem>> -> memref<5x200xi32, #tpu.memory_space<vmem>>
      %dma_wait3A_473 = arith.constant 0 : i32
      %dma_wait3A_474 = tpu.memref_slice %dma_wait3A_472[%dma_wait3A_468, %dma_wait3A_473] : memref<5x200xi32, #tpu.memory_space<vmem>> -> memref<1x200xi32, #tpu.memory_space<vmem>>
      %dma_wait3A_475 = tpu.memref_squeeze %dma_wait3A_474 : memref<1x200xi32, #tpu.memory_space<vmem>> -> memref<200xi32, #tpu.memory_space<vmem>>
      %dma_wait3A_476 = arith.constant 0 : i32
      %dma_wait3A_477 = arith.constant 0 : i32
      %dma_wait3A_478 = tpu.memref_slice %arg11[%dma_wait3A_476, %dma_wait3A_477] : memref<10112x64xf32, #tpu.memory_space<vmem_shared>> -> memref<10112x64xf32, #tpu.memory_space<vmem_shared>>
      tpu.wait_indirect_dma semaphore(%arg17 : memref<!tpu.dma_semaphore, #tpu.memory_space<semaphore_mem>>) src(%arg10 : memref<200x64xf32, #tpu.memory_space<vmem>>) dst(%dma_wait3A_478 : memref<10112x64xf32, #tpu.memory_space<vmem_shared>>)
      %dma_start3A_479 = arith.constant 0 : i32
      %dma_start3A_480 = arith.constant 3 : i32
      %dma_start3A_481 = arith.constant 0 : i32
      %dma_start3A_482 = arith.constant 0 : i32
      %dma_start3A_483 = tpu.memref_slice %arg8[%dma_start3A_479, %dma_start3A_481, %dma_start3A_482] : memref<2x5x200xi32, #tpu.memory_space<vmem>> -> memref<1x5x200xi32, #tpu.memory_space<vmem>>
      %dma_start3A_484 = tpu.memref_squeeze %dma_start3A_483 : memref<1x5x200xi32, #tpu.memory_space<vmem>> -> memref<5x200xi32, #tpu.memory_space<vmem>>
      %dma_start3A_485 = arith.constant 0 : i32
      %dma_start3A_486 = tpu.memref_slice %dma_start3A_484[%dma_start3A_480, %dma_start3A_485] : memref<5x200xi32, #tpu.memory_space<vmem>> -> memref<1x200xi32, #tpu.memory_space<vmem>>
      %dma_start3A_487 = tpu.memref_squeeze %dma_start3A_486 : memref<1x200xi32, #tpu.memory_space<vmem>> -> memref<200xi32, #tpu.memory_space<vmem>>
      %dma_start3A_488 = arith.constant 0 : i32
      %dma_start3A_489 = arith.constant 0 : i32
      %dma_start3A_490 = tpu.memref_slice %arg4[%dma_start3A_488, %dma_start3A_489] : memref<10000x64xf32, #tpu.memory_space<hbm>> -> memref<10000x64xf32, #tpu.memory_space<hbm>>
      tpu.enqueue_indirect_dma source(%dma_start3A_490 : memref<10000x64xf32, #tpu.memory_space<hbm>>) target(%arg10 : memref<200x64xf32, #tpu.memory_space<vmem>>) offsets(%dma_start3A_487 : memref<200xi32, #tpu.memory_space<vmem>>) semaphore(%arg15 : memref<!tpu.dma_semaphore, #tpu.memory_space<semaphore_mem>>)
      %dma_start3A_491 = arith.constant 1 : i32
      %dma_start3A_492 = arith.constant 2 : i32
      %dma_start3A_493 = arith.constant 0 : i32
      %dma_start3A_494 = arith.constant 0 : i32
      %dma_start3A_495 = tpu.memref_slice %arg8[%dma_start3A_491, %dma_start3A_493, %dma_start3A_494] : memref<2x5x200xi32, #tpu.memory_space<vmem>> -> memref<1x5x200xi32, #tpu.memory_space<vmem>>
      %dma_start3A_496 = tpu.memref_squeeze %dma_start3A_495 : memref<1x5x200xi32, #tpu.memory_space<vmem>> -> memref<5x200xi32, #tpu.memory_space<vmem>>
      %dma_start3A_497 = arith.constant 0 : i32
      %dma_start3A_498 = tpu.memref_slice %dma_start3A_496[%dma_start3A_492, %dma_start3A_497] : memref<5x200xi32, #tpu.memory_space<vmem>> -> memref<1x200xi32, #tpu.memory_space<vmem>>
      %dma_start3A_499 = tpu.memref_squeeze %dma_start3A_498 : memref<1x200xi32, #tpu.memory_space<vmem>> -> memref<200xi32, #tpu.memory_space<vmem>>
      %dma_start3A_500 = arith.constant 0 : i32
      %dma_start3A_501 = arith.constant 0 : i32
      %dma_start3A_502 = tpu.memref_slice %arg11[%dma_start3A_500, %dma_start3A_501] : memref<10112x64xf32, #tpu.memory_space<vmem_shared>> -> memref<10112x64xf32, #tpu.memory_space<vmem_shared>>
      tpu.enqueue_indirect_dma source(%arg9 : memref<200x64xf32, #tpu.memory_space<vmem>>) target(%dma_start3A_502 : memref<10112x64xf32, #tpu.memory_space<vmem_shared>>) offsets(%dma_start3A_499 : memref<200xi32, #tpu.memory_space<vmem>>) semaphore(%arg16 : memref<!tpu.dma_semaphore, #tpu.memory_space<semaphore_mem>>) {add = true}
      %dma_wait3A_503 = arith.constant 0 : i32
      %dma_wait3A_504 = arith.constant 3 : i32
      %dma_wait3A_505 = arith.constant 0 : i32
      %dma_wait3A_506 = arith.constant 0 : i32
      %dma_wait3A_507 = tpu.memref_slice %arg8[%dma_wait3A_503, %dma_wait3A_505, %dma_wait3A_506] : memref<2x5x200xi32, #tpu.memory_space<vmem>> -> memref<1x5x200xi32, #tpu.memory_space<vmem>>
      %dma_wait3A_508 = tpu.memref_squeeze %dma_wait3A_507 : memref<1x5x200xi32, #tpu.memory_space<vmem>> -> memref<5x200xi32, #tpu.memory_space<vmem>>
      %dma_wait3A_509 = arith.constant 0 : i32
      %dma_wait3A_510 = tpu.memref_slice %dma_wait3A_508[%dma_wait3A_504, %dma_wait3A_509] : memref<5x200xi32, #tpu.memory_space<vmem>> -> memref<1x200xi32, #tpu.memory_space<vmem>>
      %dma_wait3A_511 = tpu.memref_squeeze %dma_wait3A_510 : memref<1x200xi32, #tpu.memory_space<vmem>> -> memref<200xi32, #tpu.memory_space<vmem>>
      %dma_wait3A_512 = arith.constant 0 : i32
      %dma_wait3A_513 = arith.constant 0 : i32
      %dma_wait3A_514 = tpu.memref_slice %arg4[%dma_wait3A_512, %dma_wait3A_513] : memref<10000x64xf32, #tpu.memory_space<hbm>> -> memref<10000x64xf32, #tpu.memory_space<hbm>>
      tpu.wait_indirect_dma semaphore(%arg15 : memref<!tpu.dma_semaphore, #tpu.memory_space<semaphore_mem>>) src(%dma_wait3A_514 : memref<10000x64xf32, #tpu.memory_space<hbm>>) dst(%arg10 : memref<200x64xf32, #tpu.memory_space<vmem>>)
      %dma_wait3A_515 = arith.constant 1 : i32
      %dma_wait3A_516 = arith.constant 2 : i32
      %dma_wait3A_517 = arith.constant 0 : i32
      %dma_wait3A_518 = arith.constant 0 : i32
      %dma_wait3A_519 = tpu.memref_slice %arg8[%dma_wait3A_515, %dma_wait3A_517, %dma_wait3A_518] : memref<2x5x200xi32, #tpu.memory_space<vmem>> -> memref<1x5x200xi32, #tpu.memory_space<vmem>>
      %dma_wait3A_520 = tpu.memref_squeeze %dma_wait3A_519 : memref<1x5x200xi32, #tpu.memory_space<vmem>> -> memref<5x200xi32, #tpu.memory_space<vmem>>
      %dma_wait3A_521 = arith.constant 0 : i32
      %dma_wait3A_522 = tpu.memref_slice %dma_wait3A_520[%dma_wait3A_516, %dma_wait3A_521] : memref<5x200xi32, #tpu.memory_space<vmem>> -> memref<1x200xi32, #tpu.memory_space<vmem>>
      %dma_wait3A_523 = tpu.memref_squeeze %dma_wait3A_522 : memref<1x200xi32, #tpu.memory_space<vmem>> -> memref<200xi32, #tpu.memory_space<vmem>>
      %dma_wait3A_524 = arith.constant 0 : i32
      %dma_wait3A_525 = arith.constant 0 : i32
      %dma_wait3A_526 = tpu.memref_slice %arg11[%dma_wait3A_524, %dma_wait3A_525] : memref<10112x64xf32, #tpu.memory_space<vmem_shared>> -> memref<10112x64xf32, #tpu.memory_space<vmem_shared>>
      tpu.wait_indirect_dma semaphore(%arg16 : memref<!tpu.dma_semaphore, #tpu.memory_space<semaphore_mem>>) src(%arg9 : memref<200x64xf32, #tpu.memory_space<vmem>>) dst(%dma_wait3A_526 : memref<10112x64xf32, #tpu.memory_space<vmem_shared>>)
      %dma_start3A_527 = arith.constant 0 : i32
      %dma_start3A_528 = arith.constant 4 : i32
      %dma_start3A_529 = arith.constant 0 : i32
      %dma_start3A_530 = arith.constant 0 : i32
      %dma_start3A_531 = tpu.memref_slice %arg8[%dma_start3A_527, %dma_start3A_529, %dma_start3A_530] : memref<2x5x200xi32, #tpu.memory_space<vmem>> -> memref<1x5x200xi32, #tpu.memory_space<vmem>>
      %dma_start3A_532 = tpu.memref_squeeze %dma_start3A_531 : memref<1x5x200xi32, #tpu.memory_space<vmem>> -> memref<5x200xi32, #tpu.memory_space<vmem>>
      %dma_start3A_533 = arith.constant 0 : i32
      %dma_start3A_534 = tpu.memref_slice %dma_start3A_532[%dma_start3A_528, %dma_start3A_533] : memref<5x200xi32, #tpu.memory_space<vmem>> -> memref<1x200xi32, #tpu.memory_space<vmem>>
      %dma_start3A_535 = tpu.memref_squeeze %dma_start3A_534 : memref<1x200xi32, #tpu.memory_space<vmem>> -> memref<200xi32, #tpu.memory_space<vmem>>
      %dma_start3A_536 = arith.constant 0 : i32
      %dma_start3A_537 = arith.constant 0 : i32
      %dma_start3A_538 = tpu.memref_slice %arg4[%dma_start3A_536, %dma_start3A_537] : memref<10000x64xf32, #tpu.memory_space<hbm>> -> memref<10000x64xf32, #tpu.memory_space<hbm>>
      tpu.enqueue_indirect_dma source(%dma_start3A_538 : memref<10000x64xf32, #tpu.memory_space<hbm>>) target(%arg9 : memref<200x64xf32, #tpu.memory_space<vmem>>) offsets(%dma_start3A_535 : memref<200xi32, #tpu.memory_space<vmem>>) semaphore(%arg14 : memref<!tpu.dma_semaphore, #tpu.memory_space<semaphore_mem>>)
      %dma_start3A_539 = arith.constant 1 : i32
      %dma_start3A_540 = arith.constant 3 : i32
      %dma_start3A_541 = arith.constant 0 : i32
      %dma_start3A_542 = arith.constant 0 : i32
      %dma_start3A_543 = tpu.memref_slice %arg8[%dma_start3A_539, %dma_start3A_541, %dma_start3A_542] : memref<2x5x200xi32, #tpu.memory_space<vmem>> -> memref<1x5x200xi32, #tpu.memory_space<vmem>>
      %dma_start3A_544 = tpu.memref_squeeze %dma_start3A_543 : memref<1x5x200xi32, #tpu.memory_space<vmem>> -> memref<5x200xi32, #tpu.memory_space<vmem>>
      %dma_start3A_545 = arith.constant 0 : i32
      %dma_start3A_546 = tpu.memref_slice %dma_start3A_544[%dma_start3A_540, %dma_start3A_545] : memref<5x200xi32, #tpu.memory_space<vmem>> -> memref<1x200xi32, #tpu.memory_space<vmem>>
      %dma_start3A_547 = tpu.memref_squeeze %dma_start3A_546 : memref<1x200xi32, #tpu.memory_space<vmem>> -> memref<200xi32, #tpu.memory_space<vmem>>
      %dma_start3A_548 = arith.constant 0 : i32
      %dma_start3A_549 = arith.constant 0 : i32
      %dma_start3A_550 = tpu.memref_slice %arg11[%dma_start3A_548, %dma_start3A_549] : memref<10112x64xf32, #tpu.memory_space<vmem_shared>> -> memref<10112x64xf32, #tpu.memory_space<vmem_shared>>
      tpu.enqueue_indirect_dma source(%arg10 : memref<200x64xf32, #tpu.memory_space<vmem>>) target(%dma_start3A_550 : memref<10112x64xf32, #tpu.memory_space<vmem_shared>>) offsets(%dma_start3A_547 : memref<200xi32, #tpu.memory_space<vmem>>) semaphore(%arg17 : memref<!tpu.dma_semaphore, #tpu.memory_space<semaphore_mem>>) {add = true}
      %dma_wait3A_551 = arith.constant 0 : i32
      %dma_wait3A_552 = arith.constant 4 : i32
      %dma_wait3A_553 = arith.constant 0 : i32
      %dma_wait3A_554 = arith.constant 0 : i32
      %dma_wait3A_555 = tpu.memref_slice %arg8[%dma_wait3A_551, %dma_wait3A_553, %dma_wait3A_554] : memref<2x5x200xi32, #tpu.memory_space<vmem>> -> memref<1x5x200xi32, #tpu.memory_space<vmem>>
      %dma_wait3A_556 = tpu.memref_squeeze %dma_wait3A_555 : memref<1x5x200xi32, #tpu.memory_space<vmem>> -> memref<5x200xi32, #tpu.memory_space<vmem>>
      %dma_wait3A_557 = arith.constant 0 : i32
      %dma_wait3A_558 = tpu.memref_slice %dma_wait3A_556[%dma_wait3A_552, %dma_wait3A_557] : memref<5x200xi32, #tpu.memory_space<vmem>> -> memref<1x200xi32, #tpu.memory_space<vmem>>
      %dma_wait3A_559 = tpu.memref_squeeze %dma_wait3A_558 : memref<1x200xi32, #tpu.memory_space<vmem>> -> memref<200xi32, #tpu.memory_space<vmem>>
      %dma_wait3A_560 = arith.constant 0 : i32
      %dma_wait3A_561 = arith.constant 0 : i32
      %dma_wait3A_562 = tpu.memref_slice %arg4[%dma_wait3A_560, %dma_wait3A_561] : memref<10000x64xf32, #tpu.memory_space<hbm>> -> memref<10000x64xf32, #tpu.memory_space<hbm>>
      tpu.wait_indirect_dma semaphore(%arg14 : memref<!tpu.dma_semaphore, #tpu.memory_space<semaphore_mem>>) src(%dma_wait3A_562 : memref<10000x64xf32, #tpu.memory_space<hbm>>) dst(%arg9 : memref<200x64xf32, #tpu.memory_space<vmem>>)
      %dma_start3A_563 = arith.constant 1 : i32
      %dma_start3A_564 = arith.constant 4 : i32
      %dma_start3A_565 = arith.constant 0 : i32
      %dma_start3A_566 = arith.constant 0 : i32
      %dma_start3A_567 = tpu.memref_slice %arg8[%dma_start3A_563, %dma_start3A_565, %dma_start3A_566] : memref<2x5x200xi32, #tpu.memory_space<vmem>> -> memref<1x5x200xi32, #tpu.memory_space<vmem>>
      %dma_start3A_568 = tpu.memref_squeeze %dma_start3A_567 : memref<1x5x200xi32, #tpu.memory_space<vmem>> -> memref<5x200xi32, #tpu.memory_space<vmem>>
      %dma_start3A_569 = arith.constant 0 : i32
      %dma_start3A_570 = tpu.memref_slice %dma_start3A_568[%dma_start3A_564, %dma_start3A_569] : memref<5x200xi32, #tpu.memory_space<vmem>> -> memref<1x200xi32, #tpu.memory_space<vmem>>
      %dma_start3A_571 = tpu.memref_squeeze %dma_start3A_570 : memref<1x200xi32, #tpu.memory_space<vmem>> -> memref<200xi32, #tpu.memory_space<vmem>>
      %dma_start3A_572 = arith.constant 0 : i32
      %dma_start3A_573 = arith.constant 0 : i32
      %dma_start3A_574 = tpu.memref_slice %arg11[%dma_start3A_572, %dma_start3A_573] : memref<10112x64xf32, #tpu.memory_space<vmem_shared>> -> memref<10112x64xf32, #tpu.memory_space<vmem_shared>>
      tpu.enqueue_indirect_dma source(%arg9 : memref<200x64xf32, #tpu.memory_space<vmem>>) target(%dma_start3A_574 : memref<10112x64xf32, #tpu.memory_space<vmem_shared>>) offsets(%dma_start3A_571 : memref<200xi32, #tpu.memory_space<vmem>>) semaphore(%arg16 : memref<!tpu.dma_semaphore, #tpu.memory_space<semaphore_mem>>) {add = true}
      %dma_wait3A_575 = arith.constant 1 : i32
      %dma_wait3A_576 = arith.constant 3 : i32
      %dma_wait3A_577 = arith.constant 0 : i32
      %dma_wait3A_578 = arith.constant 0 : i32
      %dma_wait3A_579 = tpu.memref_slice %arg8[%dma_wait3A_575, %dma_wait3A_577, %dma_wait3A_578] : memref<2x5x200xi32, #tpu.memory_space<vmem>> -> memref<1x5x200xi32, #tpu.memory_space<vmem>>
      %dma_wait3A_580 = tpu.memref_squeeze %dma_wait3A_579 : memref<1x5x200xi32, #tpu.memory_space<vmem>> -> memref<5x200xi32, #tpu.memory_space<vmem>>
      %dma_wait3A_581 = arith.constant 0 : i32
      %dma_wait3A_582 = tpu.memref_slice %dma_wait3A_580[%dma_wait3A_576, %dma_wait3A_581] : memref<5x200xi32, #tpu.memory_space<vmem>> -> memref<1x200xi32, #tpu.memory_space<vmem>>
      %dma_wait3A_583 = tpu.memref_squeeze %dma_wait3A_582 : memref<1x200xi32, #tpu.memory_space<vmem>> -> memref<200xi32, #tpu.memory_space<vmem>>
      %dma_wait3A_584 = arith.constant 0 : i32
      %dma_wait3A_585 = arith.constant 0 : i32
      %dma_wait3A_586 = tpu.memref_slice %arg11[%dma_wait3A_584, %dma_wait3A_585] : memref<10112x64xf32, #tpu.memory_space<vmem_shared>> -> memref<10112x64xf32, #tpu.memory_space<vmem_shared>>
      tpu.wait_indirect_dma semaphore(%arg17 : memref<!tpu.dma_semaphore, #tpu.memory_space<semaphore_mem>>) src(%arg10 : memref<200x64xf32, #tpu.memory_space<vmem>>) dst(%dma_wait3A_586 : memref<10112x64xf32, #tpu.memory_space<vmem_shared>>)
      %dma_wait3A_587 = arith.constant 1 : i32
      %dma_wait3A_588 = arith.constant 4 : i32
      %dma_wait3A_589 = arith.constant 0 : i32
      %dma_wait3A_590 = arith.constant 0 : i32
      %dma_wait3A_591 = tpu.memref_slice %arg8[%dma_wait3A_587, %dma_wait3A_589, %dma_wait3A_590] : memref<2x5x200xi32, #tpu.memory_space<vmem>> -> memref<1x5x200xi32, #tpu.memory_space<vmem>>
      %dma_wait3A_592 = tpu.memref_squeeze %dma_wait3A_591 : memref<1x5x200xi32, #tpu.memory_space<vmem>> -> memref<5x200xi32, #tpu.memory_space<vmem>>
      %dma_wait3A_593 = arith.constant 0 : i32
      %dma_wait3A_594 = tpu.memref_slice %dma_wait3A_592[%dma_wait3A_588, %dma_wait3A_593] : memref<5x200xi32, #tpu.memory_space<vmem>> -> memref<1x200xi32, #tpu.memory_space<vmem>>
      %dma_wait3A_595 = tpu.memref_squeeze %dma_wait3A_594 : memref<1x200xi32, #tpu.memory_space<vmem>> -> memref<200xi32, #tpu.memory_space<vmem>>
      %dma_wait3A_596 = arith.constant 0 : i32
      %dma_wait3A_597 = arith.constant 0 : i32
      %dma_wait3A_598 = tpu.memref_slice %arg11[%dma_wait3A_596, %dma_wait3A_597] : memref<10112x64xf32, #tpu.memory_space<vmem_shared>> -> memref<10112x64xf32, #tpu.memory_space<vmem_shared>>
      tpu.wait_indirect_dma semaphore(%arg16 : memref<!tpu.dma_semaphore, #tpu.memory_space<semaphore_mem>>) src(%arg9 : memref<200x64xf32, #tpu.memory_space<vmem>>) dst(%dma_wait3A_598 : memref<10112x64xf32, #tpu.memory_space<vmem_shared>>)
      %scan3A_599 = arith.constant 0 : i32
      scf.yield %scan3A_599 : i32
    }
    %scan3A_48 = arith.constant 5 : i32
    %dma_wait3A_49 = arith.constant 9 : i32
    %dma_wait3A_50 = arith.constant 0 : i32
    %dma_wait3A_51 = arith.constant 0 : i32
    %dma_wait3A_52 = arith.constant 0 : i32
    %dma_wait3A_53 = tpu.memref_slice %arg5[%add3A, %dma_wait3A_49, %dma_wait3A_50, %dma_wait3A_51, %dma_wait3A_52] : memref<32x10x2x5x200xi32, #tpu.memory_space<hbm>> -> memref<1x1x2x5x200xi32, #tpu.memory_space<hbm>>
    %dma_wait3A_54 = tpu.memref_squeeze %dma_wait3A_53 : memref<1x1x2x5x200xi32, #tpu.memory_space<hbm>> -> memref<2x5x200xi32, #tpu.memory_space<hbm>>
    %dma_wait3A_55 = arith.constant 0 : i32
    %dma_wait3A_56 = arith.constant 0 : i32
    %dma_wait3A_57 = arith.constant 0 : i32
    %dma_wait3A_58 = tpu.memref_slice %arg5[%add3A, %dma_wait3A_49, %dma_wait3A_55, %dma_wait3A_56, %dma_wait3A_57] : memref<32x10x2x5x200xi32, #tpu.memory_space<hbm>> -> memref<1x1x2x5x200xi32, #tpu.memory_space<hbm>>
    %dma_wait3A_59 = tpu.memref_squeeze %dma_wait3A_58 : memref<1x1x2x5x200xi32, #tpu.memory_space<hbm>> -> memref<2x5x200xi32, #tpu.memory_space<hbm>>
    tpu.wait_dma2 semaphore(%arg12 : memref<!tpu.dma_semaphore, #tpu.memory_space<semaphore_mem>>) src(%dma_wait3A_59 : memref<2x5x200xi32, #tpu.memory_space<hbm>>) dst(%arg7 : memref<2x5x200xi32, #tpu.memory_space<vmem>>)
    %barrier3A_60 = arith.constant 0 : index
    tpu.barrier barrier_id(%barrier3A_60)
    %run_scoped3A_61 = arith.constant 1 : i32
    "tpu.region"() ({
      %run_scoped3A_62 = tpu.sem_alloc : memref<!tpu.dma_semaphore, #tpu.memory_space<semaphore_mem>>
      %dma_start3A_63 = arith.constant 0 : i32
      %dma_start3A_64 = tpu.memref_slice %arg6[%arg0, %run_scoped3A_61, %mul3A_2, %dma_start3A_63] : memref<2x2x10112x64xf32, #tpu.memory_space<hbm>> -> memref<1x1x632x64xf32, #tpu.memory_space<hbm>>
      %dma_start3A_65 = tpu.memref_squeeze %dma_start3A_64 : memref<1x1x632x64xf32, #tpu.memory_space<hbm>> -> memref<632x64xf32, #tpu.memory_space<hbm>>
      %dma_start3A_66 = arith.constant 0 : i32
      %dma_start3A_67 = tpu.memref_slice %arg11[%mul3A_2, %dma_start3A_66] : memref<10112x64xf32, #tpu.memory_space<vmem_shared>> -> memref<632x64xf32, #tpu.memory_space<vmem_shared>>
      tpu.enqueue_dma source(%dma_start3A_67 : memref<632x64xf32, #tpu.memory_space<vmem_shared>>) target(%dma_start3A_65 : memref<632x64xf32, #tpu.memory_space<hbm>>) target_semaphore(%run_scoped3A_62 : memref<!tpu.dma_semaphore, #tpu.memory_space<semaphore_mem>>)
      %dma_wait3A_68 = arith.constant 0 : i32
      %dma_wait3A_69 = tpu.memref_slice %arg6[%arg0, %run_scoped3A_61, %mul3A_2, %dma_wait3A_68] : memref<2x2x10112x64xf32, #tpu.memory_space<hbm>> -> memref<1x1x632x64xf32, #tpu.memory_space<hbm>>
      %dma_wait3A_70 = tpu.memref_squeeze %dma_wait3A_69 : memref<1x1x632x64xf32, #tpu.memory_space<hbm>> -> memref<632x64xf32, #tpu.memory_space<hbm>>
      %dma_wait3A_71 = arith.constant 0 : i32
      %dma_wait3A_72 = tpu.memref_slice %arg11[%mul3A_2, %dma_wait3A_71] : memref<10112x64xf32, #tpu.memory_space<vmem_shared>> -> memref<632x64xf32, #tpu.memory_space<vmem_shared>>
      tpu.wait_dma2 semaphore(%run_scoped3A_62 : memref<!tpu.dma_semaphore, #tpu.memory_space<semaphore_mem>>) src(%dma_wait3A_72 : memref<632x64xf32, #tpu.memory_space<vmem_shared>>) dst(%dma_wait3A_70 : memref<632x64xf32, #tpu.memory_space<hbm>>)
      tpu.yield
    }) : () -> ()
    return
  }
}

#map = affine_map<(d0, d1) -> (0, 0)>
#map1 = affine_map<(d0, d1) -> (0, 0, 0, 0, 0)>
#map2 = affine_map<(d0, d1) -> (0, 0, 0, 0)>
module attributes {stable_mosaic.version = 14 : i64} {
  func.func @_seg_body(%arg0: i32, %arg1: i32, %arg2: memref<10112x40xf32, #tpu.memory_space<hbm>>, %arg3: memref<10000x40xf32, #tpu.memory_space<hbm>>, %arg4: memref<32x10x2x5x200xi32, #tpu.memory_space<hbm>>, %arg5: memref<2x1x10112x40xf32, #tpu.memory_space<hbm>>, %arg6: memref<2x5x200xi32, #tpu.memory_space<vmem>>, %arg7: memref<2x5x200xi32, #tpu.memory_space<vmem>>, %arg8: memref<200x40xf32, #tpu.memory_space<vmem>>, %arg9: memref<200x40xf32, #tpu.memory_space<vmem>>, %arg10: memref<10112x40xf32, #tpu.memory_space<vmem_shared>>, %arg11: memref<!tpu.dma_semaphore, #tpu.memory_space<semaphore_mem>>, %arg12: memref<!tpu.dma_semaphore, #tpu.memory_space<semaphore_mem>>, %arg13: memref<!tpu.dma_semaphore, #tpu.memory_space<semaphore_mem>>, %arg14: memref<!tpu.dma_semaphore, #tpu.memory_space<semaphore_mem>>, %arg15: memref<!tpu.dma_semaphore, #tpu.memory_space<semaphore_mem>>, %arg16: memref<!tpu.dma_semaphore, #tpu.memory_space<semaphore_mem>>) attributes {dimension_semantics = [#tpu.dimension_semantics<core_parallel>, #tpu.dimension_semantics<subcore_parallel>], iteration_bounds = array<i64: 2, 16>, scalar_prefetch = 0 : i64, scratch_operands = 11 : i64, tpu.core_type = #tpu.core_type<sc_vector_subcore>, window_params = [{transform_indices = #map}, {transform_indices = #map}, {transform_indices = #map1}, {transform_indices = #map2}]} {
    %mul3A = arith.constant 2 : i32
    %mul3A_0 = arith.muli %arg1, %mul3A : i32
    %add3A = arith.addi %mul3A_0, %arg0 : i32
    %mul3A_1 = arith.constant 632 : i32
    %mul3A_2 = arith.muli %arg1, %mul3A_1 : i32
    "tpu.region"() ({
      %run_scoped3A_30 = tpu.sem_alloc : memref<!tpu.dma_semaphore, #tpu.memory_space<semaphore_mem>>
      %dma_start3A_31 = arith.constant 0 : i32
      %dma_start3A_32 = tpu.memref_slice %arg10[%mul3A_2, %dma_start3A_31] : memref<10112x40xf32, #tpu.memory_space<vmem_shared>> -> memref<632x40xf32, #tpu.memory_space<vmem_shared>>
      %dma_start3A_33 = arith.constant 0 : i32
      %dma_start3A_34 = tpu.memref_slice %arg2[%mul3A_2, %dma_start3A_33] : memref<10112x40xf32, #tpu.memory_space<hbm>> -> memref<632x40xf32, #tpu.memory_space<hbm>>
      tpu.enqueue_dma source(%dma_start3A_34 : memref<632x40xf32, #tpu.memory_space<hbm>>) target(%dma_start3A_32 : memref<632x40xf32, #tpu.memory_space<vmem_shared>>) target_semaphore(%run_scoped3A_30 : memref<!tpu.dma_semaphore, #tpu.memory_space<semaphore_mem>>)
      %dma_wait3A_35 = arith.constant 0 : i32
      %dma_wait3A_36 = tpu.memref_slice %arg10[%mul3A_2, %dma_wait3A_35] : memref<10112x40xf32, #tpu.memory_space<vmem_shared>> -> memref<632x40xf32, #tpu.memory_space<vmem_shared>>
      %dma_wait3A_37 = arith.constant 0 : i32
      %dma_wait3A_38 = tpu.memref_slice %arg2[%mul3A_2, %dma_wait3A_37] : memref<10112x40xf32, #tpu.memory_space<hbm>> -> memref<632x40xf32, #tpu.memory_space<hbm>>
      tpu.wait_dma2 semaphore(%run_scoped3A_30 : memref<!tpu.dma_semaphore, #tpu.memory_space<semaphore_mem>>) src(%dma_wait3A_38 : memref<632x40xf32, #tpu.memory_space<hbm>>) dst(%dma_wait3A_36 : memref<632x40xf32, #tpu.memory_space<vmem_shared>>)
      tpu.yield
    }) : () -> ()
    %barrier3A = arith.constant 0 : index
    tpu.barrier barrier_id(%barrier3A)
    %dma_start3A = arith.constant 0 : i32
    %dma_start3A_3 = arith.constant 0 : i32
    %dma_start3A_4 = arith.constant 0 : i32
    %dma_start3A_5 = arith.constant 0 : i32
    %dma_start3A_6 = tpu.memref_slice %arg4[%add3A, %dma_start3A, %dma_start3A_3, %dma_start3A_4, %dma_start3A_5] : memref<32x10x2x5x200xi32, #tpu.memory_space<hbm>> -> memref<1x1x2x5x200xi32, #tpu.memory_space<hbm>>
    %dma_start3A_7 = tpu.memref_squeeze %dma_start3A_6 : memref<1x1x2x5x200xi32, #tpu.memory_space<hbm>> -> memref<2x5x200xi32, #tpu.memory_space<hbm>>
    %dma_start3A_8 = arith.constant 0 : i32
    %dma_start3A_9 = arith.constant 0 : i32
    %dma_start3A_10 = arith.constant 0 : i32
    %dma_start3A_11 = tpu.memref_slice %arg4[%add3A, %dma_start3A, %dma_start3A_8, %dma_start3A_9, %dma_start3A_10] : memref<32x10x2x5x200xi32, #tpu.memory_space<hbm>> -> memref<1x1x2x5x200xi32, #tpu.memory_space<hbm>>
    %dma_start3A_12 = tpu.memref_squeeze %dma_start3A_11 : memref<1x1x2x5x200xi32, #tpu.memory_space<hbm>> -> memref<2x5x200xi32, #tpu.memory_space<hbm>>
    tpu.enqueue_dma source(%dma_start3A_12 : memref<2x5x200xi32, #tpu.memory_space<hbm>>) target(%arg6 : memref<2x5x200xi32, #tpu.memory_space<vmem>>) target_semaphore(%arg11 : memref<!tpu.dma_semaphore, #tpu.memory_space<semaphore_mem>>)
    %scan3A = arith.constant 0 : i32
    %scan3A_13 = arith.constant 0 : i32
    %scan3A_14 = arith.constant 5 : i32
    %scan3A_15 = arith.addi %scan3A_13, %scan3A_14 : i32
    %scan3A_16 = arith.constant 1 : i32
    %scan3A_17 = scf.for %scan3A_30 = %scan3A_13 to %scan3A_15 step %scan3A_16 iter_args(%scan3A_31 = %scan3A) -> (i32)  : i32 {
      %mul3A_32 = arith.constant 2 : i32
      %mul3A_33 = arith.muli %mul3A_32, %scan3A_30 : i32
      %add3A_34 = arith.constant 0 : i32
      %add3A_35 = arith.addi %mul3A_33, %add3A_34 : i32
      %dma_wait3A_36 = arith.constant 0 : i32
      %dma_wait3A_37 = arith.constant 0 : i32
      %dma_wait3A_38 = arith.constant 0 : i32
      %dma_wait3A_39 = tpu.memref_slice %arg4[%add3A, %add3A_35, %dma_wait3A_36, %dma_wait3A_37, %dma_wait3A_38] : memref<32x10x2x5x200xi32, #tpu.memory_space<hbm>> -> memref<1x1x2x5x200xi32, #tpu.memory_space<hbm>>
      %dma_wait3A_40 = tpu.memref_squeeze %dma_wait3A_39 : memref<1x1x2x5x200xi32, #tpu.memory_space<hbm>> -> memref<2x5x200xi32, #tpu.memory_space<hbm>>
      %dma_wait3A_41 = arith.constant 0 : i32
      %dma_wait3A_42 = arith.constant 0 : i32
      %dma_wait3A_43 = arith.constant 0 : i32
      %dma_wait3A_44 = tpu.memref_slice %arg4[%add3A, %add3A_35, %dma_wait3A_41, %dma_wait3A_42, %dma_wait3A_43] : memref<32x10x2x5x200xi32, #tpu.memory_space<hbm>> -> memref<1x1x2x5x200xi32, #tpu.memory_space<hbm>>
      %dma_wait3A_45 = tpu.memref_squeeze %dma_wait3A_44 : memref<1x1x2x5x200xi32, #tpu.memory_space<hbm>> -> memref<2x5x200xi32, #tpu.memory_space<hbm>>
      tpu.wait_dma2 semaphore(%arg11 : memref<!tpu.dma_semaphore, #tpu.memory_space<semaphore_mem>>) src(%dma_wait3A_45 : memref<2x5x200xi32, #tpu.memory_space<hbm>>) dst(%arg6 : memref<2x5x200xi32, #tpu.memory_space<vmem>>)
      %add3A_46 = arith.constant 1 : i32
      %add3A_47 = arith.addi %add3A_35, %add3A_46 : i32
      %min3A = arith.constant 9 : i32
      %min3A_48 = arith.minsi %add3A_47, %min3A : i32
      %dma_start3A_49 = arith.constant 0 : i32
      %dma_start3A_50 = arith.constant 0 : i32
      %dma_start3A_51 = arith.constant 0 : i32
      %dma_start3A_52 = tpu.memref_slice %arg4[%add3A, %min3A_48, %dma_start3A_49, %dma_start3A_50, %dma_start3A_51] : memref<32x10x2x5x200xi32, #tpu.memory_space<hbm>> -> memref<1x1x2x5x200xi32, #tpu.memory_space<hbm>>
      %dma_start3A_53 = tpu.memref_squeeze %dma_start3A_52 : memref<1x1x2x5x200xi32, #tpu.memory_space<hbm>> -> memref<2x5x200xi32, #tpu.memory_space<hbm>>
      %dma_start3A_54 = arith.constant 0 : i32
      %dma_start3A_55 = arith.constant 0 : i32
      %dma_start3A_56 = arith.constant 0 : i32
      %dma_start3A_57 = tpu.memref_slice %arg4[%add3A, %min3A_48, %dma_start3A_54, %dma_start3A_55, %dma_start3A_56] : memref<32x10x2x5x200xi32, #tpu.memory_space<hbm>> -> memref<1x1x2x5x200xi32, #tpu.memory_space<hbm>>
      %dma_start3A_58 = tpu.memref_squeeze %dma_start3A_57 : memref<1x1x2x5x200xi32, #tpu.memory_space<hbm>> -> memref<2x5x200xi32, #tpu.memory_space<hbm>>
      tpu.enqueue_dma source(%dma_start3A_58 : memref<2x5x200xi32, #tpu.memory_space<hbm>>) target(%arg7 : memref<2x5x200xi32, #tpu.memory_space<vmem>>) target_semaphore(%arg12 : memref<!tpu.dma_semaphore, #tpu.memory_space<semaphore_mem>>)
      %dma_start3A_59 = arith.constant 0 : i32
      %dma_start3A_60 = arith.constant 0 : i32
      %dma_start3A_61 = arith.constant 0 : i32
      %dma_start3A_62 = arith.constant 0 : i32
      %dma_start3A_63 = tpu.memref_slice %arg6[%dma_start3A_59, %dma_start3A_61, %dma_start3A_62] : memref<2x5x200xi32, #tpu.memory_space<vmem>> -> memref<1x5x200xi32, #tpu.memory_space<vmem>>
      %dma_start3A_64 = tpu.memref_squeeze %dma_start3A_63 : memref<1x5x200xi32, #tpu.memory_space<vmem>> -> memref<5x200xi32, #tpu.memory_space<vmem>>
      %dma_start3A_65 = arith.constant 0 : i32
      %dma_start3A_66 = tpu.memref_slice %dma_start3A_64[%dma_start3A_60, %dma_start3A_65] : memref<5x200xi32, #tpu.memory_space<vmem>> -> memref<1x200xi32, #tpu.memory_space<vmem>>
      %dma_start3A_67 = tpu.memref_squeeze %dma_start3A_66 : memref<1x200xi32, #tpu.memory_space<vmem>> -> memref<200xi32, #tpu.memory_space<vmem>>
      %dma_start3A_68 = arith.constant 0 : i32
      %dma_start3A_69 = arith.constant 0 : i32
      %dma_start3A_70 = tpu.memref_slice %arg3[%dma_start3A_68, %dma_start3A_69] : memref<10000x40xf32, #tpu.memory_space<hbm>> -> memref<10000x40xf32, #tpu.memory_space<hbm>>
      tpu.enqueue_indirect_dma source(%dma_start3A_70 : memref<10000x40xf32, #tpu.memory_space<hbm>>) target(%arg8 : memref<200x40xf32, #tpu.memory_space<vmem>>) offsets(%dma_start3A_67 : memref<200xi32, #tpu.memory_space<vmem>>) semaphore(%arg13 : memref<!tpu.dma_semaphore, #tpu.memory_space<semaphore_mem>>)
      %dma_wait3A_71 = arith.constant 0 : i32
      %dma_wait3A_72 = arith.constant 0 : i32
      %dma_wait3A_73 = arith.constant 0 : i32
      %dma_wait3A_74 = arith.constant 0 : i32
      %dma_wait3A_75 = tpu.memref_slice %arg6[%dma_wait3A_71, %dma_wait3A_73, %dma_wait3A_74] : memref<2x5x200xi32, #tpu.memory_space<vmem>> -> memref<1x5x200xi32, #tpu.memory_space<vmem>>
      %dma_wait3A_76 = tpu.memref_squeeze %dma_wait3A_75 : memref<1x5x200xi32, #tpu.memory_space<vmem>> -> memref<5x200xi32, #tpu.memory_space<vmem>>
      %dma_wait3A_77 = arith.constant 0 : i32
      %dma_wait3A_78 = tpu.memref_slice %dma_wait3A_76[%dma_wait3A_72, %dma_wait3A_77] : memref<5x200xi32, #tpu.memory_space<vmem>> -> memref<1x200xi32, #tpu.memory_space<vmem>>
      %dma_wait3A_79 = tpu.memref_squeeze %dma_wait3A_78 : memref<1x200xi32, #tpu.memory_space<vmem>> -> memref<200xi32, #tpu.memory_space<vmem>>
      %dma_wait3A_80 = arith.constant 0 : i32
      %dma_wait3A_81 = arith.constant 0 : i32
      %dma_wait3A_82 = tpu.memref_slice %arg3[%dma_wait3A_80, %dma_wait3A_81] : memref<10000x40xf32, #tpu.memory_space<hbm>> -> memref<10000x40xf32, #tpu.memory_space<hbm>>
      tpu.wait_indirect_dma semaphore(%arg13 : memref<!tpu.dma_semaphore, #tpu.memory_space<semaphore_mem>>) src(%dma_wait3A_82 : memref<10000x40xf32, #tpu.memory_space<hbm>>) dst(%arg8 : memref<200x40xf32, #tpu.memory_space<vmem>>)
      %dma_start3A_83 = arith.constant 0 : i32
      %dma_start3A_84 = arith.constant 1 : i32
      %dma_start3A_85 = arith.constant 0 : i32
      %dma_start3A_86 = arith.constant 0 : i32
      %dma_start3A_87 = tpu.memref_slice %arg6[%dma_start3A_83, %dma_start3A_85, %dma_start3A_86] : memref<2x5x200xi32, #tpu.memory_space<vmem>> -> memref<1x5x200xi32, #tpu.memory_space<vmem>>
      %dma_start3A_88 = tpu.memref_squeeze %dma_start3A_87 : memref<1x5x200xi32, #tpu.memory_space<vmem>> -> memref<5x200xi32, #tpu.memory_space<vmem>>
      %dma_start3A_89 = arith.constant 0 : i32
      %dma_start3A_90 = tpu.memref_slice %dma_start3A_88[%dma_start3A_84, %dma_start3A_89] : memref<5x200xi32, #tpu.memory_space<vmem>> -> memref<1x200xi32, #tpu.memory_space<vmem>>
      %dma_start3A_91 = tpu.memref_squeeze %dma_start3A_90 : memref<1x200xi32, #tpu.memory_space<vmem>> -> memref<200xi32, #tpu.memory_space<vmem>>
      %dma_start3A_92 = arith.constant 0 : i32
      %dma_start3A_93 = arith.constant 0 : i32
      %dma_start3A_94 = tpu.memref_slice %arg3[%dma_start3A_92, %dma_start3A_93] : memref<10000x40xf32, #tpu.memory_space<hbm>> -> memref<10000x40xf32, #tpu.memory_space<hbm>>
      tpu.enqueue_indirect_dma source(%dma_start3A_94 : memref<10000x40xf32, #tpu.memory_space<hbm>>) target(%arg9 : memref<200x40xf32, #tpu.memory_space<vmem>>) offsets(%dma_start3A_91 : memref<200xi32, #tpu.memory_space<vmem>>) semaphore(%arg14 : memref<!tpu.dma_semaphore, #tpu.memory_space<semaphore_mem>>)
      %dma_start3A_95 = arith.constant 1 : i32
      %dma_start3A_96 = arith.constant 0 : i32
      %dma_start3A_97 = arith.constant 0 : i32
      %dma_start3A_98 = arith.constant 0 : i32
      %dma_start3A_99 = tpu.memref_slice %arg6[%dma_start3A_95, %dma_start3A_97, %dma_start3A_98] : memref<2x5x200xi32, #tpu.memory_space<vmem>> -> memref<1x5x200xi32, #tpu.memory_space<vmem>>
      %dma_start3A_100 = tpu.memref_squeeze %dma_start3A_99 : memref<1x5x200xi32, #tpu.memory_space<vmem>> -> memref<5x200xi32, #tpu.memory_space<vmem>>
      %dma_start3A_101 = arith.constant 0 : i32
      %dma_start3A_102 = tpu.memref_slice %dma_start3A_100[%dma_start3A_96, %dma_start3A_101] : memref<5x200xi32, #tpu.memory_space<vmem>> -> memref<1x200xi32, #tpu.memory_space<vmem>>
      %dma_start3A_103 = tpu.memref_squeeze %dma_start3A_102 : memref<1x200xi32, #tpu.memory_space<vmem>> -> memref<200xi32, #tpu.memory_space<vmem>>
      %dma_start3A_104 = arith.constant 0 : i32
      %dma_start3A_105 = arith.constant 0 : i32
      %dma_start3A_106 = tpu.memref_slice %arg10[%dma_start3A_104, %dma_start3A_105] : memref<10112x40xf32, #tpu.memory_space<vmem_shared>> -> memref<10112x40xf32, #tpu.memory_space<vmem_shared>>
      tpu.enqueue_indirect_dma source(%arg8 : memref<200x40xf32, #tpu.memory_space<vmem>>) target(%dma_start3A_106 : memref<10112x40xf32, #tpu.memory_space<vmem_shared>>) offsets(%dma_start3A_103 : memref<200xi32, #tpu.memory_space<vmem>>) semaphore(%arg15 : memref<!tpu.dma_semaphore, #tpu.memory_space<semaphore_mem>>) {add = true}
      %dma_wait3A_107 = arith.constant 0 : i32
      %dma_wait3A_108 = arith.constant 1 : i32
      %dma_wait3A_109 = arith.constant 0 : i32
      %dma_wait3A_110 = arith.constant 0 : i32
      %dma_wait3A_111 = tpu.memref_slice %arg6[%dma_wait3A_107, %dma_wait3A_109, %dma_wait3A_110] : memref<2x5x200xi32, #tpu.memory_space<vmem>> -> memref<1x5x200xi32, #tpu.memory_space<vmem>>
      %dma_wait3A_112 = tpu.memref_squeeze %dma_wait3A_111 : memref<1x5x200xi32, #tpu.memory_space<vmem>> -> memref<5x200xi32, #tpu.memory_space<vmem>>
      %dma_wait3A_113 = arith.constant 0 : i32
      %dma_wait3A_114 = tpu.memref_slice %dma_wait3A_112[%dma_wait3A_108, %dma_wait3A_113] : memref<5x200xi32, #tpu.memory_space<vmem>> -> memref<1x200xi32, #tpu.memory_space<vmem>>
      %dma_wait3A_115 = tpu.memref_squeeze %dma_wait3A_114 : memref<1x200xi32, #tpu.memory_space<vmem>> -> memref<200xi32, #tpu.memory_space<vmem>>
      %dma_wait3A_116 = arith.constant 0 : i32
      %dma_wait3A_117 = arith.constant 0 : i32
      %dma_wait3A_118 = tpu.memref_slice %arg3[%dma_wait3A_116, %dma_wait3A_117] : memref<10000x40xf32, #tpu.memory_space<hbm>> -> memref<10000x40xf32, #tpu.memory_space<hbm>>
      tpu.wait_indirect_dma semaphore(%arg14 : memref<!tpu.dma_semaphore, #tpu.memory_space<semaphore_mem>>) src(%dma_wait3A_118 : memref<10000x40xf32, #tpu.memory_space<hbm>>) dst(%arg9 : memref<200x40xf32, #tpu.memory_space<vmem>>)
      %dma_wait3A_119 = arith.constant 1 : i32
      %dma_wait3A_120 = arith.constant 0 : i32
      %dma_wait3A_121 = arith.constant 0 : i32
      %dma_wait3A_122 = arith.constant 0 : i32
      %dma_wait3A_123 = tpu.memref_slice %arg6[%dma_wait3A_119, %dma_wait3A_121, %dma_wait3A_122] : memref<2x5x200xi32, #tpu.memory_space<vmem>> -> memref<1x5x200xi32, #tpu.memory_space<vmem>>
      %dma_wait3A_124 = tpu.memref_squeeze %dma_wait3A_123 : memref<1x5x200xi32, #tpu.memory_space<vmem>> -> memref<5x200xi32, #tpu.memory_space<vmem>>
      %dma_wait3A_125 = arith.constant 0 : i32
      %dma_wait3A_126 = tpu.memref_slice %dma_wait3A_124[%dma_wait3A_120, %dma_wait3A_125] : memref<5x200xi32, #tpu.memory_space<vmem>> -> memref<1x200xi32, #tpu.memory_space<vmem>>
      %dma_wait3A_127 = tpu.memref_squeeze %dma_wait3A_126 : memref<1x200xi32, #tpu.memory_space<vmem>> -> memref<200xi32, #tpu.memory_space<vmem>>
      %dma_wait3A_128 = arith.constant 0 : i32
      %dma_wait3A_129 = arith.constant 0 : i32
      %dma_wait3A_130 = tpu.memref_slice %arg10[%dma_wait3A_128, %dma_wait3A_129] : memref<10112x40xf32, #tpu.memory_space<vmem_shared>> -> memref<10112x40xf32, #tpu.memory_space<vmem_shared>>
      tpu.wait_indirect_dma semaphore(%arg15 : memref<!tpu.dma_semaphore, #tpu.memory_space<semaphore_mem>>) src(%arg8 : memref<200x40xf32, #tpu.memory_space<vmem>>) dst(%dma_wait3A_130 : memref<10112x40xf32, #tpu.memory_space<vmem_shared>>)
      %dma_start3A_131 = arith.constant 0 : i32
      %dma_start3A_132 = arith.constant 2 : i32
      %dma_start3A_133 = arith.constant 0 : i32
      %dma_start3A_134 = arith.constant 0 : i32
      %dma_start3A_135 = tpu.memref_slice %arg6[%dma_start3A_131, %dma_start3A_133, %dma_start3A_134] : memref<2x5x200xi32, #tpu.memory_space<vmem>> -> memref<1x5x200xi32, #tpu.memory_space<vmem>>
      %dma_start3A_136 = tpu.memref_squeeze %dma_start3A_135 : memref<1x5x200xi32, #tpu.memory_space<vmem>> -> memref<5x200xi32, #tpu.memory_space<vmem>>
      %dma_start3A_137 = arith.constant 0 : i32
      %dma_start3A_138 = tpu.memref_slice %dma_start3A_136[%dma_start3A_132, %dma_start3A_137] : memref<5x200xi32, #tpu.memory_space<vmem>> -> memref<1x200xi32, #tpu.memory_space<vmem>>
      %dma_start3A_139 = tpu.memref_squeeze %dma_start3A_138 : memref<1x200xi32, #tpu.memory_space<vmem>> -> memref<200xi32, #tpu.memory_space<vmem>>
      %dma_start3A_140 = arith.constant 0 : i32
      %dma_start3A_141 = arith.constant 0 : i32
      %dma_start3A_142 = tpu.memref_slice %arg3[%dma_start3A_140, %dma_start3A_141] : memref<10000x40xf32, #tpu.memory_space<hbm>> -> memref<10000x40xf32, #tpu.memory_space<hbm>>
      tpu.enqueue_indirect_dma source(%dma_start3A_142 : memref<10000x40xf32, #tpu.memory_space<hbm>>) target(%arg8 : memref<200x40xf32, #tpu.memory_space<vmem>>) offsets(%dma_start3A_139 : memref<200xi32, #tpu.memory_space<vmem>>) semaphore(%arg13 : memref<!tpu.dma_semaphore, #tpu.memory_space<semaphore_mem>>)
      %dma_start3A_143 = arith.constant 1 : i32
      %dma_start3A_144 = arith.constant 1 : i32
      %dma_start3A_145 = arith.constant 0 : i32
      %dma_start3A_146 = arith.constant 0 : i32
      %dma_start3A_147 = tpu.memref_slice %arg6[%dma_start3A_143, %dma_start3A_145, %dma_start3A_146] : memref<2x5x200xi32, #tpu.memory_space<vmem>> -> memref<1x5x200xi32, #tpu.memory_space<vmem>>
      %dma_start3A_148 = tpu.memref_squeeze %dma_start3A_147 : memref<1x5x200xi32, #tpu.memory_space<vmem>> -> memref<5x200xi32, #tpu.memory_space<vmem>>
      %dma_start3A_149 = arith.constant 0 : i32
      %dma_start3A_150 = tpu.memref_slice %dma_start3A_148[%dma_start3A_144, %dma_start3A_149] : memref<5x200xi32, #tpu.memory_space<vmem>> -> memref<1x200xi32, #tpu.memory_space<vmem>>
      %dma_start3A_151 = tpu.memref_squeeze %dma_start3A_150 : memref<1x200xi32, #tpu.memory_space<vmem>> -> memref<200xi32, #tpu.memory_space<vmem>>
      %dma_start3A_152 = arith.constant 0 : i32
      %dma_start3A_153 = arith.constant 0 : i32
      %dma_start3A_154 = tpu.memref_slice %arg10[%dma_start3A_152, %dma_start3A_153] : memref<10112x40xf32, #tpu.memory_space<vmem_shared>> -> memref<10112x40xf32, #tpu.memory_space<vmem_shared>>
      tpu.enqueue_indirect_dma source(%arg9 : memref<200x40xf32, #tpu.memory_space<vmem>>) target(%dma_start3A_154 : memref<10112x40xf32, #tpu.memory_space<vmem_shared>>) offsets(%dma_start3A_151 : memref<200xi32, #tpu.memory_space<vmem>>) semaphore(%arg16 : memref<!tpu.dma_semaphore, #tpu.memory_space<semaphore_mem>>) {add = true}
      %dma_wait3A_155 = arith.constant 0 : i32
      %dma_wait3A_156 = arith.constant 2 : i32
      %dma_wait3A_157 = arith.constant 0 : i32
      %dma_wait3A_158 = arith.constant 0 : i32
      %dma_wait3A_159 = tpu.memref_slice %arg6[%dma_wait3A_155, %dma_wait3A_157, %dma_wait3A_158] : memref<2x5x200xi32, #tpu.memory_space<vmem>> -> memref<1x5x200xi32, #tpu.memory_space<vmem>>
      %dma_wait3A_160 = tpu.memref_squeeze %dma_wait3A_159 : memref<1x5x200xi32, #tpu.memory_space<vmem>> -> memref<5x200xi32, #tpu.memory_space<vmem>>
      %dma_wait3A_161 = arith.constant 0 : i32
      %dma_wait3A_162 = tpu.memref_slice %dma_wait3A_160[%dma_wait3A_156, %dma_wait3A_161] : memref<5x200xi32, #tpu.memory_space<vmem>> -> memref<1x200xi32, #tpu.memory_space<vmem>>
      %dma_wait3A_163 = tpu.memref_squeeze %dma_wait3A_162 : memref<1x200xi32, #tpu.memory_space<vmem>> -> memref<200xi32, #tpu.memory_space<vmem>>
      %dma_wait3A_164 = arith.constant 0 : i32
      %dma_wait3A_165 = arith.constant 0 : i32
      %dma_wait3A_166 = tpu.memref_slice %arg3[%dma_wait3A_164, %dma_wait3A_165] : memref<10000x40xf32, #tpu.memory_space<hbm>> -> memref<10000x40xf32, #tpu.memory_space<hbm>>
      tpu.wait_indirect_dma semaphore(%arg13 : memref<!tpu.dma_semaphore, #tpu.memory_space<semaphore_mem>>) src(%dma_wait3A_166 : memref<10000x40xf32, #tpu.memory_space<hbm>>) dst(%arg8 : memref<200x40xf32, #tpu.memory_space<vmem>>)
      %dma_wait3A_167 = arith.constant 1 : i32
      %dma_wait3A_168 = arith.constant 1 : i32
      %dma_wait3A_169 = arith.constant 0 : i32
      %dma_wait3A_170 = arith.constant 0 : i32
      %dma_wait3A_171 = tpu.memref_slice %arg6[%dma_wait3A_167, %dma_wait3A_169, %dma_wait3A_170] : memref<2x5x200xi32, #tpu.memory_space<vmem>> -> memref<1x5x200xi32, #tpu.memory_space<vmem>>
      %dma_wait3A_172 = tpu.memref_squeeze %dma_wait3A_171 : memref<1x5x200xi32, #tpu.memory_space<vmem>> -> memref<5x200xi32, #tpu.memory_space<vmem>>
      %dma_wait3A_173 = arith.constant 0 : i32
      %dma_wait3A_174 = tpu.memref_slice %dma_wait3A_172[%dma_wait3A_168, %dma_wait3A_173] : memref<5x200xi32, #tpu.memory_space<vmem>> -> memref<1x200xi32, #tpu.memory_space<vmem>>
      %dma_wait3A_175 = tpu.memref_squeeze %dma_wait3A_174 : memref<1x200xi32, #tpu.memory_space<vmem>> -> memref<200xi32, #tpu.memory_space<vmem>>
      %dma_wait3A_176 = arith.constant 0 : i32
      %dma_wait3A_177 = arith.constant 0 : i32
      %dma_wait3A_178 = tpu.memref_slice %arg10[%dma_wait3A_176, %dma_wait3A_177] : memref<10112x40xf32, #tpu.memory_space<vmem_shared>> -> memref<10112x40xf32, #tpu.memory_space<vmem_shared>>
      tpu.wait_indirect_dma semaphore(%arg16 : memref<!tpu.dma_semaphore, #tpu.memory_space<semaphore_mem>>) src(%arg9 : memref<200x40xf32, #tpu.memory_space<vmem>>) dst(%dma_wait3A_178 : memref<10112x40xf32, #tpu.memory_space<vmem_shared>>)
      %dma_start3A_179 = arith.constant 0 : i32
      %dma_start3A_180 = arith.constant 3 : i32
      %dma_start3A_181 = arith.constant 0 : i32
      %dma_start3A_182 = arith.constant 0 : i32
      %dma_start3A_183 = tpu.memref_slice %arg6[%dma_start3A_179, %dma_start3A_181, %dma_start3A_182] : memref<2x5x200xi32, #tpu.memory_space<vmem>> -> memref<1x5x200xi32, #tpu.memory_space<vmem>>
      %dma_start3A_184 = tpu.memref_squeeze %dma_start3A_183 : memref<1x5x200xi32, #tpu.memory_space<vmem>> -> memref<5x200xi32, #tpu.memory_space<vmem>>
      %dma_start3A_185 = arith.constant 0 : i32
      %dma_start3A_186 = tpu.memref_slice %dma_start3A_184[%dma_start3A_180, %dma_start3A_185] : memref<5x200xi32, #tpu.memory_space<vmem>> -> memref<1x200xi32, #tpu.memory_space<vmem>>
      %dma_start3A_187 = tpu.memref_squeeze %dma_start3A_186 : memref<1x200xi32, #tpu.memory_space<vmem>> -> memref<200xi32, #tpu.memory_space<vmem>>
      %dma_start3A_188 = arith.constant 0 : i32
      %dma_start3A_189 = arith.constant 0 : i32
      %dma_start3A_190 = tpu.memref_slice %arg3[%dma_start3A_188, %dma_start3A_189] : memref<10000x40xf32, #tpu.memory_space<hbm>> -> memref<10000x40xf32, #tpu.memory_space<hbm>>
      tpu.enqueue_indirect_dma source(%dma_start3A_190 : memref<10000x40xf32, #tpu.memory_space<hbm>>) target(%arg9 : memref<200x40xf32, #tpu.memory_space<vmem>>) offsets(%dma_start3A_187 : memref<200xi32, #tpu.memory_space<vmem>>) semaphore(%arg14 : memref<!tpu.dma_semaphore, #tpu.memory_space<semaphore_mem>>)
      %dma_start3A_191 = arith.constant 1 : i32
      %dma_start3A_192 = arith.constant 2 : i32
      %dma_start3A_193 = arith.constant 0 : i32
      %dma_start3A_194 = arith.constant 0 : i32
      %dma_start3A_195 = tpu.memref_slice %arg6[%dma_start3A_191, %dma_start3A_193, %dma_start3A_194] : memref<2x5x200xi32, #tpu.memory_space<vmem>> -> memref<1x5x200xi32, #tpu.memory_space<vmem>>
      %dma_start3A_196 = tpu.memref_squeeze %dma_start3A_195 : memref<1x5x200xi32, #tpu.memory_space<vmem>> -> memref<5x200xi32, #tpu.memory_space<vmem>>
      %dma_start3A_197 = arith.constant 0 : i32
      %dma_start3A_198 = tpu.memref_slice %dma_start3A_196[%dma_start3A_192, %dma_start3A_197] : memref<5x200xi32, #tpu.memory_space<vmem>> -> memref<1x200xi32, #tpu.memory_space<vmem>>
      %dma_start3A_199 = tpu.memref_squeeze %dma_start3A_198 : memref<1x200xi32, #tpu.memory_space<vmem>> -> memref<200xi32, #tpu.memory_space<vmem>>
      %dma_start3A_200 = arith.constant 0 : i32
      %dma_start3A_201 = arith.constant 0 : i32
      %dma_start3A_202 = tpu.memref_slice %arg10[%dma_start3A_200, %dma_start3A_201] : memref<10112x40xf32, #tpu.memory_space<vmem_shared>> -> memref<10112x40xf32, #tpu.memory_space<vmem_shared>>
      tpu.enqueue_indirect_dma source(%arg8 : memref<200x40xf32, #tpu.memory_space<vmem>>) target(%dma_start3A_202 : memref<10112x40xf32, #tpu.memory_space<vmem_shared>>) offsets(%dma_start3A_199 : memref<200xi32, #tpu.memory_space<vmem>>) semaphore(%arg15 : memref<!tpu.dma_semaphore, #tpu.memory_space<semaphore_mem>>) {add = true}
      %dma_wait3A_203 = arith.constant 0 : i32
      %dma_wait3A_204 = arith.constant 3 : i32
      %dma_wait3A_205 = arith.constant 0 : i32
      %dma_wait3A_206 = arith.constant 0 : i32
      %dma_wait3A_207 = tpu.memref_slice %arg6[%dma_wait3A_203, %dma_wait3A_205, %dma_wait3A_206] : memref<2x5x200xi32, #tpu.memory_space<vmem>> -> memref<1x5x200xi32, #tpu.memory_space<vmem>>
      %dma_wait3A_208 = tpu.memref_squeeze %dma_wait3A_207 : memref<1x5x200xi32, #tpu.memory_space<vmem>> -> memref<5x200xi32, #tpu.memory_space<vmem>>
      %dma_wait3A_209 = arith.constant 0 : i32
      %dma_wait3A_210 = tpu.memref_slice %dma_wait3A_208[%dma_wait3A_204, %dma_wait3A_209] : memref<5x200xi32, #tpu.memory_space<vmem>> -> memref<1x200xi32, #tpu.memory_space<vmem>>
      %dma_wait3A_211 = tpu.memref_squeeze %dma_wait3A_210 : memref<1x200xi32, #tpu.memory_space<vmem>> -> memref<200xi32, #tpu.memory_space<vmem>>
      %dma_wait3A_212 = arith.constant 0 : i32
      %dma_wait3A_213 = arith.constant 0 : i32
      %dma_wait3A_214 = tpu.memref_slice %arg3[%dma_wait3A_212, %dma_wait3A_213] : memref<10000x40xf32, #tpu.memory_space<hbm>> -> memref<10000x40xf32, #tpu.memory_space<hbm>>
      tpu.wait_indirect_dma semaphore(%arg14 : memref<!tpu.dma_semaphore, #tpu.memory_space<semaphore_mem>>) src(%dma_wait3A_214 : memref<10000x40xf32, #tpu.memory_space<hbm>>) dst(%arg9 : memref<200x40xf32, #tpu.memory_space<vmem>>)
      %dma_wait3A_215 = arith.constant 1 : i32
      %dma_wait3A_216 = arith.constant 2 : i32
      %dma_wait3A_217 = arith.constant 0 : i32
      %dma_wait3A_218 = arith.constant 0 : i32
      %dma_wait3A_219 = tpu.memref_slice %arg6[%dma_wait3A_215, %dma_wait3A_217, %dma_wait3A_218] : memref<2x5x200xi32, #tpu.memory_space<vmem>> -> memref<1x5x200xi32, #tpu.memory_space<vmem>>
      %dma_wait3A_220 = tpu.memref_squeeze %dma_wait3A_219 : memref<1x5x200xi32, #tpu.memory_space<vmem>> -> memref<5x200xi32, #tpu.memory_space<vmem>>
      %dma_wait3A_221 = arith.constant 0 : i32
      %dma_wait3A_222 = tpu.memref_slice %dma_wait3A_220[%dma_wait3A_216, %dma_wait3A_221] : memref<5x200xi32, #tpu.memory_space<vmem>> -> memref<1x200xi32, #tpu.memory_space<vmem>>
      %dma_wait3A_223 = tpu.memref_squeeze %dma_wait3A_222 : memref<1x200xi32, #tpu.memory_space<vmem>> -> memref<200xi32, #tpu.memory_space<vmem>>
      %dma_wait3A_224 = arith.constant 0 : i32
      %dma_wait3A_225 = arith.constant 0 : i32
      %dma_wait3A_226 = tpu.memref_slice %arg10[%dma_wait3A_224, %dma_wait3A_225] : memref<10112x40xf32, #tpu.memory_space<vmem_shared>> -> memref<10112x40xf32, #tpu.memory_space<vmem_shared>>
      tpu.wait_indirect_dma semaphore(%arg15 : memref<!tpu.dma_semaphore, #tpu.memory_space<semaphore_mem>>) src(%arg8 : memref<200x40xf32, #tpu.memory_space<vmem>>) dst(%dma_wait3A_226 : memref<10112x40xf32, #tpu.memory_space<vmem_shared>>)
      %dma_start3A_227 = arith.constant 0 : i32
      %dma_start3A_228 = arith.constant 4 : i32
      %dma_start3A_229 = arith.constant 0 : i32
      %dma_start3A_230 = arith.constant 0 : i32
      %dma_start3A_231 = tpu.memref_slice %arg6[%dma_start3A_227, %dma_start3A_229, %dma_start3A_230] : memref<2x5x200xi32, #tpu.memory_space<vmem>> -> memref<1x5x200xi32, #tpu.memory_space<vmem>>
      %dma_start3A_232 = tpu.memref_squeeze %dma_start3A_231 : memref<1x5x200xi32, #tpu.memory_space<vmem>> -> memref<5x200xi32, #tpu.memory_space<vmem>>
      %dma_start3A_233 = arith.constant 0 : i32
      %dma_start3A_234 = tpu.memref_slice %dma_start3A_232[%dma_start3A_228, %dma_start3A_233] : memref<5x200xi32, #tpu.memory_space<vmem>> -> memref<1x200xi32, #tpu.memory_space<vmem>>
      %dma_start3A_235 = tpu.memref_squeeze %dma_start3A_234 : memref<1x200xi32, #tpu.memory_space<vmem>> -> memref<200xi32, #tpu.memory_space<vmem>>
      %dma_start3A_236 = arith.constant 0 : i32
      %dma_start3A_237 = arith.constant 0 : i32
      %dma_start3A_238 = tpu.memref_slice %arg3[%dma_start3A_236, %dma_start3A_237] : memref<10000x40xf32, #tpu.memory_space<hbm>> -> memref<10000x40xf32, #tpu.memory_space<hbm>>
      tpu.enqueue_indirect_dma source(%dma_start3A_238 : memref<10000x40xf32, #tpu.memory_space<hbm>>) target(%arg8 : memref<200x40xf32, #tpu.memory_space<vmem>>) offsets(%dma_start3A_235 : memref<200xi32, #tpu.memory_space<vmem>>) semaphore(%arg13 : memref<!tpu.dma_semaphore, #tpu.memory_space<semaphore_mem>>)
      %dma_start3A_239 = arith.constant 1 : i32
      %dma_start3A_240 = arith.constant 3 : i32
      %dma_start3A_241 = arith.constant 0 : i32
      %dma_start3A_242 = arith.constant 0 : i32
      %dma_start3A_243 = tpu.memref_slice %arg6[%dma_start3A_239, %dma_start3A_241, %dma_start3A_242] : memref<2x5x200xi32, #tpu.memory_space<vmem>> -> memref<1x5x200xi32, #tpu.memory_space<vmem>>
      %dma_start3A_244 = tpu.memref_squeeze %dma_start3A_243 : memref<1x5x200xi32, #tpu.memory_space<vmem>> -> memref<5x200xi32, #tpu.memory_space<vmem>>
      %dma_start3A_245 = arith.constant 0 : i32
      %dma_start3A_246 = tpu.memref_slice %dma_start3A_244[%dma_start3A_240, %dma_start3A_245] : memref<5x200xi32, #tpu.memory_space<vmem>> -> memref<1x200xi32, #tpu.memory_space<vmem>>
      %dma_start3A_247 = tpu.memref_squeeze %dma_start3A_246 : memref<1x200xi32, #tpu.memory_space<vmem>> -> memref<200xi32, #tpu.memory_space<vmem>>
      %dma_start3A_248 = arith.constant 0 : i32
      %dma_start3A_249 = arith.constant 0 : i32
      %dma_start3A_250 = tpu.memref_slice %arg10[%dma_start3A_248, %dma_start3A_249] : memref<10112x40xf32, #tpu.memory_space<vmem_shared>> -> memref<10112x40xf32, #tpu.memory_space<vmem_shared>>
      tpu.enqueue_indirect_dma source(%arg9 : memref<200x40xf32, #tpu.memory_space<vmem>>) target(%dma_start3A_250 : memref<10112x40xf32, #tpu.memory_space<vmem_shared>>) offsets(%dma_start3A_247 : memref<200xi32, #tpu.memory_space<vmem>>) semaphore(%arg16 : memref<!tpu.dma_semaphore, #tpu.memory_space<semaphore_mem>>) {add = true}
      %dma_wait3A_251 = arith.constant 0 : i32
      %dma_wait3A_252 = arith.constant 4 : i32
      %dma_wait3A_253 = arith.constant 0 : i32
      %dma_wait3A_254 = arith.constant 0 : i32
      %dma_wait3A_255 = tpu.memref_slice %arg6[%dma_wait3A_251, %dma_wait3A_253, %dma_wait3A_254] : memref<2x5x200xi32, #tpu.memory_space<vmem>> -> memref<1x5x200xi32, #tpu.memory_space<vmem>>
      %dma_wait3A_256 = tpu.memref_squeeze %dma_wait3A_255 : memref<1x5x200xi32, #tpu.memory_space<vmem>> -> memref<5x200xi32, #tpu.memory_space<vmem>>
      %dma_wait3A_257 = arith.constant 0 : i32
      %dma_wait3A_258 = tpu.memref_slice %dma_wait3A_256[%dma_wait3A_252, %dma_wait3A_257] : memref<5x200xi32, #tpu.memory_space<vmem>> -> memref<1x200xi32, #tpu.memory_space<vmem>>
      %dma_wait3A_259 = tpu.memref_squeeze %dma_wait3A_258 : memref<1x200xi32, #tpu.memory_space<vmem>> -> memref<200xi32, #tpu.memory_space<vmem>>
      %dma_wait3A_260 = arith.constant 0 : i32
      %dma_wait3A_261 = arith.constant 0 : i32
      %dma_wait3A_262 = tpu.memref_slice %arg3[%dma_wait3A_260, %dma_wait3A_261] : memref<10000x40xf32, #tpu.memory_space<hbm>> -> memref<10000x40xf32, #tpu.memory_space<hbm>>
      tpu.wait_indirect_dma semaphore(%arg13 : memref<!tpu.dma_semaphore, #tpu.memory_space<semaphore_mem>>) src(%dma_wait3A_262 : memref<10000x40xf32, #tpu.memory_space<hbm>>) dst(%arg8 : memref<200x40xf32, #tpu.memory_space<vmem>>)
      %dma_start3A_263 = arith.constant 1 : i32
      %dma_start3A_264 = arith.constant 4 : i32
      %dma_start3A_265 = arith.constant 0 : i32
      %dma_start3A_266 = arith.constant 0 : i32
      %dma_start3A_267 = tpu.memref_slice %arg6[%dma_start3A_263, %dma_start3A_265, %dma_start3A_266] : memref<2x5x200xi32, #tpu.memory_space<vmem>> -> memref<1x5x200xi32, #tpu.memory_space<vmem>>
      %dma_start3A_268 = tpu.memref_squeeze %dma_start3A_267 : memref<1x5x200xi32, #tpu.memory_space<vmem>> -> memref<5x200xi32, #tpu.memory_space<vmem>>
      %dma_start3A_269 = arith.constant 0 : i32
      %dma_start3A_270 = tpu.memref_slice %dma_start3A_268[%dma_start3A_264, %dma_start3A_269] : memref<5x200xi32, #tpu.memory_space<vmem>> -> memref<1x200xi32, #tpu.memory_space<vmem>>
      %dma_start3A_271 = tpu.memref_squeeze %dma_start3A_270 : memref<1x200xi32, #tpu.memory_space<vmem>> -> memref<200xi32, #tpu.memory_space<vmem>>
      %dma_start3A_272 = arith.constant 0 : i32
      %dma_start3A_273 = arith.constant 0 : i32
      %dma_start3A_274 = tpu.memref_slice %arg10[%dma_start3A_272, %dma_start3A_273] : memref<10112x40xf32, #tpu.memory_space<vmem_shared>> -> memref<10112x40xf32, #tpu.memory_space<vmem_shared>>
      tpu.enqueue_indirect_dma source(%arg8 : memref<200x40xf32, #tpu.memory_space<vmem>>) target(%dma_start3A_274 : memref<10112x40xf32, #tpu.memory_space<vmem_shared>>) offsets(%dma_start3A_271 : memref<200xi32, #tpu.memory_space<vmem>>) semaphore(%arg15 : memref<!tpu.dma_semaphore, #tpu.memory_space<semaphore_mem>>) {add = true}
      %dma_wait3A_275 = arith.constant 1 : i32
      %dma_wait3A_276 = arith.constant 3 : i32
      %dma_wait3A_277 = arith.constant 0 : i32
      %dma_wait3A_278 = arith.constant 0 : i32
      %dma_wait3A_279 = tpu.memref_slice %arg6[%dma_wait3A_275, %dma_wait3A_277, %dma_wait3A_278] : memref<2x5x200xi32, #tpu.memory_space<vmem>> -> memref<1x5x200xi32, #tpu.memory_space<vmem>>
      %dma_wait3A_280 = tpu.memref_squeeze %dma_wait3A_279 : memref<1x5x200xi32, #tpu.memory_space<vmem>> -> memref<5x200xi32, #tpu.memory_space<vmem>>
      %dma_wait3A_281 = arith.constant 0 : i32
      %dma_wait3A_282 = tpu.memref_slice %dma_wait3A_280[%dma_wait3A_276, %dma_wait3A_281] : memref<5x200xi32, #tpu.memory_space<vmem>> -> memref<1x200xi32, #tpu.memory_space<vmem>>
      %dma_wait3A_283 = tpu.memref_squeeze %dma_wait3A_282 : memref<1x200xi32, #tpu.memory_space<vmem>> -> memref<200xi32, #tpu.memory_space<vmem>>
      %dma_wait3A_284 = arith.constant 0 : i32
      %dma_wait3A_285 = arith.constant 0 : i32
      %dma_wait3A_286 = tpu.memref_slice %arg10[%dma_wait3A_284, %dma_wait3A_285] : memref<10112x40xf32, #tpu.memory_space<vmem_shared>> -> memref<10112x40xf32, #tpu.memory_space<vmem_shared>>
      tpu.wait_indirect_dma semaphore(%arg16 : memref<!tpu.dma_semaphore, #tpu.memory_space<semaphore_mem>>) src(%arg9 : memref<200x40xf32, #tpu.memory_space<vmem>>) dst(%dma_wait3A_286 : memref<10112x40xf32, #tpu.memory_space<vmem_shared>>)
      %dma_wait3A_287 = arith.constant 1 : i32
      %dma_wait3A_288 = arith.constant 4 : i32
      %dma_wait3A_289 = arith.constant 0 : i32
      %dma_wait3A_290 = arith.constant 0 : i32
      %dma_wait3A_291 = tpu.memref_slice %arg6[%dma_wait3A_287, %dma_wait3A_289, %dma_wait3A_290] : memref<2x5x200xi32, #tpu.memory_space<vmem>> -> memref<1x5x200xi32, #tpu.memory_space<vmem>>
      %dma_wait3A_292 = tpu.memref_squeeze %dma_wait3A_291 : memref<1x5x200xi32, #tpu.memory_space<vmem>> -> memref<5x200xi32, #tpu.memory_space<vmem>>
      %dma_wait3A_293 = arith.constant 0 : i32
      %dma_wait3A_294 = tpu.memref_slice %dma_wait3A_292[%dma_wait3A_288, %dma_wait3A_293] : memref<5x200xi32, #tpu.memory_space<vmem>> -> memref<1x200xi32, #tpu.memory_space<vmem>>
      %dma_wait3A_295 = tpu.memref_squeeze %dma_wait3A_294 : memref<1x200xi32, #tpu.memory_space<vmem>> -> memref<200xi32, #tpu.memory_space<vmem>>
      %dma_wait3A_296 = arith.constant 0 : i32
      %dma_wait3A_297 = arith.constant 0 : i32
      %dma_wait3A_298 = tpu.memref_slice %arg10[%dma_wait3A_296, %dma_wait3A_297] : memref<10112x40xf32, #tpu.memory_space<vmem_shared>> -> memref<10112x40xf32, #tpu.memory_space<vmem_shared>>
      tpu.wait_indirect_dma semaphore(%arg15 : memref<!tpu.dma_semaphore, #tpu.memory_space<semaphore_mem>>) src(%arg8 : memref<200x40xf32, #tpu.memory_space<vmem>>) dst(%dma_wait3A_298 : memref<10112x40xf32, #tpu.memory_space<vmem_shared>>)
      %mul3A_299 = arith.constant 2 : i32
      %mul3A_300 = arith.muli %mul3A_299, %scan3A_30 : i32
      %add3A_301 = arith.constant 1 : i32
      %add3A_302 = arith.addi %mul3A_300, %add3A_301 : i32
      %dma_wait3A_303 = arith.constant 0 : i32
      %dma_wait3A_304 = arith.constant 0 : i32
      %dma_wait3A_305 = arith.constant 0 : i32
      %dma_wait3A_306 = tpu.memref_slice %arg4[%add3A, %add3A_302, %dma_wait3A_303, %dma_wait3A_304, %dma_wait3A_305] : memref<32x10x2x5x200xi32, #tpu.memory_space<hbm>> -> memref<1x1x2x5x200xi32, #tpu.memory_space<hbm>>
      %dma_wait3A_307 = tpu.memref_squeeze %dma_wait3A_306 : memref<1x1x2x5x200xi32, #tpu.memory_space<hbm>> -> memref<2x5x200xi32, #tpu.memory_space<hbm>>
      %dma_wait3A_308 = arith.constant 0 : i32
      %dma_wait3A_309 = arith.constant 0 : i32
      %dma_wait3A_310 = arith.constant 0 : i32
      %dma_wait3A_311 = tpu.memref_slice %arg4[%add3A, %add3A_302, %dma_wait3A_308, %dma_wait3A_309, %dma_wait3A_310] : memref<32x10x2x5x200xi32, #tpu.memory_space<hbm>> -> memref<1x1x2x5x200xi32, #tpu.memory_space<hbm>>
      %dma_wait3A_312 = tpu.memref_squeeze %dma_wait3A_311 : memref<1x1x2x5x200xi32, #tpu.memory_space<hbm>> -> memref<2x5x200xi32, #tpu.memory_space<hbm>>
      tpu.wait_dma2 semaphore(%arg12 : memref<!tpu.dma_semaphore, #tpu.memory_space<semaphore_mem>>) src(%dma_wait3A_312 : memref<2x5x200xi32, #tpu.memory_space<hbm>>) dst(%arg7 : memref<2x5x200xi32, #tpu.memory_space<vmem>>)
      %add3A_313 = arith.constant 1 : i32
      %add3A_314 = arith.addi %add3A_302, %add3A_313 : i32
      %min3A_315 = arith.constant 9 : i32
      %min3A_316 = arith.minsi %add3A_314, %min3A_315 : i32
      %dma_start3A_317 = arith.constant 0 : i32
      %dma_start3A_318 = arith.constant 0 : i32
      %dma_start3A_319 = arith.constant 0 : i32
      %dma_start3A_320 = tpu.memref_slice %arg4[%add3A, %min3A_316, %dma_start3A_317, %dma_start3A_318, %dma_start3A_319] : memref<32x10x2x5x200xi32, #tpu.memory_space<hbm>> -> memref<1x1x2x5x200xi32, #tpu.memory_space<hbm>>
      %dma_start3A_321 = tpu.memref_squeeze %dma_start3A_320 : memref<1x1x2x5x200xi32, #tpu.memory_space<hbm>> -> memref<2x5x200xi32, #tpu.memory_space<hbm>>
      %dma_start3A_322 = arith.constant 0 : i32
      %dma_start3A_323 = arith.constant 0 : i32
      %dma_start3A_324 = arith.constant 0 : i32
      %dma_start3A_325 = tpu.memref_slice %arg4[%add3A, %min3A_316, %dma_start3A_322, %dma_start3A_323, %dma_start3A_324] : memref<32x10x2x5x200xi32, #tpu.memory_space<hbm>> -> memref<1x1x2x5x200xi32, #tpu.memory_space<hbm>>
      %dma_start3A_326 = tpu.memref_squeeze %dma_start3A_325 : memref<1x1x2x5x200xi32, #tpu.memory_space<hbm>> -> memref<2x5x200xi32, #tpu.memory_space<hbm>>
      tpu.enqueue_dma source(%dma_start3A_326 : memref<2x5x200xi32, #tpu.memory_space<hbm>>) target(%arg6 : memref<2x5x200xi32, #tpu.memory_space<vmem>>) target_semaphore(%arg11 : memref<!tpu.dma_semaphore, #tpu.memory_space<semaphore_mem>>)
      %dma_start3A_327 = arith.constant 0 : i32
      %dma_start3A_328 = arith.constant 0 : i32
      %dma_start3A_329 = arith.constant 0 : i32
      %dma_start3A_330 = arith.constant 0 : i32
      %dma_start3A_331 = tpu.memref_slice %arg7[%dma_start3A_327, %dma_start3A_329, %dma_start3A_330] : memref<2x5x200xi32, #tpu.memory_space<vmem>> -> memref<1x5x200xi32, #tpu.memory_space<vmem>>
      %dma_start3A_332 = tpu.memref_squeeze %dma_start3A_331 : memref<1x5x200xi32, #tpu.memory_space<vmem>> -> memref<5x200xi32, #tpu.memory_space<vmem>>
      %dma_start3A_333 = arith.constant 0 : i32
      %dma_start3A_334 = tpu.memref_slice %dma_start3A_332[%dma_start3A_328, %dma_start3A_333] : memref<5x200xi32, #tpu.memory_space<vmem>> -> memref<1x200xi32, #tpu.memory_space<vmem>>
      %dma_start3A_335 = tpu.memref_squeeze %dma_start3A_334 : memref<1x200xi32, #tpu.memory_space<vmem>> -> memref<200xi32, #tpu.memory_space<vmem>>
      %dma_start3A_336 = arith.constant 0 : i32
      %dma_start3A_337 = arith.constant 0 : i32
      %dma_start3A_338 = tpu.memref_slice %arg3[%dma_start3A_336, %dma_start3A_337] : memref<10000x40xf32, #tpu.memory_space<hbm>> -> memref<10000x40xf32, #tpu.memory_space<hbm>>
      tpu.enqueue_indirect_dma source(%dma_start3A_338 : memref<10000x40xf32, #tpu.memory_space<hbm>>) target(%arg8 : memref<200x40xf32, #tpu.memory_space<vmem>>) offsets(%dma_start3A_335 : memref<200xi32, #tpu.memory_space<vmem>>) semaphore(%arg13 : memref<!tpu.dma_semaphore, #tpu.memory_space<semaphore_mem>>)
      %dma_wait3A_339 = arith.constant 0 : i32
      %dma_wait3A_340 = arith.constant 0 : i32
      %dma_wait3A_341 = arith.constant 0 : i32
      %dma_wait3A_342 = arith.constant 0 : i32
      %dma_wait3A_343 = tpu.memref_slice %arg7[%dma_wait3A_339, %dma_wait3A_341, %dma_wait3A_342] : memref<2x5x200xi32, #tpu.memory_space<vmem>> -> memref<1x5x200xi32, #tpu.memory_space<vmem>>
      %dma_wait3A_344 = tpu.memref_squeeze %dma_wait3A_343 : memref<1x5x200xi32, #tpu.memory_space<vmem>> -> memref<5x200xi32, #tpu.memory_space<vmem>>
      %dma_wait3A_345 = arith.constant 0 : i32
      %dma_wait3A_346 = tpu.memref_slice %dma_wait3A_344[%dma_wait3A_340, %dma_wait3A_345] : memref<5x200xi32, #tpu.memory_space<vmem>> -> memref<1x200xi32, #tpu.memory_space<vmem>>
      %dma_wait3A_347 = tpu.memref_squeeze %dma_wait3A_346 : memref<1x200xi32, #tpu.memory_space<vmem>> -> memref<200xi32, #tpu.memory_space<vmem>>
      %dma_wait3A_348 = arith.constant 0 : i32
      %dma_wait3A_349 = arith.constant 0 : i32
      %dma_wait3A_350 = tpu.memref_slice %arg3[%dma_wait3A_348, %dma_wait3A_349] : memref<10000x40xf32, #tpu.memory_space<hbm>> -> memref<10000x40xf32, #tpu.memory_space<hbm>>
      tpu.wait_indirect_dma semaphore(%arg13 : memref<!tpu.dma_semaphore, #tpu.memory_space<semaphore_mem>>) src(%dma_wait3A_350 : memref<10000x40xf32, #tpu.memory_space<hbm>>) dst(%arg8 : memref<200x40xf32, #tpu.memory_space<vmem>>)
      %dma_start3A_351 = arith.constant 0 : i32
      %dma_start3A_352 = arith.constant 1 : i32
      %dma_start3A_353 = arith.constant 0 : i32
      %dma_start3A_354 = arith.constant 0 : i32
      %dma_start3A_355 = tpu.memref_slice %arg7[%dma_start3A_351, %dma_start3A_353, %dma_start3A_354] : memref<2x5x200xi32, #tpu.memory_space<vmem>> -> memref<1x5x200xi32, #tpu.memory_space<vmem>>
      %dma_start3A_356 = tpu.memref_squeeze %dma_start3A_355 : memref<1x5x200xi32, #tpu.memory_space<vmem>> -> memref<5x200xi32, #tpu.memory_space<vmem>>
      %dma_start3A_357 = arith.constant 0 : i32
      %dma_start3A_358 = tpu.memref_slice %dma_start3A_356[%dma_start3A_352, %dma_start3A_357] : memref<5x200xi32, #tpu.memory_space<vmem>> -> memref<1x200xi32, #tpu.memory_space<vmem>>
      %dma_start3A_359 = tpu.memref_squeeze %dma_start3A_358 : memref<1x200xi32, #tpu.memory_space<vmem>> -> memref<200xi32, #tpu.memory_space<vmem>>
      %dma_start3A_360 = arith.constant 0 : i32
      %dma_start3A_361 = arith.constant 0 : i32
      %dma_start3A_362 = tpu.memref_slice %arg3[%dma_start3A_360, %dma_start3A_361] : memref<10000x40xf32, #tpu.memory_space<hbm>> -> memref<10000x40xf32, #tpu.memory_space<hbm>>
      tpu.enqueue_indirect_dma source(%dma_start3A_362 : memref<10000x40xf32, #tpu.memory_space<hbm>>) target(%arg9 : memref<200x40xf32, #tpu.memory_space<vmem>>) offsets(%dma_start3A_359 : memref<200xi32, #tpu.memory_space<vmem>>) semaphore(%arg14 : memref<!tpu.dma_semaphore, #tpu.memory_space<semaphore_mem>>)
      %dma_start3A_363 = arith.constant 1 : i32
      %dma_start3A_364 = arith.constant 0 : i32
      %dma_start3A_365 = arith.constant 0 : i32
      %dma_start3A_366 = arith.constant 0 : i32
      %dma_start3A_367 = tpu.memref_slice %arg7[%dma_start3A_363, %dma_start3A_365, %dma_start3A_366] : memref<2x5x200xi32, #tpu.memory_space<vmem>> -> memref<1x5x200xi32, #tpu.memory_space<vmem>>
      %dma_start3A_368 = tpu.memref_squeeze %dma_start3A_367 : memref<1x5x200xi32, #tpu.memory_space<vmem>> -> memref<5x200xi32, #tpu.memory_space<vmem>>
      %dma_start3A_369 = arith.constant 0 : i32
      %dma_start3A_370 = tpu.memref_slice %dma_start3A_368[%dma_start3A_364, %dma_start3A_369] : memref<5x200xi32, #tpu.memory_space<vmem>> -> memref<1x200xi32, #tpu.memory_space<vmem>>
      %dma_start3A_371 = tpu.memref_squeeze %dma_start3A_370 : memref<1x200xi32, #tpu.memory_space<vmem>> -> memref<200xi32, #tpu.memory_space<vmem>>
      %dma_start3A_372 = arith.constant 0 : i32
      %dma_start3A_373 = arith.constant 0 : i32
      %dma_start3A_374 = tpu.memref_slice %arg10[%dma_start3A_372, %dma_start3A_373] : memref<10112x40xf32, #tpu.memory_space<vmem_shared>> -> memref<10112x40xf32, #tpu.memory_space<vmem_shared>>
      tpu.enqueue_indirect_dma source(%arg8 : memref<200x40xf32, #tpu.memory_space<vmem>>) target(%dma_start3A_374 : memref<10112x40xf32, #tpu.memory_space<vmem_shared>>) offsets(%dma_start3A_371 : memref<200xi32, #tpu.memory_space<vmem>>) semaphore(%arg15 : memref<!tpu.dma_semaphore, #tpu.memory_space<semaphore_mem>>) {add = true}
      %dma_wait3A_375 = arith.constant 0 : i32
      %dma_wait3A_376 = arith.constant 1 : i32
      %dma_wait3A_377 = arith.constant 0 : i32
      %dma_wait3A_378 = arith.constant 0 : i32
      %dma_wait3A_379 = tpu.memref_slice %arg7[%dma_wait3A_375, %dma_wait3A_377, %dma_wait3A_378] : memref<2x5x200xi32, #tpu.memory_space<vmem>> -> memref<1x5x200xi32, #tpu.memory_space<vmem>>
      %dma_wait3A_380 = tpu.memref_squeeze %dma_wait3A_379 : memref<1x5x200xi32, #tpu.memory_space<vmem>> -> memref<5x200xi32, #tpu.memory_space<vmem>>
      %dma_wait3A_381 = arith.constant 0 : i32
      %dma_wait3A_382 = tpu.memref_slice %dma_wait3A_380[%dma_wait3A_376, %dma_wait3A_381] : memref<5x200xi32, #tpu.memory_space<vmem>> -> memref<1x200xi32, #tpu.memory_space<vmem>>
      %dma_wait3A_383 = tpu.memref_squeeze %dma_wait3A_382 : memref<1x200xi32, #tpu.memory_space<vmem>> -> memref<200xi32, #tpu.memory_space<vmem>>
      %dma_wait3A_384 = arith.constant 0 : i32
      %dma_wait3A_385 = arith.constant 0 : i32
      %dma_wait3A_386 = tpu.memref_slice %arg3[%dma_wait3A_384, %dma_wait3A_385] : memref<10000x40xf32, #tpu.memory_space<hbm>> -> memref<10000x40xf32, #tpu.memory_space<hbm>>
      tpu.wait_indirect_dma semaphore(%arg14 : memref<!tpu.dma_semaphore, #tpu.memory_space<semaphore_mem>>) src(%dma_wait3A_386 : memref<10000x40xf32, #tpu.memory_space<hbm>>) dst(%arg9 : memref<200x40xf32, #tpu.memory_space<vmem>>)
      %dma_wait3A_387 = arith.constant 1 : i32
      %dma_wait3A_388 = arith.constant 0 : i32
      %dma_wait3A_389 = arith.constant 0 : i32
      %dma_wait3A_390 = arith.constant 0 : i32
      %dma_wait3A_391 = tpu.memref_slice %arg7[%dma_wait3A_387, %dma_wait3A_389, %dma_wait3A_390] : memref<2x5x200xi32, #tpu.memory_space<vmem>> -> memref<1x5x200xi32, #tpu.memory_space<vmem>>
      %dma_wait3A_392 = tpu.memref_squeeze %dma_wait3A_391 : memref<1x5x200xi32, #tpu.memory_space<vmem>> -> memref<5x200xi32, #tpu.memory_space<vmem>>
      %dma_wait3A_393 = arith.constant 0 : i32
      %dma_wait3A_394 = tpu.memref_slice %dma_wait3A_392[%dma_wait3A_388, %dma_wait3A_393] : memref<5x200xi32, #tpu.memory_space<vmem>> -> memref<1x200xi32, #tpu.memory_space<vmem>>
      %dma_wait3A_395 = tpu.memref_squeeze %dma_wait3A_394 : memref<1x200xi32, #tpu.memory_space<vmem>> -> memref<200xi32, #tpu.memory_space<vmem>>
      %dma_wait3A_396 = arith.constant 0 : i32
      %dma_wait3A_397 = arith.constant 0 : i32
      %dma_wait3A_398 = tpu.memref_slice %arg10[%dma_wait3A_396, %dma_wait3A_397] : memref<10112x40xf32, #tpu.memory_space<vmem_shared>> -> memref<10112x40xf32, #tpu.memory_space<vmem_shared>>
      tpu.wait_indirect_dma semaphore(%arg15 : memref<!tpu.dma_semaphore, #tpu.memory_space<semaphore_mem>>) src(%arg8 : memref<200x40xf32, #tpu.memory_space<vmem>>) dst(%dma_wait3A_398 : memref<10112x40xf32, #tpu.memory_space<vmem_shared>>)
      %dma_start3A_399 = arith.constant 0 : i32
      %dma_start3A_400 = arith.constant 2 : i32
      %dma_start3A_401 = arith.constant 0 : i32
      %dma_start3A_402 = arith.constant 0 : i32
      %dma_start3A_403 = tpu.memref_slice %arg7[%dma_start3A_399, %dma_start3A_401, %dma_start3A_402] : memref<2x5x200xi32, #tpu.memory_space<vmem>> -> memref<1x5x200xi32, #tpu.memory_space<vmem>>
      %dma_start3A_404 = tpu.memref_squeeze %dma_start3A_403 : memref<1x5x200xi32, #tpu.memory_space<vmem>> -> memref<5x200xi32, #tpu.memory_space<vmem>>
      %dma_start3A_405 = arith.constant 0 : i32
      %dma_start3A_406 = tpu.memref_slice %dma_start3A_404[%dma_start3A_400, %dma_start3A_405] : memref<5x200xi32, #tpu.memory_space<vmem>> -> memref<1x200xi32, #tpu.memory_space<vmem>>
      %dma_start3A_407 = tpu.memref_squeeze %dma_start3A_406 : memref<1x200xi32, #tpu.memory_space<vmem>> -> memref<200xi32, #tpu.memory_space<vmem>>
      %dma_start3A_408 = arith.constant 0 : i32
      %dma_start3A_409 = arith.constant 0 : i32
      %dma_start3A_410 = tpu.memref_slice %arg3[%dma_start3A_408, %dma_start3A_409] : memref<10000x40xf32, #tpu.memory_space<hbm>> -> memref<10000x40xf32, #tpu.memory_space<hbm>>
      tpu.enqueue_indirect_dma source(%dma_start3A_410 : memref<10000x40xf32, #tpu.memory_space<hbm>>) target(%arg8 : memref<200x40xf32, #tpu.memory_space<vmem>>) offsets(%dma_start3A_407 : memref<200xi32, #tpu.memory_space<vmem>>) semaphore(%arg13 : memref<!tpu.dma_semaphore, #tpu.memory_space<semaphore_mem>>)
      %dma_start3A_411 = arith.constant 1 : i32
      %dma_start3A_412 = arith.constant 1 : i32
      %dma_start3A_413 = arith.constant 0 : i32
      %dma_start3A_414 = arith.constant 0 : i32
      %dma_start3A_415 = tpu.memref_slice %arg7[%dma_start3A_411, %dma_start3A_413, %dma_start3A_414] : memref<2x5x200xi32, #tpu.memory_space<vmem>> -> memref<1x5x200xi32, #tpu.memory_space<vmem>>
      %dma_start3A_416 = tpu.memref_squeeze %dma_start3A_415 : memref<1x5x200xi32, #tpu.memory_space<vmem>> -> memref<5x200xi32, #tpu.memory_space<vmem>>
      %dma_start3A_417 = arith.constant 0 : i32
      %dma_start3A_418 = tpu.memref_slice %dma_start3A_416[%dma_start3A_412, %dma_start3A_417] : memref<5x200xi32, #tpu.memory_space<vmem>> -> memref<1x200xi32, #tpu.memory_space<vmem>>
      %dma_start3A_419 = tpu.memref_squeeze %dma_start3A_418 : memref<1x200xi32, #tpu.memory_space<vmem>> -> memref<200xi32, #tpu.memory_space<vmem>>
      %dma_start3A_420 = arith.constant 0 : i32
      %dma_start3A_421 = arith.constant 0 : i32
      %dma_start3A_422 = tpu.memref_slice %arg10[%dma_start3A_420, %dma_start3A_421] : memref<10112x40xf32, #tpu.memory_space<vmem_shared>> -> memref<10112x40xf32, #tpu.memory_space<vmem_shared>>
      tpu.enqueue_indirect_dma source(%arg9 : memref<200x40xf32, #tpu.memory_space<vmem>>) target(%dma_start3A_422 : memref<10112x40xf32, #tpu.memory_space<vmem_shared>>) offsets(%dma_start3A_419 : memref<200xi32, #tpu.memory_space<vmem>>) semaphore(%arg16 : memref<!tpu.dma_semaphore, #tpu.memory_space<semaphore_mem>>) {add = true}
      %dma_wait3A_423 = arith.constant 0 : i32
      %dma_wait3A_424 = arith.constant 2 : i32
      %dma_wait3A_425 = arith.constant 0 : i32
      %dma_wait3A_426 = arith.constant 0 : i32
      %dma_wait3A_427 = tpu.memref_slice %arg7[%dma_wait3A_423, %dma_wait3A_425, %dma_wait3A_426] : memref<2x5x200xi32, #tpu.memory_space<vmem>> -> memref<1x5x200xi32, #tpu.memory_space<vmem>>
      %dma_wait3A_428 = tpu.memref_squeeze %dma_wait3A_427 : memref<1x5x200xi32, #tpu.memory_space<vmem>> -> memref<5x200xi32, #tpu.memory_space<vmem>>
      %dma_wait3A_429 = arith.constant 0 : i32
      %dma_wait3A_430 = tpu.memref_slice %dma_wait3A_428[%dma_wait3A_424, %dma_wait3A_429] : memref<5x200xi32, #tpu.memory_space<vmem>> -> memref<1x200xi32, #tpu.memory_space<vmem>>
      %dma_wait3A_431 = tpu.memref_squeeze %dma_wait3A_430 : memref<1x200xi32, #tpu.memory_space<vmem>> -> memref<200xi32, #tpu.memory_space<vmem>>
      %dma_wait3A_432 = arith.constant 0 : i32
      %dma_wait3A_433 = arith.constant 0 : i32
      %dma_wait3A_434 = tpu.memref_slice %arg3[%dma_wait3A_432, %dma_wait3A_433] : memref<10000x40xf32, #tpu.memory_space<hbm>> -> memref<10000x40xf32, #tpu.memory_space<hbm>>
      tpu.wait_indirect_dma semaphore(%arg13 : memref<!tpu.dma_semaphore, #tpu.memory_space<semaphore_mem>>) src(%dma_wait3A_434 : memref<10000x40xf32, #tpu.memory_space<hbm>>) dst(%arg8 : memref<200x40xf32, #tpu.memory_space<vmem>>)
      %dma_wait3A_435 = arith.constant 1 : i32
      %dma_wait3A_436 = arith.constant 1 : i32
      %dma_wait3A_437 = arith.constant 0 : i32
      %dma_wait3A_438 = arith.constant 0 : i32
      %dma_wait3A_439 = tpu.memref_slice %arg7[%dma_wait3A_435, %dma_wait3A_437, %dma_wait3A_438] : memref<2x5x200xi32, #tpu.memory_space<vmem>> -> memref<1x5x200xi32, #tpu.memory_space<vmem>>
      %dma_wait3A_440 = tpu.memref_squeeze %dma_wait3A_439 : memref<1x5x200xi32, #tpu.memory_space<vmem>> -> memref<5x200xi32, #tpu.memory_space<vmem>>
      %dma_wait3A_441 = arith.constant 0 : i32
      %dma_wait3A_442 = tpu.memref_slice %dma_wait3A_440[%dma_wait3A_436, %dma_wait3A_441] : memref<5x200xi32, #tpu.memory_space<vmem>> -> memref<1x200xi32, #tpu.memory_space<vmem>>
      %dma_wait3A_443 = tpu.memref_squeeze %dma_wait3A_442 : memref<1x200xi32, #tpu.memory_space<vmem>> -> memref<200xi32, #tpu.memory_space<vmem>>
      %dma_wait3A_444 = arith.constant 0 : i32
      %dma_wait3A_445 = arith.constant 0 : i32
      %dma_wait3A_446 = tpu.memref_slice %arg10[%dma_wait3A_444, %dma_wait3A_445] : memref<10112x40xf32, #tpu.memory_space<vmem_shared>> -> memref<10112x40xf32, #tpu.memory_space<vmem_shared>>
      tpu.wait_indirect_dma semaphore(%arg16 : memref<!tpu.dma_semaphore, #tpu.memory_space<semaphore_mem>>) src(%arg9 : memref<200x40xf32, #tpu.memory_space<vmem>>) dst(%dma_wait3A_446 : memref<10112x40xf32, #tpu.memory_space<vmem_shared>>)
      %dma_start3A_447 = arith.constant 0 : i32
      %dma_start3A_448 = arith.constant 3 : i32
      %dma_start3A_449 = arith.constant 0 : i32
      %dma_start3A_450 = arith.constant 0 : i32
      %dma_start3A_451 = tpu.memref_slice %arg7[%dma_start3A_447, %dma_start3A_449, %dma_start3A_450] : memref<2x5x200xi32, #tpu.memory_space<vmem>> -> memref<1x5x200xi32, #tpu.memory_space<vmem>>
      %dma_start3A_452 = tpu.memref_squeeze %dma_start3A_451 : memref<1x5x200xi32, #tpu.memory_space<vmem>> -> memref<5x200xi32, #tpu.memory_space<vmem>>
      %dma_start3A_453 = arith.constant 0 : i32
      %dma_start3A_454 = tpu.memref_slice %dma_start3A_452[%dma_start3A_448, %dma_start3A_453] : memref<5x200xi32, #tpu.memory_space<vmem>> -> memref<1x200xi32, #tpu.memory_space<vmem>>
      %dma_start3A_455 = tpu.memref_squeeze %dma_start3A_454 : memref<1x200xi32, #tpu.memory_space<vmem>> -> memref<200xi32, #tpu.memory_space<vmem>>
      %dma_start3A_456 = arith.constant 0 : i32
      %dma_start3A_457 = arith.constant 0 : i32
      %dma_start3A_458 = tpu.memref_slice %arg3[%dma_start3A_456, %dma_start3A_457] : memref<10000x40xf32, #tpu.memory_space<hbm>> -> memref<10000x40xf32, #tpu.memory_space<hbm>>
      tpu.enqueue_indirect_dma source(%dma_start3A_458 : memref<10000x40xf32, #tpu.memory_space<hbm>>) target(%arg9 : memref<200x40xf32, #tpu.memory_space<vmem>>) offsets(%dma_start3A_455 : memref<200xi32, #tpu.memory_space<vmem>>) semaphore(%arg14 : memref<!tpu.dma_semaphore, #tpu.memory_space<semaphore_mem>>)
      %dma_start3A_459 = arith.constant 1 : i32
      %dma_start3A_460 = arith.constant 2 : i32
      %dma_start3A_461 = arith.constant 0 : i32
      %dma_start3A_462 = arith.constant 0 : i32
      %dma_start3A_463 = tpu.memref_slice %arg7[%dma_start3A_459, %dma_start3A_461, %dma_start3A_462] : memref<2x5x200xi32, #tpu.memory_space<vmem>> -> memref<1x5x200xi32, #tpu.memory_space<vmem>>
      %dma_start3A_464 = tpu.memref_squeeze %dma_start3A_463 : memref<1x5x200xi32, #tpu.memory_space<vmem>> -> memref<5x200xi32, #tpu.memory_space<vmem>>
      %dma_start3A_465 = arith.constant 0 : i32
      %dma_start3A_466 = tpu.memref_slice %dma_start3A_464[%dma_start3A_460, %dma_start3A_465] : memref<5x200xi32, #tpu.memory_space<vmem>> -> memref<1x200xi32, #tpu.memory_space<vmem>>
      %dma_start3A_467 = tpu.memref_squeeze %dma_start3A_466 : memref<1x200xi32, #tpu.memory_space<vmem>> -> memref<200xi32, #tpu.memory_space<vmem>>
      %dma_start3A_468 = arith.constant 0 : i32
      %dma_start3A_469 = arith.constant 0 : i32
      %dma_start3A_470 = tpu.memref_slice %arg10[%dma_start3A_468, %dma_start3A_469] : memref<10112x40xf32, #tpu.memory_space<vmem_shared>> -> memref<10112x40xf32, #tpu.memory_space<vmem_shared>>
      tpu.enqueue_indirect_dma source(%arg8 : memref<200x40xf32, #tpu.memory_space<vmem>>) target(%dma_start3A_470 : memref<10112x40xf32, #tpu.memory_space<vmem_shared>>) offsets(%dma_start3A_467 : memref<200xi32, #tpu.memory_space<vmem>>) semaphore(%arg15 : memref<!tpu.dma_semaphore, #tpu.memory_space<semaphore_mem>>) {add = true}
      %dma_wait3A_471 = arith.constant 0 : i32
      %dma_wait3A_472 = arith.constant 3 : i32
      %dma_wait3A_473 = arith.constant 0 : i32
      %dma_wait3A_474 = arith.constant 0 : i32
      %dma_wait3A_475 = tpu.memref_slice %arg7[%dma_wait3A_471, %dma_wait3A_473, %dma_wait3A_474] : memref<2x5x200xi32, #tpu.memory_space<vmem>> -> memref<1x5x200xi32, #tpu.memory_space<vmem>>
      %dma_wait3A_476 = tpu.memref_squeeze %dma_wait3A_475 : memref<1x5x200xi32, #tpu.memory_space<vmem>> -> memref<5x200xi32, #tpu.memory_space<vmem>>
      %dma_wait3A_477 = arith.constant 0 : i32
      %dma_wait3A_478 = tpu.memref_slice %dma_wait3A_476[%dma_wait3A_472, %dma_wait3A_477] : memref<5x200xi32, #tpu.memory_space<vmem>> -> memref<1x200xi32, #tpu.memory_space<vmem>>
      %dma_wait3A_479 = tpu.memref_squeeze %dma_wait3A_478 : memref<1x200xi32, #tpu.memory_space<vmem>> -> memref<200xi32, #tpu.memory_space<vmem>>
      %dma_wait3A_480 = arith.constant 0 : i32
      %dma_wait3A_481 = arith.constant 0 : i32
      %dma_wait3A_482 = tpu.memref_slice %arg3[%dma_wait3A_480, %dma_wait3A_481] : memref<10000x40xf32, #tpu.memory_space<hbm>> -> memref<10000x40xf32, #tpu.memory_space<hbm>>
      tpu.wait_indirect_dma semaphore(%arg14 : memref<!tpu.dma_semaphore, #tpu.memory_space<semaphore_mem>>) src(%dma_wait3A_482 : memref<10000x40xf32, #tpu.memory_space<hbm>>) dst(%arg9 : memref<200x40xf32, #tpu.memory_space<vmem>>)
      %dma_wait3A_483 = arith.constant 1 : i32
      %dma_wait3A_484 = arith.constant 2 : i32
      %dma_wait3A_485 = arith.constant 0 : i32
      %dma_wait3A_486 = arith.constant 0 : i32
      %dma_wait3A_487 = tpu.memref_slice %arg7[%dma_wait3A_483, %dma_wait3A_485, %dma_wait3A_486] : memref<2x5x200xi32, #tpu.memory_space<vmem>> -> memref<1x5x200xi32, #tpu.memory_space<vmem>>
      %dma_wait3A_488 = tpu.memref_squeeze %dma_wait3A_487 : memref<1x5x200xi32, #tpu.memory_space<vmem>> -> memref<5x200xi32, #tpu.memory_space<vmem>>
      %dma_wait3A_489 = arith.constant 0 : i32
      %dma_wait3A_490 = tpu.memref_slice %dma_wait3A_488[%dma_wait3A_484, %dma_wait3A_489] : memref<5x200xi32, #tpu.memory_space<vmem>> -> memref<1x200xi32, #tpu.memory_space<vmem>>
      %dma_wait3A_491 = tpu.memref_squeeze %dma_wait3A_490 : memref<1x200xi32, #tpu.memory_space<vmem>> -> memref<200xi32, #tpu.memory_space<vmem>>
      %dma_wait3A_492 = arith.constant 0 : i32
      %dma_wait3A_493 = arith.constant 0 : i32
      %dma_wait3A_494 = tpu.memref_slice %arg10[%dma_wait3A_492, %dma_wait3A_493] : memref<10112x40xf32, #tpu.memory_space<vmem_shared>> -> memref<10112x40xf32, #tpu.memory_space<vmem_shared>>
      tpu.wait_indirect_dma semaphore(%arg15 : memref<!tpu.dma_semaphore, #tpu.memory_space<semaphore_mem>>) src(%arg8 : memref<200x40xf32, #tpu.memory_space<vmem>>) dst(%dma_wait3A_494 : memref<10112x40xf32, #tpu.memory_space<vmem_shared>>)
      %dma_start3A_495 = arith.constant 0 : i32
      %dma_start3A_496 = arith.constant 4 : i32
      %dma_start3A_497 = arith.constant 0 : i32
      %dma_start3A_498 = arith.constant 0 : i32
      %dma_start3A_499 = tpu.memref_slice %arg7[%dma_start3A_495, %dma_start3A_497, %dma_start3A_498] : memref<2x5x200xi32, #tpu.memory_space<vmem>> -> memref<1x5x200xi32, #tpu.memory_space<vmem>>
      %dma_start3A_500 = tpu.memref_squeeze %dma_start3A_499 : memref<1x5x200xi32, #tpu.memory_space<vmem>> -> memref<5x200xi32, #tpu.memory_space<vmem>>
      %dma_start3A_501 = arith.constant 0 : i32
      %dma_start3A_502 = tpu.memref_slice %dma_start3A_500[%dma_start3A_496, %dma_start3A_501] : memref<5x200xi32, #tpu.memory_space<vmem>> -> memref<1x200xi32, #tpu.memory_space<vmem>>
      %dma_start3A_503 = tpu.memref_squeeze %dma_start3A_502 : memref<1x200xi32, #tpu.memory_space<vmem>> -> memref<200xi32, #tpu.memory_space<vmem>>
      %dma_start3A_504 = arith.constant 0 : i32
      %dma_start3A_505 = arith.constant 0 : i32
      %dma_start3A_506 = tpu.memref_slice %arg3[%dma_start3A_504, %dma_start3A_505] : memref<10000x40xf32, #tpu.memory_space<hbm>> -> memref<10000x40xf32, #tpu.memory_space<hbm>>
      tpu.enqueue_indirect_dma source(%dma_start3A_506 : memref<10000x40xf32, #tpu.memory_space<hbm>>) target(%arg8 : memref<200x40xf32, #tpu.memory_space<vmem>>) offsets(%dma_start3A_503 : memref<200xi32, #tpu.memory_space<vmem>>) semaphore(%arg13 : memref<!tpu.dma_semaphore, #tpu.memory_space<semaphore_mem>>)
      %dma_start3A_507 = arith.constant 1 : i32
      %dma_start3A_508 = arith.constant 3 : i32
      %dma_start3A_509 = arith.constant 0 : i32
      %dma_start3A_510 = arith.constant 0 : i32
      %dma_start3A_511 = tpu.memref_slice %arg7[%dma_start3A_507, %dma_start3A_509, %dma_start3A_510] : memref<2x5x200xi32, #tpu.memory_space<vmem>> -> memref<1x5x200xi32, #tpu.memory_space<vmem>>
      %dma_start3A_512 = tpu.memref_squeeze %dma_start3A_511 : memref<1x5x200xi32, #tpu.memory_space<vmem>> -> memref<5x200xi32, #tpu.memory_space<vmem>>
      %dma_start3A_513 = arith.constant 0 : i32
      %dma_start3A_514 = tpu.memref_slice %dma_start3A_512[%dma_start3A_508, %dma_start3A_513] : memref<5x200xi32, #tpu.memory_space<vmem>> -> memref<1x200xi32, #tpu.memory_space<vmem>>
      %dma_start3A_515 = tpu.memref_squeeze %dma_start3A_514 : memref<1x200xi32, #tpu.memory_space<vmem>> -> memref<200xi32, #tpu.memory_space<vmem>>
      %dma_start3A_516 = arith.constant 0 : i32
      %dma_start3A_517 = arith.constant 0 : i32
      %dma_start3A_518 = tpu.memref_slice %arg10[%dma_start3A_516, %dma_start3A_517] : memref<10112x40xf32, #tpu.memory_space<vmem_shared>> -> memref<10112x40xf32, #tpu.memory_space<vmem_shared>>
      tpu.enqueue_indirect_dma source(%arg9 : memref<200x40xf32, #tpu.memory_space<vmem>>) target(%dma_start3A_518 : memref<10112x40xf32, #tpu.memory_space<vmem_shared>>) offsets(%dma_start3A_515 : memref<200xi32, #tpu.memory_space<vmem>>) semaphore(%arg16 : memref<!tpu.dma_semaphore, #tpu.memory_space<semaphore_mem>>) {add = true}
      %dma_wait3A_519 = arith.constant 0 : i32
      %dma_wait3A_520 = arith.constant 4 : i32
      %dma_wait3A_521 = arith.constant 0 : i32
      %dma_wait3A_522 = arith.constant 0 : i32
      %dma_wait3A_523 = tpu.memref_slice %arg7[%dma_wait3A_519, %dma_wait3A_521, %dma_wait3A_522] : memref<2x5x200xi32, #tpu.memory_space<vmem>> -> memref<1x5x200xi32, #tpu.memory_space<vmem>>
      %dma_wait3A_524 = tpu.memref_squeeze %dma_wait3A_523 : memref<1x5x200xi32, #tpu.memory_space<vmem>> -> memref<5x200xi32, #tpu.memory_space<vmem>>
      %dma_wait3A_525 = arith.constant 0 : i32
      %dma_wait3A_526 = tpu.memref_slice %dma_wait3A_524[%dma_wait3A_520, %dma_wait3A_525] : memref<5x200xi32, #tpu.memory_space<vmem>> -> memref<1x200xi32, #tpu.memory_space<vmem>>
      %dma_wait3A_527 = tpu.memref_squeeze %dma_wait3A_526 : memref<1x200xi32, #tpu.memory_space<vmem>> -> memref<200xi32, #tpu.memory_space<vmem>>
      %dma_wait3A_528 = arith.constant 0 : i32
      %dma_wait3A_529 = arith.constant 0 : i32
      %dma_wait3A_530 = tpu.memref_slice %arg3[%dma_wait3A_528, %dma_wait3A_529] : memref<10000x40xf32, #tpu.memory_space<hbm>> -> memref<10000x40xf32, #tpu.memory_space<hbm>>
      tpu.wait_indirect_dma semaphore(%arg13 : memref<!tpu.dma_semaphore, #tpu.memory_space<semaphore_mem>>) src(%dma_wait3A_530 : memref<10000x40xf32, #tpu.memory_space<hbm>>) dst(%arg8 : memref<200x40xf32, #tpu.memory_space<vmem>>)
      %dma_start3A_531 = arith.constant 1 : i32
      %dma_start3A_532 = arith.constant 4 : i32
      %dma_start3A_533 = arith.constant 0 : i32
      %dma_start3A_534 = arith.constant 0 : i32
      %dma_start3A_535 = tpu.memref_slice %arg7[%dma_start3A_531, %dma_start3A_533, %dma_start3A_534] : memref<2x5x200xi32, #tpu.memory_space<vmem>> -> memref<1x5x200xi32, #tpu.memory_space<vmem>>
      %dma_start3A_536 = tpu.memref_squeeze %dma_start3A_535 : memref<1x5x200xi32, #tpu.memory_space<vmem>> -> memref<5x200xi32, #tpu.memory_space<vmem>>
      %dma_start3A_537 = arith.constant 0 : i32
      %dma_start3A_538 = tpu.memref_slice %dma_start3A_536[%dma_start3A_532, %dma_start3A_537] : memref<5x200xi32, #tpu.memory_space<vmem>> -> memref<1x200xi32, #tpu.memory_space<vmem>>
      %dma_start3A_539 = tpu.memref_squeeze %dma_start3A_538 : memref<1x200xi32, #tpu.memory_space<vmem>> -> memref<200xi32, #tpu.memory_space<vmem>>
      %dma_start3A_540 = arith.constant 0 : i32
      %dma_start3A_541 = arith.constant 0 : i32
      %dma_start3A_542 = tpu.memref_slice %arg10[%dma_start3A_540, %dma_start3A_541] : memref<10112x40xf32, #tpu.memory_space<vmem_shared>> -> memref<10112x40xf32, #tpu.memory_space<vmem_shared>>
      tpu.enqueue_indirect_dma source(%arg8 : memref<200x40xf32, #tpu.memory_space<vmem>>) target(%dma_start3A_542 : memref<10112x40xf32, #tpu.memory_space<vmem_shared>>) offsets(%dma_start3A_539 : memref<200xi32, #tpu.memory_space<vmem>>) semaphore(%arg15 : memref<!tpu.dma_semaphore, #tpu.memory_space<semaphore_mem>>) {add = true}
      %dma_wait3A_543 = arith.constant 1 : i32
      %dma_wait3A_544 = arith.constant 3 : i32
      %dma_wait3A_545 = arith.constant 0 : i32
      %dma_wait3A_546 = arith.constant 0 : i32
      %dma_wait3A_547 = tpu.memref_slice %arg7[%dma_wait3A_543, %dma_wait3A_545, %dma_wait3A_546] : memref<2x5x200xi32, #tpu.memory_space<vmem>> -> memref<1x5x200xi32, #tpu.memory_space<vmem>>
      %dma_wait3A_548 = tpu.memref_squeeze %dma_wait3A_547 : memref<1x5x200xi32, #tpu.memory_space<vmem>> -> memref<5x200xi32, #tpu.memory_space<vmem>>
      %dma_wait3A_549 = arith.constant 0 : i32
      %dma_wait3A_550 = tpu.memref_slice %dma_wait3A_548[%dma_wait3A_544, %dma_wait3A_549] : memref<5x200xi32, #tpu.memory_space<vmem>> -> memref<1x200xi32, #tpu.memory_space<vmem>>
      %dma_wait3A_551 = tpu.memref_squeeze %dma_wait3A_550 : memref<1x200xi32, #tpu.memory_space<vmem>> -> memref<200xi32, #tpu.memory_space<vmem>>
      %dma_wait3A_552 = arith.constant 0 : i32
      %dma_wait3A_553 = arith.constant 0 : i32
      %dma_wait3A_554 = tpu.memref_slice %arg10[%dma_wait3A_552, %dma_wait3A_553] : memref<10112x40xf32, #tpu.memory_space<vmem_shared>> -> memref<10112x40xf32, #tpu.memory_space<vmem_shared>>
      tpu.wait_indirect_dma semaphore(%arg16 : memref<!tpu.dma_semaphore, #tpu.memory_space<semaphore_mem>>) src(%arg9 : memref<200x40xf32, #tpu.memory_space<vmem>>) dst(%dma_wait3A_554 : memref<10112x40xf32, #tpu.memory_space<vmem_shared>>)
      %dma_wait3A_555 = arith.constant 1 : i32
      %dma_wait3A_556 = arith.constant 4 : i32
      %dma_wait3A_557 = arith.constant 0 : i32
      %dma_wait3A_558 = arith.constant 0 : i32
      %dma_wait3A_559 = tpu.memref_slice %arg7[%dma_wait3A_555, %dma_wait3A_557, %dma_wait3A_558] : memref<2x5x200xi32, #tpu.memory_space<vmem>> -> memref<1x5x200xi32, #tpu.memory_space<vmem>>
      %dma_wait3A_560 = tpu.memref_squeeze %dma_wait3A_559 : memref<1x5x200xi32, #tpu.memory_space<vmem>> -> memref<5x200xi32, #tpu.memory_space<vmem>>
      %dma_wait3A_561 = arith.constant 0 : i32
      %dma_wait3A_562 = tpu.memref_slice %dma_wait3A_560[%dma_wait3A_556, %dma_wait3A_561] : memref<5x200xi32, #tpu.memory_space<vmem>> -> memref<1x200xi32, #tpu.memory_space<vmem>>
      %dma_wait3A_563 = tpu.memref_squeeze %dma_wait3A_562 : memref<1x200xi32, #tpu.memory_space<vmem>> -> memref<200xi32, #tpu.memory_space<vmem>>
      %dma_wait3A_564 = arith.constant 0 : i32
      %dma_wait3A_565 = arith.constant 0 : i32
      %dma_wait3A_566 = tpu.memref_slice %arg10[%dma_wait3A_564, %dma_wait3A_565] : memref<10112x40xf32, #tpu.memory_space<vmem_shared>> -> memref<10112x40xf32, #tpu.memory_space<vmem_shared>>
      tpu.wait_indirect_dma semaphore(%arg15 : memref<!tpu.dma_semaphore, #tpu.memory_space<semaphore_mem>>) src(%arg8 : memref<200x40xf32, #tpu.memory_space<vmem>>) dst(%dma_wait3A_566 : memref<10112x40xf32, #tpu.memory_space<vmem_shared>>)
      %scan3A_567 = arith.constant 0 : i32
      scf.yield %scan3A_567 : i32
    }
    %scan3A_18 = arith.constant 5 : i32
    %dma_wait3A = arith.constant 9 : i32
    %dma_wait3A_19 = arith.constant 0 : i32
    %dma_wait3A_20 = arith.constant 0 : i32
    %dma_wait3A_21 = arith.constant 0 : i32
    %dma_wait3A_22 = tpu.memref_slice %arg4[%add3A, %dma_wait3A, %dma_wait3A_19, %dma_wait3A_20, %dma_wait3A_21] : memref<32x10x2x5x200xi32, #tpu.memory_space<hbm>> -> memref<1x1x2x5x200xi32, #tpu.memory_space<hbm>>
    %dma_wait3A_23 = tpu.memref_squeeze %dma_wait3A_22 : memref<1x1x2x5x200xi32, #tpu.memory_space<hbm>> -> memref<2x5x200xi32, #tpu.memory_space<hbm>>
    %dma_wait3A_24 = arith.constant 0 : i32
    %dma_wait3A_25 = arith.constant 0 : i32
    %dma_wait3A_26 = arith.constant 0 : i32
    %dma_wait3A_27 = tpu.memref_slice %arg4[%add3A, %dma_wait3A, %dma_wait3A_24, %dma_wait3A_25, %dma_wait3A_26] : memref<32x10x2x5x200xi32, #tpu.memory_space<hbm>> -> memref<1x1x2x5x200xi32, #tpu.memory_space<hbm>>
    %dma_wait3A_28 = tpu.memref_squeeze %dma_wait3A_27 : memref<1x1x2x5x200xi32, #tpu.memory_space<hbm>> -> memref<2x5x200xi32, #tpu.memory_space<hbm>>
    tpu.wait_dma2 semaphore(%arg11 : memref<!tpu.dma_semaphore, #tpu.memory_space<semaphore_mem>>) src(%dma_wait3A_28 : memref<2x5x200xi32, #tpu.memory_space<hbm>>) dst(%arg6 : memref<2x5x200xi32, #tpu.memory_space<vmem>>)
    %barrier3A_29 = arith.constant 0 : index
    tpu.barrier barrier_id(%barrier3A_29)
    %run_scoped3A = arith.constant 0 : i32
    "tpu.region"() ({
      %run_scoped3A_30 = tpu.sem_alloc : memref<!tpu.dma_semaphore, #tpu.memory_space<semaphore_mem>>
      %dma_start3A_31 = arith.constant 0 : i32
      %dma_start3A_32 = tpu.memref_slice %arg5[%arg0, %run_scoped3A, %mul3A_2, %dma_start3A_31] : memref<2x1x10112x40xf32, #tpu.memory_space<hbm>> -> memref<1x1x632x40xf32, #tpu.memory_space<hbm>>
      %dma_start3A_33 = tpu.memref_squeeze %dma_start3A_32 : memref<1x1x632x40xf32, #tpu.memory_space<hbm>> -> memref<632x40xf32, #tpu.memory_space<hbm>>
      %dma_start3A_34 = arith.constant 0 : i32
      %dma_start3A_35 = tpu.memref_slice %arg10[%mul3A_2, %dma_start3A_34] : memref<10112x40xf32, #tpu.memory_space<vmem_shared>> -> memref<632x40xf32, #tpu.memory_space<vmem_shared>>
      tpu.enqueue_dma source(%dma_start3A_35 : memref<632x40xf32, #tpu.memory_space<vmem_shared>>) target(%dma_start3A_33 : memref<632x40xf32, #tpu.memory_space<hbm>>) target_semaphore(%run_scoped3A_30 : memref<!tpu.dma_semaphore, #tpu.memory_space<semaphore_mem>>)
      %dma_wait3A_36 = arith.constant 0 : i32
      %dma_wait3A_37 = tpu.memref_slice %arg5[%arg0, %run_scoped3A, %mul3A_2, %dma_wait3A_36] : memref<2x1x10112x40xf32, #tpu.memory_space<hbm>> -> memref<1x1x632x40xf32, #tpu.memory_space<hbm>>
      %dma_wait3A_38 = tpu.memref_squeeze %dma_wait3A_37 : memref<1x1x632x40xf32, #tpu.memory_space<hbm>> -> memref<632x40xf32, #tpu.memory_space<hbm>>
      %dma_wait3A_39 = arith.constant 0 : i32
      %dma_wait3A_40 = tpu.memref_slice %arg10[%mul3A_2, %dma_wait3A_39] : memref<10112x40xf32, #tpu.memory_space<vmem_shared>> -> memref<632x40xf32, #tpu.memory_space<vmem_shared>>
      tpu.wait_dma2 semaphore(%run_scoped3A_30 : memref<!tpu.dma_semaphore, #tpu.memory_space<semaphore_mem>>) src(%dma_wait3A_40 : memref<632x40xf32, #tpu.memory_space<vmem_shared>>) dst(%dma_wait3A_38 : memref<632x40xf32, #tpu.memory_space<hbm>>)
      tpu.yield
    }) : () -> ()
    return
  }
}

module attributes {stable_mosaic.version = 14 : i64} {
  func.func @_tc_a0_body(%arg0: i32, %arg1: memref<1000x128xf32, #tpu.memory_space<vmem>>, %arg2: memref<128x128xf32, #tpu.memory_space<vmem>>, %arg3: memref<128x128xf32, #tpu.memory_space<vmem>>, %arg4: memref<1000x128xf32, #tpu.memory_space<vmem>>, %arg5: memref<1000x128xf32, #tpu.memory_space<vmem>>) attributes {dimension_semantics = [#tpu.dimension_semantics<arbitrary>], iteration_bounds = array<i64: 10>, scalar_prefetch = 0 : i64, scratch_operands = 0 : i64, tpu.core_type = #tpu.core_type<tc>, window_params = [{transform_indices = @transform_0, window_bounds = array<i64: 1000, 128>}, {pipeline_mode = #tpu.pipeline_mode<synchronous>, transform_indices = @transform_1, window_bounds = array<i64: 128, 128>}, {pipeline_mode = #tpu.pipeline_mode<synchronous>, transform_indices = @transform_2, window_bounds = array<i64: 128, 128>}, {transform_indices = @transform_3, window_bounds = array<i64: 1000, 128>}, {transform_indices = @transform_4, window_bounds = array<i64: 1000, 128>}]} {
    %get3A = arith.constant 0 : index
    %get3A_0 = arith.constant 0 : index
    %get3A_1 = vector.load %arg1[%get3A, %get3A_0] : memref<1000x128xf32, #tpu.memory_space<vmem>>, vector<1000x128xf32>
    %get3A_2 = arith.constant 0 : index
    %get3A_3 = arith.constant 0 : index
    %get3A_4 = vector.load %arg2[%get3A_2, %get3A_3] : memref<128x128xf32, #tpu.memory_space<vmem>>, vector<128x128xf32>
    %dot_general3A = arith.constant dense<0.000000e+00> : vector<1000x128xf32>
    %dot_general3A_5 = tpu.matmul %get3A_1, %get3A_4, %dot_general3A {dimension_numbers = #tpu.dot_dimension_numbers<[1], [0], [0], [1], [0, 0, 1, 1], [], []>, transpose_lhs_hint = false} : vector<1000x128xf32>, vector<128x128xf32>, vector<1000x128xf32> -> vector<1000x128xf32>
    %swap3A = arith.constant 0 : index
    %swap3A_6 = arith.constant 0 : index
    %swap3A_7 = vector.load %arg4[%swap3A, %swap3A_6] : memref<1000x128xf32, #tpu.memory_space<vmem>>, vector<1000x128xf32>
    tpu.vector_store %arg4[%swap3A, %swap3A_6], %dot_general3A_5 {strides = array<i32>} : memref<1000x128xf32, #tpu.memory_space<vmem>>, vector<1000x128xf32>,
    %get3A_8 = arith.constant 0 : index
    %get3A_9 = arith.constant 0 : index
    %get3A_10 = vector.load %arg3[%get3A_8, %get3A_9] : memref<128x128xf32, #tpu.memory_space<vmem>>, vector<128x128xf32>
    %dot_general3A_11 = arith.constant dense<0.000000e+00> : vector<1000x128xf32>
    %dot_general3A_12 = tpu.matmul %get3A_1, %get3A_10, %dot_general3A_11 {dimension_numbers = #tpu.dot_dimension_numbers<[1], [0], [0], [1], [0, 0, 1, 1], [], []>, transpose_lhs_hint = false} : vector<1000x128xf32>, vector<128x128xf32>, vector<1000x128xf32> -> vector<1000x128xf32>
    %swap3A_13 = arith.constant 0 : index
    %swap3A_14 = arith.constant 0 : index
    %swap3A_15 = vector.load %arg5[%swap3A_13, %swap3A_14] : memref<1000x128xf32, #tpu.memory_space<vmem>>, vector<1000x128xf32>
    tpu.vector_store %arg5[%swap3A_13, %swap3A_14], %dot_general3A_12 {strides = array<i32>} : memref<1000x128xf32, #tpu.memory_space<vmem>>, vector<1000x128xf32>,
    return
  }
  func.func @transform_0(%arg0: i32) -> (i32, i32) {
    %c0_i32 = arith.constant 0 : i32
    %c0_i32_0 = arith.constant 0 : i32
    return %arg0, %c0_i32 : i32, i32
  }
  func.func @transform_1(%arg0: i32) -> (i32, i32) {
    %c0_i32 = arith.constant 0 : i32
    %c0_i32_0 = arith.constant 0 : i32
    %c0_i32_1 = arith.constant 0 : i32
    return %c0_i32, %c0_i32_0 : i32, i32
  }
  func.func @transform_2(%arg0: i32) -> (i32, i32) {
    %c0_i32 = arith.constant 0 : i32
    %c0_i32_0 = arith.constant 0 : i32
    %c0_i32_1 = arith.constant 0 : i32
    return %c0_i32, %c0_i32_0 : i32, i32
  }
  func.func @transform_3(%arg0: i32) -> (i32, i32) {
    %c0_i32 = arith.constant 0 : i32
    %c0_i32_0 = arith.constant 0 : i32
    return %arg0, %c0_i32 : i32, i32
  }
  func.func @transform_4(%arg0: i32) -> (i32, i32) {
    %c0_i32 = arith.constant 0 : i32
    %c0_i32_0 = arith.constant 0 : i32
    return %arg0, %c0_i32 : i32, i32
  }
}

module attributes {stable_mosaic.version = 14 : i64} {
  func.func @_tc_a1_body(%arg0: i32, %arg1: memref<2x1000x8xf32, #tpu.memory_space<vmem>>, %arg2: memref<1000x128xf32, #tpu.memory_space<vmem>>, %arg3: memref<1000x64xf32, #tpu.memory_space<vmem>>, %arg4: memref<1000x64xf32, #tpu.memory_space<vmem>>) attributes {dimension_semantics = [#tpu.dimension_semantics<arbitrary>], iteration_bounds = array<i64: 10>, scalar_prefetch = 0 : i64, scratch_operands = 0 : i64, tpu.core_type = #tpu.core_type<tc>, window_params = [{transform_indices = @transform_0, window_bounds = array<i64: 2, 1000, 8>}, {transform_indices = @transform_1, window_bounds = array<i64: 1000, 128>}, {transform_indices = @transform_2, window_bounds = array<i64: 1000, 64>}, {transform_indices = @transform_3, window_bounds = array<i64: 1000, 64>}]} {
    %get3A = arith.constant 0 : index
    %get3A_0 = arith.constant 0 : index
    %get3A_1 = arith.constant 0 : index
    %get3A_2 = vector.load %arg1[%get3A, %get3A_0, %get3A_1] : memref<2x1000x8xf32, #tpu.memory_space<vmem>>, vector<1x1000x8xf32>
    %get3A_3 = vector.shape_cast %get3A_2 : vector<1x1000x8xf32> to vector<1000x8xf32>
    %get3A_4 = arith.constant 1 : index
    %get3A_5 = arith.constant 0 : index
    %get3A_6 = arith.constant 0 : index
    %get3A_7 = vector.load %arg1[%get3A_4, %get3A_5, %get3A_6] : memref<2x1000x8xf32, #tpu.memory_space<vmem>>, vector<1x1000x8xf32>
    %get3A_8 = vector.shape_cast %get3A_7 : vector<1x1000x8xf32> to vector<1000x8xf32>
    %add3A = arith.addf %get3A_3, %get3A_8 : vector<1000x8xf32>
    %gt3A = arith.constant 0.000000e+00 : f32
    %gt3A_9 = vector.broadcast %gt3A : f32 to vector<1000x8xf32>
    %gt3A_10 = arith.cmpf ogt, %add3A, %gt3A_9 : vector<1000x8xf32>
    %rsqrt3A = math.rsqrt %add3A : vector<1000x8xf32>
    %jit3A = arith.constant 0.000000e+00 : f32
    %broadcast_in_dim3A = vector.broadcast %jit3A : f32 to vector<1000x8xf32>
    %select_n3A = arith.select %gt3A_10, %rsqrt3A, %broadcast_in_dim3A : vector<1000x8xi1>, vector<1000x8xf32>
    %slice3A = vector.extract_strided_slice %select_n3A {offsets = [0, 0], sizes = [1000, 1], strides = [1, 1]} : vector<1000x8xf32> to vector<1000x1xf32>
    %get3A_11 = arith.constant 0 : index
    %get3A_12 = arith.constant 0 : index
    %get3A_13 = vector.load %arg2[%get3A_11, %get3A_12] : memref<1000x128xf32, #tpu.memory_space<vmem>>, vector<1000x128xf32>
    %mul3A = vector.broadcast %slice3A : vector<1000x1xf32> to vector<1000x128xf32>
    %mul3A_14 = arith.mulf %get3A_13, %mul3A : vector<1000x128xf32>
    %slice3A_15 = vector.extract_strided_slice %mul3A_14 {offsets = [0, 0], sizes = [1000, 64], strides = [1, 1]} : vector<1000x128xf32> to vector<1000x64xf32>
    %swap3A = arith.constant 0 : index
    %swap3A_16 = arith.constant 0 : index
    %swap3A_17 = vector.load %arg3[%swap3A, %swap3A_16] : memref<1000x64xf32, #tpu.memory_space<vmem>>, vector<1000x64xf32>
    tpu.vector_store %arg3[%swap3A, %swap3A_16], %slice3A_15 {strides = array<i32>} : memref<1000x64xf32, #tpu.memory_space<vmem>>, vector<1000x64xf32>,
    %slice3A_18 = vector.extract_strided_slice %mul3A_14 {offsets = [0, 64], sizes = [1000, 64], strides = [1, 1]} : vector<1000x128xf32> to vector<1000x64xf32>
    %swap3A_19 = arith.constant 0 : index
    %swap3A_20 = arith.constant 0 : index
    %swap3A_21 = vector.load %arg4[%swap3A_19, %swap3A_20] : memref<1000x64xf32, #tpu.memory_space<vmem>>, vector<1000x64xf32>
    tpu.vector_store %arg4[%swap3A_19, %swap3A_20], %slice3A_18 {strides = array<i32>} : memref<1000x64xf32, #tpu.memory_space<vmem>>, vector<1000x64xf32>,
    return
  }
  func.func @transform_0(%arg0: i32) -> (i32, i32, i32) {
    %c0_i32 = arith.constant 0 : i32
    %c0_i32_0 = arith.constant 0 : i32
    %c0_i32_1 = arith.constant 0 : i32
    return %c0_i32, %arg0, %c0_i32_0 : i32, i32, i32
  }
  func.func @transform_1(%arg0: i32) -> (i32, i32) {
    %c0_i32 = arith.constant 0 : i32
    %c0_i32_0 = arith.constant 0 : i32
    return %arg0, %c0_i32 : i32, i32
  }
  func.func @transform_2(%arg0: i32) -> (i32, i32) {
    %c0_i32 = arith.constant 0 : i32
    %c0_i32_0 = arith.constant 0 : i32
    return %arg0, %c0_i32 : i32, i32
  }
  func.func @transform_3(%arg0: i32) -> (i32, i32) {
    %c0_i32 = arith.constant 0 : i32
    %c0_i32_0 = arith.constant 0 : i32
    return %arg0, %c0_i32 : i32, i32
  }
}

module attributes {stable_mosaic.version = 14 : i64} {
  func.func @_tc_b_body(%arg0: i32, %arg1: memref<2x1000x8xf32, #tpu.memory_space<vmem>>, %arg2: memref<2x2x1000x64xf32, #tpu.memory_space<vmem>>, %arg3: memref<1000x128xf32, #tpu.memory_space<vmem>>, %arg4: memref<128xf32, #tpu.memory_space<vmem>>, %arg5: memref<128x40xf32, #tpu.memory_space<vmem>>, %arg6: memref<128x40xf32, #tpu.memory_space<vmem>>, %arg7: memref<1000x40xf32, #tpu.memory_space<vmem>>, %arg8: memref<1000x40xf32, #tpu.memory_space<vmem>>) attributes {dimension_semantics = [#tpu.dimension_semantics<arbitrary>], iteration_bounds = array<i64: 10>, scalar_prefetch = 0 : i64, scratch_operands = 0 : i64, tpu.core_type = #tpu.core_type<tc>, window_params = [{transform_indices = @transform_0, window_bounds = array<i64: 2, 1000, 8>}, {transform_indices = @transform_1, window_bounds = array<i64: 2, 2, 1000, 64>}, {transform_indices = @transform_2, window_bounds = array<i64: 1000, 128>}, {pipeline_mode = #tpu.pipeline_mode<synchronous>, transform_indices = @transform_3, window_bounds = array<i64: 128>}, {pipeline_mode = #tpu.pipeline_mode<synchronous>, transform_indices = @transform_4, window_bounds = array<i64: 128, 40>}, {pipeline_mode = #tpu.pipeline_mode<synchronous>, transform_indices = @transform_5, window_bounds = array<i64: 128, 40>}, {transform_indices = @transform_6, window_bounds = array<i64: 1000, 40>}, {transform_indices = @transform_7, window_bounds = array<i64: 1000, 40>}]} {
    %get3A = arith.constant 0 : index
    %get3A_0 = arith.constant 0 : index
    %get3A_1 = arith.constant 0 : index
    %get3A_2 = vector.load %arg1[%get3A, %get3A_0, %get3A_1] : memref<2x1000x8xf32, #tpu.memory_space<vmem>>, vector<1x1000x8xf32>
    %get3A_3 = vector.shape_cast %get3A_2 : vector<1x1000x8xf32> to vector<1000x8xf32>
    %get3A_4 = arith.constant 1 : index
    %get3A_5 = arith.constant 0 : index
    %get3A_6 = arith.constant 0 : index
    %get3A_7 = vector.load %arg1[%get3A_4, %get3A_5, %get3A_6] : memref<2x1000x8xf32, #tpu.memory_space<vmem>>, vector<1x1000x8xf32>
    %get3A_8 = vector.shape_cast %get3A_7 : vector<1x1000x8xf32> to vector<1000x8xf32>
    %add3A = arith.addf %get3A_3, %get3A_8 : vector<1000x8xf32>
    %gt3A = arith.constant 0.000000e+00 : f32
    %gt3A_9 = vector.broadcast %gt3A : f32 to vector<1000x8xf32>
    %gt3A_10 = arith.cmpf ogt, %add3A, %gt3A_9 : vector<1000x8xf32>
    %rsqrt3A = math.rsqrt %add3A : vector<1000x8xf32>
    %jit3A = arith.constant 0.000000e+00 : f32
    %broadcast_in_dim3A = vector.broadcast %jit3A : f32 to vector<1000x8xf32>
    %select_n3A = arith.select %gt3A_10, %rsqrt3A, %broadcast_in_dim3A : vector<1000x8xi1>, vector<1000x8xf32>
    %slice3A = vector.extract_strided_slice %select_n3A {offsets = [0, 0], sizes = [1000, 1], strides = [1, 1]} : vector<1000x8xf32> to vector<1000x1xf32>
    %get3A_11 = arith.constant 0 : index
    %get3A_12 = arith.constant 0 : index
    %get3A_13 = arith.constant 0 : index
    %get3A_14 = arith.constant 0 : index
    %get3A_15 = vector.load %arg2[%get3A_11, %get3A_12, %get3A_13, %get3A_14] : memref<2x2x1000x64xf32, #tpu.memory_space<vmem>>, vector<1x1x1000x64xf32>
    %get3A_16 = vector.shape_cast %get3A_15 : vector<1x1x1000x64xf32> to vector<1000x64xf32>
    %get3A_17 = arith.constant 1 : index
    %get3A_18 = arith.constant 0 : index
    %get3A_19 = arith.constant 0 : index
    %get3A_20 = arith.constant 0 : index
    %get3A_21 = vector.load %arg2[%get3A_17, %get3A_18, %get3A_19, %get3A_20] : memref<2x2x1000x64xf32, #tpu.memory_space<vmem>>, vector<1x1x1000x64xf32>
    %get3A_22 = vector.shape_cast %get3A_21 : vector<1x1x1000x64xf32> to vector<1000x64xf32>
    %add3A_23 = arith.addf %get3A_16, %get3A_22 : vector<1000x64xf32>
    %get3A_24 = arith.constant 0 : index
    %get3A_25 = arith.constant 1 : index
    %get3A_26 = arith.constant 0 : index
    %get3A_27 = arith.constant 0 : index
    %get3A_28 = vector.load %arg2[%get3A_24, %get3A_25, %get3A_26, %get3A_27] : memref<2x2x1000x64xf32, #tpu.memory_space<vmem>>, vector<1x1x1000x64xf32>
    %get3A_29 = vector.shape_cast %get3A_28 : vector<1x1x1000x64xf32> to vector<1000x64xf32>
    %get3A_30 = arith.constant 1 : index
    %get3A_31 = arith.constant 1 : index
    %get3A_32 = arith.constant 0 : index
    %get3A_33 = arith.constant 0 : index
    %get3A_34 = vector.load %arg2[%get3A_30, %get3A_31, %get3A_32, %get3A_33] : memref<2x2x1000x64xf32, #tpu.memory_space<vmem>>, vector<1x1x1000x64xf32>
    %get3A_35 = vector.shape_cast %get3A_34 : vector<1x1x1000x64xf32> to vector<1000x64xf32>
    %add3A_36 = arith.addf %get3A_29, %get3A_35 : vector<1000x64xf32>
    %concatenate3A = tpu.concatenate %add3A_23, %add3A_36 in 1 : vector<1000x64xf32>, vector<1000x64xf32> -> vector<1000x128xf32>
    %mul3A = vector.broadcast %slice3A : vector<1000x1xf32> to vector<1000x128xf32>
    %mul3A_37 = arith.mulf %concatenate3A, %mul3A : vector<1000x128xf32>
    %get3A_38 = arith.constant 0 : index
    %get3A_39 = arith.constant 0 : index
    %get3A_40 = vector.load %arg3[%get3A_38, %get3A_39] : memref<1000x128xf32, #tpu.memory_space<vmem>>, vector<1000x128xf32>
    %add3A_41 = arith.addf %mul3A_37, %get3A_40 : vector<1000x128xf32>
    %get3A_42 = arith.constant 0 : index
    %get3A_43 = vector.load %arg4[%get3A_42] : memref<128xf32, #tpu.memory_space<vmem>>, vector<128xf32>
    %broadcast_in_dim3A_44 = vector.shape_cast %get3A_43 : vector<128xf32> to vector<1x128xf32>
    %add3A_45 = vector.broadcast %broadcast_in_dim3A_44 : vector<1x128xf32> to vector<1000x128xf32>
    %add3A_46 = arith.addf %add3A_41, %add3A_45 : vector<1000x128xf32>
    %max3A = arith.constant 0.000000e+00 : f32
    %max3A_47 = vector.broadcast %max3A : f32 to vector<1000x128xf32>
    %max3A_48 = arith.maximumf %add3A_46, %max3A_47 : vector<1000x128xf32>
    %get3A_49 = arith.constant 0 : index
    %get3A_50 = arith.constant 0 : index
    %get3A_51 = vector.load %arg5[%get3A_49, %get3A_50] : memref<128x40xf32, #tpu.memory_space<vmem>>, vector<128x40xf32>
    %dot_general3A = arith.constant dense<0.000000e+00> : vector<1000x40xf32>
    %dot_general3A_52 = tpu.matmul %max3A_48, %get3A_51, %dot_general3A {dimension_numbers = #tpu.dot_dimension_numbers<[1], [0], [0], [1], [0, 0, 1, 1], [], []>, transpose_lhs_hint = false} : vector<1000x128xf32>, vector<128x40xf32>, vector<1000x40xf32> -> vector<1000x40xf32>
    %mul3A_53 = vector.broadcast %slice3A : vector<1000x1xf32> to vector<1000x40xf32>
    %mul3A_54 = arith.mulf %dot_general3A_52, %mul3A_53 : vector<1000x40xf32>
    %swap3A = arith.constant 0 : index
    %swap3A_55 = arith.constant 0 : index
    %swap3A_56 = vector.load %arg7[%swap3A, %swap3A_55] : memref<1000x40xf32, #tpu.memory_space<vmem>>, vector<1000x40xf32>
    tpu.vector_store %arg7[%swap3A, %swap3A_55], %mul3A_54 {strides = array<i32>} : memref<1000x40xf32, #tpu.memory_space<vmem>>, vector<1000x40xf32>,
    %get3A_57 = arith.constant 0 : index
    %get3A_58 = arith.constant 0 : index
    %get3A_59 = vector.load %arg6[%get3A_57, %get3A_58] : memref<128x40xf32, #tpu.memory_space<vmem>>, vector<128x40xf32>
    %dot_general3A_60 = arith.constant dense<0.000000e+00> : vector<1000x40xf32>
    %dot_general3A_61 = tpu.matmul %max3A_48, %get3A_59, %dot_general3A_60 {dimension_numbers = #tpu.dot_dimension_numbers<[1], [0], [0], [1], [0, 0, 1, 1], [], []>, transpose_lhs_hint = false} : vector<1000x128xf32>, vector<128x40xf32>, vector<1000x40xf32> -> vector<1000x40xf32>
    %swap3A_62 = arith.constant 0 : index
    %swap3A_63 = arith.constant 0 : index
    %swap3A_64 = vector.load %arg8[%swap3A_62, %swap3A_63] : memref<1000x40xf32, #tpu.memory_space<vmem>>, vector<1000x40xf32>
    tpu.vector_store %arg8[%swap3A_62, %swap3A_63], %dot_general3A_61 {strides = array<i32>} : memref<1000x40xf32, #tpu.memory_space<vmem>>, vector<1000x40xf32>,
    return
  }
  func.func @transform_0(%arg0: i32) -> (i32, i32, i32) {
    %c0_i32 = arith.constant 0 : i32
    %c0_i32_0 = arith.constant 0 : i32
    %c0_i32_1 = arith.constant 0 : i32
    return %c0_i32, %arg0, %c0_i32_0 : i32, i32, i32
  }
  func.func @transform_1(%arg0: i32) -> (i32, i32, i32, i32) {
    %c0_i32 = arith.constant 0 : i32
    %c0_i32_0 = arith.constant 0 : i32
    %c0_i32_1 = arith.constant 0 : i32
    %c0_i32_2 = arith.constant 0 : i32
    return %c0_i32, %c0_i32_0, %arg0, %c0_i32_1 : i32, i32, i32, i32
  }
  func.func @transform_2(%arg0: i32) -> (i32, i32) {
    %c0_i32 = arith.constant 0 : i32
    %c0_i32_0 = arith.constant 0 : i32
    return %arg0, %c0_i32 : i32, i32
  }
  func.func @transform_3(%arg0: i32) -> i32 {
    %c0_i32 = arith.constant 0 : i32
    %c0_i32_0 = arith.constant 0 : i32
    return %c0_i32 : i32
  }
  func.func @transform_4(%arg0: i32) -> (i32, i32) {
    %c0_i32 = arith.constant 0 : i32
    %c0_i32_0 = arith.constant 0 : i32
    %c0_i32_1 = arith.constant 0 : i32
    return %c0_i32, %c0_i32_0 : i32, i32
  }
  func.func @transform_5(%arg0: i32) -> (i32, i32) {
    %c0_i32 = arith.constant 0 : i32
    %c0_i32_0 = arith.constant 0 : i32
    %c0_i32_1 = arith.constant 0 : i32
    return %c0_i32, %c0_i32_0 : i32, i32
  }
  func.func @transform_6(%arg0: i32) -> (i32, i32) {
    %c0_i32 = arith.constant 0 : i32
    %c0_i32_0 = arith.constant 0 : i32
    return %arg0, %c0_i32 : i32, i32
  }
  func.func @transform_7(%arg0: i32) -> (i32, i32) {
    %c0_i32 = arith.constant 0 : i32
    %c0_i32_0 = arith.constant 0 : i32
    return %arg0, %c0_i32 : i32, i32
  }
}

module attributes {stable_mosaic.version = 14 : i64} {
  func.func @_tc_c_body(%arg0: i32, %arg1: memref<2x1000x8xf32, #tpu.memory_space<vmem>>, %arg2: memref<2x1x1000x40xf32, #tpu.memory_space<vmem>>, %arg3: memref<1000x40xf32, #tpu.memory_space<vmem>>, %arg4: memref<40xf32, #tpu.memory_space<vmem>>, %arg5: memref<1000x40xf32, #tpu.memory_space<vmem>>) attributes {dimension_semantics = [#tpu.dimension_semantics<arbitrary>], iteration_bounds = array<i64: 10>, scalar_prefetch = 0 : i64, scratch_operands = 0 : i64, tpu.core_type = #tpu.core_type<tc>, window_params = [{transform_indices = @transform_0, window_bounds = array<i64: 2, 1000, 8>}, {transform_indices = @transform_1, window_bounds = array<i64: 2, 1, 1000, 40>}, {transform_indices = @transform_2, window_bounds = array<i64: 1000, 40>}, {pipeline_mode = #tpu.pipeline_mode<synchronous>, transform_indices = @transform_3, window_bounds = array<i64: 40>}, {transform_indices = @transform_4, window_bounds = array<i64: 1000, 40>}]} {
    %get3A = arith.constant 0 : index
    %get3A_0 = arith.constant 0 : index
    %get3A_1 = arith.constant 0 : index
    %get3A_2 = vector.load %arg1[%get3A, %get3A_0, %get3A_1] : memref<2x1000x8xf32, #tpu.memory_space<vmem>>, vector<1x1000x8xf32>
    %get3A_3 = vector.shape_cast %get3A_2 : vector<1x1000x8xf32> to vector<1000x8xf32>
    %get3A_4 = arith.constant 1 : index
    %get3A_5 = arith.constant 0 : index
    %get3A_6 = arith.constant 0 : index
    %get3A_7 = vector.load %arg1[%get3A_4, %get3A_5, %get3A_6] : memref<2x1000x8xf32, #tpu.memory_space<vmem>>, vector<1x1000x8xf32>
    %get3A_8 = vector.shape_cast %get3A_7 : vector<1x1000x8xf32> to vector<1000x8xf32>
    %add3A = arith.addf %get3A_3, %get3A_8 : vector<1000x8xf32>
    %gt3A = arith.constant 0.000000e+00 : f32
    %gt3A_9 = vector.broadcast %gt3A : f32 to vector<1000x8xf32>
    %gt3A_10 = arith.cmpf ogt, %add3A, %gt3A_9 : vector<1000x8xf32>
    %rsqrt3A = math.rsqrt %add3A : vector<1000x8xf32>
    %jit3A = arith.constant 0.000000e+00 : f32
    %broadcast_in_dim3A = vector.broadcast %jit3A : f32 to vector<1000x8xf32>
    %select_n3A = arith.select %gt3A_10, %rsqrt3A, %broadcast_in_dim3A : vector<1000x8xi1>, vector<1000x8xf32>
    %slice3A = vector.extract_strided_slice %select_n3A {offsets = [0, 0], sizes = [1000, 1], strides = [1, 1]} : vector<1000x8xf32> to vector<1000x1xf32>
    %get3A_11 = arith.constant 0 : index
    %get3A_12 = arith.constant 0 : index
    %get3A_13 = arith.constant 0 : index
    %get3A_14 = arith.constant 0 : index
    %get3A_15 = vector.load %arg2[%get3A_11, %get3A_12, %get3A_13, %get3A_14] : memref<2x1x1000x40xf32, #tpu.memory_space<vmem>>, vector<1x1x1000x40xf32>
    %get3A_16 = vector.shape_cast %get3A_15 : vector<1x1x1000x40xf32> to vector<1000x40xf32>
    %get3A_17 = arith.constant 1 : index
    %get3A_18 = arith.constant 0 : index
    %get3A_19 = arith.constant 0 : index
    %get3A_20 = arith.constant 0 : index
    %get3A_21 = vector.load %arg2[%get3A_17, %get3A_18, %get3A_19, %get3A_20] : memref<2x1x1000x40xf32, #tpu.memory_space<vmem>>, vector<1x1x1000x40xf32>
    %get3A_22 = vector.shape_cast %get3A_21 : vector<1x1x1000x40xf32> to vector<1000x40xf32>
    %add3A_23 = arith.addf %get3A_16, %get3A_22 : vector<1000x40xf32>
    %mul3A = vector.broadcast %slice3A : vector<1000x1xf32> to vector<1000x40xf32>
    %mul3A_24 = arith.mulf %add3A_23, %mul3A : vector<1000x40xf32>
    %get3A_25 = arith.constant 0 : index
    %get3A_26 = arith.constant 0 : index
    %get3A_27 = vector.load %arg3[%get3A_25, %get3A_26] : memref<1000x40xf32, #tpu.memory_space<vmem>>, vector<1000x40xf32>
    %add3A_28 = arith.addf %mul3A_24, %get3A_27 : vector<1000x40xf32>
    %get3A_29 = arith.constant 0 : index
    %get3A_30 = vector.load %arg4[%get3A_29] : memref<40xf32, #tpu.memory_space<vmem>>, vector<40xf32>
    %broadcast_in_dim3A_31 = vector.shape_cast %get3A_30 : vector<40xf32> to vector<1x40xf32>
    %add3A_32 = vector.broadcast %broadcast_in_dim3A_31 : vector<1x40xf32> to vector<1000x40xf32>
    %add3A_33 = arith.addf %add3A_28, %add3A_32 : vector<1000x40xf32>
    %max3A = arith.constant 0.000000e+00 : f32
    %max3A_34 = vector.broadcast %max3A : f32 to vector<1000x40xf32>
    %max3A_35 = arith.maximumf %add3A_33, %max3A_34 : vector<1000x40xf32>
    %swap3A = arith.constant 0 : index
    %swap3A_36 = arith.constant 0 : index
    %swap3A_37 = vector.load %arg5[%swap3A, %swap3A_36] : memref<1000x40xf32, #tpu.memory_space<vmem>>, vector<1000x40xf32>
    tpu.vector_store %arg5[%swap3A, %swap3A_36], %max3A_35 {strides = array<i32>} : memref<1000x40xf32, #tpu.memory_space<vmem>>, vector<1000x40xf32>,
    return
  }
  func.func @transform_0(%arg0: i32) -> (i32, i32, i32) {
    %c0_i32 = arith.constant 0 : i32
    %c0_i32_0 = arith.constant 0 : i32
    %c0_i32_1 = arith.constant 0 : i32
    return %c0_i32, %arg0, %c0_i32_0 : i32, i32, i32
  }
  func.func @transform_1(%arg0: i32) -> (i32, i32, i32, i32) {
    %c0_i32 = arith.constant 0 : i32
    %c0_i32_0 = arith.constant 0 : i32
    %c0_i32_1 = arith.constant 0 : i32
    %c0_i32_2 = arith.constant 0 : i32
    return %c0_i32, %c0_i32_0, %arg0, %c0_i32_1 : i32, i32, i32, i32
  }
  func.func @transform_2(%arg0: i32) -> (i32, i32) {
    %c0_i32 = arith.constant 0 : i32
    %c0_i32_0 = arith.constant 0 : i32
    return %arg0, %c0_i32 : i32, i32
  }
  func.func @transform_3(%arg0: i32) -> i32 {
    %c0_i32 = arith.constant 0 : i32
    %c0_i32_0 = arith.constant 0 : i32
    return %c0_i32 : i32
  }
  func.func @transform_4(%arg0: i32) -> (i32, i32) {
    %c0_i32 = arith.constant 0 : i32
    %c0_i32_0 = arith.constant 0 : i32
    return %arg0, %c0_i32 : i32, i32
  }
}

</mosaic_0001>

<sc_bundles>
// kernel: kernel.12.cloned.1.call-start
scs
__scs_entry_jumppad:
0x0: {  	(pc) =	sbr.rel $0x88, $3  }
0x1: {  	(tag) =	ssettag $0x0;
	lr =	simm.s32 $0x1  }
0x2: {  	[smem:$0x3F99] =	sst lr;
	_ =	strace $0xD0000000  }
0x3: {  	_ = 	snop  }
0x4: {  	_ = 	snop  }
0x5: {  	_ = 	snop  }
0x6: {  	_ = 	snop  }
0x7: {  	_ = 	snop  }
__scs_overlays_trampoline_lowered:
0x8: {  	[smem:$0x3FA8] =	sst s0  }
0x9: {  	[smem:$0x3FA9] =	sst s1  }
0xa: {  	[smem:$0x3FAA] =	sst s2  }
0xb: {  	[smem:$0x3FAB] =	sst s3  }
0xc: {  	[smem:$0x3FAC] =	sst s4  }
0xd: {  	[smem:$0x3FAD] =	sst s5  }
0xe: {  	[smem:$0x3FAE] =	sst s6  }
0xf: {  	[smem:$0x3FAF] =	sst s7  }
0x10: {  	[smem:$0x3FB0] =	sst s8  }
0x11: {  	[smem:$0x3FB1] =	sst s9;
	s0 =	simm.s32 @!p0 $0x0  }
0x12: {  	s1 =	sld [smem:$0x3F97];
	s0 =	simm.s32 @p0 $0x1  }
0x13: {  	[smem:$0x3FB2] =	sst s0;
	s0 =	simm.s32 @!p1 $0x0  }
0x14: {  	s2 =	sld [smem:$0x3F96];
	s0 =	simm.s32 @p1 $0x1  }
0x15: {  	[smem:$0x3FB3] =	sst s0;
	s0 =	simm.s32 @!p2 $0x0  }
0x16: {  	s3 =	sld [smem:$0x3FDB];
	s0 =	simm.s32 @p2 $0x1  }
0x17: {  	s4 =	simm.s32 $0x1BF5;
	[smem:$0x3FB5] =	sst s0  }
0x18: {  	s0 =	sld [smem:$0x3F98];
	_ =	swait.ge [sflag:s4], $0x0  }
0x19: {  	s7 =	sld [smem:$0x3F99]  }
0x1a: {  	s8 =	sadd.s32 $0xFFFFE003, lr  }
0x1b: {  	s9 =	sadd.s32 $0xFFFFFEF7, lr;
	s5 =	simm.s32 $0xFFFFFFFF;
	p2 =	slt.u32 s8, $0xFFFFF086  }
0x1c: {  	p1 =	slt.u32 s9, $0xF7A;
	s5 =	simm.s32 @!p2 $0x0  }
0x1d: {  	s5 =	simm.s32 @p1 $0x1;
	p0 =	seq.s32 s7, s2  }
0x1e: {  	s7 =	smul.u32 @!p0 $0xF7A, s2;
	p2 =	seq.s32 @!p0 s5, $0x0  }
0x1f: {  	s9 =	smul.u32 $0xF7A, s1;
	s8 =	simm.s32 @!p0 $0x1BF5;
	p2 =	por !p2, p0  }
0x20: {  	[sflag:s8] =	ssyncset.s32 @!p0 $0xFFFFF086;
	s6 =	sadd.s32 @!p0 s3, s7;
	s7 =	simm.s32 @!p0 $0x108  }
0x21: {  	s3 =	sadd.s32 s3, s9;
	s6 =	sadd.s32 @!p0 $0x88, s6;
	s7 =	simm.s32 @p2 $0x1082  }
0x22: {  	[simem:s7], [sflag:s8] =	dma.local @!p0 [hbm:s6], $0xF7A  }
0x23: {  	s9 =	sor.u32 $0xD0000000, s2;
	s6 =	simm.s32 $0x108;
	_ =	swait.ge @!p0 [sflag:s8], $0x0  }
0x24: {  	s3 =	sadd.s32 $0x88, s3;
	s6 =	simm.s32 @!p1 $0x1082;
	[sflag:s4] =	ssyncset.s32 $0xFFFFF086  }
0x25: {  	[simem:s6], [sflag:s4] =	dma.local [hbm:s3], $0xF7A  }
0x26: {  	[smem:$0x3F99] =	sst s1;
	(tag) =	ssettag s2;
	_ =	strace s9  }
0x27: {  	s1 =	sld [smem:$0x3FA9]  }
0x28: {  	s2 =	sld [smem:$0x3FAA]  }
0x29: {  	s4 =	sld [smem:$0x3FAC]  }
0x2a: {  	p0 =	seq.s32 s5, $0x0;
	s5 =	sld [smem:$0x3FAD]  }
0x2b: {  	s6 =	sld [smem:$0x3FAE]  }
0x2c: {  	s7 =	sld [smem:$0x3FAF]  }
0x2d: {  	s3 =	simm.s32 $0x108;
	s8 =	sld [smem:$0x3FB0]  }
0x2e: {  	s3 =	simm.s32 @!p0 $0x1082;
	s9 =	sld [smem:$0x3FB1]  }
0x2f: {  	lr =	sadd.s32 s0, s3;
	s0 =	sld [smem:$0x3FA8]  }
0x30: {  	s3 =	sld [smem:$0x3FAB]  }
0x31: {  	[smem:$0x3FB4] =	sst s10  }
0x32: {  	s10 =	sld [smem:$0x3FB2];
	_ =	sdelay $0x3  }
0x33: {  	p0 =	seq.s32 s10, $0x1;
	s10 =	sld [smem:$0x3FB4];
	_ =	sdelay $0x3  }
0x34: {  	[smem:$0x3FB4] =	sst s10  }
0x35: {  	s10 =	sld [smem:$0x3FB3];
	_ =	sdelay $0x3  }
0x36: {  	p1 =	seq.s32 s10, $0x1;
	s10 =	sld [smem:$0x3FB4];
	_ =	sdelay $0x3  }
0x37: {  	[smem:$0x3FB4] =	sst s10  }
0x38: {  	s10 =	sld [smem:$0x3FB5]  }
0x39: {  	_ = 	snop;
	(pc) =	sbr.ind lr, $3  }
0x3a: {  	_ = 	snop  }
0x3b: {  	_ = 	snop  }
0x3c: {  	p2 =	seq.s32 s10, $0x1;
	s10 =	sld [smem:$0x3FB4]  }
0x3d: {  	_ =	shalt  }
0x3e: {  	_ =	shalt  }
0x3f: {  	_ =	shalt  }
0x40: {  	_ =	shalt  }
0x41: {  	_ =	shalt  }
0x42: {  	_ =	shalt  }
0x43: {  	_ =	shalt  }
0x44: {  	_ =	shalt  }
0x45: {  	_ =	shalt  }
0x46: {  	_ =	shalt  }
0x47: {  	_ =	shalt  }
0x48: {  	_ =	shalt  }
0x49: {  	_ =	shalt  }
0x4a: {  	_ =	shalt  }
0x4b: {  	_ =	shalt  }
0x4c: {  	_ =	shalt  }
0x4d: {  	_ =	shalt  }
0x4e: {  	_ =	shalt  }
0x4f: {  	_ =	shalt  }
0x50: {  	_ =	shalt  }
0x51: {  	_ =	shalt  }
0x52: {  	_ =	shalt  }
0x53: {  	_ =	shalt  }
0x54: {  	_ =	shalt  }
0x55: {  	_ =	shalt  }
0x56: {  	_ =	shalt  }
0x57: {  	_ =	shalt  }
0x58: {  	_ =	shalt  }
0x59: {  	_ =	shalt  }
0x5a: {  	_ =	shalt  }
0x5b: {  	_ =	shalt  }
0x5c: {  	_ =	shalt  }
0x5d: {  	_ =	shalt  }
0x5e: {  	_ =	shalt  }
0x5f: {  	_ =	shalt  }
0x60: {  	_ =	shalt  }
0x61: {  	_ =	shalt  }
0x62: {  	_ =	shalt  }
0x63: {  	_ =	shalt  }
0x64: {  	_ =	shalt  }
0x65: {  	_ =	shalt  }
0x66: {  	_ =	shalt  }
0x67: {  	_ =	shalt  }
0x68: {  	_ =	shalt  }
0x69: {  	_ =	shalt  }
0x6a: {  	_ =	shalt  }
0x6b: {  	_ =	shalt  }
0x6c: {  	_ =	shalt  }
0x6d: {  	_ =	shalt  }
0x6e: {  	_ =	shalt  }
0x6f: {  	_ =	shalt  }
0x70: {  	_ =	shalt  }
0x71: {  	_ =	shalt  }
0x72: {  	_ =	shalt  }
0x73: {  	_ =	shalt  }
0x74: {  	_ =	shalt  }
0x75: {  	_ =	shalt  }
0x76: {  	_ =	shalt  }
0x77: {  	_ =	shalt  }
0x78: {  	_ =	shalt  }
0x79: {  	_ =	shalt  }
0x7a: {  	_ =	shalt  }
0x7b: {  	_ =	shalt  }
0x7c: {  	_ =	shalt  }
0x7d: {  	_ =	shalt  }
0x7e: {  	_ =	shalt  }
0x7f: {  	_ =	shalt  }
0x80: {  	_ =	shalt  }
0x81: {  	_ =	shalt  }
0x82: {  	_ =	shalt  }
0x83: {  	_ =	shalt  }
0x84: {  	_ =	shalt  }
0x85: {  	_ =	shalt  }
0x86: {  	_ =	shalt  }
0x87: {  	_ =	shalt  }
.Lfunc_end0:
.L_simem_size_0:
called_computation.1_lowered:
.L_overlay_start_0:
0x88: {  	s2 =	sld [smem:$0x3FD9]  }
0x89: {  	s3 =	sld [smem:$0x3FFE];
	_ =	sdelay $0x1  }
0x8a: {  	s1 =	srdreg.scid  }
0x8b: {  	s0 =	sand.u32 $0x1, s1  }
0x8c: {  	s16 =	sshll.u32 s0, $0xA;
	s2 =	sadd.s32 s3, s2  }
0x8d: {  	s2 =	sadd.s32 s2, s16  }
0x8e: {  	[smem:$0x3FC0] =	sst s2  }
0x8f: {  	_ = 	snop  }
0x90: {  	(tm) =	ssettm $0x1  }
0x91: {  	s17 =	sld [smem:$0x3FFB];
	_ =	sdelay $0x3  }
0x92: {  	_ =	strace s17  }
0x93: {  	s2 =	sld [smem:$0x3FFC];
	_ =	sdelay $0x3  }
0x94: {  	_ =	strace s2  }
0x95: {  	s2 =	sld [smem:$0x3FFD];
	_ =	sdelay $0x3  }
0x96: {  	_ =	strace s2  }
0x97: {  	_ =	strace $0x8FFFFFFF  }
0x98: {  	s18 =	sld [smem:$0x3FDB];
	_ =	sdelay $0x1  }
0x99: {  	s19 =	simm.s32 $_scs_section_size  }
0x9a: {  	s4 =	simm.s32 $_size__tile_overlayer_lowered;
	s5 =	simm.s32 $_tile_overlayer_lowered  }
0x9b: {  	s22 =	simm.s32 $0x1BFF;
	s21 =	sshll.u32 s5, $0x1;
	s2 =	sadd.s32 s19, s18  }
0x9c: {  	s6 =	simm.s32 $0x0;
	s20 =	sshll.u32 s4, $0x1;
	s4 =	sadd.s32 s21, s2  }
0x9d: {  	[timem:s6], [sflag:s22] =	dma.local [hbm:s4], s20  }
0x9e: {  	_ =	swait.ge [sflag:s22], s20  }
0x9f: {  	s3 =	ssub.s32 $0x0, s20;
	[sflag:s22] =	ssyncset.done $0x0  }
0xa0: {  	[sflag:s22] =	ssyncadd.s32 s3;
	_ =	sdelay $0x1  }
0xa1: {  	s23 =	simm.s32 $0x1B8B  }
0xa2: {  	_ =	swait.ge [sflag:s23], $0x1  }
0xa3: {  	[sflag:s23] =	ssyncset.done $0x0  }
0xa4: {  	s25 =	simm.s32 $0x1B8E;
	s24 =	sld [smem:$0x3FFE];
	[sflag:s23] =	ssyncadd.s32 $0xFFFFFFFF  }
0xa5: {  	s26 =	simm.s32 $execute0_lowered;
	[smem:$0x3FD2] =	sst s25  }
0xa6: {  	s4 =	sshll.u32 s26, $0x1;
	_ =	strace $0x80000049;
	[dreg:$0x1] =	wrdreg $0xFFFFFFFF  }
0xa7: {  	s28 =	simm.s32 $_size_execute0_lowered;
	s2 =	sadd.s32 s2, s4;
	[dreg:$0x0] =	wrdreg $0x0  }
0xa8: {  	s4 =	sshll.u32 s28, $0x1;
	[dreg:$0x2] =	wrdreg s2  }
0xa9: {  	[dreg:$0x3] =	wrdreg s4  }
0xaa: {  	[dreg:$0x4] =	wrdreg $0xC0  }
0xab: {  	_ =	task [dreg:s6], $0x5FFFF  }
0xac: {  	[dreg:$0x1] =	wrdreg $0xFFFFFFFF  }
0xad: {  	[dreg:$0x0] =	wrdreg $0x60  }
0xae: {  	[dreg:$0x2] =	wrdreg s24  }
0xaf: {  	[dreg:$0x3] =	wrdreg $0x73A00  }
0xb0: {  	[dreg:$0x4] =	wrdreg $0x9  }
0xb1: {  	_ =	task.clear_ibuf [dreg:s6], $0x5FFFF;
	_ =	strace $0x90000049  }
0xb2: {  	s29 =	simm.s32 $0x9;
	_ =	strace $0x8000004B  }
0xb3: {  	_ =	swait.ge [sflag:s29], $0x1  }
0xb4: {  	[sflag:s29] =	ssyncadd.s32 $0xFFFFFFFF  }
0xb5: {  	_ =	strace $0x9000004B  }
0xb6: {  	_ =	sfence  }
0xb7: {  	s30 =	sld [smem:$0x0];
	_ =	sdelay $0x2  }
0xb8: {  	s31 =	sshll.u32 s1, $0xD;
	s1 =	sshrl.u32 s1, $0x2  }
0xb9: {  	s3 =	sand.u32 $0x4000, s31;
	s1 =	sadd.s32 s1, s30  }
0xba: {  	s0 =	sor.u32 s3, s0;
	s1 =	sshll.u32 s1, $0x11  }
0xbb: {  	s0 =	sor.u32 s1, s0  }
0xbc: {  	s0 =	sadd.s32 $0x8F2B, s0  }
0xbd: {  	[sflag:s0] =	ssyncadd.remote.s32 $0x1  }
0xbe: {  	_ =	sfence.sel $0xFFFF  }
0xbf: {  	[dreg:$0x0] =	wrdreg $0xFFFFFFFF;
	(pc) =	sbr.abs _section_cstart, $3  }
0xc0: {  	[dreg:$0x1] =	wrdreg $0xFFFFFFFF  }
0xc1: {  	_ =	task.clear_ibuf [dreg:s6], $0x2FFFF;
	_ =	strace $0x9FFFFFFF  }
0xc2: {  	(tm) =	ssettm $0x7FFFFFFF  }
0xc3: {  	_ =	shalt  }
tec
execute0_lowered:
.L_overlay_start_1:
0x0: {  	(tag) =	ssettag $0x1  }
0x1: {  	s0 =	rddreg [dreg:$0x0]  }
0x2: {  	s2 =	rddreg [dreg:$0x1];
	s13 =	stileid.u32;
	s3 =	simm.s32 $0x0  }
0x3: {  	s4 =	srdreg.scid;
	s17 =	simm.s32 $0x1;
	s18 =	simm.s32 $0x7D0  }
0x4: {  	s19 =	simm.s32 $0xC8;
	s20 =	simm.s32 $0xFA0;
	s29 =	simm.s32 $0x6  }
0x5: {  	s15 =	simm.s32 $0x708;
	s14 =	simm.s32 $0x898;
	s16 =	simm.s32 $0xBB8  }
0x6: {  	s1 =	smul.u32 $0x9E00, s13;
	[smem:$0x7FF] =	sst s3;
	s7 =	sand.u32 $0x1, s4  }
0x7: {  	s6 =	sshll.u32 s13, $0x1;
	s4 =	sadd.s32 $0x80C00, s0;
	s12 =	smul.u32 $0x9C40, s13  }
0x8: {  	s22 =	sshll.u32 s13, $0x6;
	s13 =	simm.s32 $0xE10;
	_ =	strace $0x8000004A  }
0x9: {  	s9 =	smul.u32 $0x13C000, s7;
	s10 =	sor.u32 s7, s6;
	s6 =	sadd.s32 $0xA800, s0  }
0xa: {  	s11 =	ssub.s32 $0x2, s7;
	s7 =	smul.u32 $0x4E20, s7;
	s30 =	sor.u32 $0x1C07, s22  }
0xb: {  	s22 =	simm.s32 $0x41A0;
	s5 =	sshrl.u32 s1, $0x3;
	s10 =	smul.u32 $0x4E20, s10  }
0xc: {  	s21 =	sshrl.u32 s11, $0x1;
	[dreg:$0x4] =	wrdreg s30;
	s8 =	sadd.s32 s5, s0  }
0xd: {  	s5 =	sadd.s32 $0x6D200, s0;
	s9 =	sadd.s32 s1, s9;
	s1 =	sadd.s32 s1, s2  }
0xe: {  	s7 =	sadd.s32 s7, s12;
	s12 =	simm.s32 $0x2;
	s9 =	sshrl.u32 s9, $0x3  }
0xf: {  	s8 =	sadd.s32 $0x94600, s8;
	s23 =	sshrl.u32 s10, $0x3;
	s7 =	sadd.s32 $0x7D0, s7  }
0x10: {  	s10 =	sadd.s32 $0xFA0, s10;
	s31 =	sshrl.u32 s1, $0x3;
	s1 =	simm.s32 $0xD48  }
0x11: {  	s0 =	sadd.s32 s9, s0;
	s9 =	ssub.s32 s11, s21;
	[dreg:$0x3] =	wrdreg s8  }
0x12: {  	s24 =	sadd.s32 s6, s23;
	s7 =	sshrl.u32 s7, $0x3;
	[dreg:$0xa] =	wrdreg s31  }
0x13: {  	s21 =	simm.s32 $0x3;
	[dreg:$0x5] =	wrdreg s24;
	s25 =	sadd.s32 $0xA8200, s0  }
0x14: {  	s8 =	simm.s32 $0x640;
	s0 =	sadd.s32 $0xBBE00, s0;
	[dreg:$0x6] =	wrdreg s25  }
0x15: {  	s23 =	simm.s32 $0x960;
	s26 =	smax.u32 s9, $0x1;
	[dreg:$0x7] =	wrdreg s0  }
0x16: {  	s11 =	simm.s32 $0xAF0;
	s28 =	sadd.s32 s7, s6;
	[dreg:$0x8] =	wrdreg s26  }
0x17: {  	s24 =	simm.s32 $0x4;
	s7 =	simm.s32 $0xED8;
	[dreg:$0x9] =	wrdreg s28  }
0x18: {  	s25 =	simm.s32 $0x5;
	s0 =	simm.s32 $0x0;
	s26 =	simm.s32 $0xC80  }
.LBB2_1:
0x19: {  	[dreg:$0xb] =	wrdreg s0  }
0x1a: {  	s9 =	simm.s32 $0x7;
	s28 =	rddreg [dreg:$0x3]  }
0x1b: {  	[spmem:s31], [sflag:s30] =	dma.local [hbm:s28], $0x13C0  }
0x1c: {  	_ =	swait.ge [sflag:s9], $0x13C0  }
0x1d: {  	[sflag:s9] =	ssyncset.done $0x0  }
0x1e: {  	[sflag:s9] =	ssyncadd.s32 $0xFFFFEC40  }
0x1f: {  	[bflag:$0x0] =	sbarrier.arrive $0xFFFF  }
0x20: {  	s28 =	rddreg [dreg:$0x5]  }
0x21: {  	[tilespmem:s3], [sflag:$0x1] =	stream.linear.gather [hbm4b:s28+s3], $0x7D0, $0x38;
	[tilespmem:$0x111A0] =	vst v63  }
0x22: {  	_ =	swait.ge [sflag:s17], $0x7D0  }
0x23: {  	[sflag:s17] =	ssyncset.done $0x0  }
0x24: {  	s30 =	rddreg [dreg:$0x9];
	[sflag:s17] =	ssyncadd.s32 $0xFFFFF830  }
0x25: {  	[tilespmem:s18], [sflag:$0x2] =	stream.linear.gather [hbm4b:s30+s3], $0x7D0, $0x38;
	[tilespmem:$0x111A0] =	vst v63  }
0x26: {  	_ = 	snop  }
0x27: {  	[tilespmem:s20], [sflag:$0x3] =	stream.indirect.gather [hbm4b:s4+s19], $0x40, s3, s19, $0xb8;
	[tilespmem:$0x111A0] =	vst v63  }
0x28: {  	_ =	swait.ge [sflag:s21], $0x3200  }
0x29: {  	[sflag:s21] =	ssyncset.done $0x0  }
0x2a: {  	[sflag:s21] =	ssyncadd.s32 $0xFFFFCE00  }
0x2b: {  	[tilespmem:s22], [sflag:$0x4] =	stream.indirect.gather [hbm4b:s4+s19], $0x40, s19, s19, $0xb8;
	[tilespmem:$0x111A0] =	vst v63  }
0x2c: {  	s9 =	simm.s32 $0x3E8  }
0x2d: {  	[spmem:s2] =	stream.indirect.scatter.add.f32 [tilespmem:s20], [sflag:$0x5], $0x40, s9, s19, $0xb8;
	[tilespmem:$0x111A0] =	vst v63  }
0x2e: {  	_ =	swait.ge [sflag:s24], $0x3200  }
0x2f: {  	[sflag:s24] =	ssyncset.done $0x0  }
0x30: {  	[sflag:s24] =	ssyncadd.s32 $0xFFFFCE00  }
0x31: {  	_ =	swait.ge [sflag:s25], $0x3200  }
0x32: {  	[sflag:s25] =	ssyncset.done $0x0  }
0x33: {  	s31 =	simm.s32 $0x190;
	[sflag:s25] =	ssyncadd.s32 $0xFFFFCE00  }
0x34: {  	[tilespmem:s20], [sflag:$0x3] =	stream.indirect.gather [hbm4b:s4+s19], $0x40, s31, s19, $0xb8;
	[tilespmem:$0x111A0] =	vst v63  }
0x35: {  	s9 =	simm.s32 $0x4B0  }
0x36: {  	[spmem:s2] =	stream.indirect.scatter.add.f32 [tilespmem:s22], [sflag:$0x6], $0x40, s9, s19, $0xb8;
	[tilespmem:$0x111A0] =	vst v63  }
0x37: {  	_ =	swait.ge [sflag:s21], $0x3200  }
0x38: {  	[sflag:s21] =	ssyncset.done $0x0  }
0x39: {  	[sflag:s21] =	ssyncadd.s32 $0xFFFFCE00  }
0x3a: {  	_ =	swait.ge [sflag:s29], $0x3200  }
0x3b: {  	[sflag:s29] =	ssyncset.done $0x0  }
0x3c: {  	s31 =	simm.s32 $0x258;
	[sflag:s29] =	ssyncadd.s32 $0xFFFFCE00  }
0x3d: {  	[tilespmem:s22], [sflag:$0x4] =	stream.indirect.gather [hbm4b:s4+s19], $0x40, s31, s19, $0xb8;
	[tilespmem:$0x111A0] =	vst v63  }
0x3e: {  	s9 =	simm.s32 $0x578  }
0x3f: {  	[spmem:s2] =	stream.indirect.scatter.add.f32 [tilespmem:s20], [sflag:$0x5], $0x40, s9, s19, $0xb8;
	[tilespmem:$0x111A0] =	vst v63  }
0x40: {  	_ =	swait.ge [sflag:s24], $0x3200  }
0x41: {  	[sflag:s24] =	ssyncset.done $0x0  }
0x42: {  	[sflag:s24] =	ssyncadd.s32 $0xFFFFCE00  }
0x43: {  	_ =	swait.ge [sflag:s25], $0x3200  }
0x44: {  	[sflag:s25] =	ssyncset.done $0x0  }
0x45: {  	s31 =	simm.s32 $0x320;
	[sflag:s25] =	ssyncadd.s32 $0xFFFFCE00  }
0x46: {  	[tilespmem:s20], [sflag:$0x3] =	stream.indirect.gather [hbm4b:s4+s19], $0x40, s31, s19, $0xb8;
	[tilespmem:$0x111A0] =	vst v63  }
0x47: {  	_ = 	snop  }
0x48: {  	[spmem:s2] =	stream.indirect.scatter.add.f32 [tilespmem:s22], [sflag:$0x6], $0x40, s8, s19, $0xb8;
	[tilespmem:$0x111A0] =	vst v63  }
0x49: {  	_ =	swait.ge [sflag:s21], $0x3200  }
0x4a: {  	[sflag:s21] =	ssyncset.done $0x0  }
0x4b: {  	[sflag:s21] =	ssyncadd.s32 $0xFFFFCE00  }
0x4c: {  	[spmem:s2] =	stream.indirect.scatter.add.f32 [tilespmem:s20], [sflag:$0x5], $0x40, s15, s19, $0xb8;
	[tilespmem:$0x111A0] =	vst v63  }
0x4d: {  	_ =	swait.ge [sflag:s29], $0x3200  }
0x4e: {  	[sflag:s29] =	ssyncset.done $0x0  }
0x4f: {  	[sflag:s29] =	ssyncadd.s32 $0xFFFFCE00  }
0x50: {  	s28 =	smin.u32 s3, $0x7;
	_ =	swait.ge [sflag:s25], $0x3200  }
0x51: {  	s28 =	smul.u32 $0x7D0, s28;
	[sflag:s25] =	ssyncset.done $0x0  }
0x52: {  	[sflag:s25] =	ssyncadd.s32 $0xFFFFCE00  }
0x53: {  	s28 =	sadd.s32 s28, s10;
	_ =	swait.ge [sflag:s12], $0x7D0  }
0x54: {  	s28 =	sshrl.u32 s28, $0x3;
	[sflag:s12] =	ssyncset.done $0x0  }
0x55: {  	s28 =	sadd.s32 s6, s28;
	[sflag:s12] =	ssyncadd.s32 $0xFFFFF830  }
0x56: {  	[tilespmem:s3], [sflag:$0x1] =	stream.linear.gather [hbm4b:s28+s3], $0x7D0, $0x38;
	[tilespmem:$0x111A0] =	vst v63  }
0x57: {  	_ = 	snop  }
0x58: {  	[tilespmem:s20], [sflag:$0x3] =	stream.indirect.gather [hbm4b:s4+s19], $0x40, s18, s19, $0xb8;
	[tilespmem:$0x111A0] =	vst v63  }
0x59: {  	_ =	swait.ge [sflag:s21], $0x3200  }
0x5a: {  	[sflag:s21] =	ssyncset.done $0x0  }
0x5b: {  	[sflag:s21] =	ssyncadd.s32 $0xFFFFCE00  }
0x5c: {  	[tilespmem:s22], [sflag:$0x4] =	stream.indirect.gather [hbm4b:s4+s19], $0x40, s14, s19, $0xb8;
	[tilespmem:$0x111A0] =	vst v63  }
0x5d: {  	_ = 	snop  }
0x5e: {  	[spmem:s2] =	stream.indirect.scatter.add.f32 [tilespmem:s20], [sflag:$0x5], $0x40, s16, s19, $0xb8;
	[tilespmem:$0x111A0] =	vst v63  }
0x5f: {  	_ =	swait.ge [sflag:s24], $0x3200  }
0x60: {  	[sflag:s24] =	ssyncset.done $0x0  }
0x61: {  	[sflag:s24] =	ssyncadd.s32 $0xFFFFCE00  }
0x62: {  	_ =	swait.ge [sflag:s25], $0x3200  }
0x63: {  	[sflag:s25] =	ssyncset.done $0x0  }
0x64: {  	[sflag:s25] =	ssyncadd.s32 $0xFFFFCE00  }
0x65: {  	[tilespmem:s20], [sflag:$0x3] =	stream.indirect.gather [hbm4b:s4+s19], $0x40, s23, s19, $0xb8;
	[tilespmem:$0x111A0] =	vst v63  }
0x66: {  	_ = 	snop  }
0x67: {  	[spmem:s2] =	stream.indirect.scatter.add.f32 [tilespmem:s22], [sflag:$0x6], $0x40, s26, s19, $0xb8;
	[tilespmem:$0x111A0] =	vst v63  }
0x68: {  	_ =	swait.ge [sflag:s21], $0x3200  }
0x69: {  	[sflag:s21] =	ssyncset.done $0x0  }
0x6a: {  	[sflag:s21] =	ssyncadd.s32 $0xFFFFCE00  }
0x6b: {  	_ =	swait.ge [sflag:s29], $0x3200  }
0x6c: {  	[sflag:s29] =	ssyncset.done $0x0  }
0x6d: {  	s0 =	simm.s32 $0xA28;
	[sflag:s29] =	ssyncadd.s32 $0xFFFFCE00  }
0x6e: {  	[tilespmem:s22], [sflag:$0x4] =	stream.indirect.gather [hbm4b:s4+s19], $0x40, s0, s19, $0xb8;
	[tilespmem:$0x111A0] =	vst v63  }
0x6f: {  	_ = 	snop  }
0x70: {  	[spmem:s2] =	stream.indirect.scatter.add.f32 [tilespmem:s20], [sflag:$0x5], $0x40, s1, s19, $0xb8;
	[tilespmem:$0x111A0] =	vst v63  }
0x71: {  	_ =	swait.ge [sflag:s24], $0x3200  }
0x72: {  	[sflag:s24] =	ssyncset.done $0x0  }
0x73: {  	[sflag:s24] =	ssyncadd.s32 $0xFFFFCE00  }
0x74: {  	_ =	swait.ge [sflag:s25], $0x3200  }
0x75: {  	[sflag:s25] =	ssyncset.done $0x0  }
0x76: {  	[sflag:s25] =	ssyncadd.s32 $0xFFFFCE00  }
0x77: {  	[tilespmem:s20], [sflag:$0x3] =	stream.indirect.gather [hbm4b:s4+s19], $0x40, s11, s19, $0xb8;
	[tilespmem:$0x111A0] =	vst v63  }
0x78: {  	_ = 	snop  }
0x79: {  	[spmem:s2] =	stream.indirect.scatter.add.f32 [tilespmem:s22], [sflag:$0x6], $0x40, s13, s19, $0xb8;
	[tilespmem:$0x111A0] =	vst v63  }
0x7a: {  	_ =	swait.ge [sflag:s21], $0x3200  }
0x7b: {  	[sflag:s21] =	ssyncset.done $0x0  }
0x7c: {  	[sflag:s21] =	ssyncadd.s32 $0xFFFFCE00  }
0x7d: {  	[spmem:s2] =	stream.indirect.scatter.add.f32 [tilespmem:s20], [sflag:$0x5], $0x40, s7, s19, $0xb8;
	[tilespmem:$0x111A0] =	vst v63  }
0x7e: {  	_ =	swait.ge [sflag:s29], $0x3200  }
0x7f: {  	[sflag:s29] =	ssyncset.done $0x0  }
0x80: {  	[sflag:s29] =	ssyncadd.s32 $0xFFFFCE00  }
0x81: {  	_ =	swait.ge [sflag:s25], $0x3200  }
0x82: {  	s28 =	simm.s32 $0x2;
	[sflag:s25] =	ssyncset.done $0x0  }
.LBB2_2:
0x83: {  	p0 =	sne.s32 s28, $0x8;
	[sflag:s25] =	ssyncadd.s32 $0xFFFFCE00;
	s30 =	sadd.s32 $0x1F4, s30  }
0x84: {  	s31 =	smov.u32 s28;
	s28 =	sadd.s32 $0x2, s28;
	_ =	swait.ge [sflag:s17], $0x7D0  }
0x85: {  	[sflag:s17] =	ssyncset.done $0x0  }
0x86: {  	[sflag:s17] =	ssyncadd.s32 $0xFFFFF830  }
0x87: {  	[tilespmem:s18], [sflag:$0x2] =	stream.linear.gather [hbm4b:s30+s3], $0x7D0, $0x38;
	[tilespmem:$0x111A0] =	vst v63  }
0x88: {  	_ = 	snop  }
0x89: {  	[tilespmem:s20], [sflag:$0x3] =	stream.indirect.gather [hbm4b:s4+s19], $0x40, s3, s19, $0xb8;
	[tilespmem:$0x111A0] =	vst v63  }
0x8a: {  	_ =	swait.ge [sflag:s21], $0x3200  }
0x8b: {  	[sflag:s21] =	ssyncset.done $0x0  }
0x8c: {  	[sflag:s21] =	ssyncadd.s32 $0xFFFFCE00  }
0x8d: {  	[tilespmem:s22], [sflag:$0x4] =	stream.indirect.gather [hbm4b:s4+s19], $0x40, s19, s19, $0xb8;
	[tilespmem:$0x111A0] =	vst v63  }
0x8e: {  	s9 =	simm.s32 $0x3E8  }
0x8f: {  	[spmem:s2] =	stream.indirect.scatter.add.f32 [tilespmem:s20], [sflag:$0x5], $0x40, s9, s19, $0xb8;
	[tilespmem:$0x111A0] =	vst v63  }
0x90: {  	_ =	swait.ge [sflag:s24], $0x3200  }
0x91: {  	[sflag:s24] =	ssyncset.done $0x0  }
0x92: {  	[sflag:s24] =	ssyncadd.s32 $0xFFFFCE00  }
0x93: {  	_ =	swait.ge [sflag:s25], $0x3200  }
0x94: {  	[sflag:s25] =	ssyncset.done $0x0  }
0x95: {  	s9 =	simm.s32 $0x190;
	[sflag:s25] =	ssyncadd.s32 $0xFFFFCE00  }
0x96: {  	[tilespmem:s20], [sflag:$0x3] =	stream.indirect.gather [hbm4b:s4+s19], $0x40, s9, s19, $0xb8;
	[tilespmem:$0x111A0] =	vst v63  }
0x97: {  	s9 =	simm.s32 $0x4B0  }
0x98: {  	[spmem:s2] =	stream.indirect.scatter.add.f32 [tilespmem:s22], [sflag:$0x6], $0x40, s9, s19, $0xb8;
	[tilespmem:$0x111A0] =	vst v63  }
0x99: {  	_ =	swait.ge [sflag:s21], $0x3200  }
0x9a: {  	[sflag:s21] =	ssyncset.done $0x0  }
0x9b: {  	[sflag:s21] =	ssyncadd.s32 $0xFFFFCE00  }
0x9c: {  	_ =	swait.ge [sflag:s29], $0x3200  }
0x9d: {  	[sflag:s29] =	ssyncset.done $0x0  }
0x9e: {  	s9 =	simm.s32 $0x258;
	[sflag:s29] =	ssyncadd.s32 $0xFFFFCE00  }
0x9f: {  	[tilespmem:s22], [sflag:$0x4] =	stream.indirect.gather [hbm4b:s4+s19], $0x40, s9, s19, $0xb8;
	[tilespmem:$0x111A0] =	vst v63  }
0xa0: {  	s9 =	simm.s32 $0x578  }
0xa1: {  	[spmem:s2] =	stream.indirect.scatter.add.f32 [tilespmem:s20], [sflag:$0x5], $0x40, s9, s19, $0xb8;
	[tilespmem:$0x111A0] =	vst v63  }
0xa2: {  	_ =	swait.ge [sflag:s24], $0x3200  }
0xa3: {  	[sflag:s24] =	ssyncset.done $0x0  }
0xa4: {  	[sflag:s24] =	ssyncadd.s32 $0xFFFFCE00  }
0xa5: {  	_ =	swait.ge [sflag:s25], $0x3200  }
0xa6: {  	[sflag:s25] =	ssyncset.done $0x0  }
0xa7: {  	s9 =	simm.s32 $0x320;
	[sflag:s25] =	ssyncadd.s32 $0xFFFFCE00  }
0xa8: {  	[tilespmem:s20], [sflag:$0x3] =	stream.indirect.gather [hbm4b:s4+s19], $0x40, s9, s19, $0xb8;
	[tilespmem:$0x111A0] =	vst v63  }
0xa9: {  	_ = 	snop  }
0xaa: {  	[spmem:s2] =	stream.indirect.scatter.add.f32 [tilespmem:s22], [sflag:$0x6], $0x40, s8, s19, $0xb8;
	[tilespmem:$0x111A0] =	vst v63  }
0xab: {  	_ =	swait.ge [sflag:s21], $0x3200  }
0xac: {  	[sflag:s21] =	ssyncset.done $0x0  }
0xad: {  	[sflag:s21] =	ssyncadd.s32 $0xFFFFCE00  }
0xae: {  	[spmem:s2] =	stream.indirect.scatter.add.f32 [tilespmem:s20], [sflag:$0x5], $0x40, s15, s19, $0xb8;
	[tilespmem:$0x111A0] =	vst v63  }
0xaf: {  	_ =	swait.ge [sflag:s29], $0x3200  }
0xb0: {  	[sflag:s29] =	ssyncset.done $0x0  }
0xb1: {  	[sflag:s29] =	ssyncadd.s32 $0xFFFFCE00  }
0xb2: {  	s31 =	smin.u32 s31, $0x7;
	_ =	swait.ge [sflag:s25], $0x3200  }
0xb3: {  	s31 =	smul.u32 $0x7D0, s31;
	[sflag:s25] =	ssyncset.done $0x0  }
0xb4: {  	[sflag:s25] =	ssyncadd.s32 $0xFFFFCE00  }
0xb5: {  	s31 =	sadd.s32 s31, s10;
	_ =	swait.ge [sflag:s12], $0x7D0  }
0xb6: {  	s31 =	sshrl.u32 s31, $0x3;
	[sflag:s12] =	ssyncset.done $0x0  }
0xb7: {  	s31 =	sadd.s32 s6, s31;
	[sflag:s12] =	ssyncadd.s32 $0xFFFFF830  }
0xb8: {  	[tilespmem:s3], [sflag:$0x1] =	stream.linear.gather [hbm4b:s31+s3], $0x7D0, $0x38;
	[tilespmem:$0x111A0] =	vst v63  }
0xb9: {  	_ = 	snop  }
0xba: {  	[tilespmem:s20], [sflag:$0x3] =	stream.indirect.gather [hbm4b:s4+s19], $0x40, s18, s19, $0xb8;
	[tilespmem:$0x111A0] =	vst v63  }
0xbb: {  	_ =	swait.ge [sflag:s21], $0x3200  }
0xbc: {  	[sflag:s21] =	ssyncset.done $0x0  }
0xbd: {  	[sflag:s21] =	ssyncadd.s32 $0xFFFFCE00  }
0xbe: {  	[tilespmem:s22], [sflag:$0x4] =	stream.indirect.gather [hbm4b:s4+s19], $0x40, s14, s19, $0xb8;
	[tilespmem:$0x111A0] =	vst v63  }
0xbf: {  	_ = 	snop  }
0xc0: {  	[spmem:s2] =	stream.indirect.scatter.add.f32 [tilespmem:s20], [sflag:$0x5], $0x40, s16, s19, $0xb8;
	[tilespmem:$0x111A0] =	vst v63  }
0xc1: {  	_ =	swait.ge [sflag:s24], $0x3200  }
0xc2: {  	[sflag:s24] =	ssyncset.done $0x0  }
0xc3: {  	[sflag:s24] =	ssyncadd.s32 $0xFFFFCE00  }
0xc4: {  	_ =	swait.ge [sflag:s25], $0x3200  }
0xc5: {  	[sflag:s25] =	ssyncset.done $0x0  }
0xc6: {  	[sflag:s25] =	ssyncadd.s32 $0xFFFFCE00  }
0xc7: {  	[tilespmem:s20], [sflag:$0x3] =	stream.indirect.gather [hbm4b:s4+s19], $0x40, s23, s19, $0xb8;
	[tilespmem:$0x111A0] =	vst v63  }
0xc8: {  	_ = 	snop  }
0xc9: {  	[spmem:s2] =	stream.indirect.scatter.add.f32 [tilespmem:s22], [sflag:$0x6], $0x40, s26, s19, $0xb8;
	[tilespmem:$0x111A0] =	vst v63  }
0xca: {  	_ =	swait.ge [sflag:s21], $0x3200  }
0xcb: {  	[sflag:s21] =	ssyncset.done $0x0  }
0xcc: {  	[sflag:s21] =	ssyncadd.s32 $0xFFFFCE00  }
0xcd: {  	_ =	swait.ge [sflag:s29], $0x3200  }
0xce: {  	[sflag:s29] =	ssyncset.done $0x0  }
0xcf: {  	[sflag:s29] =	ssyncadd.s32 $0xFFFFCE00  }
0xd0: {  	[tilespmem:s22], [sflag:$0x4] =	stream.indirect.gather [hbm4b:s4+s19], $0x40, s0, s19, $0xb8;
	[tilespmem:$0x111A0] =	vst v63  }
0xd1: {  	_ = 	snop  }
0xd2: {  	[spmem:s2] =	stream.indirect.scatter.add.f32 [tilespmem:s20], [sflag:$0x5], $0x40, s1, s19, $0xb8;
	[tilespmem:$0x111A0] =	vst v63  }
0xd3: {  	_ =	swait.ge [sflag:s24], $0x3200  }
0xd4: {  	[sflag:s24] =	ssyncset.done $0x0  }
0xd5: {  	[sflag:s24] =	ssyncadd.s32 $0xFFFFCE00  }
0xd6: {  	_ =	swait.ge [sflag:s25], $0x3200  }
0xd7: {  	[sflag:s25] =	ssyncset.done $0x0  }
0xd8: {  	[sflag:s25] =	ssyncadd.s32 $0xFFFFCE00  }
0xd9: {  	[tilespmem:s20], [sflag:$0x3] =	stream.indirect.gather [hbm4b:s4+s19], $0x40, s11, s19, $0xb8;
	[tilespmem:$0x111A0] =	vst v63  }
0xda: {  	_ = 	snop  }
0xdb: {  	[spmem:s2] =	stream.indirect.scatter.add.f32 [tilespmem:s22], [sflag:$0x6], $0x40, s13, s19, $0xb8;
	[tilespmem:$0x111A0] =	vst v63  }
0xdc: {  	_ =	swait.ge [sflag:s21], $0x3200  }
0xdd: {  	[sflag:s21] =	ssyncset.done $0x0  }
0xde: {  	[sflag:s21] =	ssyncadd.s32 $0xFFFFCE00  }
0xdf: {  	[spmem:s2] =	stream.indirect.scatter.add.f32 [tilespmem:s20], [sflag:$0x5], $0x40, s7, s19, $0xb8;
	[tilespmem:$0x111A0] =	vst v63  }
.Ltmp0:
0xe0: {  	_ =	swait.ge [sflag:s29], $0x3200;
	(pc) =	sbr.rel @p0 .LBB2_2-.Ltmp0, $4  }
0xe1: {  	[sflag:s29] =	ssyncset.done $0x0  }
0xe2: {  	[sflag:s29] =	ssyncadd.s32 $0xFFFFCE00  }
0xe3: {  	_ =	swait.ge [sflag:s25], $0x3200  }
0xe4: {  	[sflag:s25] =	ssyncset.done $0x0  }
0xe5: {  	[sflag:s25] =	ssyncadd.s32 $0xFFFFCE00  }
0xe6: {  	_ =	swait.ge [sflag:s17], $0x7D0  }
0xe7: {  	[sflag:s17] =	ssyncset.done $0x0  }
0xe8: {  	[sflag:s17] =	ssyncadd.s32 $0xFFFFF830  }
0xe9: {  	[bflag:$0x0] =	sbarrier.arrive $0xFFFF  }
0xea: {  	s31 =	rddreg [dreg:$0x4]  }
0xeb: {  	s28 =	rddreg [dreg:$0x6]  }
0xec: {  	s30 =	simm.s32 $0x7;
	s9 =	rddreg [dreg:$0xa]  }
0xed: {  	[hbm:s28], [sflag:s31] =	dma.local [spmem:s9], $0x13C0  }
0xee: {  	_ =	swait.ge [sflag:s30], $0x13C0  }
0xef: {  	[sflag:s30] =	ssyncset.done $0x0  }
0xf0: {  	s28 =	rddreg [dreg:$0x3];
	[sflag:s30] =	ssyncadd.s32 $0xFFFFEC40  }
0xf1: {  	[spmem:s9], [sflag:s31] =	dma.local [hbm:s28], $0x13C0  }
0xf2: {  	_ =	swait.ge [sflag:s30], $0x13C0  }
0xf3: {  	[sflag:s30] =	ssyncset.done $0x0  }
0xf4: {  	[sflag:s30] =	ssyncadd.s32 $0xFFFFEC40  }
0xf5: {  	[bflag:$0x0] =	sbarrier.arrive $0xFFFF  }
0xf6: {  	s28 =	simm.s32 $0x0;
	s30 =	rddreg [dreg:$0x5]  }
0xf7: {  	[tilespmem:s28], [sflag:$0x1] =	stream.linear.gather [hbm4b:s30+s28], $0x7D0, $0x38;
	[tilespmem:$0x111A0] =	vst v63  }
0xf8: {  	_ =	swait.ge [sflag:s17], $0x7D0  }
0xf9: {  	[sflag:s17] =	ssyncset.done $0x0  }
0xfa: {  	s30 =	rddreg [dreg:$0x9];
	[sflag:s17] =	ssyncadd.s32 $0xFFFFF830  }
0xfb: {  	[tilespmem:s18], [sflag:$0x2] =	stream.linear.gather [hbm4b:s30+s3], $0x7D0, $0x38;
	[tilespmem:$0x111A0] =	vst v63  }
0xfc: {  	_ = 	snop  }
0xfd: {  	[tilespmem:s20], [sflag:$0x3] =	stream.indirect.gather [hbm4b:s5+s19], $0x40, s3, s19, $0xb8;
	[tilespmem:$0x111A0] =	vst v63  }
0xfe: {  	_ =	swait.ge [sflag:s21], $0x3200  }
0xff: {  	[sflag:s21] =	ssyncset.done $0x0  }
0x100: {  	[sflag:s21] =	ssyncadd.s32 $0xFFFFCE00  }
0x101: {  	[tilespmem:s22], [sflag:$0x4] =	stream.indirect.gather [hbm4b:s5+s19], $0x40, s19, s19, $0xb8;
	[tilespmem:$0x111A0] =	vst v63  }
0x102: {  	s31 =	simm.s32 $0x3E8  }
0x103: {  	[spmem:s2] =	stream.indirect.scatter.add.f32 [tilespmem:s20], [sflag:$0x5], $0x40, s31, s19, $0xb8;
	[tilespmem:$0x111A0] =	vst v63  }
0x104: {  	_ =	swait.ge [sflag:s24], $0x3200  }
0x105: {  	[sflag:s24] =	ssyncset.done $0x0  }
0x106: {  	[sflag:s24] =	ssyncadd.s32 $0xFFFFCE00  }
0x107: {  	_ =	swait.ge [sflag:s25], $0x3200  }
0x108: {  	[sflag:s25] =	ssyncset.done $0x0  }
0x109: {  	s31 =	simm.s32 $0x190;
	[sflag:s25] =	ssyncadd.s32 $0xFFFFCE00  }
0x10a: {  	[tilespmem:s20], [sflag:$0x3] =	stream.indirect.gather [hbm4b:s5+s19], $0x40, s31, s19, $0xb8;
	[tilespmem:$0x111A0] =	vst v63  }
0x10b: {  	s31 =	simm.s32 $0x4B0  }
0x10c: {  	[spmem:s2] =	stream.indirect.scatter.add.f32 [tilespmem:s22], [sflag:$0x6], $0x40, s31, s19, $0xb8;
	[tilespmem:$0x111A0] =	vst v63  }
0x10d: {  	_ =	swait.ge [sflag:s21], $0x3200  }
0x10e: {  	[sflag:s21] =	ssyncset.done $0x0  }
0x10f: {  	[sflag:s21] =	ssyncadd.s32 $0xFFFFCE00  }
0x110: {  	_ =	swait.ge [sflag:s29], $0x3200  }
0x111: {  	[sflag:s29] =	ssyncset.done $0x0  }
0x112: {  	s31 =	simm.s32 $0x258;
	[sflag:s29] =	ssyncadd.s32 $0xFFFFCE00  }
0x113: {  	[tilespmem:s22], [sflag:$0x4] =	stream.indirect.gather [hbm4b:s5+s19], $0x40, s31, s19, $0xb8;
	[tilespmem:$0x111A0] =	vst v63  }
0x114: {  	s31 =	simm.s32 $0x578  }
0x115: {  	[spmem:s2] =	stream.indirect.scatter.add.f32 [tilespmem:s20], [sflag:$0x5], $0x40, s31, s19, $0xb8;
	[tilespmem:$0x111A0] =	vst v63  }
0x116: {  	_ =	swait.ge [sflag:s24], $0x3200  }
0x117: {  	[sflag:s24] =	ssyncset.done $0x0  }
0x118: {  	[sflag:s24] =	ssyncadd.s32 $0xFFFFCE00  }
0x119: {  	_ =	swait.ge [sflag:s25], $0x3200  }
0x11a: {  	[sflag:s25] =	ssyncset.done $0x0  }
0x11b: {  	s31 =	simm.s32 $0x320;
	[sflag:s25] =	ssyncadd.s32 $0xFFFFCE00  }
0x11c: {  	[tilespmem:s20], [sflag:$0x3] =	stream.indirect.gather [hbm4b:s5+s19], $0x40, s31, s19, $0xb8;
	[tilespmem:$0x111A0] =	vst v63  }
0x11d: {  	_ = 	snop  }
0x11e: {  	[spmem:s2] =	stream.indirect.scatter.add.f32 [tilespmem:s22], [sflag:$0x6], $0x40, s8, s19, $0xb8;
	[tilespmem:$0x111A0] =	vst v63  }
0x11f: {  	_ =	swait.ge [sflag:s21], $0x3200  }
0x120: {  	[sflag:s21] =	ssyncset.done $0x0  }
0x121: {  	[sflag:s21] =	ssyncadd.s32 $0xFFFFCE00  }
0x122: {  	[spmem:s2] =	stream.indirect.scatter.add.f32 [tilespmem:s20], [sflag:$0x5], $0x40, s15, s19, $0xb8;
	[tilespmem:$0x111A0] =	vst v63  }
0x123: {  	_ =	swait.ge [sflag:s29], $0x3200  }
0x124: {  	[sflag:s29] =	ssyncset.done $0x0  }
0x125: {  	[sflag:s29] =	ssyncadd.s32 $0xFFFFCE00  }
0x126: {  	s28 =	smin.u32 s28, $0x7;
	_ =	swait.ge [sflag:s25], $0x3200  }
0x127: {  	s28 =	smul.u32 $0x7D0, s28;
	[sflag:s25] =	ssyncset.done $0x0  }
0x128: {  	[sflag:s25] =	ssyncadd.s32 $0xFFFFCE00  }
0x129: {  	s28 =	sadd.s32 s28, s10;
	_ =	swait.ge [sflag:s12], $0x7D0  }
0x12a: {  	s28 =	sshrl.u32 s28, $0x3;
	[sflag:s12] =	ssyncset.done $0x0  }
0x12b: {  	s28 =	sadd.s32 s6, s28;
	[sflag:s12] =	ssyncadd.s32 $0xFFFFF830  }
0x12c: {  	[tilespmem:s3], [sflag:$0x1] =	stream.linear.gather [hbm4b:s28+s3], $0x7D0, $0x38;
	[tilespmem:$0x111A0] =	vst v63  }
0x12d: {  	_ = 	snop  }
0x12e: {  	[tilespmem:s20], [sflag:$0x3] =	stream.indirect.gather [hbm4b:s5+s19], $0x40, s18, s19, $0xb8;
	[tilespmem:$0x111A0] =	vst v63  }
0x12f: {  	_ =	swait.ge [sflag:s21], $0x3200  }
0x130: {  	[sflag:s21] =	ssyncset.done $0x0  }
0x131: {  	[sflag:s21] =	ssyncadd.s32 $0xFFFFCE00  }
0x132: {  	[tilespmem:s22], [sflag:$0x4] =	stream.indirect.gather [hbm4b:s5+s19], $0x40, s14, s19, $0xb8;
	[tilespmem:$0x111A0] =	vst v63  }
0x133: {  	_ = 	snop  }
0x134: {  	[spmem:s2] =	stream.indirect.scatter.add.f32 [tilespmem:s20], [sflag:$0x5], $0x40, s16, s19, $0xb8;
	[tilespmem:$0x111A0] =	vst v63  }
0x135: {  	_ =	swait.ge [sflag:s24], $0x3200  }
0x136: {  	[sflag:s24] =	ssyncset.done $0x0  }
0x137: {  	[sflag:s24] =	ssyncadd.s32 $0xFFFFCE00  }
0x138: {  	_ =	swait.ge [sflag:s25], $0x3200  }
0x139: {  	[sflag:s25] =	ssyncset.done $0x0  }
0x13a: {  	[sflag:s25] =	ssyncadd.s32 $0xFFFFCE00  }
0x13b: {  	[tilespmem:s20], [sflag:$0x3] =	stream.indirect.gather [hbm4b:s5+s19], $0x40, s23, s19, $0xb8;
	[tilespmem:$0x111A0] =	vst v63  }
0x13c: {  	_ = 	snop  }
0x13d: {  	[spmem:s2] =	stream.indirect.scatter.add.f32 [tilespmem:s22], [sflag:$0x6], $0x40, s26, s19, $0xb8;
	[tilespmem:$0x111A0] =	vst v63  }
0x13e: {  	_ =	swait.ge [sflag:s21], $0x3200  }
0x13f: {  	[sflag:s21] =	ssyncset.done $0x0  }
0x140: {  	[sflag:s21] =	ssyncadd.s32 $0xFFFFCE00  }
0x141: {  	_ =	swait.ge [sflag:s29], $0x3200  }
0x142: {  	[sflag:s29] =	ssyncset.done $0x0  }
0x143: {  	[sflag:s29] =	ssyncadd.s32 $0xFFFFCE00  }
0x144: {  	[tilespmem:s22], [sflag:$0x4] =	stream.indirect.gather [hbm4b:s5+s19], $0x40, s0, s19, $0xb8;
	[tilespmem:$0x111A0] =	vst v63  }
0x145: {  	_ = 	snop  }
0x146: {  	[spmem:s2] =	stream.indirect.scatter.add.f32 [tilespmem:s20], [sflag:$0x5], $0x40, s1, s19, $0xb8;
	[tilespmem:$0x111A0] =	vst v63  }
0x147: {  	_ =	swait.ge [sflag:s24], $0x3200  }
0x148: {  	[sflag:s24] =	ssyncset.done $0x0  }
0x149: {  	[sflag:s24] =	ssyncadd.s32 $0xFFFFCE00  }
0x14a: {  	_ =	swait.ge [sflag:s25], $0x3200  }
0x14b: {  	[sflag:s25] =	ssyncset.done $0x0  }
0x14c: {  	[sflag:s25] =	ssyncadd.s32 $0xFFFFCE00  }
0x14d: {  	[tilespmem:s20], [sflag:$0x3] =	stream.indirect.gather [hbm4b:s5+s19], $0x40, s11, s19, $0xb8;
	[tilespmem:$0x111A0] =	vst v63  }
0x14e: {  	_ = 	snop  }
0x14f: {  	[spmem:s2] =	stream.indirect.scatter.add.f32 [tilespmem:s22], [sflag:$0x6], $0x40, s13, s19, $0xb8;
	[tilespmem:$0x111A0] =	vst v63  }
0x150: {  	_ =	swait.ge [sflag:s21], $0x3200  }
0x151: {  	[sflag:s21] =	ssyncset.done $0x0  }
0x152: {  	[sflag:s21] =	ssyncadd.s32 $0xFFFFCE00  }
0x153: {  	[spmem:s2] =	stream.indirect.scatter.add.f32 [tilespmem:s20], [sflag:$0x5], $0x40, s7, s19, $0xb8;
	[tilespmem:$0x111A0] =	vst v63  }
0x154: {  	_ =	swait.ge [sflag:s29], $0x3200  }
0x155: {  	[sflag:s29] =	ssyncset.done $0x0  }
0x156: {  	[sflag:s29] =	ssyncadd.s32 $0xFFFFCE00  }
0x157: {  	_ =	swait.ge [sflag:s25], $0x3200  }
0x158: {  	s28 =	simm.s32 $0x2;
	[sflag:s25] =	ssyncset.done $0x0  }
.LBB2_4:
0x159: {  	p0 =	sne.s32 s28, $0x8;
	[sflag:s25] =	ssyncadd.s32 $0xFFFFCE00;
	s30 =	sadd.s32 $0x1F4, s30  }
0x15a: {  	s31 =	smov.u32 s28;
	s28 =	sadd.s32 $0x2, s28;
	_ =	swait.ge [sflag:s17], $0x7D0  }
0x15b: {  	[sflag:s17] =	ssyncset.done $0x0  }
0x15c: {  	[sflag:s17] =	ssyncadd.s32 $0xFFFFF830  }
0x15d: {  	[tilespmem:s18], [sflag:$0x2] =	stream.linear.gather [hbm4b:s30+s3], $0x7D0, $0x38;
	[tilespmem:$0x111A0] =	vst v63  }
0x15e: {  	_ = 	snop  }
0x15f: {  	[tilespmem:s20], [sflag:$0x3] =	stream.indirect.gather [hbm4b:s5+s19], $0x40, s3, s19, $0xb8;
	[tilespmem:$0x111A0] =	vst v63  }
0x160: {  	_ =	swait.ge [sflag:s21], $0x3200  }
0x161: {  	[sflag:s21] =	ssyncset.done $0x0  }
0x162: {  	[sflag:s21] =	ssyncadd.s32 $0xFFFFCE00  }
0x163: {  	[tilespmem:s22], [sflag:$0x4] =	stream.indirect.gather [hbm4b:s5+s19], $0x40, s19, s19, $0xb8;
	[tilespmem:$0x111A0] =	vst v63  }
0x164: {  	s9 =	simm.s32 $0x3E8  }
0x165: {  	[spmem:s2] =	stream.indirect.scatter.add.f32 [tilespmem:s20], [sflag:$0x5], $0x40, s9, s19, $0xb8;
	[tilespmem:$0x111A0] =	vst v63  }
0x166: {  	_ =	swait.ge [sflag:s24], $0x3200  }
0x167: {  	[sflag:s24] =	ssyncset.done $0x0  }
0x168: {  	[sflag:s24] =	ssyncadd.s32 $0xFFFFCE00  }
0x169: {  	_ =	swait.ge [sflag:s25], $0x3200  }
0x16a: {  	[sflag:s25] =	ssyncset.done $0x0  }
0x16b: {  	s9 =	simm.s32 $0x190;
	[sflag:s25] =	ssyncadd.s32 $0xFFFFCE00  }
0x16c: {  	[tilespmem:s20], [sflag:$0x3] =	stream.indirect.gather [hbm4b:s5+s19], $0x40, s9, s19, $0xb8;
	[tilespmem:$0x111A0] =	vst v63  }
0x16d: {  	s9 =	simm.s32 $0x4B0  }
0x16e: {  	[spmem:s2] =	stream.indirect.scatter.add.f32 [tilespmem:s22], [sflag:$0x6], $0x40, s9, s19, $0xb8;
	[tilespmem:$0x111A0] =	vst v63  }
0x16f: {  	_ =	swait.ge [sflag:s21], $0x3200  }
0x170: {  	[sflag:s21] =	ssyncset.done $0x0  }
0x171: {  	[sflag:s21] =	ssyncadd.s32 $0xFFFFCE00  }
0x172: {  	_ =	swait.ge [sflag:s29], $0x3200  }
0x173: {  	[sflag:s29] =	ssyncset.done $0x0  }
0x174: {  	s9 =	simm.s32 $0x258;
	[sflag:s29] =	ssyncadd.s32 $0xFFFFCE00  }
0x175: {  	[tilespmem:s22], [sflag:$0x4] =	stream.indirect.gather [hbm4b:s5+s19], $0x40, s9, s19, $0xb8;
	[tilespmem:$0x111A0] =	vst v63  }
0x176: {  	s9 =	simm.s32 $0x578  }
0x177: {  	[spmem:s2] =	stream.indirect.scatter.add.f32 [tilespmem:s20], [sflag:$0x5], $0x40, s9, s19, $0xb8;
	[tilespmem:$0x111A0] =	vst v63  }
0x178: {  	_ =	swait.ge [sflag:s24], $0x3200  }
0x179: {  	[sflag:s24] =	ssyncset.done $0x0  }
0x17a: {  	[sflag:s24] =	ssyncadd.s32 $0xFFFFCE00  }
0x17b: {  	_ =	swait.ge [sflag:s25], $0x3200  }
0x17c: {  	[sflag:s25] =	ssyncset.done $0x0  }
0x17d: {  	s9 =	simm.s32 $0x320;
	[sflag:s25] =	ssyncadd.s32 $0xFFFFCE00  }
0x17e: {  	[tilespmem:s20], [sflag:$0x3] =	stream.indirect.gather [hbm4b:s5+s19], $0x40, s9, s19, $0xb8;
	[tilespmem:$0x111A0] =	vst v63  }
0x17f: {  	_ = 	snop  }
0x180: {  	[spmem:s2] =	stream.indirect.scatter.add.f32 [tilespmem:s22], [sflag:$0x6], $0x40, s8, s19, $0xb8;
	[tilespmem:$0x111A0] =	vst v63  }
0x181: {  	_ =	swait.ge [sflag:s21], $0x3200  }
0x182: {  	[sflag:s21] =	ssyncset.done $0x0  }
0x183: {  	[sflag:s21] =	ssyncadd.s32 $0xFFFFCE00  }
0x184: {  	[spmem:s2] =	stream.indirect.scatter.add.f32 [tilespmem:s20], [sflag:$0x5], $0x40, s15, s19, $0xb8;
	[tilespmem:$0x111A0] =	vst v63  }
0x185: {  	_ =	swait.ge [sflag:s29], $0x3200  }
0x186: {  	[sflag:s29] =	ssyncset.done $0x0  }
0x187: {  	[sflag:s29] =	ssyncadd.s32 $0xFFFFCE00  }
0x188: {  	s31 =	smin.u32 s31, $0x7;
	_ =	swait.ge [sflag:s25], $0x3200  }
0x189: {  	s31 =	smul.u32 $0x7D0, s31;
	[sflag:s25] =	ssyncset.done $0x0  }
0x18a: {  	[sflag:s25] =	ssyncadd.s32 $0xFFFFCE00  }
0x18b: {  	s31 =	sadd.s32 s31, s10;
	_ =	swait.ge [sflag:s12], $0x7D0  }
0x18c: {  	s31 =	sshrl.u32 s31, $0x3;
	[sflag:s12] =	ssyncset.done $0x0  }
0x18d: {  	s31 =	sadd.s32 s6, s31;
	[sflag:s12] =	ssyncadd.s32 $0xFFFFF830  }
0x18e: {  	[tilespmem:s3], [sflag:$0x1] =	stream.linear.gather [hbm4b:s31+s3], $0x7D0, $0x38;
	[tilespmem:$0x111A0] =	vst v63  }
0x18f: {  	_ = 	snop  }
0x190: {  	[tilespmem:s20], [sflag:$0x3] =	stream.indirect.gather [hbm4b:s5+s19], $0x40, s18, s19, $0xb8;
	[tilespmem:$0x111A0] =	vst v63  }
0x191: {  	_ =	swait.ge [sflag:s21], $0x3200  }
0x192: {  	[sflag:s21] =	ssyncset.done $0x0  }
0x193: {  	[sflag:s21] =	ssyncadd.s32 $0xFFFFCE00  }
0x194: {  	[tilespmem:s22], [sflag:$0x4] =	stream.indirect.gather [hbm4b:s5+s19], $0x40, s14, s19, $0xb8;
	[tilespmem:$0x111A0] =	vst v63  }
0x195: {  	_ = 	snop  }
0x196: {  	[spmem:s2] =	stream.indirect.scatter.add.f32 [tilespmem:s20], [sflag:$0x5], $0x40, s16, s19, $0xb8;
	[tilespmem:$0x111A0] =	vst v63  }
0x197: {  	_ =	swait.ge [sflag:s24], $0x3200  }
0x198: {  	[sflag:s24] =	ssyncset.done $0x0  }
0x199: {  	[sflag:s24] =	ssyncadd.s32 $0xFFFFCE00  }
0x19a: {  	_ =	swait.ge [sflag:s25], $0x3200  }
0x19b: {  	[sflag:s25] =	ssyncset.done $0x0  }
0x19c: {  	[sflag:s25] =	ssyncadd.s32 $0xFFFFCE00  }
0x19d: {  	[tilespmem:s20], [sflag:$0x3] =	stream.indirect.gather [hbm4b:s5+s19], $0x40, s23, s19, $0xb8;
	[tilespmem:$0x111A0] =	vst v63  }
0x19e: {  	_ = 	snop  }
0x19f: {  	[spmem:s2] =	stream.indirect.scatter.add.f32 [tilespmem:s22], [sflag:$0x6], $0x40, s26, s19, $0xb8;
	[tilespmem:$0x111A0] =	vst v63  }
0x1a0: {  	_ =	swait.ge [sflag:s21], $0x3200  }
0x1a1: {  	[sflag:s21] =	ssyncset.done $0x0  }
0x1a2: {  	[sflag:s21] =	ssyncadd.s32 $0xFFFFCE00  }
0x1a3: {  	_ =	swait.ge [sflag:s29], $0x3200  }
0x1a4: {  	[sflag:s29] =	ssyncset.done $0x0  }
0x1a5: {  	[sflag:s29] =	ssyncadd.s32 $0xFFFFCE00  }
0x1a6: {  	[tilespmem:s22], [sflag:$0x4] =	stream.indirect.gather [hbm4b:s5+s19], $0x40, s0, s19, $0xb8;
	[tilespmem:$0x111A0] =	vst v63  }
0x1a7: {  	_ = 	snop  }
0x1a8: {  	[spmem:s2] =	stream.indirect.scatter.add.f32 [tilespmem:s20], [sflag:$0x5], $0x40, s1, s19, $0xb8;
	[tilespmem:$0x111A0] =	vst v63  }
0x1a9: {  	_ =	swait.ge [sflag:s24], $0x3200  }
0x1aa: {  	[sflag:s24] =	ssyncset.done $0x0  }
0x1ab: {  	[sflag:s24] =	ssyncadd.s32 $0xFFFFCE00  }
0x1ac: {  	_ =	swait.ge [sflag:s25], $0x3200  }
0x1ad: {  	[sflag:s25] =	ssyncset.done $0x0  }
0x1ae: {  	[sflag:s25] =	ssyncadd.s32 $0xFFFFCE00  }
0x1af: {  	[tilespmem:s20], [sflag:$0x3] =	stream.indirect.gather [hbm4b:s5+s19], $0x40, s11, s19, $0xb8;
	[tilespmem:$0x111A0] =	vst v63  }
0x1b0: {  	_ = 	snop  }
0x1b1: {  	[spmem:s2] =	stream.indirect.scatter.add.f32 [tilespmem:s22], [sflag:$0x6], $0x40, s13, s19, $0xb8;
	[tilespmem:$0x111A0] =	vst v63  }
0x1b2: {  	_ =	swait.ge [sflag:s21], $0x3200  }
0x1b3: {  	[sflag:s21] =	ssyncset.done $0x0  }
0x1b4: {  	[sflag:s21] =	ssyncadd.s32 $0xFFFFCE00  }
0x1b5: {  	[spmem:s2] =	stream.indirect.scatter.add.f32 [tilespmem:s20], [sflag:$0x5], $0x40, s7, s19, $0xb8;
	[tilespmem:$0x111A0] =	vst v63  }
.Ltmp1:
0x1b6: {  	_ =	swait.ge [sflag:s29], $0x3200;
	(pc) =	sbr.rel @p0 .LBB2_4-.Ltmp1, $4  }
0x1b7: {  	[sflag:s29] =	ssyncset.done $0x0  }
0x1b8: {  	[sflag:s29] =	ssyncadd.s32 $0xFFFFCE00  }
0x1b9: {  	_ =	swait.ge [sflag:s25], $0x3200  }
0x1ba: {  	[sflag:s25] =	ssyncset.done $0x0  }
0x1bb: {  	[sflag:s25] =	ssyncadd.s32 $0xFFFFCE00  }
0x1bc: {  	_ =	swait.ge [sflag:s17], $0x7D0  }
0x1bd: {  	[sflag:s17] =	ssyncset.done $0x0  }
0x1be: {  	[sflag:s17] =	ssyncadd.s32 $0xFFFFF830  }
0x1bf: {  	[bflag:$0x0] =	sbarrier.arrive $0xFFFF  }
0x1c0: {  	s30 =	rddreg [dreg:$0x4]  }
0x1c1: {  	s28 =	rddreg [dreg:$0x7]  }
0x1c2: {  	s9 =	simm.s32 $0x7;
	s31 =	rddreg [dreg:$0xa]  }
0x1c3: {  	[hbm:s28], [sflag:s30] =	dma.local [spmem:s31], $0x13C0  }
0x1c4: {  	_ =	swait.ge [sflag:s9], $0x13C0  }
0x1c5: {  	s0 =	rddreg [dreg:$0xb]  }
0x1c6: {  	[sflag:s9] =	ssyncset.done $0x0;
	s9 =	rddreg [dreg:$0x8];
	s0 =	sadd.s32 $0x1, s0  }
0x1c7: {  	p0 =	sne.s32 s0, s9  }
.Ltmp2:
0x1c8: {  	_ = 	snop;
	(pc) =	sbr.rel @p0 .LBB2_1-.Ltmp2, $3  }
0x1c9: {  	_ =	sdelay $0x1  }
0x1ca: {  	s9 =	simm.s32 $0x7  }
0x1cb: {  	[sflag:s9] =	ssyncadd.s32 $0xFFFFEC40  }
0x1cc: {  	_ =	sfence.sel $0x180000  }
0x1cd: {  	[bflag:$0x0] =	sbarrier.arrive $0xFFFF  }
0x1ce: {  	_ =	strace $0x9000004A  }
0x1cf: {  	s0 =	stileid.u32;
	[bflag:$0x2] =	sbarrier.arrive $0xFFFF  }
0x1d0: {  	p0 =	sne.s32 s0, $0x0;
	s0 =	rddreg [dreg:$0x2]  }
0x1d1: {  	s0 =	sadd.s32 @!p0 $0x100000, s0  }
0x1d2: {  	[sflag:s0] =	ssyncadd.tile.s32 @!p0 $0x1;
	_ =	shalt  }
.Lfunc_end2:
_tile_overlayer_lowered:
.L_overlay_start_2:
0x1d3: {  	(tag) =	ssettag $0x2  }
0x1d4: {  	s0 =	rddreg [dreg:$0x0];
	s2 =	stileid.u32  }
0x1d5: {  	s1 =	rddreg [dreg:$0x1];
	p0 =	sne.s32 s2, $0x0  }
0x1d6: {  	s3 =	rddreg [dreg:$0x2];
	[bflag:$0x3] =	sbarrier.arrive $0xFFFF;
	s2 =	simm.s32 @!p0 $0x1C07  }
0x1d7: {  	[timem:s3], [sflag:s2] =	dma.local @!p0 [hbm:s0], s1  }
0x1d8: {  	s0 =	simm.s32 @!p0 $0x7  }
0x1d9: {  	_ =	swait.ge @!p0 [sflag:s0], s1  }
0x1da: {  	s1 =	ssub.s32 @!p0 $0x0, s1;
	[sflag:s0] =	ssyncset.done @!p0 $0x0  }
0x1db: {  	[sflag:s0] =	ssyncadd.s32 @!p0 s1  }
0x1dc: {  	[bflag:$0x3] =	sbarrier.arrive $0xFFFF  }
0x1dd: {  	_ =	shalt  }

// kernel: kernel.15.cloned.1.call-start
scs
__scs_entry_jumppad:
0x0: {  	(pc) =	sbr.rel $0x88, $3  }
0x1: {  	(tag) =	ssettag $0x0;
	lr =	simm.s32 $0x1  }
0x2: {  	[smem:$0x3F99] =	sst lr;
	_ =	strace $0xD0000000  }
0x3: {  	_ = 	snop  }
0x4: {  	_ = 	snop  }
0x5: {  	_ = 	snop  }
0x6: {  	_ = 	snop  }
0x7: {  	_ = 	snop  }
__scs_overlays_trampoline_lowered:
0x8: {  	[smem:$0x3FA8] =	sst s0  }
0x9: {  	[smem:$0x3FA9] =	sst s1  }
0xa: {  	[smem:$0x3FAA] =	sst s2  }
0xb: {  	[smem:$0x3FAB] =	sst s3  }
0xc: {  	[smem:$0x3FAC] =	sst s4  }
0xd: {  	[smem:$0x3FAD] =	sst s5  }
0xe: {  	[smem:$0x3FAE] =	sst s6  }
0xf: {  	[smem:$0x3FAF] =	sst s7  }
0x10: {  	[smem:$0x3FB0] =	sst s8  }
0x11: {  	[smem:$0x3FB1] =	sst s9;
	s0 =	simm.s32 @!p0 $0x0  }
0x12: {  	s1 =	sld [smem:$0x3F97];
	s0 =	simm.s32 @p0 $0x1  }
0x13: {  	[smem:$0x3FB2] =	sst s0;
	s0 =	simm.s32 @!p1 $0x0  }
0x14: {  	s2 =	sld [smem:$0x3F96];
	s0 =	simm.s32 @p1 $0x1  }
0x15: {  	[smem:$0x3FB3] =	sst s0;
	s0 =	simm.s32 @!p2 $0x0  }
0x16: {  	s3 =	sld [smem:$0x3FDB];
	s0 =	simm.s32 @p2 $0x1  }
0x17: {  	s4 =	simm.s32 $0x1BF5;
	[smem:$0x3FB5] =	sst s0  }
0x18: {  	s0 =	sld [smem:$0x3F98];
	_ =	swait.ge [sflag:s4], $0x0  }
0x19: {  	s7 =	sld [smem:$0x3F99]  }
0x1a: {  	s8 =	sadd.s32 $0xFFFFE003, lr  }
0x1b: {  	s9 =	sadd.s32 $0xFFFFFEF7, lr;
	s5 =	simm.s32 $0xFFFFFFFF;
	p2 =	slt.u32 s8, $0xFFFFF086  }
0x1c: {  	p1 =	slt.u32 s9, $0xF7A;
	s5 =	simm.s32 @!p2 $0x0  }
0x1d: {  	s5 =	simm.s32 @p1 $0x1;
	p0 =	seq.s32 s7, s2  }
0x1e: {  	s7 =	smul.u32 @!p0 $0xF7A, s2;
	p2 =	seq.s32 @!p0 s5, $0x0  }
0x1f: {  	s9 =	smul.u32 $0xF7A, s1;
	s8 =	simm.s32 @!p0 $0x1BF5;
	p2 =	por !p2, p0  }
0x20: {  	[sflag:s8] =	ssyncset.s32 @!p0 $0xFFFFF086;
	s6 =	sadd.s32 @!p0 s3, s7;
	s7 =	simm.s32 @!p0 $0x108  }
0x21: {  	s3 =	sadd.s32 s3, s9;
	s6 =	sadd.s32 @!p0 $0x88, s6;
	s7 =	simm.s32 @p2 $0x1082  }
0x22: {  	[simem:s7], [sflag:s8] =	dma.local @!p0 [hbm:s6], $0xF7A  }
0x23: {  	s9 =	sor.u32 $0xD0000000, s2;
	s6 =	simm.s32 $0x108;
	_ =	swait.ge @!p0 [sflag:s8], $0x0  }
0x24: {  	s3 =	sadd.s32 $0x88, s3;
	s6 =	simm.s32 @!p1 $0x1082;
	[sflag:s4] =	ssyncset.s32 $0xFFFFF086  }
0x25: {  	[simem:s6], [sflag:s4] =	dma.local [hbm:s3], $0xF7A  }
0x26: {  	[smem:$0x3F99] =	sst s1;
	(tag) =	ssettag s2;
	_ =	strace s9  }
0x27: {  	s1 =	sld [smem:$0x3FA9]  }
0x28: {  	s2 =	sld [smem:$0x3FAA]  }
0x29: {  	s4 =	sld [smem:$0x3FAC]  }
0x2a: {  	p0 =	seq.s32 s5, $0x0;
	s5 =	sld [smem:$0x3FAD]  }
0x2b: {  	s6 =	sld [smem:$0x3FAE]  }
0x2c: {  	s7 =	sld [smem:$0x3FAF]  }
0x2d: {  	s3 =	simm.s32 $0x108;
	s8 =	sld [smem:$0x3FB0]  }
0x2e: {  	s3 =	simm.s32 @!p0 $0x1082;
	s9 =	sld [smem:$0x3FB1]  }
0x2f: {  	lr =	sadd.s32 s0, s3;
	s0 =	sld [smem:$0x3FA8]  }
0x30: {  	s3 =	sld [smem:$0x3FAB]  }
0x31: {  	[smem:$0x3FB4] =	sst s10  }
0x32: {  	s10 =	sld [smem:$0x3FB2];
	_ =	sdelay $0x3  }
0x33: {  	p0 =	seq.s32 s10, $0x1;
	s10 =	sld [smem:$0x3FB4];
	_ =	sdelay $0x3  }
0x34: {  	[smem:$0x3FB4] =	sst s10  }
0x35: {  	s10 =	sld [smem:$0x3FB3];
	_ =	sdelay $0x3  }
0x36: {  	p1 =	seq.s32 s10, $0x1;
	s10 =	sld [smem:$0x3FB4];
	_ =	sdelay $0x3  }
0x37: {  	[smem:$0x3FB4] =	sst s10  }
0x38: {  	s10 =	sld [smem:$0x3FB5]  }
0x39: {  	_ = 	snop;
	(pc) =	sbr.ind lr, $3  }
0x3a: {  	_ = 	snop  }
0x3b: {  	_ = 	snop  }
0x3c: {  	p2 =	seq.s32 s10, $0x1;
	s10 =	sld [smem:$0x3FB4]  }
0x3d: {  	_ =	shalt  }
0x3e: {  	_ =	shalt  }
0x3f: {  	_ =	shalt  }
0x40: {  	_ =	shalt  }
0x41: {  	_ =	shalt  }
0x42: {  	_ =	shalt  }
0x43: {  	_ =	shalt  }
0x44: {  	_ =	shalt  }
0x45: {  	_ =	shalt  }
0x46: {  	_ =	shalt  }
0x47: {  	_ =	shalt  }
0x48: {  	_ =	shalt  }
0x49: {  	_ =	shalt  }
0x4a: {  	_ =	shalt  }
0x4b: {  	_ =	shalt  }
0x4c: {  	_ =	shalt  }
0x4d: {  	_ =	shalt  }
0x4e: {  	_ =	shalt  }
0x4f: {  	_ =	shalt  }
0x50: {  	_ =	shalt  }
0x51: {  	_ =	shalt  }
0x52: {  	_ =	shalt  }
0x53: {  	_ =	shalt  }
0x54: {  	_ =	shalt  }
0x55: {  	_ =	shalt  }
0x56: {  	_ =	shalt  }
0x57: {  	_ =	shalt  }
0x58: {  	_ =	shalt  }
0x59: {  	_ =	shalt  }
0x5a: {  	_ =	shalt  }
0x5b: {  	_ =	shalt  }
0x5c: {  	_ =	shalt  }
0x5d: {  	_ =	shalt  }
0x5e: {  	_ =	shalt  }
0x5f: {  	_ =	shalt  }
0x60: {  	_ =	shalt  }
0x61: {  	_ =	shalt  }
0x62: {  	_ =	shalt  }
0x63: {  	_ =	shalt  }
0x64: {  	_ =	shalt  }
0x65: {  	_ =	shalt  }
0x66: {  	_ =	shalt  }
0x67: {  	_ =	shalt  }
0x68: {  	_ =	shalt  }
0x69: {  	_ =	shalt  }
0x6a: {  	_ =	shalt  }
0x6b: {  	_ =	shalt  }
0x6c: {  	_ =	shalt  }
0x6d: {  	_ =	shalt  }
0x6e: {  	_ =	shalt  }
0x6f: {  	_ =	shalt  }
0x70: {  	_ =	shalt  }
0x71: {  	_ =	shalt  }
0x72: {  	_ =	shalt  }
0x73: {  	_ =	shalt  }
0x74: {  	_ =	shalt  }
0x75: {  	_ =	shalt  }
0x76: {  	_ =	shalt  }
0x77: {  	_ =	shalt  }
0x78: {  	_ =	shalt  }
0x79: {  	_ =	shalt  }
0x7a: {  	_ =	shalt  }
0x7b: {  	_ =	shalt  }
0x7c: {  	_ =	shalt  }
0x7d: {  	_ =	shalt  }
0x7e: {  	_ =	shalt  }
0x7f: {  	_ =	shalt  }
0x80: {  	_ =	shalt  }
0x81: {  	_ =	shalt  }
0x82: {  	_ =	shalt  }
0x83: {  	_ =	shalt  }
0x84: {  	_ =	shalt  }
0x85: {  	_ =	shalt  }
0x86: {  	_ =	shalt  }
0x87: {  	_ =	shalt  }
.Lfunc_end0:
.L_simem_size_0:
called_computation.2_lowered:
.L_overlay_start_0:
0x88: {  	s2 =	sld [smem:$0x3FD9]  }
0x89: {  	s3 =	sld [smem:$0x3FFE];
	_ =	sdelay $0x1  }
0x8a: {  	s1 =	srdreg.scid  }
0x8b: {  	s0 =	sand.u32 $0x1, s1  }
0x8c: {  	s17 =	sshll.u32 s0, $0xA;
	s2 =	sadd.s32 s3, s2  }
0x8d: {  	s2 =	sadd.s32 s2, s17  }
0x8e: {  	[smem:$0x3FC0] =	sst s2  }
0x8f: {  	_ = 	snop  }
0x90: {  	s2 =	sld [smem:$0x3FD0];
	(tm) =	ssettm $0x1  }
0x91: {  	s18 =	sld [smem:$0x3FFB];
	_ =	sdelay $0x3  }
0x92: {  	_ =	strace s18  }
0x93: {  	s3 =	sld [smem:$0x3FFC];
	_ =	sdelay $0x3  }
0x94: {  	_ =	strace s3  }
0x95: {  	s3 =	sld [smem:$0x3FFD];
	_ =	sdelay $0x3  }
0x96: {  	_ =	strace s3  }
0x97: {  	_ =	strace $0x8FFFFFFF  }
0x98: {  	s19 =	sld [smem:$0x3FDB];
	_ =	sdelay $0x1  }
0x99: {  	s4 =	simm.s32 $_scs_section_size  }
0x9a: {  	s5 =	simm.s32 $_size__tile_overlayer_lowered;
	s6 =	simm.s32 $_tile_overlayer_lowered  }
0x9b: {  	s22 =	simm.s32 $0x1BFF;
	s21 =	sshll.u32 s6, $0x1;
	s3 =	sadd.s32 s4, s19  }
0x9c: {  	s7 =	simm.s32 $0x0;
	s20 =	sshll.u32 s5, $0x1;
	s5 =	sadd.s32 s21, s3  }
0x9d: {  	[timem:s7], [sflag:s22] =	dma.local [hbm:s5], s20  }
0x9e: {  	_ =	swait.ge [sflag:s22], s20  }
0x9f: {  	s4 =	ssub.s32 $0x0, s20;
	[sflag:s22] =	ssyncset.done $0x0  }
0xa0: {  	[sflag:s22] =	ssyncadd.s32 s4;
	_ =	sdelay $0x1  }
0xa1: {  	s23 =	simm.s32 $0x1B8B  }
0xa2: {  	_ =	swait.ge [sflag:s23], $0x1  }
0xa3: {  	[sflag:s23] =	ssyncset.done $0x0  }
0xa4: {  	s25 =	simm.s32 $0x1B8E;
	s24 =	sld [smem:$0x3FFE];
	[sflag:s23] =	ssyncadd.s32 $0xFFFFFFFF  }
0xa5: {  	s26 =	simm.s32 $execute0_lowered;
	[smem:$0x3FD2] =	sst s25  }
0xa6: {  	s5 =	sshll.u32 s26, $0x1;
	_ =	strace $0x8000004C;
	[dreg:$0x1] =	wrdreg $0xFFFFFFFF  }
0xa7: {  	s28 =	simm.s32 $_size_execute0_lowered;
	s3 =	sadd.s32 s3, s5;
	[dreg:$0x0] =	wrdreg $0x0  }
0xa8: {  	s5 =	sshll.u32 s28, $0x1;
	[dreg:$0x2] =	wrdreg s3  }
0xa9: {  	[dreg:$0x3] =	wrdreg s5  }
0xaa: {  	[dreg:$0x4] =	wrdreg $0xC0  }
0xab: {  	_ =	task [dreg:s7], $0x5FFFF  }
0xac: {  	[dreg:$0x1] =	wrdreg $0xFFFFFFFF  }
0xad: {  	[dreg:$0x0] =	wrdreg $0x60  }
0xae: {  	[dreg:$0x2] =	wrdreg s2  }
0xaf: {  	[dreg:$0x3] =	wrdreg s24  }
0xb0: {  	[dreg:$0x4] =	wrdreg $0x4E200  }
0xb1: {  	[dreg:$0x5] =	wrdreg $0x9  }
0xb2: {  	_ =	task.clear_ibuf [dreg:s7], $0x6FFFF;
	_ =	strace $0x9000004C  }
0xb3: {  	s29 =	simm.s32 $0x9;
	_ =	strace $0x8000004E  }
0xb4: {  	_ =	swait.ge [sflag:s29], $0x1  }
0xb5: {  	[sflag:s29] =	ssyncadd.s32 $0xFFFFFFFF  }
0xb6: {  	_ =	strace $0x9000004E  }
0xb7: {  	_ =	sfence  }
0xb8: {  	s30 =	sld [smem:$0x0];
	_ =	sdelay $0x2  }
0xb9: {  	s31 =	sshll.u32 s1, $0xD;
	s1 =	sshrl.u32 s1, $0x2  }
0xba: {  	s3 =	sand.u32 $0x4000, s31;
	s1 =	sadd.s32 s1, s30  }
0xbb: {  	s0 =	sor.u32 s3, s0;
	s1 =	sshll.u32 s1, $0x11  }
0xbc: {  	s0 =	sor.u32 s1, s0  }
0xbd: {  	s0 =	sadd.s32 $0x8F2B, s0  }
0xbe: {  	[sflag:s0] =	ssyncadd.remote.s32 $0x1  }
0xbf: {  	_ =	sfence.sel $0xFFFF  }
0xc0: {  	[dreg:$0x0] =	wrdreg $0xFFFFFFFF;
	(pc) =	sbr.abs _section_cstart, $3  }
0xc1: {  	[dreg:$0x1] =	wrdreg $0xFFFFFFFF  }
0xc2: {  	_ =	task.clear_ibuf [dreg:s7], $0x2FFFF;
	_ =	strace $0x9FFFFFFF  }
0xc3: {  	(tm) =	ssettm $0x7FFFFFFF  }
tec
execute0_lowered:
.L_overlay_start_1:
0x0: {  	(tag) =	ssettag $0x1  }
0x1: {  	s0 =	rddreg [dreg:$0x0]  }
0x2: {  	s1 =	rddreg [dreg:$0x1]  }
0x3: {  	s2 =	rddreg [dreg:$0x2];
	s3 =	simm.s32 $0x0;
	s4 =	srdreg.scid  }
0x4: {  	s12 =	stileid.u32;
	s19 =	simm.s32 $0x3E8;
	s20 =	simm.s32 $0x190  }
0x5: {  	s21 =	simm.s32 $0x4B0;
	s22 =	simm.s32 $0x258;
	s23 =	simm.s32 $0x578  }
0x6: {  	s24 =	simm.s32 $0x320;
	s25 =	simm.s32 $0x640;
	s28 =	simm.s32 $0xC80  }
0x7: {  	s29 =	simm.s32 $0xA28;
	s30 =	simm.s32 $0xD48;
	s31 =	simm.s32 $0xAF0  }
0x8: {  	[smem:$0x7FF] =	sst s3;
	s6 =	sand.u32 $0x1, s4;
	s7 =	smul.u32 $0x62C0, s12  }
0x9: {  	s4 =	sadd.s32 $0x6D200, s1;
	_ =	strace $0x8000004D;
	[dreg:$0x5] =	wrdreg s19  }
0xa: {  	s5 =	sadd.s32 $0xA800, s1;
	s9 =	sshll.u32 s12, $0x1;
	[dreg:$0x6] =	wrdreg s20  }
0xb: {  	s14 =	smul.u32 $0x9C40, s12;
	s12 =	sshll.u32 s12, $0x6;
	[dreg:$0x7] =	wrdreg s21  }
0xc: {  	s8 =	smul.u32 $0x62C00, s6;
	s10 =	ssub.s32 $0x2, s6;
	[dreg:$0x8] =	wrdreg s22  }
0xd: {  	s9 =	sor.u32 s6, s9;
	s6 =	smul.u32 $0x4E20, s6;
	[dreg:$0x9] =	wrdreg s23  }
0xe: {  	s19 =	simm.s32 $0x2EE0;
	s20 =	simm.s32 $0x4;
	[dreg:$0xa] =	wrdreg s24  }
0xf: {  	s21 =	simm.s32 $0x5;
	s22 =	simm.s32 $0x6;
	[dreg:$0xb] =	wrdreg s25  }
0x10: {  	s23 =	simm.s32 $0x2;
	s24 =	simm.s32 $0x898;
	s25 =	simm.s32 $0xBB8  }
0x11: {  	s11 =	sshrl.u32 s10, $0x1;
	s9 =	smul.u32 $0x4E20, s9;
	s15 =	sshrl.u32 s7, $0x3  }
0x12: {  	s13 =	sadd.s32 s7, s2;
	s8 =	sadd.s32 s7, s8;
	s26 =	ssub.s32 s10, s11  }
0x13: {  	s0 =	sadd.s32 s0, s15;
	s11 =	sor.u32 $0x1C07, s12;
	s6 =	sadd.s32 s6, s14  }
0x14: {  	s14 =	simm.s32 $0x1;
	s15 =	simm.s32 $0x7D0;
	s8 =	sshrl.u32 s8, $0x3  }
0x15: {  	[dreg:$0xd] =	wrdreg s0;
	s16 =	sshrl.u32 s9, $0x3;
	s9 =	sadd.s32 $0xFA0, s9  }
0x16: {  	s17 =	sadd.s32 $0x7D0, s6;
	s18 =	smax.u32 s26, $0x1;
	s26 =	simm.s32 $0x708  }
0x17: {  	s6 =	simm.s32 $0x0;
	s1 =	sadd.s32 s8, s1;
	[dreg:$0x4] =	wrdreg s9  }
0x18: {  	s0 =	sadd.s32 s5, s16;
	[dreg:$0x10] =	wrdreg s18;
	s8 =	sshrl.u32 s13, $0x3  }
0x19: {  	s13 =	simm.s32 $0x7;
	s16 =	simm.s32 $0xC8;
	[dreg:$0xc] =	wrdreg s26  }
0x1a: {  	s18 =	simm.s32 $0x3;
	s26 =	simm.s32 $0x960;
	[dreg:$0xe] =	wrdreg s0  }
0x1b: {  	s1 =	sadd.s32 $0x79600, s1;
	s0 =	sshrl.u32 s17, $0x3;
	[dreg:$0x12] =	wrdreg s8  }
0x1c: {  	s17 =	simm.s32 $0xFA0;
	[dreg:$0xf] =	wrdreg s1;
	s0 =	sadd.s32 s0, s5  }
0x1d: {  	s1 =	simm.s32 $0xED8;
	[dreg:$0x11] =	wrdreg s0;
	s0 =	simm.s32 $0xE10  }
.LBB2_1:
0x1e: {  	s7 =	rddreg [dreg:$0xd]  }
0x1f: {  	[spmem:s8], [sflag:s11] =	dma.local [hbm:s7], $0xC58  }
0x20: {  	_ =	swait.ge [sflag:s13], $0xC58  }
0x21: {  	[sflag:s13] =	ssyncset.done $0x0  }
0x22: {  	[sflag:s13] =	ssyncadd.s32 $0xFFFFF3A8  }
0x23: {  	[bflag:$0x0] =	sbarrier.arrive $0xFFFF  }
0x24: {  	s9 =	smov.u32 s11;
	s11 =	rddreg [dreg:$0xe]  }
0x25: {  	[tilespmem:s3], [sflag:$0x1] =	stream.linear.gather [hbm4b:s11+s3], $0x7D0, $0x38;
	[tilespmem:$0xB0E0] =	vst v63  }
0x26: {  	_ =	swait.ge [sflag:s14], $0x7D0  }
0x27: {  	[sflag:s14] =	ssyncset.done $0x0  }
0x28: {  	s11 =	rddreg [dreg:$0x11];
	[sflag:s14] =	ssyncadd.s32 $0xFFFFF830  }
0x29: {  	[tilespmem:s15], [sflag:$0x2] =	stream.linear.gather [hbm4b:s11+s3], $0x7D0, $0x38;
	[tilespmem:$0xB0E0] =	vst v63  }
0x2a: {  	_ = 	snop  }
0x2b: {  	[tilespmem:s17], [sflag:$0x3] =	stream.indirect.gather [hbm4b:s4+s16], $0x28, s3, s16, $0xb8;
	[tilespmem:$0xB0E0] =	vst v63  }
0x2c: {  	_ =	swait.ge [sflag:s18], $0x1F40  }
0x2d: {  	[sflag:s18] =	ssyncset.done $0x0  }
0x2e: {  	[sflag:s18] =	ssyncadd.s32 $0xFFFFE0C0  }
0x2f: {  	[tilespmem:s19], [sflag:$0x4] =	stream.indirect.gather [hbm4b:s4+s16], $0x28, s16, s16, $0xb8;
	[tilespmem:$0xB0E0] =	vst v63  }
0x30: {  	s12 =	rddreg [dreg:$0x5]  }
0x31: {  	[spmem:s2] =	stream.indirect.scatter.add.f32 [tilespmem:s17], [sflag:$0x5], $0x28, s12, s16, $0xb8;
	[tilespmem:$0xB0E0] =	vst v63  }
0x32: {  	_ =	swait.ge [sflag:s20], $0x1F40  }
0x33: {  	[sflag:s20] =	ssyncset.done $0x0  }
0x34: {  	[sflag:s20] =	ssyncadd.s32 $0xFFFFE0C0  }
0x35: {  	_ =	swait.ge [sflag:s21], $0x1F40  }
0x36: {  	[sflag:s21] =	ssyncset.done $0x0  }
0x37: {  	s7 =	rddreg [dreg:$0x6];
	[sflag:s21] =	ssyncadd.s32 $0xFFFFE0C0  }
0x38: {  	[tilespmem:s17], [sflag:$0x3] =	stream.indirect.gather [hbm4b:s4+s16], $0x28, s7, s16, $0xb8;
	[tilespmem:$0xB0E0] =	vst v63  }
0x39: {  	s10 =	rddreg [dreg:$0x7]  }
0x3a: {  	[spmem:s2] =	stream.indirect.scatter.add.f32 [tilespmem:s19], [sflag:$0x6], $0x28, s10, s16, $0xb8;
	[tilespmem:$0xB0E0] =	vst v63  }
0x3b: {  	_ =	swait.ge [sflag:s18], $0x1F40  }
0x3c: {  	[sflag:s18] =	ssyncset.done $0x0  }
0x3d: {  	[sflag:s18] =	ssyncadd.s32 $0xFFFFE0C0  }
0x3e: {  	_ =	swait.ge [sflag:s22], $0x1F40  }
0x3f: {  	[sflag:s22] =	ssyncset.done $0x0  }
0x40: {  	s12 =	rddreg [dreg:$0x8];
	[sflag:s22] =	ssyncadd.s32 $0xFFFFE0C0  }
0x41: {  	[tilespmem:s19], [sflag:$0x4] =	stream.indirect.gather [hbm4b:s4+s16], $0x28, s12, s16, $0xb8;
	[tilespmem:$0xB0E0] =	vst v63  }
0x42: {  	s7 =	rddreg [dreg:$0x9]  }
0x43: {  	[spmem:s2] =	stream.indirect.scatter.add.f32 [tilespmem:s17], [sflag:$0x5], $0x28, s7, s16, $0xb8;
	[tilespmem:$0xB0E0] =	vst v63  }
0x44: {  	_ =	swait.ge [sflag:s20], $0x1F40  }
0x45: {  	[sflag:s20] =	ssyncset.done $0x0  }
0x46: {  	[sflag:s20] =	ssyncadd.s32 $0xFFFFE0C0  }
0x47: {  	_ =	swait.ge [sflag:s21], $0x1F40  }
0x48: {  	[sflag:s21] =	ssyncset.done $0x0  }
0x49: {  	s10 =	rddreg [dreg:$0xa];
	[sflag:s21] =	ssyncadd.s32 $0xFFFFE0C0  }
0x4a: {  	[tilespmem:s17], [sflag:$0x3] =	stream.indirect.gather [hbm4b:s4+s16], $0x28, s10, s16, $0xb8;
	[tilespmem:$0xB0E0] =	vst v63  }
0x4b: {  	s12 =	rddreg [dreg:$0xb]  }
0x4c: {  	[spmem:s2] =	stream.indirect.scatter.add.f32 [tilespmem:s19], [sflag:$0x6], $0x28, s12, s16, $0xb8;
	[tilespmem:$0xB0E0] =	vst v63  }
0x4d: {  	_ =	swait.ge [sflag:s18], $0x1F40  }
0x4e: {  	[sflag:s18] =	ssyncset.done $0x0  }
0x4f: {  	s7 =	rddreg [dreg:$0xc];
	[sflag:s18] =	ssyncadd.s32 $0xFFFFE0C0  }
0x50: {  	[spmem:s2] =	stream.indirect.scatter.add.f32 [tilespmem:s17], [sflag:$0x5], $0x28, s7, s16, $0xb8;
	[tilespmem:$0xB0E0] =	vst v63  }
0x51: {  	_ =	swait.ge [sflag:s22], $0x1F40  }
0x52: {  	[sflag:s22] =	ssyncset.done $0x0  }
0x53: {  	[sflag:s22] =	ssyncadd.s32 $0xFFFFE0C0  }
0x54: {  	_ =	swait.ge [sflag:s21], $0x1F40  }
0x55: {  	[sflag:s21] =	ssyncset.done $0x0  }
0x56: {  	s10 =	smin.u32 s3, $0x7;
	[sflag:s21] =	ssyncadd.s32 $0xFFFFE0C0  }
0x57: {  	s8 =	smul.u32 $0x7D0, s10;
	_ =	swait.ge [sflag:s23], $0x7D0  }
0x58: {  	s12 =	rddreg [dreg:$0x4]  }
0x59: {  	s8 =	sadd.s32 s8, s12  }
0x5a: {  	[sflag:s23] =	ssyncset.done $0x0;
	s8 =	sshrl.u32 s8, $0x3  }
0x5b: {  	[sflag:s23] =	ssyncadd.s32 $0xFFFFF830;
	s8 =	sadd.s32 s5, s8  }
0x5c: {  	[tilespmem:s3], [sflag:$0x1] =	stream.linear.gather [hbm4b:s8+s3], $0x7D0, $0x38;
	[tilespmem:$0xB0E0] =	vst v63  }
0x5d: {  	_ = 	snop  }
0x5e: {  	[tilespmem:s17], [sflag:$0x3] =	stream.indirect.gather [hbm4b:s4+s16], $0x28, s15, s16, $0xb8;
	[tilespmem:$0xB0E0] =	vst v63  }
0x5f: {  	_ =	swait.ge [sflag:s18], $0x1F40  }
0x60: {  	[sflag:s18] =	ssyncset.done $0x0  }
0x61: {  	[sflag:s18] =	ssyncadd.s32 $0xFFFFE0C0  }
0x62: {  	[tilespmem:s19], [sflag:$0x4] =	stream.indirect.gather [hbm4b:s4+s16], $0x28, s24, s16, $0xb8;
	[tilespmem:$0xB0E0] =	vst v63  }
0x63: {  	_ = 	snop  }
0x64: {  	[spmem:s2] =	stream.indirect.scatter.add.f32 [tilespmem:s17], [sflag:$0x5], $0x28, s25, s16, $0xb8;
	[tilespmem:$0xB0E0] =	vst v63  }
0x65: {  	_ =	swait.ge [sflag:s20], $0x1F40  }
0x66: {  	[sflag:s20] =	ssyncset.done $0x0  }
0x67: {  	[sflag:s20] =	ssyncadd.s32 $0xFFFFE0C0  }
0x68: {  	_ =	swait.ge [sflag:s21], $0x1F40  }
0x69: {  	[sflag:s21] =	ssyncset.done $0x0  }
0x6a: {  	[sflag:s21] =	ssyncadd.s32 $0xFFFFE0C0  }
0x6b: {  	[tilespmem:s17], [sflag:$0x3] =	stream.indirect.gather [hbm4b:s4+s16], $0x28, s26, s16, $0xb8;
	[tilespmem:$0xB0E0] =	vst v63  }
0x6c: {  	_ = 	snop  }
0x6d: {  	[spmem:s2] =	stream.indirect.scatter.add.f32 [tilespmem:s19], [sflag:$0x6], $0x28, s28, s16, $0xb8;
	[tilespmem:$0xB0E0] =	vst v63  }
0x6e: {  	_ =	swait.ge [sflag:s18], $0x1F40  }
0x6f: {  	[sflag:s18] =	ssyncset.done $0x0  }
0x70: {  	[sflag:s18] =	ssyncadd.s32 $0xFFFFE0C0  }
0x71: {  	_ =	swait.ge [sflag:s22], $0x1F40  }
0x72: {  	[sflag:s22] =	ssyncset.done $0x0  }
0x73: {  	[sflag:s22] =	ssyncadd.s32 $0xFFFFE0C0  }
0x74: {  	[tilespmem:s19], [sflag:$0x4] =	stream.indirect.gather [hbm4b:s4+s16], $0x28, s29, s16, $0xb8;
	[tilespmem:$0xB0E0] =	vst v63  }
0x75: {  	_ = 	snop  }
0x76: {  	[spmem:s2] =	stream.indirect.scatter.add.f32 [tilespmem:s17], [sflag:$0x5], $0x28, s30, s16, $0xb8;
	[tilespmem:$0xB0E0] =	vst v63  }
0x77: {  	_ =	swait.ge [sflag:s20], $0x1F40  }
0x78: {  	[sflag:s20] =	ssyncset.done $0x0  }
0x79: {  	[sflag:s20] =	ssyncadd.s32 $0xFFFFE0C0  }
0x7a: {  	_ =	swait.ge [sflag:s21], $0x1F40  }
0x7b: {  	[sflag:s21] =	ssyncset.done $0x0  }
0x7c: {  	[sflag:s21] =	ssyncadd.s32 $0xFFFFE0C0  }
0x7d: {  	[tilespmem:s17], [sflag:$0x3] =	stream.indirect.gather [hbm4b:s4+s16], $0x28, s31, s16, $0xb8;
	[tilespmem:$0xB0E0] =	vst v63  }
0x7e: {  	_ = 	snop  }
0x7f: {  	[spmem:s2] =	stream.indirect.scatter.add.f32 [tilespmem:s19], [sflag:$0x6], $0x28, s0, s16, $0xb8;
	[tilespmem:$0xB0E0] =	vst v63  }
0x80: {  	_ =	swait.ge [sflag:s18], $0x1F40  }
0x81: {  	[sflag:s18] =	ssyncset.done $0x0  }
0x82: {  	[sflag:s18] =	ssyncadd.s32 $0xFFFFE0C0  }
0x83: {  	[spmem:s2] =	stream.indirect.scatter.add.f32 [tilespmem:s17], [sflag:$0x5], $0x28, s1, s16, $0xb8;
	[tilespmem:$0xB0E0] =	vst v63  }
0x84: {  	_ =	swait.ge [sflag:s22], $0x1F40  }
0x85: {  	[sflag:s22] =	ssyncset.done $0x0  }
0x86: {  	[sflag:s22] =	ssyncadd.s32 $0xFFFFE0C0  }
0x87: {  	_ =	swait.ge [sflag:s21], $0x1F40  }
0x88: {  	s8 =	simm.s32 $0x2;
	[sflag:s21] =	ssyncset.done $0x0  }
.LBB2_2:
0x89: {  	[sflag:s21] =	ssyncadd.s32 $0xFFFFE0C0  }
0x8a: {  	_ =	swait.ge [sflag:s14], $0x7D0  }
0x8b: {  	[sflag:s14] =	ssyncset.done $0x0  }
0x8c: {  	s11 =	sadd.s32 $0x1F4, s11;
	[sflag:s14] =	ssyncadd.s32 $0xFFFFF830  }
0x8d: {  	[tilespmem:s15], [sflag:$0x2] =	stream.linear.gather [hbm4b:s11+s3], $0x7D0, $0x38;
	[tilespmem:$0xB0E0] =	vst v63  }
0x8e: {  	_ = 	snop  }
0x8f: {  	[tilespmem:s17], [sflag:$0x3] =	stream.indirect.gather [hbm4b:s4+s16], $0x28, s3, s16, $0xb8;
	[tilespmem:$0xB0E0] =	vst v63  }
0x90: {  	_ =	swait.ge [sflag:s18], $0x1F40  }
0x91: {  	[sflag:s18] =	ssyncset.done $0x0  }
0x92: {  	[sflag:s18] =	ssyncadd.s32 $0xFFFFE0C0  }
0x93: {  	[tilespmem:s19], [sflag:$0x4] =	stream.indirect.gather [hbm4b:s4+s16], $0x28, s16, s16, $0xb8;
	[tilespmem:$0xB0E0] =	vst v63  }
0x94: {  	s7 =	rddreg [dreg:$0x5]  }
0x95: {  	[spmem:s2] =	stream.indirect.scatter.add.f32 [tilespmem:s17], [sflag:$0x5], $0x28, s7, s16, $0xb8;
	[tilespmem:$0xB0E0] =	vst v63  }
0x96: {  	_ =	swait.ge [sflag:s20], $0x1F40  }
0x97: {  	[sflag:s20] =	ssyncset.done $0x0  }
0x98: {  	[sflag:s20] =	ssyncadd.s32 $0xFFFFE0C0  }
0x99: {  	_ =	swait.ge [sflag:s21], $0x1F40  }
0x9a: {  	[sflag:s21] =	ssyncset.done $0x0  }
0x9b: {  	s7 =	rddreg [dreg:$0x6];
	[sflag:s21] =	ssyncadd.s32 $0xFFFFE0C0  }
0x9c: {  	[tilespmem:s17], [sflag:$0x3] =	stream.indirect.gather [hbm4b:s4+s16], $0x28, s7, s16, $0xb8;
	[tilespmem:$0xB0E0] =	vst v63  }
0x9d: {  	s12 =	rddreg [dreg:$0x7]  }
0x9e: {  	[spmem:s2] =	stream.indirect.scatter.add.f32 [tilespmem:s19], [sflag:$0x6], $0x28, s12, s16, $0xb8;
	[tilespmem:$0xB0E0] =	vst v63  }
0x9f: {  	_ =	swait.ge [sflag:s18], $0x1F40  }
0xa0: {  	[sflag:s18] =	ssyncset.done $0x0  }
0xa1: {  	[sflag:s18] =	ssyncadd.s32 $0xFFFFE0C0  }
0xa2: {  	_ =	swait.ge [sflag:s22], $0x1F40  }
0xa3: {  	[sflag:s22] =	ssyncset.done $0x0  }
0xa4: {  	s7 =	rddreg [dreg:$0x8];
	[sflag:s22] =	ssyncadd.s32 $0xFFFFE0C0  }
0xa5: {  	[tilespmem:s19], [sflag:$0x4] =	stream.indirect.gather [hbm4b:s4+s16], $0x28, s7, s16, $0xb8;
	[tilespmem:$0xB0E0] =	vst v63  }
0xa6: {  	s12 =	rddreg [dreg:$0x9]  }
0xa7: {  	[spmem:s2] =	stream.indirect.scatter.add.f32 [tilespmem:s17], [sflag:$0x5], $0x28, s12, s16, $0xb8;
	[tilespmem:$0xB0E0] =	vst v63  }
0xa8: {  	_ =	swait.ge [sflag:s20], $0x1F40  }
0xa9: {  	[sflag:s20] =	ssyncset.done $0x0  }
0xaa: {  	[sflag:s20] =	ssyncadd.s32 $0xFFFFE0C0  }
0xab: {  	_ =	swait.ge [sflag:s21], $0x1F40  }
0xac: {  	[sflag:s21] =	ssyncset.done $0x0  }
0xad: {  	s7 =	rddreg [dreg:$0xa];
	[sflag:s21] =	ssyncadd.s32 $0xFFFFE0C0  }
0xae: {  	[tilespmem:s17], [sflag:$0x3] =	stream.indirect.gather [hbm4b:s4+s16], $0x28, s7, s16, $0xb8;
	[tilespmem:$0xB0E0] =	vst v63  }
0xaf: {  	s12 =	rddreg [dreg:$0xb]  }
0xb0: {  	[spmem:s2] =	stream.indirect.scatter.add.f32 [tilespmem:s19], [sflag:$0x6], $0x28, s12, s16, $0xb8;
	[tilespmem:$0xB0E0] =	vst v63  }
0xb1: {  	_ =	swait.ge [sflag:s18], $0x1F40  }
0xb2: {  	[sflag:s18] =	ssyncset.done $0x0  }
0xb3: {  	s12 =	rddreg [dreg:$0xc];
	[sflag:s18] =	ssyncadd.s32 $0xFFFFE0C0  }
0xb4: {  	[spmem:s2] =	stream.indirect.scatter.add.f32 [tilespmem:s17], [sflag:$0x5], $0x28, s12, s16, $0xb8;
	[tilespmem:$0xB0E0] =	vst v63  }
0xb5: {  	_ =	swait.ge [sflag:s22], $0x1F40  }
0xb6: {  	[sflag:s22] =	ssyncset.done $0x0  }
0xb7: {  	[sflag:s22] =	ssyncadd.s32 $0xFFFFE0C0  }
0xb8: {  	_ =	swait.ge [sflag:s21], $0x1F40  }
0xb9: {  	s10 =	smov.u32 s8;
	[sflag:s21] =	ssyncset.done $0x0  }
0xba: {  	s10 =	smin.u32 s10, $0x7;
	[sflag:s21] =	ssyncadd.s32 $0xFFFFE0C0  }
0xbb: {  	s7 =	smul.u32 $0x7D0, s10;
	_ =	swait.ge [sflag:s23], $0x7D0  }
0xbc: {  	s12 =	rddreg [dreg:$0x4]  }
0xbd: {  	s7 =	sadd.s32 s7, s12  }
0xbe: {  	[sflag:s23] =	ssyncset.done $0x0;
	s7 =	sshrl.u32 s7, $0x3  }
0xbf: {  	[sflag:s23] =	ssyncadd.s32 $0xFFFFF830;
	s7 =	sadd.s32 s5, s7  }
0xc0: {  	[tilespmem:s3], [sflag:$0x1] =	stream.linear.gather [hbm4b:s7+s3], $0x7D0, $0x38;
	[tilespmem:$0xB0E0] =	vst v63  }
0xc1: {  	_ = 	snop  }
0xc2: {  	[tilespmem:s17], [sflag:$0x3] =	stream.indirect.gather [hbm4b:s4+s16], $0x28, s15, s16, $0xb8;
	[tilespmem:$0xB0E0] =	vst v63  }
0xc3: {  	_ =	swait.ge [sflag:s18], $0x1F40  }
0xc4: {  	[sflag:s18] =	ssyncset.done $0x0  }
0xc5: {  	[sflag:s18] =	ssyncadd.s32 $0xFFFFE0C0  }
0xc6: {  	[tilespmem:s19], [sflag:$0x4] =	stream.indirect.gather [hbm4b:s4+s16], $0x28, s24, s16, $0xb8;
	[tilespmem:$0xB0E0] =	vst v63  }
0xc7: {  	_ = 	snop  }
0xc8: {  	[spmem:s2] =	stream.indirect.scatter.add.f32 [tilespmem:s17], [sflag:$0x5], $0x28, s25, s16, $0xb8;
	[tilespmem:$0xB0E0] =	vst v63  }
0xc9: {  	_ =	swait.ge [sflag:s20], $0x1F40  }
0xca: {  	[sflag:s20] =	ssyncset.done $0x0  }
0xcb: {  	[sflag:s20] =	ssyncadd.s32 $0xFFFFE0C0  }
0xcc: {  	_ =	swait.ge [sflag:s21], $0x1F40  }
0xcd: {  	[sflag:s21] =	ssyncset.done $0x0  }
0xce: {  	[sflag:s21] =	ssyncadd.s32 $0xFFFFE0C0  }
0xcf: {  	[tilespmem:s17], [sflag:$0x3] =	stream.indirect.gather [hbm4b:s4+s16], $0x28, s26, s16, $0xb8;
	[tilespmem:$0xB0E0] =	vst v63  }
0xd0: {  	_ = 	snop  }
0xd1: {  	[spmem:s2] =	stream.indirect.scatter.add.f32 [tilespmem:s19], [sflag:$0x6], $0x28, s28, s16, $0xb8;
	[tilespmem:$0xB0E0] =	vst v63  }
0xd2: {  	_ =	swait.ge [sflag:s18], $0x1F40  }
0xd3: {  	[sflag:s18] =	ssyncset.done $0x0  }
0xd4: {  	[sflag:s18] =	ssyncadd.s32 $0xFFFFE0C0  }
0xd5: {  	_ =	swait.ge [sflag:s22], $0x1F40  }
0xd6: {  	[sflag:s22] =	ssyncset.done $0x0  }
0xd7: {  	[sflag:s22] =	ssyncadd.s32 $0xFFFFE0C0  }
0xd8: {  	[tilespmem:s19], [sflag:$0x4] =	stream.indirect.gather [hbm4b:s4+s16], $0x28, s29, s16, $0xb8;
	[tilespmem:$0xB0E0] =	vst v63  }
0xd9: {  	_ = 	snop  }
0xda: {  	[spmem:s2] =	stream.indirect.scatter.add.f32 [tilespmem:s17], [sflag:$0x5], $0x28, s30, s16, $0xb8;
	[tilespmem:$0xB0E0] =	vst v63  }
0xdb: {  	_ =	swait.ge [sflag:s20], $0x1F40  }
0xdc: {  	[sflag:s20] =	ssyncset.done $0x0  }
0xdd: {  	[sflag:s20] =	ssyncadd.s32 $0xFFFFE0C0  }
0xde: {  	_ =	swait.ge [sflag:s21], $0x1F40  }
0xdf: {  	[sflag:s21] =	ssyncset.done $0x0  }
0xe0: {  	[sflag:s21] =	ssyncadd.s32 $0xFFFFE0C0  }
0xe1: {  	[tilespmem:s17], [sflag:$0x3] =	stream.indirect.gather [hbm4b:s4+s16], $0x28, s31, s16, $0xb8;
	[tilespmem:$0xB0E0] =	vst v63  }
0xe2: {  	_ = 	snop  }
0xe3: {  	[spmem:s2] =	stream.indirect.scatter.add.f32 [tilespmem:s19], [sflag:$0x6], $0x28, s0, s16, $0xb8;
	[tilespmem:$0xB0E0] =	vst v63  }
0xe4: {  	_ =	swait.ge [sflag:s18], $0x1F40  }
0xe5: {  	[sflag:s18] =	ssyncset.done $0x0  }
0xe6: {  	p0 =	sne.s32 s8, $0x8;
	[sflag:s18] =	ssyncadd.s32 $0xFFFFE0C0  }
0xe7: {  	[spmem:s2] =	stream.indirect.scatter.add.f32 [tilespmem:s17], [sflag:$0x5], $0x28, s1, s16, $0xb8;
	[tilespmem:$0xB0E0] =	vst v63  }
.Ltmp0:
0xe8: {  	_ =	swait.ge [sflag:s22], $0x1F40;
	(pc) =	sbr.rel @p0 .LBB2_2-.Ltmp0, $4  }
0xe9: {  	[sflag:s22] =	ssyncset.done $0x0  }
0xea: {  	[sflag:s22] =	ssyncadd.s32 $0xFFFFE0C0  }
0xeb: {  	_ =	swait.ge [sflag:s21], $0x1F40  }
0xec: {  	s8 =	sadd.s32 $0x2, s8;
	[sflag:s21] =	ssyncset.done $0x0  }
0xed: {  	[sflag:s21] =	ssyncadd.s32 $0xFFFFE0C0  }
0xee: {  	_ =	swait.ge [sflag:s14], $0x7D0  }
0xef: {  	[sflag:s14] =	ssyncset.done $0x0  }
0xf0: {  	[sflag:s14] =	ssyncadd.s32 $0xFFFFF830  }
0xf1: {  	[bflag:$0x0] =	sbarrier.arrive $0xFFFF  }
0xf2: {  	s7 =	rddreg [dreg:$0xf]  }
0xf3: {  	s8 =	rddreg [dreg:$0x12]  }
0xf4: {  	[hbm:s7], [sflag:s9] =	dma.local [spmem:s8], $0xC58  }
0xf5: {  	_ =	swait.ge [sflag:s13], $0xC58  }
0xf6: {  	s6 =	sadd.s32 $0x1, s6;
	s12 =	rddreg [dreg:$0x10]  }
0xf7: {  	p0 =	sne.s32 s6, s12  }
.Ltmp1:
0xf8: {  	_ = 	snop;
	(pc) =	sbr.rel @p0 .LBB2_1-.Ltmp1, $3  }
0xf9: {  	_ =	sdelay $0x1  }
0xfa: {  	[sflag:s13] =	ssyncset.done $0x0  }
0xfb: {  	s11 =	smov.u32 s9;
	[sflag:s13] =	ssyncadd.s32 $0xFFFFF3A8  }
0xfc: {  	_ =	sfence.sel $0x180000  }
0xfd: {  	[bflag:$0x0] =	sbarrier.arrive $0xFFFF  }
0xfe: {  	_ =	strace $0x9000004D  }
0xff: {  	s0 =	stileid.u32;
	[bflag:$0x2] =	sbarrier.arrive $0xFFFF  }
0x100: {  	p0 =	sne.s32 s0, $0x0;
	s0 =	rddreg [dreg:$0x3]  }
0x101: {  	s0 =	sadd.s32 @!p0 $0x100000, s0  }
0x102: {  	[sflag:s0] =	ssyncadd.tile.s32 @!p0 $0x1;
	_ =	shalt  }
.Lfunc_end2:
_tile_overlayer_lowered:
.L_overlay_start_2:
0x103: {  	(tag) =	ssettag $0x2  }
0x104: {  	s0 =	rddreg [dreg:$0x0];
	s2 =	stileid.u32  }
0x105: {  	s1 =	rddreg [dreg:$0x1];
	p0 =	sne.s32 s2, $0x0  }
0x106: {  	s3 =	rddreg [dreg:$0x2];
	[bflag:$0x3] =	sbarrier.arrive $0xFFFF;
	s2 =	simm.s32 @!p0 $0x1C07  }
0x107: {  	[timem:s3], [sflag:s2] =	dma.local @!p0 [hbm:s0], s1  }
0x108: {  	s0 =	simm.s32 @!p0 $0x7  }
0x109: {  	_ =	swait.ge @!p0 [sflag:s0], s1  }
0x10a: {  	s1 =	ssub.s32 @!p0 $0x0, s1;
	[sflag:s0] =	ssyncset.done @!p0 $0x0  }
0x10b: {  	[sflag:s0] =	ssyncadd.s32 @!p0 s1  }
0x10c: {  	[bflag:$0x3] =	sbarrier.arrive $0xFFFF  }
0x10d: {  	_ =	shalt  }

// kernel: kernel.9.cloned.1.call-start
scs
__scs_entry_jumppad:
0x0: {  	(pc) =	sbr.rel $0x88, $3  }
0x1: {  	(tag) =	ssettag $0x0;
	lr =	simm.s32 $0x1  }
0x2: {  	[smem:$0x3F99] =	sst lr;
	_ =	strace $0xD0000000  }
0x3: {  	_ = 	snop  }
0x4: {  	_ = 	snop  }
0x5: {  	_ = 	snop  }
0x6: {  	_ = 	snop  }
0x7: {  	_ = 	snop  }
__scs_overlays_trampoline_lowered:
0x8: {  	[smem:$0x3FA8] =	sst s0  }
0x9: {  	[smem:$0x3FA9] =	sst s1  }
0xa: {  	[smem:$0x3FAA] =	sst s2  }
0xb: {  	[smem:$0x3FAB] =	sst s3  }
0xc: {  	[smem:$0x3FAC] =	sst s4  }
0xd: {  	[smem:$0x3FAD] =	sst s5  }
0xe: {  	[smem:$0x3FAE] =	sst s6  }
0xf: {  	[smem:$0x3FAF] =	sst s7  }
0x10: {  	[smem:$0x3FB0] =	sst s8  }
0x11: {  	[smem:$0x3FB1] =	sst s9;
	s0 =	simm.s32 @!p0 $0x0  }
0x12: {  	s1 =	sld [smem:$0x3F97];
	s0 =	simm.s32 @p0 $0x1  }
0x13: {  	[smem:$0x3FB2] =	sst s0;
	s0 =	simm.s32 @!p1 $0x0  }
0x14: {  	s2 =	sld [smem:$0x3F96];
	s0 =	simm.s32 @p1 $0x1  }
0x15: {  	[smem:$0x3FB3] =	sst s0;
	s0 =	simm.s32 @!p2 $0x0  }
0x16: {  	s3 =	sld [smem:$0x3FDB];
	s0 =	simm.s32 @p2 $0x1  }
0x17: {  	s4 =	simm.s32 $0x1BF5;
	[smem:$0x3FB5] =	sst s0  }
0x18: {  	s0 =	sld [smem:$0x3F98];
	_ =	swait.ge [sflag:s4], $0x0  }
0x19: {  	s7 =	sld [smem:$0x3F99]  }
0x1a: {  	s8 =	sadd.s32 $0xFFFFE003, lr  }
0x1b: {  	s9 =	sadd.s32 $0xFFFFFEF7, lr;
	s5 =	simm.s32 $0xFFFFFFFF;
	p2 =	slt.u32 s8, $0xFFFFF086  }
0x1c: {  	p1 =	slt.u32 s9, $0xF7A;
	s5 =	simm.s32 @!p2 $0x0  }
0x1d: {  	s5 =	simm.s32 @p1 $0x1;
	p0 =	seq.s32 s7, s2  }
0x1e: {  	s7 =	smul.u32 @!p0 $0xF7A, s2;
	p2 =	seq.s32 @!p0 s5, $0x0  }
0x1f: {  	s9 =	smul.u32 $0xF7A, s1;
	s8 =	simm.s32 @!p0 $0x1BF5;
	p2 =	por !p2, p0  }
0x20: {  	[sflag:s8] =	ssyncset.s32 @!p0 $0xFFFFF086;
	s6 =	sadd.s32 @!p0 s3, s7;
	s7 =	simm.s32 @!p0 $0x108  }
0x21: {  	s3 =	sadd.s32 s3, s9;
	s6 =	sadd.s32 @!p0 $0x88, s6;
	s7 =	simm.s32 @p2 $0x1082  }
0x22: {  	[simem:s7], [sflag:s8] =	dma.local @!p0 [hbm:s6], $0xF7A  }
0x23: {  	s9 =	sor.u32 $0xD0000000, s2;
	s6 =	simm.s32 $0x108;
	_ =	swait.ge @!p0 [sflag:s8], $0x0  }
0x24: {  	s3 =	sadd.s32 $0x88, s3;
	s6 =	simm.s32 @!p1 $0x1082;
	[sflag:s4] =	ssyncset.s32 $0xFFFFF086  }
0x25: {  	[simem:s6], [sflag:s4] =	dma.local [hbm:s3], $0xF7A  }
0x26: {  	[smem:$0x3F99] =	sst s1;
	(tag) =	ssettag s2;
	_ =	strace s9  }
0x27: {  	s1 =	sld [smem:$0x3FA9]  }
0x28: {  	s2 =	sld [smem:$0x3FAA]  }
0x29: {  	s4 =	sld [smem:$0x3FAC]  }
0x2a: {  	p0 =	seq.s32 s5, $0x0;
	s5 =	sld [smem:$0x3FAD]  }
0x2b: {  	s6 =	sld [smem:$0x3FAE]  }
0x2c: {  	s7 =	sld [smem:$0x3FAF]  }
0x2d: {  	s3 =	simm.s32 $0x108;
	s8 =	sld [smem:$0x3FB0]  }
0x2e: {  	s3 =	simm.s32 @!p0 $0x1082;
	s9 =	sld [smem:$0x3FB1]  }
0x2f: {  	lr =	sadd.s32 s0, s3;
	s0 =	sld [smem:$0x3FA8]  }
0x30: {  	s3 =	sld [smem:$0x3FAB]  }
0x31: {  	[smem:$0x3FB4] =	sst s10  }
0x32: {  	s10 =	sld [smem:$0x3FB2];
	_ =	sdelay $0x3  }
0x33: {  	p0 =	seq.s32 s10, $0x1;
	s10 =	sld [smem:$0x3FB4];
	_ =	sdelay $0x3  }
0x34: {  	[smem:$0x3FB4] =	sst s10  }
0x35: {  	s10 =	sld [smem:$0x3FB3];
	_ =	sdelay $0x3  }
0x36: {  	p1 =	seq.s32 s10, $0x1;
	s10 =	sld [smem:$0x3FB4];
	_ =	sdelay $0x3  }
0x37: {  	[smem:$0x3FB4] =	sst s10  }
0x38: {  	s10 =	sld [smem:$0x3FB5]  }
0x39: {  	_ = 	snop;
	(pc) =	sbr.ind lr, $3  }
0x3a: {  	_ = 	snop  }
0x3b: {  	_ = 	snop  }
0x3c: {  	p2 =	seq.s32 s10, $0x1;
	s10 =	sld [smem:$0x3FB4]  }
0x3d: {  	_ =	shalt  }
0x3e: {  	_ =	shalt  }
0x3f: {  	_ =	shalt  }
0x40: {  	_ =	shalt  }
0x41: {  	_ =	shalt  }
0x42: {  	_ =	shalt  }
0x43: {  	_ =	shalt  }
0x44: {  	_ =	shalt  }
0x45: {  	_ =	shalt  }
0x46: {  	_ =	shalt  }
0x47: {  	_ =	shalt  }
0x48: {  	_ =	shalt  }
0x49: {  	_ =	shalt  }
0x4a: {  	_ =	shalt  }
0x4b: {  	_ =	shalt  }
0x4c: {  	_ =	shalt  }
0x4d: {  	_ =	shalt  }
0x4e: {  	_ =	shalt  }
0x4f: {  	_ =	shalt  }
0x50: {  	_ =	shalt  }
0x51: {  	_ =	shalt  }
0x52: {  	_ =	shalt  }
0x53: {  	_ =	shalt  }
0x54: {  	_ =	shalt  }
0x55: {  	_ =	shalt  }
0x56: {  	_ =	shalt  }
0x57: {  	_ =	shalt  }
0x58: {  	_ =	shalt  }
0x59: {  	_ =	shalt  }
0x5a: {  	_ =	shalt  }
0x5b: {  	_ =	shalt  }
0x5c: {  	_ =	shalt  }
0x5d: {  	_ =	shalt  }
0x5e: {  	_ =	shalt  }
0x5f: {  	_ =	shalt  }
0x60: {  	_ =	shalt  }
0x61: {  	_ =	shalt  }
0x62: {  	_ =	shalt  }
0x63: {  	_ =	shalt  }
0x64: {  	_ =	shalt  }
0x65: {  	_ =	shalt  }
0x66: {  	_ =	shalt  }
0x67: {  	_ =	shalt  }
0x68: {  	_ =	shalt  }
0x69: {  	_ =	shalt  }
0x6a: {  	_ =	shalt  }
0x6b: {  	_ =	shalt  }
0x6c: {  	_ =	shalt  }
0x6d: {  	_ =	shalt  }
0x6e: {  	_ =	shalt  }
0x6f: {  	_ =	shalt  }
0x70: {  	_ =	shalt  }
0x71: {  	_ =	shalt  }
0x72: {  	_ =	shalt  }
0x73: {  	_ =	shalt  }
0x74: {  	_ =	shalt  }
0x75: {  	_ =	shalt  }
0x76: {  	_ =	shalt  }
0x77: {  	_ =	shalt  }
0x78: {  	_ =	shalt  }
0x79: {  	_ =	shalt  }
0x7a: {  	_ =	shalt  }
0x7b: {  	_ =	shalt  }
0x7c: {  	_ =	shalt  }
0x7d: {  	_ =	shalt  }
0x7e: {  	_ =	shalt  }
0x7f: {  	_ =	shalt  }
0x80: {  	_ =	shalt  }
0x81: {  	_ =	shalt  }
0x82: {  	_ =	shalt  }
0x83: {  	_ =	shalt  }
0x84: {  	_ =	shalt  }
0x85: {  	_ =	shalt  }
0x86: {  	_ =	shalt  }
0x87: {  	_ =	shalt  }
.Lfunc_end0:
.L_simem_size_0:
called_computation_lowered:
.L_overlay_start_0:
0x88: {  	s2 =	sld [smem:$0x3FD9]  }
0x89: {  	s3 =	sld [smem:$0x3FFE];
	_ =	sdelay $0x1  }
0x8a: {  	s1 =	srdreg.scid  }
0x8b: {  	s0 =	sand.u32 $0x1, s1  }
0x8c: {  	s17 =	sshll.u32 s0, $0xA;
	s2 =	sadd.s32 s3, s2  }
0x8d: {  	s2 =	sadd.s32 s2, s17  }
0x8e: {  	[smem:$0x3FC0] =	sst s2  }
0x8f: {  	_ = 	snop  }
0x90: {  	s2 =	sld [smem:$0x3FD0];
	(tm) =	ssettm $0x1  }
0x91: {  	s18 =	sld [smem:$0x3FFB];
	_ =	sdelay $0x3  }
0x92: {  	_ =	strace s18  }
0x93: {  	s3 =	sld [smem:$0x3FFC];
	_ =	sdelay $0x3  }
0x94: {  	_ =	strace s3  }
0x95: {  	s3 =	sld [smem:$0x3FFD];
	_ =	sdelay $0x3  }
0x96: {  	_ =	strace s3  }
0x97: {  	_ =	strace $0x8FFFFFFF  }
0x98: {  	s19 =	sld [smem:$0x3FDB];
	_ =	sdelay $0x1  }
0x99: {  	s4 =	simm.s32 $_scs_section_size  }
0x9a: {  	s5 =	simm.s32 $_size__tile_overlayer_lowered;
	s6 =	simm.s32 $_tile_overlayer_lowered  }
0x9b: {  	s22 =	simm.s32 $0x1BFF;
	s21 =	sshll.u32 s6, $0x1;
	s3 =	sadd.s32 s4, s19  }
0x9c: {  	s7 =	simm.s32 $0x0;
	s20 =	sshll.u32 s5, $0x1;
	s5 =	sadd.s32 s21, s3  }
0x9d: {  	[timem:s7], [sflag:s22] =	dma.local [hbm:s5], s20  }
0x9e: {  	_ =	swait.ge [sflag:s22], s20  }
0x9f: {  	s4 =	ssub.s32 $0x0, s20;
	[sflag:s22] =	ssyncset.done $0x0  }
0xa0: {  	[sflag:s22] =	ssyncadd.s32 s4;
	_ =	sdelay $0x1  }
0xa1: {  	s23 =	simm.s32 $0x1B8B  }
0xa2: {  	_ =	swait.ge [sflag:s23], $0x1  }
0xa3: {  	[sflag:s23] =	ssyncset.done $0x0  }
0xa4: {  	s25 =	simm.s32 $0x1B8E;
	s24 =	sld [smem:$0x3FFE];
	[sflag:s23] =	ssyncadd.s32 $0xFFFFFFFF  }
0xa5: {  	s26 =	simm.s32 $execute0_lowered;
	[smem:$0x3FD2] =	sst s25  }
0xa6: {  	s5 =	sshll.u32 s26, $0x1;
	_ =	strace $0x80000046;
	[dreg:$0x1] =	wrdreg $0xFFFFFFFF  }
0xa7: {  	s28 =	simm.s32 $_size_execute0_lowered;
	s3 =	sadd.s32 s3, s5;
	[dreg:$0x0] =	wrdreg $0x0  }
0xa8: {  	s5 =	sshll.u32 s28, $0x1;
	[dreg:$0x2] =	wrdreg s3  }
0xa9: {  	[dreg:$0x3] =	wrdreg s5  }
0xaa: {  	[dreg:$0x4] =	wrdreg $0xC0  }
0xab: {  	_ =	task [dreg:s7], $0x5FFFF  }
0xac: {  	[dreg:$0x1] =	wrdreg $0xFFFFFFFF  }
0xad: {  	[dreg:$0x0] =	wrdreg $0x60  }
0xae: {  	[dreg:$0x2] =	wrdreg s24  }
0xaf: {  	[dreg:$0x3] =	wrdreg s2  }
0xb0: {  	[dreg:$0x4] =	wrdreg $0x6680  }
0xb1: {  	[dreg:$0x5] =	wrdreg $0x9  }
0xb2: {  	_ =	task.clear_ibuf [dreg:s7], $0x6FFFF;
	_ =	strace $0x90000046  }
0xb3: {  	s29 =	simm.s32 $0x9;
	_ =	strace $0x80000048  }
0xb4: {  	_ =	swait.ge [sflag:s29], $0x1  }
0xb5: {  	[sflag:s29] =	ssyncadd.s32 $0xFFFFFFFF  }
0xb6: {  	_ =	strace $0x90000048  }
0xb7: {  	_ =	sfence  }
0xb8: {  	s30 =	sld [smem:$0x0];
	_ =	sdelay $0x2  }
0xb9: {  	s31 =	sshll.u32 s1, $0xD;
	s1 =	sshrl.u32 s1, $0x2  }
0xba: {  	s3 =	sand.u32 $0x4000, s31;
	s1 =	sadd.s32 s1, s30  }
0xbb: {  	s0 =	sor.u32 s3, s0;
	s1 =	sshll.u32 s1, $0x11  }
0xbc: {  	s0 =	sor.u32 s1, s0  }
0xbd: {  	s0 =	sadd.s32 $0x8F2B, s0  }
0xbe: {  	[sflag:s0] =	ssyncadd.remote.s32 $0x1  }
0xbf: {  	_ =	sfence.sel $0xFFFF  }
0xc0: {  	[dreg:$0x0] =	wrdreg $0xFFFFFFFF;
	(pc) =	sbr.abs _section_cstart, $3  }
0xc1: {  	[dreg:$0x1] =	wrdreg $0xFFFFFFFF  }
0xc2: {  	_ =	task.clear_ibuf [dreg:s7], $0x2FFFF;
	_ =	strace $0x9FFFFFFF  }
0xc3: {  	(tm) =	ssettm $0x7FFFFFFF  }
tec
execute0_lowered:
.L_overlay_start_1:
0x0: {  	(tag) =	ssettag $0x1  }
0x1: {  	s4 =	rddreg [dreg:$0x0]  }
0x2: {  	s8 =	rddreg [dreg:$0x1]  }
0x3: {  	s2 =	rddreg [dreg:$0x2]  }
0x4: {  	s0 =	stileid.u32;
	s6 =	srdreg.scid  }
0x5: {  	s1 =	rddreg [dreg:$0x3];
	s3 =	simm.s32 $0x0;
	s13 =	simm.s32 $0x80  }
0x6: {  	s14 =	simm.s32 $0x100;
	s15 =	simm.s32 $0x180;
	s16 =	simm.s32 $0x200  }
0x7: {  	s17 =	simm.s32 $0x1;
	s18 =	simm.s32 $0x0;
	s5 =	smul.u32 $0x13C0, s0  }
0x8: {  	s6 =	sand.u32 $0x1, s6;
	[smem:$0x7FF] =	sst s3;
	s11 =	smul.u32 $0x5000, s0  }
0x9: {  	s29 =	sshll.u32 s0, $0x6;
	s9 =	smul.u32 $0x13C00, s6;
	_ =	strace $0x80000047  }
0xa: {  	s10 =	ssub.s32 $0x2, s6;
	s6 =	smul.u32 $0x2800, s6;
	s7 =	sshrl.u32 s5, $0x3  }
0xb: {  	s12 =	sshrl.u32 s10, $0x1;
	s28 =	sadd.s32 s5, s2;
	s7 =	sadd.s32 s7, s4  }
0xc: {  	s9 =	sadd.s32 s5, s9;
	s10 =	ssub.s32 s10, s12;
	s30 =	sadd.s32 s6, s11  }
0xd: {  	s5 =	sor.u32 $0x1C02, s29;
	s11 =	simm.s32 $0x7D;
	s9 =	sshrl.u32 s9, $0x3  }
0xe: {  	s12 =	simm.s32 $0x280;
	s31 =	sshrl.u32 s30, $0x3;
	s9 =	sadd.s32 s9, s4  }
0xf: {  	s4 =	sadd.s32 $0x3000, s7;
	s7 =	smax.u32 s10, $0x1;
	s8 =	sadd.s32 s31, s8  }
0x10: {  	v0 =	vimm.f32 $1.000000000e+00;
	s10 =	simm.s32 $0x2;
	s6 =	sadd.s32 $0x5800, s9;
	s9 =	sshrl.u32 s28, $0x3  }
.LBB2_1:
0x11: {  	s19 =	simm.s32 $0x20;
	s20 =	simm.s32 $0x0  }
.LBB2_2:
0x12: {  	p0 =	sne.s32 s19, $0xF80;
	[tilespmem:s20+$0x280] =	vst.msk $0xff, v0;
	s20 =	smov.u32 s19;
	s19 =	sadd.s32 $0x20, s19  }
.Ltmp0:
0x13: {  	(pc) =	sbr.rel @p0 .LBB2_2-.Ltmp0, $2  }
0x14: {  	_ =	sdelay $0x2  }
0x15: {  	s20 =	sshra.s32 s20, $0x2  }
0x16: {  	[tilespmem:s20+$0x280] =	vst.msk $0xff, v0  }
0x17: {  	[spmem:s9], [sflag:s5] =	dma.local [hbm:s4], $0x278  }
0x18: {  	_ =	swait.ge [sflag:s10], $0x278  }
0x19: {  	[sflag:s10] =	ssyncset.done $0x0  }
0x1a: {  	[sflag:s10] =	ssyncadd.s32 $0xFFFFFD88  }
0x1b: {  	s19 =	sadd.s32 $0x0, s8;
	[bflag:$0x0] =	sbarrier.arrive $0xFFFF  }
0x1c: {  	[tilespmem:s3], [sflag:$0x2] =	stream.linear.gather [hbm4b:s19+s3], $0x280, $0x38;
	[tilespmem:$0x1A28] =	vst v63  }
0x1d: {  	_ =	swait.ge [sflag:s10], $0x280  }
0x1e: {  	[sflag:s10] =	ssyncset.done $0x0  }
0x1f: {  	[sflag:s10] =	ssyncadd.s32 $0xFFFFFD80  }
0x20: {  	[spmem:s2] =	stream.indirect.scatter.add.f32 [tilespmem:s12], [sflag:$0x1], $0x8, s3, s11, $0xb8;
	[tilespmem:$0x1A28] =	vst v63  }
0x21: {  	_ = 	snop  }
0x22: {  	[spmem:s2] =	stream.indirect.scatter.add.f32 [tilespmem:s12], [sflag:$0x1], $0x8, s13, s11, $0xb8;
	[tilespmem:$0x1A28] =	vst v63  }
0x23: {  	_ = 	snop  }
0x24: {  	[spmem:s2] =	stream.indirect.scatter.add.f32 [tilespmem:s12], [sflag:$0x1], $0x8, s14, s11, $0xb8;
	[tilespmem:$0x1A28] =	vst v63  }
0x25: {  	_ = 	snop  }
0x26: {  	[spmem:s2] =	stream.indirect.scatter.add.f32 [tilespmem:s12], [sflag:$0x1], $0x8, s15, s11, $0xb8;
	[tilespmem:$0x1A28] =	vst v63  }
0x27: {  	_ = 	snop  }
0x28: {  	[spmem:s2] =	stream.indirect.scatter.add.f32 [tilespmem:s12], [sflag:$0x1], $0x8, s16, s11, $0xb8;
	[tilespmem:$0x1A28] =	vst v63  }
0x29: {  	_ =	swait.ge [sflag:s17], $0x3E8  }
0x2a: {  	[sflag:s17] =	ssyncset.done $0x0  }
0x2b: {  	[sflag:s17] =	ssyncadd.s32 $0xFFFFFC18  }
0x2c: {  	_ =	swait.ge [sflag:s17], $0x3E8  }
0x2d: {  	[sflag:s17] =	ssyncset.done $0x0  }
0x2e: {  	[sflag:s17] =	ssyncadd.s32 $0xFFFFFC18  }
0x2f: {  	_ =	swait.ge [sflag:s17], $0x3E8  }
0x30: {  	[sflag:s17] =	ssyncset.done $0x0  }
0x31: {  	[sflag:s17] =	ssyncadd.s32 $0xFFFFFC18  }
0x32: {  	_ =	swait.ge [sflag:s17], $0x3E8  }
0x33: {  	[sflag:s17] =	ssyncset.done $0x0  }
0x34: {  	[sflag:s17] =	ssyncadd.s32 $0xFFFFFC18  }
0x35: {  	_ =	swait.ge [sflag:s17], $0x3E8  }
0x36: {  	s20 =	simm.s32 $0xA0;
	s19 =	simm.s32 $0x50;
	[sflag:s17] =	ssyncset.done $0x0  }
.LBB2_4:
0x37: {  	s21 =	sadd.s32 s19, s8  }
0x38: {  	[sflag:s17] =	ssyncadd.s32 $0xFFFFFC18;
	s19 =	smov.u32 s20;
	s22 =	sadd.s32 $0x50, s20  }
0x39: {  	[tilespmem:s3], [sflag:$0x2] =	stream.linear.gather [hbm4b:s21+s3], $0x280, $0x38;
	[tilespmem:$0x1A28] =	vst v63  }
0x3a: {  	p0 =	sne.s32 s20, $0x4B0;
	_ =	swait.ge [sflag:s10], $0x280  }
0x3b: {  	[sflag:s10] =	ssyncset.done $0x0  }
0x3c: {  	[sflag:s10] =	ssyncadd.s32 $0xFFFFFD80  }
0x3d: {  	[spmem:s2] =	stream.indirect.scatter.add.f32 [tilespmem:s12], [sflag:$0x1], $0x8, s3, s11, $0xb8;
	[tilespmem:$0x1A28] =	vst v63  }
0x3e: {  	_ = 	snop  }
0x3f: {  	[spmem:s2] =	stream.indirect.scatter.add.f32 [tilespmem:s12], [sflag:$0x1], $0x8, s13, s11, $0xb8;
	[tilespmem:$0x1A28] =	vst v63  }
0x40: {  	_ = 	snop  }
0x41: {  	[spmem:s2] =	stream.indirect.scatter.add.f32 [tilespmem:s12], [sflag:$0x1], $0x8, s14, s11, $0xb8;
	[tilespmem:$0x1A28] =	vst v63  }
0x42: {  	_ = 	snop  }
0x43: {  	[spmem:s2] =	stream.indirect.scatter.add.f32 [tilespmem:s12], [sflag:$0x1], $0x8, s15, s11, $0xb8;
	[tilespmem:$0x1A28] =	vst v63  }
0x44: {  	_ = 	snop  }
0x45: {  	[spmem:s2] =	stream.indirect.scatter.add.f32 [tilespmem:s12], [sflag:$0x1], $0x8, s16, s11, $0xb8;
	[tilespmem:$0x1A28] =	vst v63  }
0x46: {  	_ =	swait.ge [sflag:s17], $0x3E8  }
0x47: {  	[sflag:s17] =	ssyncset.done $0x0  }
0x48: {  	[sflag:s17] =	ssyncadd.s32 $0xFFFFFC18  }
0x49: {  	_ =	swait.ge [sflag:s17], $0x3E8  }
0x4a: {  	[sflag:s17] =	ssyncset.done $0x0  }
0x4b: {  	[sflag:s17] =	ssyncadd.s32 $0xFFFFFC18  }
0x4c: {  	_ =	swait.ge [sflag:s17], $0x3E8  }
0x4d: {  	[sflag:s17] =	ssyncset.done $0x0  }
0x4e: {  	[sflag:s17] =	ssyncadd.s32 $0xFFFFFC18  }
.Ltmp1:
0x4f: {  	_ =	swait.ge [sflag:s17], $0x3E8;
	(pc) =	sbr.rel @p0 .LBB2_4-.Ltmp1, $4  }
0x50: {  	[sflag:s17] =	ssyncset.done $0x0  }
0x51: {  	[sflag:s17] =	ssyncadd.s32 $0xFFFFFC18  }
0x52: {  	_ =	swait.ge [sflag:s17], $0x3E8  }
0x53: {  	s20 =	smov.u32 s22;
	[sflag:s17] =	ssyncset.done $0x0  }
0x54: {  	s19 =	sadd.s32 s19, s8;
	[sflag:s17] =	ssyncadd.s32 $0xFFFFFC18  }
0x55: {  	[tilespmem:s3], [sflag:$0x2] =	stream.linear.gather [hbm4b:s19+s3], $0x280, $0x38;
	[tilespmem:$0x1A28] =	vst v63  }
0x56: {  	_ =	swait.ge [sflag:s10], $0x280  }
0x57: {  	[sflag:s10] =	ssyncset.done $0x0  }
0x58: {  	[sflag:s10] =	ssyncadd.s32 $0xFFFFFD80  }
0x59: {  	[spmem:s2] =	stream.indirect.scatter.add.f32 [tilespmem:s12], [sflag:$0x1], $0x8, s3, s11, $0xb8;
	[tilespmem:$0x1A28] =	vst v63  }
0x5a: {  	_ = 	snop  }
0x5b: {  	[spmem:s2] =	stream.indirect.scatter.add.f32 [tilespmem:s12], [sflag:$0x1], $0x8, s13, s11, $0xb8;
	[tilespmem:$0x1A28] =	vst v63  }
0x5c: {  	_ = 	snop  }
0x5d: {  	[spmem:s2] =	stream.indirect.scatter.add.f32 [tilespmem:s12], [sflag:$0x1], $0x8, s14, s11, $0xb8;
	[tilespmem:$0x1A28] =	vst v63  }
0x5e: {  	_ = 	snop  }
0x5f: {  	[spmem:s2] =	stream.indirect.scatter.add.f32 [tilespmem:s12], [sflag:$0x1], $0x8, s15, s11, $0xb8;
	[tilespmem:$0x1A28] =	vst v63  }
0x60: {  	_ = 	snop  }
0x61: {  	[spmem:s2] =	stream.indirect.scatter.add.f32 [tilespmem:s12], [sflag:$0x1], $0x8, s16, s11, $0xb8;
	[tilespmem:$0x1A28] =	vst v63  }
0x62: {  	_ =	swait.ge [sflag:s17], $0x3E8  }
0x63: {  	[sflag:s17] =	ssyncset.done $0x0  }
0x64: {  	[sflag:s17] =	ssyncadd.s32 $0xFFFFFC18  }
0x65: {  	_ =	swait.ge [sflag:s17], $0x3E8  }
0x66: {  	[sflag:s17] =	ssyncset.done $0x0  }
0x67: {  	[sflag:s17] =	ssyncadd.s32 $0xFFFFFC18  }
0x68: {  	_ =	swait.ge [sflag:s17], $0x3E8  }
0x69: {  	[sflag:s17] =	ssyncset.done $0x0  }
0x6a: {  	[sflag:s17] =	ssyncadd.s32 $0xFFFFFC18  }
0x6b: {  	_ =	swait.ge [sflag:s17], $0x3E8  }
0x6c: {  	[sflag:s17] =	ssyncset.done $0x0  }
0x6d: {  	[sflag:s17] =	ssyncadd.s32 $0xFFFFFC18  }
0x6e: {  	_ =	swait.ge [sflag:s17], $0x3E8  }
0x6f: {  	s18 =	sadd.s32 $0x1, s18;
	[sflag:s17] =	ssyncset.done $0x0  }
0x70: {  	p0 =	sne.s32 s18, s7;
	[sflag:s17] =	ssyncadd.s32 $0xFFFFFC18  }
.Ltmp2:
0x71: {  	[bflag:$0x0] =	sbarrier.arrive $0xFFFF;
	(pc) =	sbr.rel @p0 .LBB2_1-.Ltmp2, $4  }
0x72: {  	[hbm:s6], [sflag:s5] =	dma.local [spmem:s9], $0x278  }
0x73: {  	_ =	swait.ge [sflag:s10], $0x278  }
0x74: {  	[sflag:s10] =	ssyncset.done $0x0  }
0x75: {  	[sflag:s10] =	ssyncadd.s32 $0xFFFFFD88  }
0x76: {  	_ =	sfence.sel $0x180000  }
0x77: {  	[bflag:$0x0] =	sbarrier.arrive $0xFFFF  }
0x78: {  	p0 =	sne.s32 s0, $0x0;
	_ =	strace $0x90000047  }
0x79: {  	s0 =	sadd.s32 @!p0 $0x100000, s1;
	[bflag:$0x2] =	sbarrier.arrive $0xFFFF  }
0x7a: {  	[sflag:s0] =	ssyncadd.tile.s32 @!p0 $0x1;
	_ =	shalt  }
.Lfunc_end2:
_tile_overlayer_lowered:
.L_overlay_start_2:
0x7b: {  	(tag) =	ssettag $0x2  }
0x7c: {  	s0 =	rddreg [dreg:$0x0];
	s2 =	stileid.u32  }
0x7d: {  	s1 =	rddreg [dreg:$0x1];
	p0 =	sne.s32 s2, $0x0  }
0x7e: {  	s3 =	rddreg [dreg:$0x2];
	[bflag:$0x3] =	sbarrier.arrive $0xFFFF;
	s2 =	simm.s32 @!p0 $0x1C02  }
0x7f: {  	[timem:s3], [sflag:s2] =	dma.local @!p0 [hbm:s0], s1  }
0x80: {  	s0 =	simm.s32 @!p0 $0x2  }
0x81: {  	_ =	swait.ge @!p0 [sflag:s0], s1  }
0x82: {  	s1 =	ssub.s32 @!p0 $0x0, s1;
	[sflag:s0] =	ssyncset.done @!p0 $0x0  }
0x83: {  	[sflag:s0] =	ssyncadd.s32 @!p0 s1  }
0x84: {  	[bflag:$0x3] =	sbarrier.arrive $0xFFFF  }
0x85: {  	_ =	shalt  }

</sc_bundles>
